<compile_context>
chip_gen: v7x
topology: tpu7x:2x2x1
jax: 0.10.2.dev20260603
libtpu: 0.0.44.dev20260713+nightly
codegen_flags: <defaults>
</compile_context>

<pallas_src>
import functools

import jax
import jax.numpy as jnp
from jax import lax
from jax.experimental import pallas as pl
from jax.experimental.pallas import tpu as pltpu
from jax.experimental.pallas import tpu_sc as plsc

N = 100000
NODE = 128
EDGE = 16
OUT = 128
HID = 128
DEG = 4
B = 1000
L = 100
E = N * DEG

NC = 2
NS = 16
NW = NC * NS
RPW = 3200
NPAD = NW * RPW
C = 32
NCHG = NPAD // C
CH0 = 144
CH1 = 56

T = 800
GRID = N // T
EPS = 1e-5

_mesh = plsc.VectorSubcoreMesh(
    core_axis_name="c", subcore_axis_name="s", num_cores=NC, num_subcores=NS)


def _slab(idx):
    idx = jnp.pad(idx, ((0, NPAD - N), (0, 0)))
    return idx.reshape(NCHG, C, DEG).transpose(0, 2, 1).reshape(
        NCHG, DEG * C)


def _make_gathersum(nsegs, twidths, tc_tiling=True):
    ntab = len(nsegs)
    scratch = (
        [pltpu.VMEM((CH0, DEG * C), jnp.int32)] * ntab
        + [pltpu.VMEM((DEG * C, tw), jnp.float32)
           for tw in twidths for _ in range(2)]
        + [pltpu.VMEM((C, NODE), jnp.float32)] * (2 * ntab)
        + [pltpu.SemaphoreType.DMA] * 4
    )
    out_type = tuple(
        jax.ShapeDtypeStruct((NPAD, NODE), jnp.float32) for _ in range(ntab))
    if ntab == 1:
        out_type = out_type[0]

    @functools.partial(
        pl.kernel, out_type=out_type, mesh=_mesh, scratch_types=scratch,
        compiler_params=pltpu.CompilerParams(use_tc_tiling_on_sc=tc_tiling))
    def k(*refs):
        tbl = [refs[2 * t] for t in range(ntab)]
        slab = [refs[2 * t + 1] for t in range(ntab)]
        out = list(refs[2 * ntab:3 * ntab])
        p = 3 * ntab
        idx_v = list(refs[p:p + ntab]); p += ntab
        rows = [[refs[p + 2 * t], refs[p + 2 * t + 1]] for t in range(ntab)]
        p += 2 * ntab
        acc = [[refs[p + 2 * t], refs[p + 2 * t + 1]] for t in range(ntab)]
        p += 2 * ntab
        gsem = [refs[p], refs[p + 1]]
        wsem = [refs[p + 2], refs[p + 3]]

        cid = lax.axis_index("c")
        sid = lax.axis_index("s")
        gbase = jnp.where(cid == 0, sid * CH0, NS * CH0 + sid * CH1)
        npair = jnp.where(cid == 0, CH0 // 2, CH1 // 2)
        base = gbase * C
        for t in range(ntab):
            pltpu.sync_copy(slab[t].at[pl.ds(gbase, CH1)],
                            idx_v[t].at[pl.ds(0, CH1)])

            @pl.when(cid == 0)
            def _(_t=t):
                pltpu.sync_copy(
                    slab[_t].at[pl.ds(gbase + CH1, CH0 - CH1)],
                    idx_v[_t].at[pl.ds(CH1, CH0 - CH1)])

            if nsegs[t] < NODE // 16:
                def zrow(r, carry, _t=t):
                    for b in range(2):
                        for s in range(NODE // 16):
                            acc[_t][b][r, pl.ds(s * 16, 16)] = jnp.zeros(
                                (16,), jnp.float32)
                    return carry
                lax.fori_loop(0, C, zrow, 0)

        def g_desc(t, j, b):
            return pltpu.make_async_copy(
                tbl[t].at[idx_v[t].at[j]], rows[t][b], gsem[b])

        def w_desc(t, j, b):
            return pltpu.make_async_copy(
                acc[t][b], out[t].at[pl.ds(base + j * C, C)], wsem[b])

        def sum_chunk(t, b):
            def srow(r, carry):
                rv = rows[t][b]
                for s in range(nsegs[t]):
                    sl = pl.ds(s * 16, 16)
                    acc[t][b][r, sl] = (rv[r, sl] + rv[C + r, sl]
                                        + rv[2 * C + r, sl] + rv[3 * C + r, sl])
                return carry

            lax.fori_loop(0, C, srow, 0)

        for t in range(ntab):
            g_desc(t, 0, 0).start()

        def pair(t2, carry):
            jA = 2 * t2
            jB = jA + 1
            for t in range(ntab):
                g_desc(t, jB, 1).start()

            @pl.when(t2 > 0)
            def _():
                for t in range(ntab):
                    w_desc(t, jA - 2, 0).wait()

            for t in range(ntab):
                g_desc(t, jA, 0).wait()
            for t in range(ntab):
                sum_chunk(t, 0)
            for t in range(ntab):
                w_desc(t, jA, 0).start()

            @pl.when(t2 < npair - 1)
            def _():
                for t in range(ntab):
                    g_desc(t, jA + 2, 0).start()

            @pl.when(t2 > 0)
            def _():
                for t in range(ntab):
                    w_desc(t, jB - 2, 1).wait()

            for t in range(ntab):
                g_desc(t, jB, 1).wait()
            for t in range(ntab):
                sum_chunk(t, 1)
            for t in range(ntab):
                w_desc(t, jB, 1).start()
            return carry

        lax.fori_loop(0, npair, pair, 0)
        for t in range(ntab):
            w_desc(t, 2 * npair - 2, 0).wait()
            w_desc(t, 2 * npair - 1, 1).wait()

    return k


def _gathersum_node_edge(table, idxn, bond, idxe):
    return _make_gathersum((NODE // 16, 1), (NODE, EDGE), tc_tiling=False)(
        table, idxn, bond, idxe)


def _gathersum_node(table, idxn):
    return _make_gathersum((NODE // 16,), (NODE,))(table, idxn)


def _softmax(z):
    m = jnp.max(z, axis=-1, keepdims=True)
    e = jnp.exp(z - m)
    return e / jnp.sum(e, axis=-1, keepdims=True)


def _dot(a, b):
    return jnp.dot(a, b, preferred_element_type=jnp.float32)


def _acc_stats(i, a, ssum_ref, ssq_ref):
    a3 = a.reshape(T // 8, 8, HID)
    ps = jnp.sum(a3, axis=0)
    pq = jnp.sum(a3 * a3, axis=0)

    @pl.when(i == 0)
    def _():
        ssum_ref[...] = jnp.zeros_like(ssum_ref)
        ssq_ref[...] = jnp.zeros_like(ssq_ref)

    ssum_ref[...] += ps
    ssq_ref[...] += pq


def _tc1_body(x_ref, gn_ref, ge_ref, wout_ref, b_ref, wself_ref, wdn_ref,
              wde_ref, aa_ref, act_ref, ssum_ref, ssq_ref):
    x = x_ref[...]
    aa_ref[...] = _softmax(_dot(x, wout_ref[...]) + b_ref[...])
    a = (_dot(x, wself_ref[...]) + _dot(gn_ref[...], wdn_ref[...])
         + _dot(ge_ref[...], wde_ref[...]))
    act_ref[...] = a
    _acc_stats(pl.program_id(0), a, ssum_ref, ssq_ref)


def _tc3_body(x_ref, gn_ref, ge_ref, wself_ref, wdn_ref, wde_ref,
              act_ref, ssum_ref, ssq_ref):
    a = (_dot(x_ref[...], wself_ref[...]) + _dot(gn_ref[...], wdn_ref[...])
         + _dot(ge_ref[...], wde_ref[...]))
    act_ref[...] = a
    _acc_stats(pl.program_id(0), a, ssum_ref, ssq_ref)


def _bn_relu(act, ssum, ssq):
    mean = jnp.sum(ssum, axis=0, keepdims=True) * (1.0 / N)
    var = jnp.sum(ssq, axis=0, keepdims=True) * (1.0 / N) - mean * mean
    return jnp.maximum((act - mean) * lax.rsqrt(var + EPS), 0.0)


def _tc2_body(act_ref, ssum_ref, ssq_ref, aa_ref, w_ref, b_ref,
              h_ref, aa2_ref):
    h = _bn_relu(act_ref[...], ssum_ref[...], ssq_ref[...])
    h_ref[...] = h
    aa2_ref[...] = aa_ref[...] + _softmax(_dot(h, w_ref[...]) + b_ref[...])


def _tc4_body(act_ref, ssum_ref, ssq_ref, aa_ref, w_ref, b_ref, fp_ref):
    h = _bn_relu(act_ref[...], ssum_ref[...], ssq_ref[...])
    fp_ref[...] = aa_ref[...] + _softmax(_dot(h, w_ref[...]) + b_ref[...])


def _row_spec(minor):
    return pl.BlockSpec((T, minor), lambda i: (i, 0))


def _fix_spec(shape):
    return pl.BlockSpec(shape, lambda i: (0, 0))


def kernel(atom, bond, node_neighbors, edge_neighbors,
           Wout0, bout0, Wout1, bout1, Wout2, bout2,
           Wself0, Wdeg0, Wself1, Wdeg1):
    idxn = _slab(node_neighbors)
    idxe = _slab(edge_neighbors)
    Wd0n, Wd0e = Wdeg0[:NODE], jnp.pad(Wdeg0[NODE:], ((0, NODE - EDGE), (0, 0)))
    Wd1n, Wd1e = Wdeg1[:HID], jnp.pad(Wdeg1[HID:], ((0, NODE - EDGE), (0, 0)))
    b0 = bout0.reshape(1, OUT)
    b1 = bout1.reshape(1, OUT)
    b2 = bout2.reshape(1, OUT)

    def tc_act(x, gn, ge_, wself, wdn, wde):
        return pl.pallas_call(
            _tc3_body,
            grid=(GRID,),
            in_specs=[
                _row_spec(HID), _row_spec(HID), _row_spec(NODE),
                _fix_spec((HID, HID)), _fix_spec((HID, HID)),
                _fix_spec((NODE, HID)),
            ],
            out_specs=[
                _row_spec(HID), _fix_spec((8, HID)), _fix_spec((8, HID)),
            ],
            out_shape=[
                jax.ShapeDtypeStruct((N, HID), jnp.float32),
                jax.ShapeDtypeStruct((8, HID), jnp.float32),
                jax.ShapeDtypeStruct((8, HID), jnp.float32),
            ],
        )(x, gn, ge_, wself, wdn, wde)

    gn1, ge = _gathersum_node_edge(atom, idxn, bond, idxe)

    aa, act1, s1, q1 = pl.pallas_call(
        _tc1_body,
        grid=(GRID,),
        in_specs=[
            _row_spec(NODE), _row_spec(NODE), _row_spec(NODE),
            _fix_spec((NODE, OUT)), _fix_spec((1, OUT)),
            _fix_spec((NODE, HID)), _fix_spec((NODE, HID)),
            _fix_spec((NODE, HID)),
        ],
        out_specs=[
            _row_spec(OUT), _row_spec(HID),
            _fix_spec((8, HID)), _fix_spec((8, HID)),
        ],
        out_shape=[
            jax.ShapeDtypeStruct((N, OUT), jnp.float32),
            jax.ShapeDtypeStruct((N, HID), jnp.float32),
            jax.ShapeDtypeStruct((8, HID), jnp.float32),
            jax.ShapeDtypeStruct((8, HID), jnp.float32),
        ],
    )(atom, gn1, ge, Wout0, b0, Wself0, Wd0n, Wd0e)

    h1, aa2 = pl.pallas_call(
        _tc2_body,
        grid=(GRID,),
        in_specs=[
            _row_spec(HID), _fix_spec((8, HID)), _fix_spec((8, HID)),
            _row_spec(OUT), _fix_spec((HID, OUT)), _fix_spec((1, OUT)),
        ],
        out_specs=[_row_spec(HID), _row_spec(OUT)],
        out_shape=[
            jax.ShapeDtypeStruct((N, HID), jnp.float32),
            jax.ShapeDtypeStruct((N, OUT), jnp.float32),
        ],
    )(act1, s1, q1, aa, Wout1, b1)

    gn2 = _gathersum_node(h1, idxn)
    act2, s2, q2 = tc_act(h1, gn2, ge, Wself1, Wd1n, Wd1e)

    fp = pl.pallas_call(
        _tc4_body,
        grid=(GRID,),
        in_specs=[
            _row_spec(HID), _fix_spec((8, HID)), _fix_spec((8, HID)),
            _row_spec(OUT), _fix_spec((HID, OUT)), _fix_spec((1, OUT)),
        ],
        out_specs=_row_spec(OUT),
        out_shape=jax.ShapeDtypeStruct((N, OUT), jnp.float32),
    )(act2, s2, q2, aa2, Wout2, b2)

    return fp.reshape(B, L, OUT)

# --- scband reference (transcript-rebuilt; emitter-appended) ---
"""Pipeline reference for scband-neural-fingerprint-42554535969485 (READ-ONLY COPY).

The authoritative reference and input builder live on the scoring server;
editing this copy changes nothing except your own understanding.
"""

import jax, jax.numpy as jnp
import numpy as np

N = 100000      # total atoms across batch
NODE = 128      # node feature size
EDGE = 16       # edge feature size
OUT = 128       # fingerprint output size
HID = 128       # conv layer hidden sizes (conv_layer_sizes=[128,128])
DEG = 4         # fixed degree (degree_list=[4])
E = N * DEG     # total bond slots
B = 1000        # molecules in batch
L = 100         # atoms per molecule (N = B*L)


def setup_inputs(seed: int = 0) -> dict:
    key = jax.random.key(seed)
    ks = jax.random.split(key, 12)
    s = 0.05
    inp = {}
    inp["atom"] = jax.random.normal(ks[0], (N, NODE), dtype=jnp.float32)
    inp["bond"] = jax.random.normal(ks[1], (E, EDGE), dtype=jnp.float32)
    inp["node_neighbors"] = jax.random.randint(ks[2], (N, DEG), 0, N, dtype=jnp.int32)
    inp["edge_neighbors"] = jax.random.randint(ks[3], (N, DEG), 0, E, dtype=jnp.int32)
    # out_layers: Linear(in, OUT) for layers_sizes = [NODE, HID, HID]
    inp["Wout0"] = jax.random.normal(ks[4], (NODE, OUT), dtype=jnp.float32) * s
    inp["bout0"] = jnp.zeros((OUT,), dtype=jnp.float32)
    inp["Wout1"] = jax.random.normal(ks[5], (HID, OUT), dtype=jnp.float32) * s
    inp["bout1"] = jnp.zeros((OUT,), dtype=jnp.float32)
    inp["Wout2"] = jax.random.normal(ks[6], (HID, OUT), dtype=jnp.float32) * s
    inp["bout2"] = jnp.zeros((OUT,), dtype=jnp.float32)
    # GraphDegreeConv params: self linear (no bias) + per-degree linear on concat(node,edge) sum
    inp["Wself0"] = jax.random.normal(ks[7], (NODE, HID), dtype=jnp.float32) * s
    inp["Wdeg0"] = jax.random.normal(ks[8], (NODE + EDGE, HID), dtype=jnp.float32) * s
    inp["Wself1"] = jax.random.normal(ks[9], (HID, HID), dtype=jnp.float32) * s
    inp["Wdeg1"] = jax.random.normal(ks[10], (HID + EDGE, HID), dtype=jnp.float32) * s
    return inp


def _graph_degree_conv(node_repr, bond, nbr, enbr, Wself, Wdeg):
    # gather neighbor node and edge representations: (N, DEG, node) / (N, DEG, edge)
    nbr_nodes = node_repr[nbr]
    nbr_edges = bond[enbr]
    stacked = jnp.concatenate([nbr_nodes, nbr_edges], axis=2)
    summed = jnp.sum(stacked, axis=1)  # (N, node+edge)
    act = node_repr @ Wself + summed @ Wdeg
    # BatchNorm1d(affine=False), training-mode batch statistics (biased variance)
    mean = jnp.mean(act, axis=0)
    var = jnp.var(act, axis=0)
    act = (act - mean) / jnp.sqrt(var + 1e-5)
    return jax.nn.relu(act)


def _fingerprint_update(x, W, b):
    return jax.nn.softmax(x @ W + b, axis=-1)


def reference(atom, bond, node_neighbors, edge_neighbors,
              Wout0, bout0, Wout1, bout1, Wout2, bout2,
              Wself0, Wdeg0, Wself1, Wdeg1):
    atom_activations = _fingerprint_update(atom, Wout0, bout0)
    h = _graph_degree_conv(atom, bond, node_neighbors, edge_neighbors, Wself0, Wdeg0)
    atom_activations = atom_activations + _fingerprint_update(h, Wout1, bout1)
    h = _graph_degree_conv(h, bond, node_neighbors, edge_neighbors, Wself1, Wdeg1)
    atom_activations = atom_activations + _fingerprint_update(h, Wout2, bout2)
    # all molecules have exactly L atoms -> padded batch scatter is a reshape
    fingerprint_atom = atom_activations.reshape(B, L, OUT)
    return fingerprint_atom

if __name__ == "__main__":
    import jax
    _d = setup_inputs()
    print(jax.jit(kernel)(*tuple(_d.values())))

</pallas_src>

<mosaic_0001>
#map = affine_map<(d0, d1) -> (0, 0)>
module attributes {stable_mosaic.version = 14 : i64} {
  func.func @k(%arg0: i32, %arg1: i32, %arg2: memref<100000x128xf32, #tpu.memory_space<hbm>>, %arg3: memref<3200x128xi32, #tpu.memory_space<hbm>>, %arg4: memref<102400x128xf32, #tpu.memory_space<hbm>>, %arg5: memref<144x128xi32, #tpu.memory_space<vmem>>, %arg6: memref<128x128xf32, #tpu.memory_space<vmem>>, %arg7: memref<128x128xf32, #tpu.memory_space<vmem>>, %arg8: memref<32x128xf32, #tpu.memory_space<vmem>>, %arg9: memref<32x128xf32, #tpu.memory_space<vmem>>, %arg10: memref<!tpu.dma_semaphore, #tpu.memory_space<semaphore_mem>>, %arg11: memref<!tpu.dma_semaphore, #tpu.memory_space<semaphore_mem>>, %arg12: memref<!tpu.dma_semaphore, #tpu.memory_space<semaphore_mem>>, %arg13: memref<!tpu.dma_semaphore, #tpu.memory_space<semaphore_mem>>) attributes {dimension_semantics = [#tpu.dimension_semantics<core_parallel>, #tpu.dimension_semantics<subcore_parallel>], iteration_bounds = array<i64: 2, 16>, scalar_prefetch = 0 : i64, scratch_operands = 9 : i64, tpu.core_type = #tpu.core_type<sc_vector_subcore>, window_params = [{transform_indices = #map}, {transform_indices = #map}, {transform_indices = #map}]} {
    %eq3A = arith.constant 0 : i32
    %eq3A_0 = arith.cmpi eq, %arg0, %eq3A : i32
    %mul3A = arith.constant 144 : i32
    %mul3A_1 = arith.muli %arg1, %mul3A : i32
    %mul3A_2 = arith.constant 56 : i32
    %mul3A_3 = arith.muli %arg1, %mul3A_2 : i32
    %add3A = arith.constant 2304 : i32
    %add3A_4 = arith.addi %add3A, %mul3A_3 : i32
    %select_n3A = arith.select %eq3A_0, %mul3A_1, %add3A_4 : i32
    %eq3A_5 = arith.constant 0 : i32
    %eq3A_6 = arith.cmpi eq, %arg0, %eq3A_5 : i32
    %jit3A = arith.constant 72 : i32
    %jit3A_7 = arith.constant 28 : i32
    %select_n3A_8 = arith.select %eq3A_6, %jit3A, %jit3A_7 : i32
    %mul3A_9 = arith.constant 32 : i32
    %mul3A_10 = arith.muli %select_n3A, %mul3A_9 : i32
    "tpu.region"() ({
      %run_scoped3A = tpu.sem_alloc : memref<!tpu.dma_semaphore, #tpu.memory_space<semaphore_mem>>
      %dma_start3A_49 = arith.constant 0 : i32
      %dma_start3A_50 = arith.constant 0 : i32
      %dma_start3A_51 = tpu.memref_slice %arg5[%dma_start3A_49, %dma_start3A_50] : memref<144x128xi32, #tpu.memory_space<vmem>> -> memref<56x128xi32, #tpu.memory_space<vmem>>
      %dma_start3A_52 = arith.constant 0 : i32
      %dma_start3A_53 = tpu.memref_slice %arg3[%select_n3A, %dma_start3A_52] : memref<3200x128xi32, #tpu.memory_space<hbm>> -> memref<56x128xi32, #tpu.memory_space<hbm>>
      %dma_start3A_54 = arith.constant 0 : i32
      %dma_start3A_55 = arith.constant 0 : i32
      %dma_start3A_56 = tpu.memref_slice %arg5[%dma_start3A_54, %dma_start3A_55] : memref<144x128xi32, #tpu.memory_space<vmem>> -> memref<56x128xi32, #tpu.memory_space<vmem>>
      %dma_start3A_57 = arith.constant 0 : i32
      %dma_start3A_58 = tpu.memref_slice %arg3[%select_n3A, %dma_start3A_57] : memref<3200x128xi32, #tpu.memory_space<hbm>> -> memref<56x128xi32, #tpu.memory_space<hbm>>
      tpu.enqueue_dma source(%dma_start3A_58 : memref<56x128xi32, #tpu.memory_space<hbm>>) target(%dma_start3A_56 : memref<56x128xi32, #tpu.memory_space<vmem>>) target_semaphore(%run_scoped3A : memref<!tpu.dma_semaphore, #tpu.memory_space<semaphore_mem>>)
      %dma_wait3A_59 = arith.constant 0 : i32
      %dma_wait3A_60 = arith.constant 0 : i32
      %dma_wait3A_61 = tpu.memref_slice %arg5[%dma_wait3A_59, %dma_wait3A_60] : memref<144x128xi32, #tpu.memory_space<vmem>> -> memref<56x128xi32, #tpu.memory_space<vmem>>
      %dma_wait3A_62 = arith.constant 0 : i32
      %dma_wait3A_63 = tpu.memref_slice %arg3[%select_n3A, %dma_wait3A_62] : memref<3200x128xi32, #tpu.memory_space<hbm>> -> memref<56x128xi32, #tpu.memory_space<hbm>>
      %dma_wait3A_64 = arith.constant 0 : i32
      %dma_wait3A_65 = arith.constant 0 : i32
      %dma_wait3A_66 = tpu.memref_slice %arg5[%dma_wait3A_64, %dma_wait3A_65] : memref<144x128xi32, #tpu.memory_space<vmem>> -> memref<56x128xi32, #tpu.memory_space<vmem>>
      %dma_wait3A_67 = arith.constant 0 : i32
      %dma_wait3A_68 = tpu.memref_slice %arg3[%select_n3A, %dma_wait3A_67] : memref<3200x128xi32, #tpu.memory_space<hbm>> -> memref<56x128xi32, #tpu.memory_space<hbm>>
      tpu.wait_dma2 semaphore(%run_scoped3A : memref<!tpu.dma_semaphore, #tpu.memory_space<semaphore_mem>>) src(%dma_wait3A_68 : memref<56x128xi32, #tpu.memory_space<hbm>>) dst(%dma_wait3A_66 : memref<56x128xi32, #tpu.memory_space<vmem>>)
      tpu.yield
    }) : () -> ()
    %eq3A_11 = arith.constant 0 : i32
    %eq3A_12 = arith.cmpi eq, %arg0, %eq3A_11 : i32
    %convert_element_type3A = arith.extui %eq3A_12 : i1 to i32
    %cond3A = arith.constant 0 : i32
    %cond3A_13 = arith.cmpi ne, %convert_element_type3A, %cond3A : i32
    scf.if %cond3A_13 {
      %add3A_49 = arith.constant 56 : i32
      %add3A_50 = arith.addi %select_n3A, %add3A_49 : i32
      "tpu.region"() ({
        %run_scoped3A = tpu.sem_alloc : memref<!tpu.dma_semaphore, #tpu.memory_space<semaphore_mem>>
        %dma_start3A_51 = arith.constant 56 : i32
        %dma_start3A_52 = arith.constant 0 : i32
        %dma_start3A_53 = tpu.memref_slice %arg5[%dma_start3A_51, %dma_start3A_52] : memref<144x128xi32, #tpu.memory_space<vmem>> -> memref<88x128xi32, #tpu.memory_space<vmem>>
        %dma_start3A_54 = arith.constant 0 : i32
        %dma_start3A_55 = tpu.memref_slice %arg3[%add3A_50, %dma_start3A_54] : memref<3200x128xi32, #tpu.memory_space<hbm>> -> memref<88x128xi32, #tpu.memory_space<hbm>>
        %dma_start3A_56 = arith.constant 56 : i32
        %dma_start3A_57 = arith.constant 0 : i32
        %dma_start3A_58 = tpu.memref_slice %arg5[%dma_start3A_56, %dma_start3A_57] : memref<144x128xi32, #tpu.memory_space<vmem>> -> memref<88x128xi32, #tpu.memory_space<vmem>>
        %dma_start3A_59 = arith.constant 0 : i32
        %dma_start3A_60 = tpu.memref_slice %arg3[%add3A_50, %dma_start3A_59] : memref<3200x128xi32, #tpu.memory_space<hbm>> -> memref<88x128xi32, #tpu.memory_space<hbm>>
        tpu.enqueue_dma source(%dma_start3A_60 : memref<88x128xi32, #tpu.memory_space<hbm>>) target(%dma_start3A_58 : memref<88x128xi32, #tpu.memory_space<vmem>>) target_semaphore(%run_scoped3A : memref<!tpu.dma_semaphore, #tpu.memory_space<semaphore_mem>>)
        %dma_wait3A_61 = arith.constant 56 : i32
        %dma_wait3A_62 = arith.constant 0 : i32
        %dma_wait3A_63 = tpu.memref_slice %arg5[%dma_wait3A_61, %dma_wait3A_62] : memref<144x128xi32, #tpu.memory_space<vmem>> -> memref<88x128xi32, #tpu.memory_space<vmem>>
        %dma_wait3A_64 = arith.constant 0 : i32
        %dma_wait3A_65 = tpu.memref_slice %arg3[%add3A_50, %dma_wait3A_64] : memref<3200x128xi32, #tpu.memory_space<hbm>> -> memref<88x128xi32, #tpu.memory_space<hbm>>
        %dma_wait3A_66 = arith.constant 56 : i32
        %dma_wait3A_67 = arith.constant 0 : i32
        %dma_wait3A_68 = tpu.memref_slice %arg5[%dma_wait3A_66, %dma_wait3A_67] : memref<144x128xi32, #tpu.memory_space<vmem>> -> memref<88x128xi32, #tpu.memory_space<vmem>>
        %dma_wait3A_69 = arith.constant 0 : i32
        %dma_wait3A_70 = tpu.memref_slice %arg3[%add3A_50, %dma_wait3A_69] : memref<3200x128xi32, #tpu.memory_space<hbm>> -> memref<88x128xi32, #tpu.memory_space<hbm>>
        tpu.wait_dma2 semaphore(%run_scoped3A : memref<!tpu.dma_semaphore, #tpu.memory_space<semaphore_mem>>) src(%dma_wait3A_70 : memref<88x128xi32, #tpu.memory_space<hbm>>) dst(%dma_wait3A_68 : memref<88x128xi32, #tpu.memory_space<vmem>>)
        tpu.yield
      }) : () -> ()
    } else {
    }
    %dma_start3A = arith.constant 0 : i32
    %dma_start3A_14 = arith.constant 0 : i32
    %dma_start3A_15 = tpu.memref_slice %arg5[%dma_start3A, %dma_start3A_14] : memref<144x128xi32, #tpu.memory_space<vmem>> -> memref<1x128xi32, #tpu.memory_space<vmem>>
    %dma_start3A_16 = tpu.memref_squeeze %dma_start3A_15 : memref<1x128xi32, #tpu.memory_space<vmem>> -> memref<128xi32, #tpu.memory_space<vmem>>
    %dma_start3A_17 = arith.constant 0 : i32
    %dma_start3A_18 = arith.constant 0 : i32
    %dma_start3A_19 = tpu.memref_slice %arg2[%dma_start3A_17, %dma_start3A_18] : memref<100000x128xf32, #tpu.memory_space<hbm>> -> memref<100000x128xf32, #tpu.memory_space<hbm>>
    tpu.enqueue_indirect_dma source(%dma_start3A_19 : memref<100000x128xf32, #tpu.memory_space<hbm>>) target(%arg6 : memref<128x128xf32, #tpu.memory_space<vmem>>) offsets(%dma_start3A_16 : memref<128xi32, #tpu.memory_space<vmem>>) semaphore(%arg10 : memref<!tpu.dma_semaphore, #tpu.memory_space<semaphore_mem>>)
    %while3A = arith.constant 0 : i32
    %while3A_20 = arith.constant 0 : i32
    %while3A_21 = arith.subi %select_n3A_8, %while3A_20 : i32
    %while3A_22 = arith.addi %while3A_20, %while3A_21 : i32
    %while3A_23 = arith.constant 1 : i32
    %while3A_24 = arith.divsi %while3A_21, %while3A_23 : i32
    %while3A_25 = arith.muli %while3A_24, %while3A_23 : i32
    %while3A_26 = arith.addi %while3A_20, %while3A_25 : i32
    %while3A_27 = arith.constant 1 : i32
    scf.for %while3A_49 = %while3A_20 to %while3A_26 step %while3A_27  : i32 {
      %mul3A_50 = arith.constant 2 : i32
      %mul3A_51 = arith.muli %mul3A_50, %while3A_49 : i32
      %add3A_52 = arith.constant 1 : i32
      %add3A_53 = arith.addi %mul3A_51, %add3A_52 : i32
      %dma_start3A_54 = arith.constant 0 : i32
      %dma_start3A_55 = tpu.memref_slice %arg5[%add3A_53, %dma_start3A_54] : memref<144x128xi32, #tpu.memory_space<vmem>> -> memref<1x128xi32, #tpu.memory_space<vmem>>
      %dma_start3A_56 = tpu.memref_squeeze %dma_start3A_55 : memref<1x128xi32, #tpu.memory_space<vmem>> -> memref<128xi32, #tpu.memory_space<vmem>>
      %dma_start3A_57 = arith.constant 0 : i32
      %dma_start3A_58 = arith.constant 0 : i32
      %dma_start3A_59 = tpu.memref_slice %arg2[%dma_start3A_57, %dma_start3A_58] : memref<100000x128xf32, #tpu.memory_space<hbm>> -> memref<100000x128xf32, #tpu.memory_space<hbm>>
      tpu.enqueue_indirect_dma source(%dma_start3A_59 : memref<100000x128xf32, #tpu.memory_space<hbm>>) target(%arg7 : memref<128x128xf32, #tpu.memory_space<vmem>>) offsets(%dma_start3A_56 : memref<128xi32, #tpu.memory_space<vmem>>) semaphore(%arg11 : memref<!tpu.dma_semaphore, #tpu.memory_space<semaphore_mem>>)
      %gt3A = arith.constant 0 : i32
      %gt3A_60 = arith.cmpi sgt, %while3A_49, %gt3A : i32
      %convert_element_type3A_61 = arith.extui %gt3A_60 : i1 to i32
      %cond3A_62 = arith.constant 0 : i32
      %cond3A_63 = arith.cmpi ne, %convert_element_type3A_61, %cond3A_62 : i32
      scf.if %cond3A_63 {
        %sub3A_111 = arith.constant 2 : i32
        %sub3A_112 = arith.subi %mul3A_51, %sub3A_111 : i32
        %mul3A_113 = arith.constant 32 : i32
        %mul3A_114 = arith.muli %sub3A_112, %mul3A_113 : i32
        %add3A_115 = arith.addi %mul3A_10, %mul3A_114 : i32
        %dma_wait3A_116 = arith.constant 0 : i32
        %dma_wait3A_117 = tpu.memref_slice %arg4[%add3A_115, %dma_wait3A_116] : memref<102400x128xf32, #tpu.memory_space<hbm>> -> memref<32x128xf32, #tpu.memory_space<hbm>>
        %dma_wait3A_118 = arith.constant 0 : i32
        %dma_wait3A_119 = tpu.memref_slice %arg4[%add3A_115, %dma_wait3A_118] : memref<102400x128xf32, #tpu.memory_space<hbm>> -> memref<32x128xf32, #tpu.memory_space<hbm>>
        tpu.wait_dma2 semaphore(%arg12 : memref<!tpu.dma_semaphore, #tpu.memory_space<semaphore_mem>>) src(%arg8 : memref<32x128xf32, #tpu.memory_space<vmem>>) dst(%dma_wait3A_119 : memref<32x128xf32, #tpu.memory_space<hbm>>)
      } else {
      }
      %dma_wait3A_64 = arith.constant 0 : i32
      %dma_wait3A_65 = tpu.memref_slice %arg5[%mul3A_51, %dma_wait3A_64] : memref<144x128xi32, #tpu.memory_space<vmem>> -> memref<1x128xi32, #tpu.memory_space<vmem>>
      %dma_wait3A_66 = tpu.memref_squeeze %dma_wait3A_65 : memref<1x128xi32, #tpu.memory_space<vmem>> -> memref<128xi32, #tpu.memory_space<vmem>>
      %dma_wait3A_67 = arith.constant 0 : i32
      %dma_wait3A_68 = arith.constant 0 : i32
      %dma_wait3A_69 = tpu.memref_slice %arg2[%dma_wait3A_67, %dma_wait3A_68] : memref<100000x128xf32, #tpu.memory_space<hbm>> -> memref<100000x128xf32, #tpu.memory_space<hbm>>
      tpu.wait_indirect_dma semaphore(%arg10 : memref<!tpu.dma_semaphore, #tpu.memory_space<semaphore_mem>>) src(%dma_wait3A_69 : memref<100000x128xf32, #tpu.memory_space<hbm>>) dst(%arg6 : memref<128x128xf32, #tpu.memory_space<vmem>>)
      %scan3A = arith.constant 0 : i32
      %scan3A_70 = arith.constant 0 : i32
      %scan3A_71 = arith.constant 32 : i32
      %scan3A_72 = arith.addi %scan3A_70, %scan3A_71 : i32
      %scan3A_73 = arith.constant 1 : i32
      scf.for %scan3A_111 = %scan3A_70 to %scan3A_72 step %scan3A_73  : i32 {
        %get3A = arith.index_cast %scan3A_111 : i32 to index
        %get3A_112 = arith.constant 0 : index
        %get3A_113 = tpu.vector_load %arg6[%get3A, %get3A_112] {strides = array<i32>} : memref<128x128xf32, #tpu.memory_space<vmem>>, vector<1x16xf32>,
        %get3A_114 = vector.shape_cast %get3A_113 : vector<1x16xf32> to vector<16xf32>
        %add3A_115 = arith.constant 32 : i32
        %add3A_116 = arith.addi %add3A_115, %scan3A_111 : i32
        %get3A_117 = arith.index_cast %add3A_116 : i32 to index
        %get3A_118 = arith.constant 0 : index
        %get3A_119 = tpu.vector_load %arg6[%get3A_117, %get3A_118] {strides = array<i32>} : memref<128x128xf32, #tpu.memory_space<vmem>>, vector<1x16xf32>,
        %get3A_120 = vector.shape_cast %get3A_119 : vector<1x16xf32> to vector<16xf32>
        %add3A_121 = arith.addf %get3A_114, %get3A_120 : vector<16xf32>
        %add3A_122 = arith.constant 64 : i32
        %add3A_123 = arith.addi %add3A_122, %scan3A_111 : i32
        %get3A_124 = arith.index_cast %add3A_123 : i32 to index
        %get3A_125 = arith.constant 0 : index
        %get3A_126 = tpu.vector_load %arg6[%get3A_124, %get3A_125] {strides = array<i32>} : memref<128x128xf32, #tpu.memory_space<vmem>>, vector<1x16xf32>,
        %get3A_127 = vector.shape_cast %get3A_126 : vector<1x16xf32> to vector<16xf32>
        %add3A_128 = arith.addf %add3A_121, %get3A_127 : vector<16xf32>
        %add3A_129 = arith.constant 96 : i32
        %add3A_130 = arith.addi %add3A_129, %scan3A_111 : i32
        %get3A_131 = arith.index_cast %add3A_130 : i32 to index
        %get3A_132 = arith.constant 0 : index
        %get3A_133 = tpu.vector_load %arg6[%get3A_131, %get3A_132] {strides = array<i32>} : memref<128x128xf32, #tpu.memory_space<vmem>>, vector<1x16xf32>,
        %get3A_134 = vector.shape_cast %get3A_133 : vector<1x16xf32> to vector<16xf32>
        %add3A_135 = arith.addf %add3A_128, %get3A_134 : vector<16xf32>
        %swap3A = arith.index_cast %scan3A_111 : i32 to index
        %swap3A_136 = arith.constant 0 : index
        %swap3A_137 = tpu.vector_load %arg8[%swap3A, %swap3A_136] {strides = array<i32>} : memref<32x128xf32, #tpu.memory_space<vmem>>, vector<1x16xf32>,
        %swap3A_138 = vector.shape_cast %swap3A_137 : vector<1x16xf32> to vector<16xf32>
        %swap3A_139 = vector.shape_cast %add3A_135 : vector<16xf32> to vector<1x16xf32>
        tpu.vector_store %arg8[%swap3A, %swap3A_136], %swap3A_139 {strides = array<i32>} : memref<32x128xf32, #tpu.memory_space<vmem>>, vector<1x16xf32>,
        %get3A_140 = arith.index_cast %scan3A_111 : i32 to index
        %get3A_141 = arith.constant 16 : index
        %get3A_142 = tpu.vector_load %arg6[%get3A_140, %get3A_141] {strides = array<i32>} : memref<128x128xf32, #tpu.memory_space<vmem>>, vector<1x16xf32>,
        %get3A_143 = vector.shape_cast %get3A_142 : vector<1x16xf32> to vector<16xf32>
        %add3A_144 = arith.constant 32 : i32
        %add3A_145 = arith.addi %add3A_144, %scan3A_111 : i32
        %get3A_146 = arith.index_cast %add3A_145 : i32 to index
        %get3A_147 = arith.constant 16 : index
        %get3A_148 = tpu.vector_load %arg6[%get3A_146, %get3A_147] {strides = array<i32>} : memref<128x128xf32, #tpu.memory_space<vmem>>, vector<1x16xf32>,
        %get3A_149 = vector.shape_cast %get3A_148 : vector<1x16xf32> to vector<16xf32>
        %add3A_150 = arith.addf %get3A_143, %get3A_149 : vector<16xf32>
        %add3A_151 = arith.constant 64 : i32
        %add3A_152 = arith.addi %add3A_151, %scan3A_111 : i32
        %get3A_153 = arith.index_cast %add3A_152 : i32 to index
        %get3A_154 = arith.constant 16 : index
        %get3A_155 = tpu.vector_load %arg6[%get3A_153, %get3A_154] {strides = array<i32>} : memref<128x128xf32, #tpu.memory_space<vmem>>, vector<1x16xf32>,
        %get3A_156 = vector.shape_cast %get3A_155 : vector<1x16xf32> to vector<16xf32>
        %add3A_157 = arith.addf %add3A_150, %get3A_156 : vector<16xf32>
        %add3A_158 = arith.constant 96 : i32
        %add3A_159 = arith.addi %add3A_158, %scan3A_111 : i32
        %get3A_160 = arith.index_cast %add3A_159 : i32 to index
        %get3A_161 = arith.constant 16 : index
        %get3A_162 = tpu.vector_load %arg6[%get3A_160, %get3A_161] {strides = array<i32>} : memref<128x128xf32, #tpu.memory_space<vmem>>, vector<1x16xf32>,
        %get3A_163 = vector.shape_cast %get3A_162 : vector<1x16xf32> to vector<16xf32>
        %add3A_164 = arith.addf %add3A_157, %get3A_163 : vector<16xf32>
        %swap3A_165 = arith.index_cast %scan3A_111 : i32 to index
        %swap3A_166 = arith.constant 16 : index
        %swap3A_167 = tpu.vector_load %arg8[%swap3A_165, %swap3A_166] {strides = array<i32>} : memref<32x128xf32, #tpu.memory_space<vmem>>, vector<1x16xf32>,
        %swap3A_168 = vector.shape_cast %swap3A_167 : vector<1x16xf32> to vector<16xf32>
        %swap3A_169 = vector.shape_cast %add3A_164 : vector<16xf32> to vector<1x16xf32>
        tpu.vector_store %arg8[%swap3A_165, %swap3A_166], %swap3A_169 {strides = array<i32>} : memref<32x128xf32, #tpu.memory_space<vmem>>, vector<1x16xf32>,
        %get3A_170 = arith.index_cast %scan3A_111 : i32 to index
        %get3A_171 = arith.constant 32 : index
        %get3A_172 = tpu.vector_load %arg6[%get3A_170, %get3A_171] {strides = array<i32>} : memref<128x128xf32, #tpu.memory_space<vmem>>, vector<1x16xf32>,
        %get3A_173 = vector.shape_cast %get3A_172 : vector<1x16xf32> to vector<16xf32>
        %add3A_174 = arith.constant 32 : i32
        %add3A_175 = arith.addi %add3A_174, %scan3A_111 : i32
        %get3A_176 = arith.index_cast %add3A_175 : i32 to index
        %get3A_177 = arith.constant 32 : index
        %get3A_178 = tpu.vector_load %arg6[%get3A_176, %get3A_177] {strides = array<i32>} : memref<128x128xf32, #tpu.memory_space<vmem>>, vector<1x16xf32>,
        %get3A_179 = vector.shape_cast %get3A_178 : vector<1x16xf32> to vector<16xf32>
        %add3A_180 = arith.addf %get3A_173, %get3A_179 : vector<16xf32>
        %add3A_181 = arith.constant 64 : i32
        %add3A_182 = arith.addi %add3A_181, %scan3A_111 : i32
        %get3A_183 = arith.index_cast %add3A_182 : i32 to index
        %get3A_184 = arith.constant 32 : index
        %get3A_185 = tpu.vector_load %arg6[%get3A_183, %get3A_184] {strides = array<i32>} : memref<128x128xf32, #tpu.memory_space<vmem>>, vector<1x16xf32>,
        %get3A_186 = vector.shape_cast %get3A_185 : vector<1x16xf32> to vector<16xf32>
        %add3A_187 = arith.addf %add3A_180, %get3A_186 : vector<16xf32>
        %add3A_188 = arith.constant 96 : i32
        %add3A_189 = arith.addi %add3A_188, %scan3A_111 : i32
        %get3A_190 = arith.index_cast %add3A_189 : i32 to index
        %get3A_191 = arith.constant 32 : index
        %get3A_192 = tpu.vector_load %arg6[%get3A_190, %get3A_191] {strides = array<i32>} : memref<128x128xf32, #tpu.memory_space<vmem>>, vector<1x16xf32>,
        %get3A_193 = vector.shape_cast %get3A_192 : vector<1x16xf32> to vector<16xf32>
        %add3A_194 = arith.addf %add3A_187, %get3A_193 : vector<16xf32>
        %swap3A_195 = arith.index_cast %scan3A_111 : i32 to index
        %swap3A_196 = arith.constant 32 : index
        %swap3A_197 = tpu.vector_load %arg8[%swap3A_195, %swap3A_196] {strides = array<i32>} : memref<32x128xf32, #tpu.memory_space<vmem>>, vector<1x16xf32>,
        %swap3A_198 = vector.shape_cast %swap3A_197 : vector<1x16xf32> to vector<16xf32>
        %swap3A_199 = vector.shape_cast %add3A_194 : vector<16xf32> to vector<1x16xf32>
        tpu.vector_store %arg8[%swap3A_195, %swap3A_196], %swap3A_199 {strides = array<i32>} : memref<32x128xf32, #tpu.memory_space<vmem>>, vector<1x16xf32>,
        %get3A_200 = arith.index_cast %scan3A_111 : i32 to index
        %get3A_201 = arith.constant 48 : index
        %get3A_202 = tpu.vector_load %arg6[%get3A_200, %get3A_201] {strides = array<i32>} : memref<128x128xf32, #tpu.memory_space<vmem>>, vector<1x16xf32>,
        %get3A_203 = vector.shape_cast %get3A_202 : vector<1x16xf32> to vector<16xf32>
        %add3A_204 = arith.constant 32 : i32
        %add3A_205 = arith.addi %add3A_204, %scan3A_111 : i32
        %get3A_206 = arith.index_cast %add3A_205 : i32 to index
        %get3A_207 = arith.constant 48 : index
        %get3A_208 = tpu.vector_load %arg6[%get3A_206, %get3A_207] {strides = array<i32>} : memref<128x128xf32, #tpu.memory_space<vmem>>, vector<1x16xf32>,
        %get3A_209 = vector.shape_cast %get3A_208 : vector<1x16xf32> to vector<16xf32>
        %add3A_210 = arith.addf %get3A_203, %get3A_209 : vector<16xf32>
        %add3A_211 = arith.constant 64 : i32
        %add3A_212 = arith.addi %add3A_211, %scan3A_111 : i32
        %get3A_213 = arith.index_cast %add3A_212 : i32 to index
        %get3A_214 = arith.constant 48 : index
        %get3A_215 = tpu.vector_load %arg6[%get3A_213, %get3A_214] {strides = array<i32>} : memref<128x128xf32, #tpu.memory_space<vmem>>, vector<1x16xf32>,
        %get3A_216 = vector.shape_cast %get3A_215 : vector<1x16xf32> to vector<16xf32>
        %add3A_217 = arith.addf %add3A_210, %get3A_216 : vector<16xf32>
        %add3A_218 = arith.constant 96 : i32
        %add3A_219 = arith.addi %add3A_218, %scan3A_111 : i32
        %get3A_220 = arith.index_cast %add3A_219 : i32 to index
        %get3A_221 = arith.constant 48 : index
        %get3A_222 = tpu.vector_load %arg6[%get3A_220, %get3A_221] {strides = array<i32>} : memref<128x128xf32, #tpu.memory_space<vmem>>, vector<1x16xf32>,
        %get3A_223 = vector.shape_cast %get3A_222 : vector<1x16xf32> to vector<16xf32>
        %add3A_224 = arith.addf %add3A_217, %get3A_223 : vector<16xf32>
        %swap3A_225 = arith.index_cast %scan3A_111 : i32 to index
        %swap3A_226 = arith.constant 48 : index
        %swap3A_227 = tpu.vector_load %arg8[%swap3A_225, %swap3A_226] {strides = array<i32>} : memref<32x128xf32, #tpu.memory_space<vmem>>, vector<1x16xf32>,
        %swap3A_228 = vector.shape_cast %swap3A_227 : vector<1x16xf32> to vector<16xf32>
        %swap3A_229 = vector.shape_cast %add3A_224 : vector<16xf32> to vector<1x16xf32>
        tpu.vector_store %arg8[%swap3A_225, %swap3A_226], %swap3A_229 {strides = array<i32>} : memref<32x128xf32, #tpu.memory_space<vmem>>, vector<1x16xf32>,
        %get3A_230 = arith.index_cast %scan3A_111 : i32 to index
        %get3A_231 = arith.constant 64 : index
        %get3A_232 = tpu.vector_load %arg6[%get3A_230, %get3A_231] {strides = array<i32>} : memref<128x128xf32, #tpu.memory_space<vmem>>, vector<1x16xf32>,
        %get3A_233 = vector.shape_cast %get3A_232 : vector<1x16xf32> to vector<16xf32>
        %add3A_234 = arith.constant 32 : i32
        %add3A_235 = arith.addi %add3A_234, %scan3A_111 : i32
        %get3A_236 = arith.index_cast %add3A_235 : i32 to index
        %get3A_237 = arith.constant 64 : index
        %get3A_238 = tpu.vector_load %arg6[%get3A_236, %get3A_237] {strides = array<i32>} : memref<128x128xf32, #tpu.memory_space<vmem>>, vector<1x16xf32>,
        %get3A_239 = vector.shape_cast %get3A_238 : vector<1x16xf32> to vector<16xf32>
        %add3A_240 = arith.addf %get3A_233, %get3A_239 : vector<16xf32>
        %add3A_241 = arith.constant 64 : i32
        %add3A_242 = arith.addi %add3A_241, %scan3A_111 : i32
        %get3A_243 = arith.index_cast %add3A_242 : i32 to index
        %get3A_244 = arith.constant 64 : index
        %get3A_245 = tpu.vector_load %arg6[%get3A_243, %get3A_244] {strides = array<i32>} : memref<128x128xf32, #tpu.memory_space<vmem>>, vector<1x16xf32>,
        %get3A_246 = vector.shape_cast %get3A_245 : vector<1x16xf32> to vector<16xf32>
        %add3A_247 = arith.addf %add3A_240, %get3A_246 : vector<16xf32>
        %add3A_248 = arith.constant 96 : i32
        %add3A_249 = arith.addi %add3A_248, %scan3A_111 : i32
        %get3A_250 = arith.index_cast %add3A_249 : i32 to index
        %get3A_251 = arith.constant 64 : index
        %get3A_252 = tpu.vector_load %arg6[%get3A_250, %get3A_251] {strides = array<i32>} : memref<128x128xf32, #tpu.memory_space<vmem>>, vector<1x16xf32>,
        %get3A_253 = vector.shape_cast %get3A_252 : vector<1x16xf32> to vector<16xf32>
        %add3A_254 = arith.addf %add3A_247, %get3A_253 : vector<16xf32>
        %swap3A_255 = arith.index_cast %scan3A_111 : i32 to index
        %swap3A_256 = arith.constant 64 : index
        %swap3A_257 = tpu.vector_load %arg8[%swap3A_255, %swap3A_256] {strides = array<i32>} : memref<32x128xf32, #tpu.memory_space<vmem>>, vector<1x16xf32>,
        %swap3A_258 = vector.shape_cast %swap3A_257 : vector<1x16xf32> to vector<16xf32>
        %swap3A_259 = vector.shape_cast %add3A_254 : vector<16xf32> to vector<1x16xf32>
        tpu.vector_store %arg8[%swap3A_255, %swap3A_256], %swap3A_259 {strides = array<i32>} : memref<32x128xf32, #tpu.memory_space<vmem>>, vector<1x16xf32>,
        %get3A_260 = arith.index_cast %scan3A_111 : i32 to index
        %get3A_261 = arith.constant 80 : index
        %get3A_262 = tpu.vector_load %arg6[%get3A_260, %get3A_261] {strides = array<i32>} : memref<128x128xf32, #tpu.memory_space<vmem>>, vector<1x16xf32>,
        %get3A_263 = vector.shape_cast %get3A_262 : vector<1x16xf32> to vector<16xf32>
        %add3A_264 = arith.constant 32 : i32
        %add3A_265 = arith.addi %add3A_264, %scan3A_111 : i32
        %get3A_266 = arith.index_cast %add3A_265 : i32 to index
        %get3A_267 = arith.constant 80 : index
        %get3A_268 = tpu.vector_load %arg6[%get3A_266, %get3A_267] {strides = array<i32>} : memref<128x128xf32, #tpu.memory_space<vmem>>, vector<1x16xf32>,
        %get3A_269 = vector.shape_cast %get3A_268 : vector<1x16xf32> to vector<16xf32>
        %add3A_270 = arith.addf %get3A_263, %get3A_269 : vector<16xf32>
        %add3A_271 = arith.constant 64 : i32
        %add3A_272 = arith.addi %add3A_271, %scan3A_111 : i32
        %get3A_273 = arith.index_cast %add3A_272 : i32 to index
        %get3A_274 = arith.constant 80 : index
        %get3A_275 = tpu.vector_load %arg6[%get3A_273, %get3A_274] {strides = array<i32>} : memref<128x128xf32, #tpu.memory_space<vmem>>, vector<1x16xf32>,
        %get3A_276 = vector.shape_cast %get3A_275 : vector<1x16xf32> to vector<16xf32>
        %add3A_277 = arith.addf %add3A_270, %get3A_276 : vector<16xf32>
        %add3A_278 = arith.constant 96 : i32
        %add3A_279 = arith.addi %add3A_278, %scan3A_111 : i32
        %get3A_280 = arith.index_cast %add3A_279 : i32 to index
        %get3A_281 = arith.constant 80 : index
        %get3A_282 = tpu.vector_load %arg6[%get3A_280, %get3A_281] {strides = array<i32>} : memref<128x128xf32, #tpu.memory_space<vmem>>, vector<1x16xf32>,
        %get3A_283 = vector.shape_cast %get3A_282 : vector<1x16xf32> to vector<16xf32>
        %add3A_284 = arith.addf %add3A_277, %get3A_283 : vector<16xf32>
        %swap3A_285 = arith.index_cast %scan3A_111 : i32 to index
        %swap3A_286 = arith.constant 80 : index
        %swap3A_287 = tpu.vector_load %arg8[%swap3A_285, %swap3A_286] {strides = array<i32>} : memref<32x128xf32, #tpu.memory_space<vmem>>, vector<1x16xf32>,
        %swap3A_288 = vector.shape_cast %swap3A_287 : vector<1x16xf32> to vector<16xf32>
        %swap3A_289 = vector.shape_cast %add3A_284 : vector<16xf32> to vector<1x16xf32>
        tpu.vector_store %arg8[%swap3A_285, %swap3A_286], %swap3A_289 {strides = array<i32>} : memref<32x128xf32, #tpu.memory_space<vmem>>, vector<1x16xf32>,
        %get3A_290 = arith.index_cast %scan3A_111 : i32 to index
        %get3A_291 = arith.constant 96 : index
        %get3A_292 = tpu.vector_load %arg6[%get3A_290, %get3A_291] {strides = array<i32>} : memref<128x128xf32, #tpu.memory_space<vmem>>, vector<1x16xf32>,
        %get3A_293 = vector.shape_cast %get3A_292 : vector<1x16xf32> to vector<16xf32>
        %add3A_294 = arith.constant 32 : i32
        %add3A_295 = arith.addi %add3A_294, %scan3A_111 : i32
        %get3A_296 = arith.index_cast %add3A_295 : i32 to index
        %get3A_297 = arith.constant 96 : index
        %get3A_298 = tpu.vector_load %arg6[%get3A_296, %get3A_297] {strides = array<i32>} : memref<128x128xf32, #tpu.memory_space<vmem>>, vector<1x16xf32>,
        %get3A_299 = vector.shape_cast %get3A_298 : vector<1x16xf32> to vector<16xf32>
        %add3A_300 = arith.addf %get3A_293, %get3A_299 : vector<16xf32>
        %add3A_301 = arith.constant 64 : i32
        %add3A_302 = arith.addi %add3A_301, %scan3A_111 : i32
        %get3A_303 = arith.index_cast %add3A_302 : i32 to index
        %get3A_304 = arith.constant 96 : index
        %get3A_305 = tpu.vector_load %arg6[%get3A_303, %get3A_304] {strides = array<i32>} : memref<128x128xf32, #tpu.memory_space<vmem>>, vector<1x16xf32>,
        %get3A_306 = vector.shape_cast %get3A_305 : vector<1x16xf32> to vector<16xf32>
        %add3A_307 = arith.addf %add3A_300, %get3A_306 : vector<16xf32>
        %add3A_308 = arith.constant 96 : i32
        %add3A_309 = arith.addi %add3A_308, %scan3A_111 : i32
        %get3A_310 = arith.index_cast %add3A_309 : i32 to index
        %get3A_311 = arith.constant 96 : index
        %get3A_312 = tpu.vector_load %arg6[%get3A_310, %get3A_311] {strides = array<i32>} : memref<128x128xf32, #tpu.memory_space<vmem>>, vector<1x16xf32>,
        %get3A_313 = vector.shape_cast %get3A_312 : vector<1x16xf32> to vector<16xf32>
        %add3A_314 = arith.addf %add3A_307, %get3A_313 : vector<16xf32>
        %swap3A_315 = arith.index_cast %scan3A_111 : i32 to index
        %swap3A_316 = arith.constant 96 : index
        %swap3A_317 = tpu.vector_load %arg8[%swap3A_315, %swap3A_316] {strides = array<i32>} : memref<32x128xf32, #tpu.memory_space<vmem>>, vector<1x16xf32>,
        %swap3A_318 = vector.shape_cast %swap3A_317 : vector<1x16xf32> to vector<16xf32>
        %swap3A_319 = vector.shape_cast %add3A_314 : vector<16xf32> to vector<1x16xf32>
        tpu.vector_store %arg8[%swap3A_315, %swap3A_316], %swap3A_319 {strides = array<i32>} : memref<32x128xf32, #tpu.memory_space<vmem>>, vector<1x16xf32>,
        %get3A_320 = arith.index_cast %scan3A_111 : i32 to index
        %get3A_321 = arith.constant 112 : index
        %get3A_322 = tpu.vector_load %arg6[%get3A_320, %get3A_321] {strides = array<i32>} : memref<128x128xf32, #tpu.memory_space<vmem>>, vector<1x16xf32>,
        %get3A_323 = vector.shape_cast %get3A_322 : vector<1x16xf32> to vector<16xf32>
        %add3A_324 = arith.constant 32 : i32
        %add3A_325 = arith.addi %add3A_324, %scan3A_111 : i32
        %get3A_326 = arith.index_cast %add3A_325 : i32 to index
        %get3A_327 = arith.constant 112 : index
        %get3A_328 = tpu.vector_load %arg6[%get3A_326, %get3A_327] {strides = array<i32>} : memref<128x128xf32, #tpu.memory_space<vmem>>, vector<1x16xf32>,
        %get3A_329 = vector.shape_cast %get3A_328 : vector<1x16xf32> to vector<16xf32>
        %add3A_330 = arith.addf %get3A_323, %get3A_329 : vector<16xf32>
        %add3A_331 = arith.constant 64 : i32
        %add3A_332 = arith.addi %add3A_331, %scan3A_111 : i32
        %get3A_333 = arith.index_cast %add3A_332 : i32 to index
        %get3A_334 = arith.constant 112 : index
        %get3A_335 = tpu.vector_load %arg6[%get3A_333, %get3A_334] {strides = array<i32>} : memref<128x128xf32, #tpu.memory_space<vmem>>, vector<1x16xf32>,
        %get3A_336 = vector.shape_cast %get3A_335 : vector<1x16xf32> to vector<16xf32>
        %add3A_337 = arith.addf %add3A_330, %get3A_336 : vector<16xf32>
        %add3A_338 = arith.constant 96 : i32
        %add3A_339 = arith.addi %add3A_338, %scan3A_111 : i32
        %get3A_340 = arith.index_cast %add3A_339 : i32 to index
        %get3A_341 = arith.constant 112 : index
        %get3A_342 = tpu.vector_load %arg6[%get3A_340, %get3A_341] {strides = array<i32>} : memref<128x128xf32, #tpu.memory_space<vmem>>, vector<1x16xf32>,
        %get3A_343 = vector.shape_cast %get3A_342 : vector<1x16xf32> to vector<16xf32>
        %add3A_344 = arith.addf %add3A_337, %get3A_343 : vector<16xf32>
        %swap3A_345 = arith.index_cast %scan3A_111 : i32 to index
        %swap3A_346 = arith.constant 112 : index
        %swap3A_347 = tpu.vector_load %arg8[%swap3A_345, %swap3A_346] {strides = array<i32>} : memref<32x128xf32, #tpu.memory_space<vmem>>, vector<1x16xf32>,
        %swap3A_348 = vector.shape_cast %swap3A_347 : vector<1x16xf32> to vector<16xf32>
        %swap3A_349 = vector.shape_cast %add3A_344 : vector<16xf32> to vector<1x16xf32>
        tpu.vector_store %arg8[%swap3A_345, %swap3A_346], %swap3A_349 {strides = array<i32>} : memref<32x128xf32, #tpu.memory_space<vmem>>, vector<1x16xf32>,
      }
      %scan3A_74 = arith.constant 32 : i32
      %mul3A_75 = arith.constant 32 : i32
      %mul3A_76 = arith.muli %mul3A_51, %mul3A_75 : i32
      %add3A_77 = arith.addi %mul3A_10, %mul3A_76 : i32
      %dma_start3A_78 = arith.constant 0 : i32
      %dma_start3A_79 = tpu.memref_slice %arg4[%add3A_77, %dma_start3A_78] : memref<102400x128xf32, #tpu.memory_space<hbm>> -> memref<32x128xf32, #tpu.memory_space<hbm>>
      %dma_start3A_80 = arith.constant 0 : i32
      %dma_start3A_81 = tpu.memref_slice %arg4[%add3A_77, %dma_start3A_80] : memref<102400x128xf32, #tpu.memory_space<hbm>> -> memref<32x128xf32, #tpu.memory_space<hbm>>
      tpu.enqueue_dma source(%arg8 : memref<32x128xf32, #tpu.memory_space<vmem>>) target(%dma_start3A_81 : memref<32x128xf32, #tpu.memory_space<hbm>>) target_semaphore(%arg12 : memref<!tpu.dma_semaphore, #tpu.memory_space<semaphore_mem>>)
      %sub3A_82 = arith.constant 1 : i32
      %sub3A_83 = arith.subi %select_n3A_8, %sub3A_82 : i32
      %lt3A = arith.cmpi slt, %while3A_49, %sub3A_83 : i32
      %convert_element_type3A_84 = arith.extui %lt3A : i1 to i32
      %cond3A_85 = arith.constant 0 : i32
      %cond3A_86 = arith.cmpi ne, %convert_element_type3A_84, %cond3A_85 : i32
      scf.if %cond3A_86 {
        %add3A_111 = arith.constant 2 : i32
        %add3A_112 = arith.addi %mul3A_51, %add3A_111 : i32
        %dma_start3A_113 = arith.constant 0 : i32
        %dma_start3A_114 = tpu.memref_slice %arg5[%add3A_112, %dma_start3A_113] : memref<144x128xi32, #tpu.memory_space<vmem>> -> memref<1x128xi32, #tpu.memory_space<vmem>>
        %dma_start3A_115 = tpu.memref_squeeze %dma_start3A_114 : memref<1x128xi32, #tpu.memory_space<vmem>> -> memref<128xi32, #tpu.memory_space<vmem>>
        %dma_start3A_116 = arith.constant 0 : i32
        %dma_start3A_117 = arith.constant 0 : i32
        %dma_start3A_118 = tpu.memref_slice %arg2[%dma_start3A_116, %dma_start3A_117] : memref<100000x128xf32, #tpu.memory_space<hbm>> -> memref<100000x128xf32, #tpu.memory_space<hbm>>
        tpu.enqueue_indirect_dma source(%dma_start3A_118 : memref<100000x128xf32, #tpu.memory_space<hbm>>) target(%arg6 : memref<128x128xf32, #tpu.memory_space<vmem>>) offsets(%dma_start3A_115 : memref<128xi32, #tpu.memory_space<vmem>>) semaphore(%arg10 : memref<!tpu.dma_semaphore, #tpu.memory_space<semaphore_mem>>)
      } else {
      }
      %gt3A_87 = arith.constant 0 : i32
      %gt3A_88 = arith.cmpi sgt, %while3A_49, %gt3A_87 : i32
      %convert_element_type3A_89 = arith.extui %gt3A_88 : i1 to i32
      %cond3A_90 = arith.constant 0 : i32
      %cond3A_91 = arith.cmpi ne, %convert_element_type3A_89, %cond3A_90 : i32
      scf.if %cond3A_91 {
        %sub3A_111 = arith.constant 2 : i32
        %sub3A_112 = arith.subi %add3A_53, %sub3A_111 : i32
        %mul3A_113 = arith.constant 32 : i32
        %mul3A_114 = arith.muli %sub3A_112, %mul3A_113 : i32
        %add3A_115 = arith.addi %mul3A_10, %mul3A_114 : i32
        %dma_wait3A_116 = arith.constant 0 : i32
        %dma_wait3A_117 = tpu.memref_slice %arg4[%add3A_115, %dma_wait3A_116] : memref<102400x128xf32, #tpu.memory_space<hbm>> -> memref<32x128xf32, #tpu.memory_space<hbm>>
        %dma_wait3A_118 = arith.constant 0 : i32
        %dma_wait3A_119 = tpu.memref_slice %arg4[%add3A_115, %dma_wait3A_118] : memref<102400x128xf32, #tpu.memory_space<hbm>> -> memref<32x128xf32, #tpu.memory_space<hbm>>
        tpu.wait_dma2 semaphore(%arg13 : memref<!tpu.dma_semaphore, #tpu.memory_space<semaphore_mem>>) src(%arg9 : memref<32x128xf32, #tpu.memory_space<vmem>>) dst(%dma_wait3A_119 : memref<32x128xf32, #tpu.memory_space<hbm>>)
      } else {
      }
      %dma_wait3A_92 = arith.constant 0 : i32
      %dma_wait3A_93 = tpu.memref_slice %arg5[%add3A_53, %dma_wait3A_92] : memref<144x128xi32, #tpu.memory_space<vmem>> -> memref<1x128xi32, #tpu.memory_space<vmem>>
      %dma_wait3A_94 = tpu.memref_squeeze %dma_wait3A_93 : memref<1x128xi32, #tpu.memory_space<vmem>> -> memref<128xi32, #tpu.memory_space<vmem>>
      %dma_wait3A_95 = arith.constant 0 : i32
      %dma_wait3A_96 = arith.constant 0 : i32
      %dma_wait3A_97 = tpu.memref_slice %arg2[%dma_wait3A_95, %dma_wait3A_96] : memref<100000x128xf32, #tpu.memory_space<hbm>> -> memref<100000x128xf32, #tpu.memory_space<hbm>>
      tpu.wait_indirect_dma semaphore(%arg11 : memref<!tpu.dma_semaphore, #tpu.memory_space<semaphore_mem>>) src(%dma_wait3A_97 : memref<100000x128xf32, #tpu.memory_space<hbm>>) dst(%arg7 : memref<128x128xf32, #tpu.memory_space<vmem>>)
      %scan3A_98 = arith.constant 0 : i32
      %scan3A_99 = arith.constant 0 : i32
      %scan3A_100 = arith.constant 32 : i32
      %scan3A_101 = arith.addi %scan3A_99, %scan3A_100 : i32
      %scan3A_102 = arith.constant 1 : i32
      scf.for %scan3A_111 = %scan3A_99 to %scan3A_101 step %scan3A_102  : i32 {
        %get3A = arith.index_cast %scan3A_111 : i32 to index
        %get3A_112 = arith.constant 0 : index
        %get3A_113 = tpu.vector_load %arg7[%get3A, %get3A_112] {strides = array<i32>} : memref<128x128xf32, #tpu.memory_space<vmem>>, vector<1x16xf32>,
        %get3A_114 = vector.shape_cast %get3A_113 : vector<1x16xf32> to vector<16xf32>
        %add3A_115 = arith.constant 32 : i32
        %add3A_116 = arith.addi %add3A_115, %scan3A_111 : i32
        %get3A_117 = arith.index_cast %add3A_116 : i32 to index
        %get3A_118 = arith.constant 0 : index
        %get3A_119 = tpu.vector_load %arg7[%get3A_117, %get3A_118] {strides = array<i32>} : memref<128x128xf32, #tpu.memory_space<vmem>>, vector<1x16xf32>,
        %get3A_120 = vector.shape_cast %get3A_119 : vector<1x16xf32> to vector<16xf32>
        %add3A_121 = arith.addf %get3A_114, %get3A_120 : vector<16xf32>
        %add3A_122 = arith.constant 64 : i32
        %add3A_123 = arith.addi %add3A_122, %scan3A_111 : i32
        %get3A_124 = arith.index_cast %add3A_123 : i32 to index
        %get3A_125 = arith.constant 0 : index
        %get3A_126 = tpu.vector_load %arg7[%get3A_124, %get3A_125] {strides = array<i32>} : memref<128x128xf32, #tpu.memory_space<vmem>>, vector<1x16xf32>,
        %get3A_127 = vector.shape_cast %get3A_126 : vector<1x16xf32> to vector<16xf32>
        %add3A_128 = arith.addf %add3A_121, %get3A_127 : vector<16xf32>
        %add3A_129 = arith.constant 96 : i32
        %add3A_130 = arith.addi %add3A_129, %scan3A_111 : i32
        %get3A_131 = arith.index_cast %add3A_130 : i32 to index
        %get3A_132 = arith.constant 0 : index
        %get3A_133 = tpu.vector_load %arg7[%get3A_131, %get3A_132] {strides = array<i32>} : memref<128x128xf32, #tpu.memory_space<vmem>>, vector<1x16xf32>,
        %get3A_134 = vector.shape_cast %get3A_133 : vector<1x16xf32> to vector<16xf32>
        %add3A_135 = arith.addf %add3A_128, %get3A_134 : vector<16xf32>
        %swap3A = arith.index_cast %scan3A_111 : i32 to index
        %swap3A_136 = arith.constant 0 : index
        %swap3A_137 = tpu.vector_load %arg9[%swap3A, %swap3A_136] {strides = array<i32>} : memref<32x128xf32, #tpu.memory_space<vmem>>, vector<1x16xf32>,
        %swap3A_138 = vector.shape_cast %swap3A_137 : vector<1x16xf32> to vector<16xf32>
        %swap3A_139 = vector.shape_cast %add3A_135 : vector<16xf32> to vector<1x16xf32>
        tpu.vector_store %arg9[%swap3A, %swap3A_136], %swap3A_139 {strides = array<i32>} : memref<32x128xf32, #tpu.memory_space<vmem>>, vector<1x16xf32>,
        %get3A_140 = arith.index_cast %scan3A_111 : i32 to index
        %get3A_141 = arith.constant 16 : index
        %get3A_142 = tpu.vector_load %arg7[%get3A_140, %get3A_141] {strides = array<i32>} : memref<128x128xf32, #tpu.memory_space<vmem>>, vector<1x16xf32>,
        %get3A_143 = vector.shape_cast %get3A_142 : vector<1x16xf32> to vector<16xf32>
        %add3A_144 = arith.constant 32 : i32
        %add3A_145 = arith.addi %add3A_144, %scan3A_111 : i32
        %get3A_146 = arith.index_cast %add3A_145 : i32 to index
        %get3A_147 = arith.constant 16 : index
        %get3A_148 = tpu.vector_load %arg7[%get3A_146, %get3A_147] {strides = array<i32>} : memref<128x128xf32, #tpu.memory_space<vmem>>, vector<1x16xf32>,
        %get3A_149 = vector.shape_cast %get3A_148 : vector<1x16xf32> to vector<16xf32>
        %add3A_150 = arith.addf %get3A_143, %get3A_149 : vector<16xf32>
        %add3A_151 = arith.constant 64 : i32
        %add3A_152 = arith.addi %add3A_151, %scan3A_111 : i32
        %get3A_153 = arith.index_cast %add3A_152 : i32 to index
        %get3A_154 = arith.constant 16 : index
        %get3A_155 = tpu.vector_load %arg7[%get3A_153, %get3A_154] {strides = array<i32>} : memref<128x128xf32, #tpu.memory_space<vmem>>, vector<1x16xf32>,
        %get3A_156 = vector.shape_cast %get3A_155 : vector<1x16xf32> to vector<16xf32>
        %add3A_157 = arith.addf %add3A_150, %get3A_156 : vector<16xf32>
        %add3A_158 = arith.constant 96 : i32
        %add3A_159 = arith.addi %add3A_158, %scan3A_111 : i32
        %get3A_160 = arith.index_cast %add3A_159 : i32 to index
        %get3A_161 = arith.constant 16 : index
        %get3A_162 = tpu.vector_load %arg7[%get3A_160, %get3A_161] {strides = array<i32>} : memref<128x128xf32, #tpu.memory_space<vmem>>, vector<1x16xf32>,
        %get3A_163 = vector.shape_cast %get3A_162 : vector<1x16xf32> to vector<16xf32>
        %add3A_164 = arith.addf %add3A_157, %get3A_163 : vector<16xf32>
        %swap3A_165 = arith.index_cast %scan3A_111 : i32 to index
        %swap3A_166 = arith.constant 16 : index
        %swap3A_167 = tpu.vector_load %arg9[%swap3A_165, %swap3A_166] {strides = array<i32>} : memref<32x128xf32, #tpu.memory_space<vmem>>, vector<1x16xf32>,
        %swap3A_168 = vector.shape_cast %swap3A_167 : vector<1x16xf32> to vector<16xf32>
        %swap3A_169 = vector.shape_cast %add3A_164 : vector<16xf32> to vector<1x16xf32>
        tpu.vector_store %arg9[%swap3A_165, %swap3A_166], %swap3A_169 {strides = array<i32>} : memref<32x128xf32, #tpu.memory_space<vmem>>, vector<1x16xf32>,
        %get3A_170 = arith.index_cast %scan3A_111 : i32 to index
        %get3A_171 = arith.constant 32 : index
        %get3A_172 = tpu.vector_load %arg7[%get3A_170, %get3A_171] {strides = array<i32>} : memref<128x128xf32, #tpu.memory_space<vmem>>, vector<1x16xf32>,
        %get3A_173 = vector.shape_cast %get3A_172 : vector<1x16xf32> to vector<16xf32>
        %add3A_174 = arith.constant 32 : i32
        %add3A_175 = arith.addi %add3A_174, %scan3A_111 : i32
        %get3A_176 = arith.index_cast %add3A_175 : i32 to index
        %get3A_177 = arith.constant 32 : index
        %get3A_178 = tpu.vector_load %arg7[%get3A_176, %get3A_177] {strides = array<i32>} : memref<128x128xf32, #tpu.memory_space<vmem>>, vector<1x16xf32>,
        %get3A_179 = vector.shape_cast %get3A_178 : vector<1x16xf32> to vector<16xf32>
        %add3A_180 = arith.addf %get3A_173, %get3A_179 : vector<16xf32>
        %add3A_181 = arith.constant 64 : i32
        %add3A_182 = arith.addi %add3A_181, %scan3A_111 : i32
        %get3A_183 = arith.index_cast %add3A_182 : i32 to index
        %get3A_184 = arith.constant 32 : index
        %get3A_185 = tpu.vector_load %arg7[%get3A_183, %get3A_184] {strides = array<i32>} : memref<128x128xf32, #tpu.memory_space<vmem>>, vector<1x16xf32>,
        %get3A_186 = vector.shape_cast %get3A_185 : vector<1x16xf32> to vector<16xf32>
        %add3A_187 = arith.addf %add3A_180, %get3A_186 : vector<16xf32>
        %add3A_188 = arith.constant 96 : i32
        %add3A_189 = arith.addi %add3A_188, %scan3A_111 : i32
        %get3A_190 = arith.index_cast %add3A_189 : i32 to index
        %get3A_191 = arith.constant 32 : index
        %get3A_192 = tpu.vector_load %arg7[%get3A_190, %get3A_191] {strides = array<i32>} : memref<128x128xf32, #tpu.memory_space<vmem>>, vector<1x16xf32>,
        %get3A_193 = vector.shape_cast %get3A_192 : vector<1x16xf32> to vector<16xf32>
        %add3A_194 = arith.addf %add3A_187, %get3A_193 : vector<16xf32>
        %swap3A_195 = arith.index_cast %scan3A_111 : i32 to index
        %swap3A_196 = arith.constant 32 : index
        %swap3A_197 = tpu.vector_load %arg9[%swap3A_195, %swap3A_196] {strides = array<i32>} : memref<32x128xf32, #tpu.memory_space<vmem>>, vector<1x16xf32>,
        %swap3A_198 = vector.shape_cast %swap3A_197 : vector<1x16xf32> to vector<16xf32>
        %swap3A_199 = vector.shape_cast %add3A_194 : vector<16xf32> to vector<1x16xf32>
        tpu.vector_store %arg9[%swap3A_195, %swap3A_196], %swap3A_199 {strides = array<i32>} : memref<32x128xf32, #tpu.memory_space<vmem>>, vector<1x16xf32>,
        %get3A_200 = arith.index_cast %scan3A_111 : i32 to index
        %get3A_201 = arith.constant 48 : index
        %get3A_202 = tpu.vector_load %arg7[%get3A_200, %get3A_201] {strides = array<i32>} : memref<128x128xf32, #tpu.memory_space<vmem>>, vector<1x16xf32>,
        %get3A_203 = vector.shape_cast %get3A_202 : vector<1x16xf32> to vector<16xf32>
        %add3A_204 = arith.constant 32 : i32
        %add3A_205 = arith.addi %add3A_204, %scan3A_111 : i32
        %get3A_206 = arith.index_cast %add3A_205 : i32 to index
        %get3A_207 = arith.constant 48 : index
        %get3A_208 = tpu.vector_load %arg7[%get3A_206, %get3A_207] {strides = array<i32>} : memref<128x128xf32, #tpu.memory_space<vmem>>, vector<1x16xf32>,
        %get3A_209 = vector.shape_cast %get3A_208 : vector<1x16xf32> to vector<16xf32>
        %add3A_210 = arith.addf %get3A_203, %get3A_209 : vector<16xf32>
        %add3A_211 = arith.constant 64 : i32
        %add3A_212 = arith.addi %add3A_211, %scan3A_111 : i32
        %get3A_213 = arith.index_cast %add3A_212 : i32 to index
        %get3A_214 = arith.constant 48 : index
        %get3A_215 = tpu.vector_load %arg7[%get3A_213, %get3A_214] {strides = array<i32>} : memref<128x128xf32, #tpu.memory_space<vmem>>, vector<1x16xf32>,
        %get3A_216 = vector.shape_cast %get3A_215 : vector<1x16xf32> to vector<16xf32>
        %add3A_217 = arith.addf %add3A_210, %get3A_216 : vector<16xf32>
        %add3A_218 = arith.constant 96 : i32
        %add3A_219 = arith.addi %add3A_218, %scan3A_111 : i32
        %get3A_220 = arith.index_cast %add3A_219 : i32 to index
        %get3A_221 = arith.constant 48 : index
        %get3A_222 = tpu.vector_load %arg7[%get3A_220, %get3A_221] {strides = array<i32>} : memref<128x128xf32, #tpu.memory_space<vmem>>, vector<1x16xf32>,
        %get3A_223 = vector.shape_cast %get3A_222 : vector<1x16xf32> to vector<16xf32>
        %add3A_224 = arith.addf %add3A_217, %get3A_223 : vector<16xf32>
        %swap3A_225 = arith.index_cast %scan3A_111 : i32 to index
        %swap3A_226 = arith.constant 48 : index
        %swap3A_227 = tpu.vector_load %arg9[%swap3A_225, %swap3A_226] {strides = array<i32>} : memref<32x128xf32, #tpu.memory_space<vmem>>, vector<1x16xf32>,
        %swap3A_228 = vector.shape_cast %swap3A_227 : vector<1x16xf32> to vector<16xf32>
        %swap3A_229 = vector.shape_cast %add3A_224 : vector<16xf32> to vector<1x16xf32>
        tpu.vector_store %arg9[%swap3A_225, %swap3A_226], %swap3A_229 {strides = array<i32>} : memref<32x128xf32, #tpu.memory_space<vmem>>, vector<1x16xf32>,
        %get3A_230 = arith.index_cast %scan3A_111 : i32 to index
        %get3A_231 = arith.constant 64 : index
        %get3A_232 = tpu.vector_load %arg7[%get3A_230, %get3A_231] {strides = array<i32>} : memref<128x128xf32, #tpu.memory_space<vmem>>, vector<1x16xf32>,
        %get3A_233 = vector.shape_cast %get3A_232 : vector<1x16xf32> to vector<16xf32>
        %add3A_234 = arith.constant 32 : i32
        %add3A_235 = arith.addi %add3A_234, %scan3A_111 : i32
        %get3A_236 = arith.index_cast %add3A_235 : i32 to index
        %get3A_237 = arith.constant 64 : index
        %get3A_238 = tpu.vector_load %arg7[%get3A_236, %get3A_237] {strides = array<i32>} : memref<128x128xf32, #tpu.memory_space<vmem>>, vector<1x16xf32>,
        %get3A_239 = vector.shape_cast %get3A_238 : vector<1x16xf32> to vector<16xf32>
        %add3A_240 = arith.addf %get3A_233, %get3A_239 : vector<16xf32>
        %add3A_241 = arith.constant 64 : i32
        %add3A_242 = arith.addi %add3A_241, %scan3A_111 : i32
        %get3A_243 = arith.index_cast %add3A_242 : i32 to index
        %get3A_244 = arith.constant 64 : index
        %get3A_245 = tpu.vector_load %arg7[%get3A_243, %get3A_244] {strides = array<i32>} : memref<128x128xf32, #tpu.memory_space<vmem>>, vector<1x16xf32>,
        %get3A_246 = vector.shape_cast %get3A_245 : vector<1x16xf32> to vector<16xf32>
        %add3A_247 = arith.addf %add3A_240, %get3A_246 : vector<16xf32>
        %add3A_248 = arith.constant 96 : i32
        %add3A_249 = arith.addi %add3A_248, %scan3A_111 : i32
        %get3A_250 = arith.index_cast %add3A_249 : i32 to index
        %get3A_251 = arith.constant 64 : index
        %get3A_252 = tpu.vector_load %arg7[%get3A_250, %get3A_251] {strides = array<i32>} : memref<128x128xf32, #tpu.memory_space<vmem>>, vector<1x16xf32>,
        %get3A_253 = vector.shape_cast %get3A_252 : vector<1x16xf32> to vector<16xf32>
        %add3A_254 = arith.addf %add3A_247, %get3A_253 : vector<16xf32>
        %swap3A_255 = arith.index_cast %scan3A_111 : i32 to index
        %swap3A_256 = arith.constant 64 : index
        %swap3A_257 = tpu.vector_load %arg9[%swap3A_255, %swap3A_256] {strides = array<i32>} : memref<32x128xf32, #tpu.memory_space<vmem>>, vector<1x16xf32>,
        %swap3A_258 = vector.shape_cast %swap3A_257 : vector<1x16xf32> to vector<16xf32>
        %swap3A_259 = vector.shape_cast %add3A_254 : vector<16xf32> to vector<1x16xf32>
        tpu.vector_store %arg9[%swap3A_255, %swap3A_256], %swap3A_259 {strides = array<i32>} : memref<32x128xf32, #tpu.memory_space<vmem>>, vector<1x16xf32>,
        %get3A_260 = arith.index_cast %scan3A_111 : i32 to index
        %get3A_261 = arith.constant 80 : index
        %get3A_262 = tpu.vector_load %arg7[%get3A_260, %get3A_261] {strides = array<i32>} : memref<128x128xf32, #tpu.memory_space<vmem>>, vector<1x16xf32>,
        %get3A_263 = vector.shape_cast %get3A_262 : vector<1x16xf32> to vector<16xf32>
        %add3A_264 = arith.constant 32 : i32
        %add3A_265 = arith.addi %add3A_264, %scan3A_111 : i32
        %get3A_266 = arith.index_cast %add3A_265 : i32 to index
        %get3A_267 = arith.constant 80 : index
        %get3A_268 = tpu.vector_load %arg7[%get3A_266, %get3A_267] {strides = array<i32>} : memref<128x128xf32, #tpu.memory_space<vmem>>, vector<1x16xf32>,
        %get3A_269 = vector.shape_cast %get3A_268 : vector<1x16xf32> to vector<16xf32>
        %add3A_270 = arith.addf %get3A_263, %get3A_269 : vector<16xf32>
        %add3A_271 = arith.constant 64 : i32
        %add3A_272 = arith.addi %add3A_271, %scan3A_111 : i32
        %get3A_273 = arith.index_cast %add3A_272 : i32 to index
        %get3A_274 = arith.constant 80 : index
        %get3A_275 = tpu.vector_load %arg7[%get3A_273, %get3A_274] {strides = array<i32>} : memref<128x128xf32, #tpu.memory_space<vmem>>, vector<1x16xf32>,
        %get3A_276 = vector.shape_cast %get3A_275 : vector<1x16xf32> to vector<16xf32>
        %add3A_277 = arith.addf %add3A_270, %get3A_276 : vector<16xf32>
        %add3A_278 = arith.constant 96 : i32
        %add3A_279 = arith.addi %add3A_278, %scan3A_111 : i32
        %get3A_280 = arith.index_cast %add3A_279 : i32 to index
        %get3A_281 = arith.constant 80 : index
        %get3A_282 = tpu.vector_load %arg7[%get3A_280, %get3A_281] {strides = array<i32>} : memref<128x128xf32, #tpu.memory_space<vmem>>, vector<1x16xf32>,
        %get3A_283 = vector.shape_cast %get3A_282 : vector<1x16xf32> to vector<16xf32>
        %add3A_284 = arith.addf %add3A_277, %get3A_283 : vector<16xf32>
        %swap3A_285 = arith.index_cast %scan3A_111 : i32 to index
        %swap3A_286 = arith.constant 80 : index
        %swap3A_287 = tpu.vector_load %arg9[%swap3A_285, %swap3A_286] {strides = array<i32>} : memref<32x128xf32, #tpu.memory_space<vmem>>, vector<1x16xf32>,
        %swap3A_288 = vector.shape_cast %swap3A_287 : vector<1x16xf32> to vector<16xf32>
        %swap3A_289 = vector.shape_cast %add3A_284 : vector<16xf32> to vector<1x16xf32>
        tpu.vector_store %arg9[%swap3A_285, %swap3A_286], %swap3A_289 {strides = array<i32>} : memref<32x128xf32, #tpu.memory_space<vmem>>, vector<1x16xf32>,
        %get3A_290 = arith.index_cast %scan3A_111 : i32 to index
        %get3A_291 = arith.constant 96 : index
        %get3A_292 = tpu.vector_load %arg7[%get3A_290, %get3A_291] {strides = array<i32>} : memref<128x128xf32, #tpu.memory_space<vmem>>, vector<1x16xf32>,
        %get3A_293 = vector.shape_cast %get3A_292 : vector<1x16xf32> to vector<16xf32>
        %add3A_294 = arith.constant 32 : i32
        %add3A_295 = arith.addi %add3A_294, %scan3A_111 : i32
        %get3A_296 = arith.index_cast %add3A_295 : i32 to index
        %get3A_297 = arith.constant 96 : index
        %get3A_298 = tpu.vector_load %arg7[%get3A_296, %get3A_297] {strides = array<i32>} : memref<128x128xf32, #tpu.memory_space<vmem>>, vector<1x16xf32>,
        %get3A_299 = vector.shape_cast %get3A_298 : vector<1x16xf32> to vector<16xf32>
        %add3A_300 = arith.addf %get3A_293, %get3A_299 : vector<16xf32>
        %add3A_301 = arith.constant 64 : i32
        %add3A_302 = arith.addi %add3A_301, %scan3A_111 : i32
        %get3A_303 = arith.index_cast %add3A_302 : i32 to index
        %get3A_304 = arith.constant 96 : index
        %get3A_305 = tpu.vector_load %arg7[%get3A_303, %get3A_304] {strides = array<i32>} : memref<128x128xf32, #tpu.memory_space<vmem>>, vector<1x16xf32>,
        %get3A_306 = vector.shape_cast %get3A_305 : vector<1x16xf32> to vector<16xf32>
        %add3A_307 = arith.addf %add3A_300, %get3A_306 : vector<16xf32>
        %add3A_308 = arith.constant 96 : i32
        %add3A_309 = arith.addi %add3A_308, %scan3A_111 : i32
        %get3A_310 = arith.index_cast %add3A_309 : i32 to index
        %get3A_311 = arith.constant 96 : index
        %get3A_312 = tpu.vector_load %arg7[%get3A_310, %get3A_311] {strides = array<i32>} : memref<128x128xf32, #tpu.memory_space<vmem>>, vector<1x16xf32>,
        %get3A_313 = vector.shape_cast %get3A_312 : vector<1x16xf32> to vector<16xf32>
        %add3A_314 = arith.addf %add3A_307, %get3A_313 : vector<16xf32>
        %swap3A_315 = arith.index_cast %scan3A_111 : i32 to index
        %swap3A_316 = arith.constant 96 : index
        %swap3A_317 = tpu.vector_load %arg9[%swap3A_315, %swap3A_316] {strides = array<i32>} : memref<32x128xf32, #tpu.memory_space<vmem>>, vector<1x16xf32>,
        %swap3A_318 = vector.shape_cast %swap3A_317 : vector<1x16xf32> to vector<16xf32>
        %swap3A_319 = vector.shape_cast %add3A_314 : vector<16xf32> to vector<1x16xf32>
        tpu.vector_store %arg9[%swap3A_315, %swap3A_316], %swap3A_319 {strides = array<i32>} : memref<32x128xf32, #tpu.memory_space<vmem>>, vector<1x16xf32>,
        %get3A_320 = arith.index_cast %scan3A_111 : i32 to index
        %get3A_321 = arith.constant 112 : index
        %get3A_322 = tpu.vector_load %arg7[%get3A_320, %get3A_321] {strides = array<i32>} : memref<128x128xf32, #tpu.memory_space<vmem>>, vector<1x16xf32>,
        %get3A_323 = vector.shape_cast %get3A_322 : vector<1x16xf32> to vector<16xf32>
        %add3A_324 = arith.constant 32 : i32
        %add3A_325 = arith.addi %add3A_324, %scan3A_111 : i32
        %get3A_326 = arith.index_cast %add3A_325 : i32 to index
        %get3A_327 = arith.constant 112 : index
        %get3A_328 = tpu.vector_load %arg7[%get3A_326, %get3A_327] {strides = array<i32>} : memref<128x128xf32, #tpu.memory_space<vmem>>, vector<1x16xf32>,
        %get3A_329 = vector.shape_cast %get3A_328 : vector<1x16xf32> to vector<16xf32>
        %add3A_330 = arith.addf %get3A_323, %get3A_329 : vector<16xf32>
        %add3A_331 = arith.constant 64 : i32
        %add3A_332 = arith.addi %add3A_331, %scan3A_111 : i32
        %get3A_333 = arith.index_cast %add3A_332 : i32 to index
        %get3A_334 = arith.constant 112 : index
        %get3A_335 = tpu.vector_load %arg7[%get3A_333, %get3A_334] {strides = array<i32>} : memref<128x128xf32, #tpu.memory_space<vmem>>, vector<1x16xf32>,
        %get3A_336 = vector.shape_cast %get3A_335 : vector<1x16xf32> to vector<16xf32>
        %add3A_337 = arith.addf %add3A_330, %get3A_336 : vector<16xf32>
        %add3A_338 = arith.constant 96 : i32
        %add3A_339 = arith.addi %add3A_338, %scan3A_111 : i32
        %get3A_340 = arith.index_cast %add3A_339 : i32 to index
        %get3A_341 = arith.constant 112 : index
        %get3A_342 = tpu.vector_load %arg7[%get3A_340, %get3A_341] {strides = array<i32>} : memref<128x128xf32, #tpu.memory_space<vmem>>, vector<1x16xf32>,
        %get3A_343 = vector.shape_cast %get3A_342 : vector<1x16xf32> to vector<16xf32>
        %add3A_344 = arith.addf %add3A_337, %get3A_343 : vector<16xf32>
        %swap3A_345 = arith.index_cast %scan3A_111 : i32 to index
        %swap3A_346 = arith.constant 112 : index
        %swap3A_347 = tpu.vector_load %arg9[%swap3A_345, %swap3A_346] {strides = array<i32>} : memref<32x128xf32, #tpu.memory_space<vmem>>, vector<1x16xf32>,
        %swap3A_348 = vector.shape_cast %swap3A_347 : vector<1x16xf32> to vector<16xf32>
        %swap3A_349 = vector.shape_cast %add3A_344 : vector<16xf32> to vector<1x16xf32>
        tpu.vector_store %arg9[%swap3A_345, %swap3A_346], %swap3A_349 {strides = array<i32>} : memref<32x128xf32, #tpu.memory_space<vmem>>, vector<1x16xf32>,
      }
      %scan3A_103 = arith.constant 32 : i32
      %mul3A_104 = arith.constant 32 : i32
      %mul3A_105 = arith.muli %add3A_53, %mul3A_104 : i32
      %add3A_106 = arith.addi %mul3A_10, %mul3A_105 : i32
      %dma_start3A_107 = arith.constant 0 : i32
      %dma_start3A_108 = tpu.memref_slice %arg4[%add3A_106, %dma_start3A_107] : memref<102400x128xf32, #tpu.memory_space<hbm>> -> memref<32x128xf32, #tpu.memory_space<hbm>>
      %dma_start3A_109 = arith.constant 0 : i32
      %dma_start3A_110 = tpu.memref_slice %arg4[%add3A_106, %dma_start3A_109] : memref<102400x128xf32, #tpu.memory_space<hbm>> -> memref<32x128xf32, #tpu.memory_space<hbm>>
      tpu.enqueue_dma source(%arg9 : memref<32x128xf32, #tpu.memory_space<vmem>>) target(%dma_start3A_110 : memref<32x128xf32, #tpu.memory_space<hbm>>) target_semaphore(%arg13 : memref<!tpu.dma_semaphore, #tpu.memory_space<semaphore_mem>>)
    }
    %while3A_28 = arith.constant 1 : i32
    scf.for %while3A_49 = %while3A_26 to %while3A_22 step %while3A_28  : i32 {
      %mul3A_50 = arith.constant 2 : i32
      %mul3A_51 = arith.muli %mul3A_50, %while3A_49 : i32
      %add3A_52 = arith.constant 1 : i32
      %add3A_53 = arith.addi %mul3A_51, %add3A_52 : i32
      %dma_start3A_54 = arith.constant 0 : i32
      %dma_start3A_55 = tpu.memref_slice %arg5[%add3A_53, %dma_start3A_54] : memref<144x128xi32, #tpu.memory_space<vmem>> -> memref<1x128xi32, #tpu.memory_space<vmem>>
      %dma_start3A_56 = tpu.memref_squeeze %dma_start3A_55 : memref<1x128xi32, #tpu.memory_space<vmem>> -> memref<128xi32, #tpu.memory_space<vmem>>
      %dma_start3A_57 = arith.constant 0 : i32
      %dma_start3A_58 = arith.constant 0 : i32
      %dma_start3A_59 = tpu.memref_slice %arg2[%dma_start3A_57, %dma_start3A_58] : memref<100000x128xf32, #tpu.memory_space<hbm>> -> memref<100000x128xf32, #tpu.memory_space<hbm>>
      tpu.enqueue_indirect_dma source(%dma_start3A_59 : memref<100000x128xf32, #tpu.memory_space<hbm>>) target(%arg7 : memref<128x128xf32, #tpu.memory_space<vmem>>) offsets(%dma_start3A_56 : memref<128xi32, #tpu.memory_space<vmem>>) semaphore(%arg11 : memref<!tpu.dma_semaphore, #tpu.memory_space<semaphore_mem>>)
      %gt3A = arith.constant 0 : i32
      %gt3A_60 = arith.cmpi sgt, %while3A_49, %gt3A : i32
      %convert_element_type3A_61 = arith.extui %gt3A_60 : i1 to i32
      %cond3A_62 = arith.constant 0 : i32
      %cond3A_63 = arith.cmpi ne, %convert_element_type3A_61, %cond3A_62 : i32
      scf.if %cond3A_63 {
        %sub3A_111 = arith.constant 2 : i32
        %sub3A_112 = arith.subi %mul3A_51, %sub3A_111 : i32
        %mul3A_113 = arith.constant 32 : i32
        %mul3A_114 = arith.muli %sub3A_112, %mul3A_113 : i32
        %add3A_115 = arith.addi %mul3A_10, %mul3A_114 : i32
        %dma_wait3A_116 = arith.constant 0 : i32
        %dma_wait3A_117 = tpu.memref_slice %arg4[%add3A_115, %dma_wait3A_116] : memref<102400x128xf32, #tpu.memory_space<hbm>> -> memref<32x128xf32, #tpu.memory_space<hbm>>
        %dma_wait3A_118 = arith.constant 0 : i32
        %dma_wait3A_119 = tpu.memref_slice %arg4[%add3A_115, %dma_wait3A_118] : memref<102400x128xf32, #tpu.memory_space<hbm>> -> memref<32x128xf32, #tpu.memory_space<hbm>>
        tpu.wait_dma2 semaphore(%arg12 : memref<!tpu.dma_semaphore, #tpu.memory_space<semaphore_mem>>) src(%arg8 : memref<32x128xf32, #tpu.memory_space<vmem>>) dst(%dma_wait3A_119 : memref<32x128xf32, #tpu.memory_space<hbm>>)
      } else {
      }
      %dma_wait3A_64 = arith.constant 0 : i32
      %dma_wait3A_65 = tpu.memref_slice %arg5[%mul3A_51, %dma_wait3A_64] : memref<144x128xi32, #tpu.memory_space<vmem>> -> memref<1x128xi32, #tpu.memory_space<vmem>>
      %dma_wait3A_66 = tpu.memref_squeeze %dma_wait3A_65 : memref<1x128xi32, #tpu.memory_space<vmem>> -> memref<128xi32, #tpu.memory_space<vmem>>
      %dma_wait3A_67 = arith.constant 0 : i32
      %dma_wait3A_68 = arith.constant 0 : i32
      %dma_wait3A_69 = tpu.memref_slice %arg2[%dma_wait3A_67, %dma_wait3A_68] : memref<100000x128xf32, #tpu.memory_space<hbm>> -> memref<100000x128xf32, #tpu.memory_space<hbm>>
      tpu.wait_indirect_dma semaphore(%arg10 : memref<!tpu.dma_semaphore, #tpu.memory_space<semaphore_mem>>) src(%dma_wait3A_69 : memref<100000x128xf32, #tpu.memory_space<hbm>>) dst(%arg6 : memref<128x128xf32, #tpu.memory_space<vmem>>)
      %scan3A = arith.constant 0 : i32
      %scan3A_70 = arith.constant 0 : i32
      %scan3A_71 = arith.constant 32 : i32
      %scan3A_72 = arith.addi %scan3A_70, %scan3A_71 : i32
      %scan3A_73 = arith.constant 1 : i32
      scf.for %scan3A_111 = %scan3A_70 to %scan3A_72 step %scan3A_73  : i32 {
        %get3A = arith.index_cast %scan3A_111 : i32 to index
        %get3A_112 = arith.constant 0 : index
        %get3A_113 = tpu.vector_load %arg6[%get3A, %get3A_112] {strides = array<i32>} : memref<128x128xf32, #tpu.memory_space<vmem>>, vector<1x16xf32>,
        %get3A_114 = vector.shape_cast %get3A_113 : vector<1x16xf32> to vector<16xf32>
        %add3A_115 = arith.constant 32 : i32
        %add3A_116 = arith.addi %add3A_115, %scan3A_111 : i32
        %get3A_117 = arith.index_cast %add3A_116 : i32 to index
        %get3A_118 = arith.constant 0 : index
        %get3A_119 = tpu.vector_load %arg6[%get3A_117, %get3A_118] {strides = array<i32>} : memref<128x128xf32, #tpu.memory_space<vmem>>, vector<1x16xf32>,
        %get3A_120 = vector.shape_cast %get3A_119 : vector<1x16xf32> to vector<16xf32>
        %add3A_121 = arith.addf %get3A_114, %get3A_120 : vector<16xf32>
        %add3A_122 = arith.constant 64 : i32
        %add3A_123 = arith.addi %add3A_122, %scan3A_111 : i32
        %get3A_124 = arith.index_cast %add3A_123 : i32 to index
        %get3A_125 = arith.constant 0 : index
        %get3A_126 = tpu.vector_load %arg6[%get3A_124, %get3A_125] {strides = array<i32>} : memref<128x128xf32, #tpu.memory_space<vmem>>, vector<1x16xf32>,
        %get3A_127 = vector.shape_cast %get3A_126 : vector<1x16xf32> to vector<16xf32>
        %add3A_128 = arith.addf %add3A_121, %get3A_127 : vector<16xf32>
        %add3A_129 = arith.constant 96 : i32
        %add3A_130 = arith.addi %add3A_129, %scan3A_111 : i32
        %get3A_131 = arith.index_cast %add3A_130 : i32 to index
        %get3A_132 = arith.constant 0 : index
        %get3A_133 = tpu.vector_load %arg6[%get3A_131, %get3A_132] {strides = array<i32>} : memref<128x128xf32, #tpu.memory_space<vmem>>, vector<1x16xf32>,
        %get3A_134 = vector.shape_cast %get3A_133 : vector<1x16xf32> to vector<16xf32>
        %add3A_135 = arith.addf %add3A_128, %get3A_134 : vector<16xf32>
        %swap3A = arith.index_cast %scan3A_111 : i32 to index
        %swap3A_136 = arith.constant 0 : index
        %swap3A_137 = tpu.vector_load %arg8[%swap3A, %swap3A_136] {strides = array<i32>} : memref<32x128xf32, #tpu.memory_space<vmem>>, vector<1x16xf32>,
        %swap3A_138 = vector.shape_cast %swap3A_137 : vector<1x16xf32> to vector<16xf32>
        %swap3A_139 = vector.shape_cast %add3A_135 : vector<16xf32> to vector<1x16xf32>
        tpu.vector_store %arg8[%swap3A, %swap3A_136], %swap3A_139 {strides = array<i32>} : memref<32x128xf32, #tpu.memory_space<vmem>>, vector<1x16xf32>,
        %get3A_140 = arith.index_cast %scan3A_111 : i32 to index
        %get3A_141 = arith.constant 16 : index
        %get3A_142 = tpu.vector_load %arg6[%get3A_140, %get3A_141] {strides = array<i32>} : memref<128x128xf32, #tpu.memory_space<vmem>>, vector<1x16xf32>,
        %get3A_143 = vector.shape_cast %get3A_142 : vector<1x16xf32> to vector<16xf32>
        %add3A_144 = arith.constant 32 : i32
        %add3A_145 = arith.addi %add3A_144, %scan3A_111 : i32
        %get3A_146 = arith.index_cast %add3A_145 : i32 to index
        %get3A_147 = arith.constant 16 : index
        %get3A_148 = tpu.vector_load %arg6[%get3A_146, %get3A_147] {strides = array<i32>} : memref<128x128xf32, #tpu.memory_space<vmem>>, vector<1x16xf32>,
        %get3A_149 = vector.shape_cast %get3A_148 : vector<1x16xf32> to vector<16xf32>
        %add3A_150 = arith.addf %get3A_143, %get3A_149 : vector<16xf32>
        %add3A_151 = arith.constant 64 : i32
        %add3A_152 = arith.addi %add3A_151, %scan3A_111 : i32
        %get3A_153 = arith.index_cast %add3A_152 : i32 to index
        %get3A_154 = arith.constant 16 : index
        %get3A_155 = tpu.vector_load %arg6[%get3A_153, %get3A_154] {strides = array<i32>} : memref<128x128xf32, #tpu.memory_space<vmem>>, vector<1x16xf32>,
        %get3A_156 = vector.shape_cast %get3A_155 : vector<1x16xf32> to vector<16xf32>
        %add3A_157 = arith.addf %add3A_150, %get3A_156 : vector<16xf32>
        %add3A_158 = arith.constant 96 : i32
        %add3A_159 = arith.addi %add3A_158, %scan3A_111 : i32
        %get3A_160 = arith.index_cast %add3A_159 : i32 to index
        %get3A_161 = arith.constant 16 : index
        %get3A_162 = tpu.vector_load %arg6[%get3A_160, %get3A_161] {strides = array<i32>} : memref<128x128xf32, #tpu.memory_space<vmem>>, vector<1x16xf32>,
        %get3A_163 = vector.shape_cast %get3A_162 : vector<1x16xf32> to vector<16xf32>
        %add3A_164 = arith.addf %add3A_157, %get3A_163 : vector<16xf32>
        %swap3A_165 = arith.index_cast %scan3A_111 : i32 to index
        %swap3A_166 = arith.constant 16 : index
        %swap3A_167 = tpu.vector_load %arg8[%swap3A_165, %swap3A_166] {strides = array<i32>} : memref<32x128xf32, #tpu.memory_space<vmem>>, vector<1x16xf32>,
        %swap3A_168 = vector.shape_cast %swap3A_167 : vector<1x16xf32> to vector<16xf32>
        %swap3A_169 = vector.shape_cast %add3A_164 : vector<16xf32> to vector<1x16xf32>
        tpu.vector_store %arg8[%swap3A_165, %swap3A_166], %swap3A_169 {strides = array<i32>} : memref<32x128xf32, #tpu.memory_space<vmem>>, vector<1x16xf32>,
        %get3A_170 = arith.index_cast %scan3A_111 : i32 to index
        %get3A_171 = arith.constant 32 : index
        %get3A_172 = tpu.vector_load %arg6[%get3A_170, %get3A_171] {strides = array<i32>} : memref<128x128xf32, #tpu.memory_space<vmem>>, vector<1x16xf32>,
        %get3A_173 = vector.shape_cast %get3A_172 : vector<1x16xf32> to vector<16xf32>
        %add3A_174 = arith.constant 32 : i32
        %add3A_175 = arith.addi %add3A_174, %scan3A_111 : i32
        %get3A_176 = arith.index_cast %add3A_175 : i32 to index
        %get3A_177 = arith.constant 32 : index
        %get3A_178 = tpu.vector_load %arg6[%get3A_176, %get3A_177] {strides = array<i32>} : memref<128x128xf32, #tpu.memory_space<vmem>>, vector<1x16xf32>,
        %get3A_179 = vector.shape_cast %get3A_178 : vector<1x16xf32> to vector<16xf32>
        %add3A_180 = arith.addf %get3A_173, %get3A_179 : vector<16xf32>
        %add3A_181 = arith.constant 64 : i32
        %add3A_182 = arith.addi %add3A_181, %scan3A_111 : i32
        %get3A_183 = arith.index_cast %add3A_182 : i32 to index
        %get3A_184 = arith.constant 32 : index
        %get3A_185 = tpu.vector_load %arg6[%get3A_183, %get3A_184] {strides = array<i32>} : memref<128x128xf32, #tpu.memory_space<vmem>>, vector<1x16xf32>,
        %get3A_186 = vector.shape_cast %get3A_185 : vector<1x16xf32> to vector<16xf32>
        %add3A_187 = arith.addf %add3A_180, %get3A_186 : vector<16xf32>
        %add3A_188 = arith.constant 96 : i32
        %add3A_189 = arith.addi %add3A_188, %scan3A_111 : i32
        %get3A_190 = arith.index_cast %add3A_189 : i32 to index
        %get3A_191 = arith.constant 32 : index
        %get3A_192 = tpu.vector_load %arg6[%get3A_190, %get3A_191] {strides = array<i32>} : memref<128x128xf32, #tpu.memory_space<vmem>>, vector<1x16xf32>,
        %get3A_193 = vector.shape_cast %get3A_192 : vector<1x16xf32> to vector<16xf32>
        %add3A_194 = arith.addf %add3A_187, %get3A_193 : vector<16xf32>
        %swap3A_195 = arith.index_cast %scan3A_111 : i32 to index
        %swap3A_196 = arith.constant 32 : index
        %swap3A_197 = tpu.vector_load %arg8[%swap3A_195, %swap3A_196] {strides = array<i32>} : memref<32x128xf32, #tpu.memory_space<vmem>>, vector<1x16xf32>,
        %swap3A_198 = vector.shape_cast %swap3A_197 : vector<1x16xf32> to vector<16xf32>
        %swap3A_199 = vector.shape_cast %add3A_194 : vector<16xf32> to vector<1x16xf32>
        tpu.vector_store %arg8[%swap3A_195, %swap3A_196], %swap3A_199 {strides = array<i32>} : memref<32x128xf32, #tpu.memory_space<vmem>>, vector<1x16xf32>,
        %get3A_200 = arith.index_cast %scan3A_111 : i32 to index
        %get3A_201 = arith.constant 48 : index
        %get3A_202 = tpu.vector_load %arg6[%get3A_200, %get3A_201] {strides = array<i32>} : memref<128x128xf32, #tpu.memory_space<vmem>>, vector<1x16xf32>,
        %get3A_203 = vector.shape_cast %get3A_202 : vector<1x16xf32> to vector<16xf32>
        %add3A_204 = arith.constant 32 : i32
        %add3A_205 = arith.addi %add3A_204, %scan3A_111 : i32
        %get3A_206 = arith.index_cast %add3A_205 : i32 to index
        %get3A_207 = arith.constant 48 : index
        %get3A_208 = tpu.vector_load %arg6[%get3A_206, %get3A_207] {strides = array<i32>} : memref<128x128xf32, #tpu.memory_space<vmem>>, vector<1x16xf32>,
        %get3A_209 = vector.shape_cast %get3A_208 : vector<1x16xf32> to vector<16xf32>
        %add3A_210 = arith.addf %get3A_203, %get3A_209 : vector<16xf32>
        %add3A_211 = arith.constant 64 : i32
        %add3A_212 = arith.addi %add3A_211, %scan3A_111 : i32
        %get3A_213 = arith.index_cast %add3A_212 : i32 to index
        %get3A_214 = arith.constant 48 : index
        %get3A_215 = tpu.vector_load %arg6[%get3A_213, %get3A_214] {strides = array<i32>} : memref<128x128xf32, #tpu.memory_space<vmem>>, vector<1x16xf32>,
        %get3A_216 = vector.shape_cast %get3A_215 : vector<1x16xf32> to vector<16xf32>
        %add3A_217 = arith.addf %add3A_210, %get3A_216 : vector<16xf32>
        %add3A_218 = arith.constant 96 : i32
        %add3A_219 = arith.addi %add3A_218, %scan3A_111 : i32
        %get3A_220 = arith.index_cast %add3A_219 : i32 to index
        %get3A_221 = arith.constant 48 : index
        %get3A_222 = tpu.vector_load %arg6[%get3A_220, %get3A_221] {strides = array<i32>} : memref<128x128xf32, #tpu.memory_space<vmem>>, vector<1x16xf32>,
        %get3A_223 = vector.shape_cast %get3A_222 : vector<1x16xf32> to vector<16xf32>
        %add3A_224 = arith.addf %add3A_217, %get3A_223 : vector<16xf32>
        %swap3A_225 = arith.index_cast %scan3A_111 : i32 to index
        %swap3A_226 = arith.constant 48 : index
        %swap3A_227 = tpu.vector_load %arg8[%swap3A_225, %swap3A_226] {strides = array<i32>} : memref<32x128xf32, #tpu.memory_space<vmem>>, vector<1x16xf32>,
        %swap3A_228 = vector.shape_cast %swap3A_227 : vector<1x16xf32> to vector<16xf32>
        %swap3A_229 = vector.shape_cast %add3A_224 : vector<16xf32> to vector<1x16xf32>
        tpu.vector_store %arg8[%swap3A_225, %swap3A_226], %swap3A_229 {strides = array<i32>} : memref<32x128xf32, #tpu.memory_space<vmem>>, vector<1x16xf32>,
        %get3A_230 = arith.index_cast %scan3A_111 : i32 to index
        %get3A_231 = arith.constant 64 : index
        %get3A_232 = tpu.vector_load %arg6[%get3A_230, %get3A_231] {strides = array<i32>} : memref<128x128xf32, #tpu.memory_space<vmem>>, vector<1x16xf32>,
        %get3A_233 = vector.shape_cast %get3A_232 : vector<1x16xf32> to vector<16xf32>
        %add3A_234 = arith.constant 32 : i32
        %add3A_235 = arith.addi %add3A_234, %scan3A_111 : i32
        %get3A_236 = arith.index_cast %add3A_235 : i32 to index
        %get3A_237 = arith.constant 64 : index
        %get3A_238 = tpu.vector_load %arg6[%get3A_236, %get3A_237] {strides = array<i32>} : memref<128x128xf32, #tpu.memory_space<vmem>>, vector<1x16xf32>,
        %get3A_239 = vector.shape_cast %get3A_238 : vector<1x16xf32> to vector<16xf32>
        %add3A_240 = arith.addf %get3A_233, %get3A_239 : vector<16xf32>
        %add3A_241 = arith.constant 64 : i32
        %add3A_242 = arith.addi %add3A_241, %scan3A_111 : i32
        %get3A_243 = arith.index_cast %add3A_242 : i32 to index
        %get3A_244 = arith.constant 64 : index
        %get3A_245 = tpu.vector_load %arg6[%get3A_243, %get3A_244] {strides = array<i32>} : memref<128x128xf32, #tpu.memory_space<vmem>>, vector<1x16xf32>,
        %get3A_246 = vector.shape_cast %get3A_245 : vector<1x16xf32> to vector<16xf32>
        %add3A_247 = arith.addf %add3A_240, %get3A_246 : vector<16xf32>
        %add3A_248 = arith.constant 96 : i32
        %add3A_249 = arith.addi %add3A_248, %scan3A_111 : i32
        %get3A_250 = arith.index_cast %add3A_249 : i32 to index
        %get3A_251 = arith.constant 64 : index
        %get3A_252 = tpu.vector_load %arg6[%get3A_250, %get3A_251] {strides = array<i32>} : memref<128x128xf32, #tpu.memory_space<vmem>>, vector<1x16xf32>,
        %get3A_253 = vector.shape_cast %get3A_252 : vector<1x16xf32> to vector<16xf32>
        %add3A_254 = arith.addf %add3A_247, %get3A_253 : vector<16xf32>
        %swap3A_255 = arith.index_cast %scan3A_111 : i32 to index
        %swap3A_256 = arith.constant 64 : index
        %swap3A_257 = tpu.vector_load %arg8[%swap3A_255, %swap3A_256] {strides = array<i32>} : memref<32x128xf32, #tpu.memory_space<vmem>>, vector<1x16xf32>,
        %swap3A_258 = vector.shape_cast %swap3A_257 : vector<1x16xf32> to vector<16xf32>
        %swap3A_259 = vector.shape_cast %add3A_254 : vector<16xf32> to vector<1x16xf32>
        tpu.vector_store %arg8[%swap3A_255, %swap3A_256], %swap3A_259 {strides = array<i32>} : memref<32x128xf32, #tpu.memory_space<vmem>>, vector<1x16xf32>,
        %get3A_260 = arith.index_cast %scan3A_111 : i32 to index
        %get3A_261 = arith.constant 80 : index
        %get3A_262 = tpu.vector_load %arg6[%get3A_260, %get3A_261] {strides = array<i32>} : memref<128x128xf32, #tpu.memory_space<vmem>>, vector<1x16xf32>,
        %get3A_263 = vector.shape_cast %get3A_262 : vector<1x16xf32> to vector<16xf32>
        %add3A_264 = arith.constant 32 : i32
        %add3A_265 = arith.addi %add3A_264, %scan3A_111 : i32
        %get3A_266 = arith.index_cast %add3A_265 : i32 to index
        %get3A_267 = arith.constant 80 : index
        %get3A_268 = tpu.vector_load %arg6[%get3A_266, %get3A_267] {strides = array<i32>} : memref<128x128xf32, #tpu.memory_space<vmem>>, vector<1x16xf32>,
        %get3A_269 = vector.shape_cast %get3A_268 : vector<1x16xf32> to vector<16xf32>
        %add3A_270 = arith.addf %get3A_263, %get3A_269 : vector<16xf32>
        %add3A_271 = arith.constant 64 : i32
        %add3A_272 = arith.addi %add3A_271, %scan3A_111 : i32
        %get3A_273 = arith.index_cast %add3A_272 : i32 to index
        %get3A_274 = arith.constant 80 : index
        %get3A_275 = tpu.vector_load %arg6[%get3A_273, %get3A_274] {strides = array<i32>} : memref<128x128xf32, #tpu.memory_space<vmem>>, vector<1x16xf32>,
        %get3A_276 = vector.shape_cast %get3A_275 : vector<1x16xf32> to vector<16xf32>
        %add3A_277 = arith.addf %add3A_270, %get3A_276 : vector<16xf32>
        %add3A_278 = arith.constant 96 : i32
        %add3A_279 = arith.addi %add3A_278, %scan3A_111 : i32
        %get3A_280 = arith.index_cast %add3A_279 : i32 to index
        %get3A_281 = arith.constant 80 : index
        %get3A_282 = tpu.vector_load %arg6[%get3A_280, %get3A_281] {strides = array<i32>} : memref<128x128xf32, #tpu.memory_space<vmem>>, vector<1x16xf32>,
        %get3A_283 = vector.shape_cast %get3A_282 : vector<1x16xf32> to vector<16xf32>
        %add3A_284 = arith.addf %add3A_277, %get3A_283 : vector<16xf32>
        %swap3A_285 = arith.index_cast %scan3A_111 : i32 to index
        %swap3A_286 = arith.constant 80 : index
        %swap3A_287 = tpu.vector_load %arg8[%swap3A_285, %swap3A_286] {strides = array<i32>} : memref<32x128xf32, #tpu.memory_space<vmem>>, vector<1x16xf32>,
        %swap3A_288 = vector.shape_cast %swap3A_287 : vector<1x16xf32> to vector<16xf32>
        %swap3A_289 = vector.shape_cast %add3A_284 : vector<16xf32> to vector<1x16xf32>
        tpu.vector_store %arg8[%swap3A_285, %swap3A_286], %swap3A_289 {strides = array<i32>} : memref<32x128xf32, #tpu.memory_space<vmem>>, vector<1x16xf32>,
        %get3A_290 = arith.index_cast %scan3A_111 : i32 to index
        %get3A_291 = arith.constant 96 : index
        %get3A_292 = tpu.vector_load %arg6[%get3A_290, %get3A_291] {strides = array<i32>} : memref<128x128xf32, #tpu.memory_space<vmem>>, vector<1x16xf32>,
        %get3A_293 = vector.shape_cast %get3A_292 : vector<1x16xf32> to vector<16xf32>
        %add3A_294 = arith.constant 32 : i32
        %add3A_295 = arith.addi %add3A_294, %scan3A_111 : i32
        %get3A_296 = arith.index_cast %add3A_295 : i32 to index
        %get3A_297 = arith.constant 96 : index
        %get3A_298 = tpu.vector_load %arg6[%get3A_296, %get3A_297] {strides = array<i32>} : memref<128x128xf32, #tpu.memory_space<vmem>>, vector<1x16xf32>,
        %get3A_299 = vector.shape_cast %get3A_298 : vector<1x16xf32> to vector<16xf32>
        %add3A_300 = arith.addf %get3A_293, %get3A_299 : vector<16xf32>
        %add3A_301 = arith.constant 64 : i32
        %add3A_302 = arith.addi %add3A_301, %scan3A_111 : i32
        %get3A_303 = arith.index_cast %add3A_302 : i32 to index
        %get3A_304 = arith.constant 96 : index
        %get3A_305 = tpu.vector_load %arg6[%get3A_303, %get3A_304] {strides = array<i32>} : memref<128x128xf32, #tpu.memory_space<vmem>>, vector<1x16xf32>,
        %get3A_306 = vector.shape_cast %get3A_305 : vector<1x16xf32> to vector<16xf32>
        %add3A_307 = arith.addf %add3A_300, %get3A_306 : vector<16xf32>
        %add3A_308 = arith.constant 96 : i32
        %add3A_309 = arith.addi %add3A_308, %scan3A_111 : i32
        %get3A_310 = arith.index_cast %add3A_309 : i32 to index
        %get3A_311 = arith.constant 96 : index
        %get3A_312 = tpu.vector_load %arg6[%get3A_310, %get3A_311] {strides = array<i32>} : memref<128x128xf32, #tpu.memory_space<vmem>>, vector<1x16xf32>,
        %get3A_313 = vector.shape_cast %get3A_312 : vector<1x16xf32> to vector<16xf32>
        %add3A_314 = arith.addf %add3A_307, %get3A_313 : vector<16xf32>
        %swap3A_315 = arith.index_cast %scan3A_111 : i32 to index
        %swap3A_316 = arith.constant 96 : index
        %swap3A_317 = tpu.vector_load %arg8[%swap3A_315, %swap3A_316] {strides = array<i32>} : memref<32x128xf32, #tpu.memory_space<vmem>>, vector<1x16xf32>,
        %swap3A_318 = vector.shape_cast %swap3A_317 : vector<1x16xf32> to vector<16xf32>
        %swap3A_319 = vector.shape_cast %add3A_314 : vector<16xf32> to vector<1x16xf32>
        tpu.vector_store %arg8[%swap3A_315, %swap3A_316], %swap3A_319 {strides = array<i32>} : memref<32x128xf32, #tpu.memory_space<vmem>>, vector<1x16xf32>,
        %get3A_320 = arith.index_cast %scan3A_111 : i32 to index
        %get3A_321 = arith.constant 112 : index
        %get3A_322 = tpu.vector_load %arg6[%get3A_320, %get3A_321] {strides = array<i32>} : memref<128x128xf32, #tpu.memory_space<vmem>>, vector<1x16xf32>,
        %get3A_323 = vector.shape_cast %get3A_322 : vector<1x16xf32> to vector<16xf32>
        %add3A_324 = arith.constant 32 : i32
        %add3A_325 = arith.addi %add3A_324, %scan3A_111 : i32
        %get3A_326 = arith.index_cast %add3A_325 : i32 to index
        %get3A_327 = arith.constant 112 : index
        %get3A_328 = tpu.vector_load %arg6[%get3A_326, %get3A_327] {strides = array<i32>} : memref<128x128xf32, #tpu.memory_space<vmem>>, vector<1x16xf32>,
        %get3A_329 = vector.shape_cast %get3A_328 : vector<1x16xf32> to vector<16xf32>
        %add3A_330 = arith.addf %get3A_323, %get3A_329 : vector<16xf32>
        %add3A_331 = arith.constant 64 : i32
        %add3A_332 = arith.addi %add3A_331, %scan3A_111 : i32
        %get3A_333 = arith.index_cast %add3A_332 : i32 to index
        %get3A_334 = arith.constant 112 : index
        %get3A_335 = tpu.vector_load %arg6[%get3A_333, %get3A_334] {strides = array<i32>} : memref<128x128xf32, #tpu.memory_space<vmem>>, vector<1x16xf32>,
        %get3A_336 = vector.shape_cast %get3A_335 : vector<1x16xf32> to vector<16xf32>
        %add3A_337 = arith.addf %add3A_330, %get3A_336 : vector<16xf32>
        %add3A_338 = arith.constant 96 : i32
        %add3A_339 = arith.addi %add3A_338, %scan3A_111 : i32
        %get3A_340 = arith.index_cast %add3A_339 : i32 to index
        %get3A_341 = arith.constant 112 : index
        %get3A_342 = tpu.vector_load %arg6[%get3A_340, %get3A_341] {strides = array<i32>} : memref<128x128xf32, #tpu.memory_space<vmem>>, vector<1x16xf32>,
        %get3A_343 = vector.shape_cast %get3A_342 : vector<1x16xf32> to vector<16xf32>
        %add3A_344 = arith.addf %add3A_337, %get3A_343 : vector<16xf32>
        %swap3A_345 = arith.index_cast %scan3A_111 : i32 to index
        %swap3A_346 = arith.constant 112 : index
        %swap3A_347 = tpu.vector_load %arg8[%swap3A_345, %swap3A_346] {strides = array<i32>} : memref<32x128xf32, #tpu.memory_space<vmem>>, vector<1x16xf32>,
        %swap3A_348 = vector.shape_cast %swap3A_347 : vector<1x16xf32> to vector<16xf32>
        %swap3A_349 = vector.shape_cast %add3A_344 : vector<16xf32> to vector<1x16xf32>
        tpu.vector_store %arg8[%swap3A_345, %swap3A_346], %swap3A_349 {strides = array<i32>} : memref<32x128xf32, #tpu.memory_space<vmem>>, vector<1x16xf32>,
      }
      %scan3A_74 = arith.constant 32 : i32
      %mul3A_75 = arith.constant 32 : i32
      %mul3A_76 = arith.muli %mul3A_51, %mul3A_75 : i32
      %add3A_77 = arith.addi %mul3A_10, %mul3A_76 : i32
      %dma_start3A_78 = arith.constant 0 : i32
      %dma_start3A_79 = tpu.memref_slice %arg4[%add3A_77, %dma_start3A_78] : memref<102400x128xf32, #tpu.memory_space<hbm>> -> memref<32x128xf32, #tpu.memory_space<hbm>>
      %dma_start3A_80 = arith.constant 0 : i32
      %dma_start3A_81 = tpu.memref_slice %arg4[%add3A_77, %dma_start3A_80] : memref<102400x128xf32, #tpu.memory_space<hbm>> -> memref<32x128xf32, #tpu.memory_space<hbm>>
      tpu.enqueue_dma source(%arg8 : memref<32x128xf32, #tpu.memory_space<vmem>>) target(%dma_start3A_81 : memref<32x128xf32, #tpu.memory_space<hbm>>) target_semaphore(%arg12 : memref<!tpu.dma_semaphore, #tpu.memory_space<semaphore_mem>>)
      %sub3A_82 = arith.constant 1 : i32
      %sub3A_83 = arith.subi %select_n3A_8, %sub3A_82 : i32
      %lt3A = arith.cmpi slt, %while3A_49, %sub3A_83 : i32
      %convert_element_type3A_84 = arith.extui %lt3A : i1 to i32
      %cond3A_85 = arith.constant 0 : i32
      %cond3A_86 = arith.cmpi ne, %convert_element_type3A_84, %cond3A_85 : i32
      scf.if %cond3A_86 {
        %add3A_111 = arith.constant 2 : i32
        %add3A_112 = arith.addi %mul3A_51, %add3A_111 : i32
        %dma_start3A_113 = arith.constant 0 : i32
        %dma_start3A_114 = tpu.memref_slice %arg5[%add3A_112, %dma_start3A_113] : memref<144x128xi32, #tpu.memory_space<vmem>> -> memref<1x128xi32, #tpu.memory_space<vmem>>
        %dma_start3A_115 = tpu.memref_squeeze %dma_start3A_114 : memref<1x128xi32, #tpu.memory_space<vmem>> -> memref<128xi32, #tpu.memory_space<vmem>>
        %dma_start3A_116 = arith.constant 0 : i32
        %dma_start3A_117 = arith.constant 0 : i32
        %dma_start3A_118 = tpu.memref_slice %arg2[%dma_start3A_116, %dma_start3A_117] : memref<100000x128xf32, #tpu.memory_space<hbm>> -> memref<100000x128xf32, #tpu.memory_space<hbm>>
        tpu.enqueue_indirect_dma source(%dma_start3A_118 : memref<100000x128xf32, #tpu.memory_space<hbm>>) target(%arg6 : memref<128x128xf32, #tpu.memory_space<vmem>>) offsets(%dma_start3A_115 : memref<128xi32, #tpu.memory_space<vmem>>) semaphore(%arg10 : memref<!tpu.dma_semaphore, #tpu.memory_space<semaphore_mem>>)
      } else {
      }
      %gt3A_87 = arith.constant 0 : i32
      %gt3A_88 = arith.cmpi sgt, %while3A_49, %gt3A_87 : i32
      %convert_element_type3A_89 = arith.extui %gt3A_88 : i1 to i32
      %cond3A_90 = arith.constant 0 : i32
      %cond3A_91 = arith.cmpi ne, %convert_element_type3A_89, %cond3A_90 : i32
      scf.if %cond3A_91 {
        %sub3A_111 = arith.constant 2 : i32
        %sub3A_112 = arith.subi %add3A_53, %sub3A_111 : i32
        %mul3A_113 = arith.constant 32 : i32
        %mul3A_114 = arith.muli %sub3A_112, %mul3A_113 : i32
        %add3A_115 = arith.addi %mul3A_10, %mul3A_114 : i32
        %dma_wait3A_116 = arith.constant 0 : i32
        %dma_wait3A_117 = tpu.memref_slice %arg4[%add3A_115, %dma_wait3A_116] : memref<102400x128xf32, #tpu.memory_space<hbm>> -> memref<32x128xf32, #tpu.memory_space<hbm>>
        %dma_wait3A_118 = arith.constant 0 : i32
        %dma_wait3A_119 = tpu.memref_slice %arg4[%add3A_115, %dma_wait3A_118] : memref<102400x128xf32, #tpu.memory_space<hbm>> -> memref<32x128xf32, #tpu.memory_space<hbm>>
        tpu.wait_dma2 semaphore(%arg13 : memref<!tpu.dma_semaphore, #tpu.memory_space<semaphore_mem>>) src(%arg9 : memref<32x128xf32, #tpu.memory_space<vmem>>) dst(%dma_wait3A_119 : memref<32x128xf32, #tpu.memory_space<hbm>>)
      } else {
      }
      %dma_wait3A_92 = arith.constant 0 : i32
      %dma_wait3A_93 = tpu.memref_slice %arg5[%add3A_53, %dma_wait3A_92] : memref<144x128xi32, #tpu.memory_space<vmem>> -> memref<1x128xi32, #tpu.memory_space<vmem>>
      %dma_wait3A_94 = tpu.memref_squeeze %dma_wait3A_93 : memref<1x128xi32, #tpu.memory_space<vmem>> -> memref<128xi32, #tpu.memory_space<vmem>>
      %dma_wait3A_95 = arith.constant 0 : i32
      %dma_wait3A_96 = arith.constant 0 : i32
      %dma_wait3A_97 = tpu.memref_slice %arg2[%dma_wait3A_95, %dma_wait3A_96] : memref<100000x128xf32, #tpu.memory_space<hbm>> -> memref<100000x128xf32, #tpu.memory_space<hbm>>
      tpu.wait_indirect_dma semaphore(%arg11 : memref<!tpu.dma_semaphore, #tpu.memory_space<semaphore_mem>>) src(%dma_wait3A_97 : memref<100000x128xf32, #tpu.memory_space<hbm>>) dst(%arg7 : memref<128x128xf32, #tpu.memory_space<vmem>>)
      %scan3A_98 = arith.constant 0 : i32
      %scan3A_99 = arith.constant 0 : i32
      %scan3A_100 = arith.constant 32 : i32
      %scan3A_101 = arith.addi %scan3A_99, %scan3A_100 : i32
      %scan3A_102 = arith.constant 1 : i32
      scf.for %scan3A_111 = %scan3A_99 to %scan3A_101 step %scan3A_102  : i32 {
        %get3A = arith.index_cast %scan3A_111 : i32 to index
        %get3A_112 = arith.constant 0 : index
        %get3A_113 = tpu.vector_load %arg7[%get3A, %get3A_112] {strides = array<i32>} : memref<128x128xf32, #tpu.memory_space<vmem>>, vector<1x16xf32>,
        %get3A_114 = vector.shape_cast %get3A_113 : vector<1x16xf32> to vector<16xf32>
        %add3A_115 = arith.constant 32 : i32
        %add3A_116 = arith.addi %add3A_115, %scan3A_111 : i32
        %get3A_117 = arith.index_cast %add3A_116 : i32 to index
        %get3A_118 = arith.constant 0 : index
        %get3A_119 = tpu.vector_load %arg7[%get3A_117, %get3A_118] {strides = array<i32>} : memref<128x128xf32, #tpu.memory_space<vmem>>, vector<1x16xf32>,
        %get3A_120 = vector.shape_cast %get3A_119 : vector<1x16xf32> to vector<16xf32>
        %add3A_121 = arith.addf %get3A_114, %get3A_120 : vector<16xf32>
        %add3A_122 = arith.constant 64 : i32
        %add3A_123 = arith.addi %add3A_122, %scan3A_111 : i32
        %get3A_124 = arith.index_cast %add3A_123 : i32 to index
        %get3A_125 = arith.constant 0 : index
        %get3A_126 = tpu.vector_load %arg7[%get3A_124, %get3A_125] {strides = array<i32>} : memref<128x128xf32, #tpu.memory_space<vmem>>, vector<1x16xf32>,
        %get3A_127 = vector.shape_cast %get3A_126 : vector<1x16xf32> to vector<16xf32>
        %add3A_128 = arith.addf %add3A_121, %get3A_127 : vector<16xf32>
        %add3A_129 = arith.constant 96 : i32
        %add3A_130 = arith.addi %add3A_129, %scan3A_111 : i32
        %get3A_131 = arith.index_cast %add3A_130 : i32 to index
        %get3A_132 = arith.constant 0 : index
        %get3A_133 = tpu.vector_load %arg7[%get3A_131, %get3A_132] {strides = array<i32>} : memref<128x128xf32, #tpu.memory_space<vmem>>, vector<1x16xf32>,
        %get3A_134 = vector.shape_cast %get3A_133 : vector<1x16xf32> to vector<16xf32>
        %add3A_135 = arith.addf %add3A_128, %get3A_134 : vector<16xf32>
        %swap3A = arith.index_cast %scan3A_111 : i32 to index
        %swap3A_136 = arith.constant 0 : index
        %swap3A_137 = tpu.vector_load %arg9[%swap3A, %swap3A_136] {strides = array<i32>} : memref<32x128xf32, #tpu.memory_space<vmem>>, vector<1x16xf32>,
        %swap3A_138 = vector.shape_cast %swap3A_137 : vector<1x16xf32> to vector<16xf32>
        %swap3A_139 = vector.shape_cast %add3A_135 : vector<16xf32> to vector<1x16xf32>
        tpu.vector_store %arg9[%swap3A, %swap3A_136], %swap3A_139 {strides = array<i32>} : memref<32x128xf32, #tpu.memory_space<vmem>>, vector<1x16xf32>,
        %get3A_140 = arith.index_cast %scan3A_111 : i32 to index
        %get3A_141 = arith.constant 16 : index
        %get3A_142 = tpu.vector_load %arg7[%get3A_140, %get3A_141] {strides = array<i32>} : memref<128x128xf32, #tpu.memory_space<vmem>>, vector<1x16xf32>,
        %get3A_143 = vector.shape_cast %get3A_142 : vector<1x16xf32> to vector<16xf32>
        %add3A_144 = arith.constant 32 : i32
        %add3A_145 = arith.addi %add3A_144, %scan3A_111 : i32
        %get3A_146 = arith.index_cast %add3A_145 : i32 to index
        %get3A_147 = arith.constant 16 : index
        %get3A_148 = tpu.vector_load %arg7[%get3A_146, %get3A_147] {strides = array<i32>} : memref<128x128xf32, #tpu.memory_space<vmem>>, vector<1x16xf32>,
        %get3A_149 = vector.shape_cast %get3A_148 : vector<1x16xf32> to vector<16xf32>
        %add3A_150 = arith.addf %get3A_143, %get3A_149 : vector<16xf32>
        %add3A_151 = arith.constant 64 : i32
        %add3A_152 = arith.addi %add3A_151, %scan3A_111 : i32
        %get3A_153 = arith.index_cast %add3A_152 : i32 to index
        %get3A_154 = arith.constant 16 : index
        %get3A_155 = tpu.vector_load %arg7[%get3A_153, %get3A_154] {strides = array<i32>} : memref<128x128xf32, #tpu.memory_space<vmem>>, vector<1x16xf32>,
        %get3A_156 = vector.shape_cast %get3A_155 : vector<1x16xf32> to vector<16xf32>
        %add3A_157 = arith.addf %add3A_150, %get3A_156 : vector<16xf32>
        %add3A_158 = arith.constant 96 : i32
        %add3A_159 = arith.addi %add3A_158, %scan3A_111 : i32
        %get3A_160 = arith.index_cast %add3A_159 : i32 to index
        %get3A_161 = arith.constant 16 : index
        %get3A_162 = tpu.vector_load %arg7[%get3A_160, %get3A_161] {strides = array<i32>} : memref<128x128xf32, #tpu.memory_space<vmem>>, vector<1x16xf32>,
        %get3A_163 = vector.shape_cast %get3A_162 : vector<1x16xf32> to vector<16xf32>
        %add3A_164 = arith.addf %add3A_157, %get3A_163 : vector<16xf32>
        %swap3A_165 = arith.index_cast %scan3A_111 : i32 to index
        %swap3A_166 = arith.constant 16 : index
        %swap3A_167 = tpu.vector_load %arg9[%swap3A_165, %swap3A_166] {strides = array<i32>} : memref<32x128xf32, #tpu.memory_space<vmem>>, vector<1x16xf32>,
        %swap3A_168 = vector.shape_cast %swap3A_167 : vector<1x16xf32> to vector<16xf32>
        %swap3A_169 = vector.shape_cast %add3A_164 : vector<16xf32> to vector<1x16xf32>
        tpu.vector_store %arg9[%swap3A_165, %swap3A_166], %swap3A_169 {strides = array<i32>} : memref<32x128xf32, #tpu.memory_space<vmem>>, vector<1x16xf32>,
        %get3A_170 = arith.index_cast %scan3A_111 : i32 to index
        %get3A_171 = arith.constant 32 : index
        %get3A_172 = tpu.vector_load %arg7[%get3A_170, %get3A_171] {strides = array<i32>} : memref<128x128xf32, #tpu.memory_space<vmem>>, vector<1x16xf32>,
        %get3A_173 = vector.shape_cast %get3A_172 : vector<1x16xf32> to vector<16xf32>
        %add3A_174 = arith.constant 32 : i32
        %add3A_175 = arith.addi %add3A_174, %scan3A_111 : i32
        %get3A_176 = arith.index_cast %add3A_175 : i32 to index
        %get3A_177 = arith.constant 32 : index
        %get3A_178 = tpu.vector_load %arg7[%get3A_176, %get3A_177] {strides = array<i32>} : memref<128x128xf32, #tpu.memory_space<vmem>>, vector<1x16xf32>,
        %get3A_179 = vector.shape_cast %get3A_178 : vector<1x16xf32> to vector<16xf32>
        %add3A_180 = arith.addf %get3A_173, %get3A_179 : vector<16xf32>
        %add3A_181 = arith.constant 64 : i32
        %add3A_182 = arith.addi %add3A_181, %scan3A_111 : i32
        %get3A_183 = arith.index_cast %add3A_182 : i32 to index
        %get3A_184 = arith.constant 32 : index
        %get3A_185 = tpu.vector_load %arg7[%get3A_183, %get3A_184] {strides = array<i32>} : memref<128x128xf32, #tpu.memory_space<vmem>>, vector<1x16xf32>,
        %get3A_186 = vector.shape_cast %get3A_185 : vector<1x16xf32> to vector<16xf32>
        %add3A_187 = arith.addf %add3A_180, %get3A_186 : vector<16xf32>
        %add3A_188 = arith.constant 96 : i32
        %add3A_189 = arith.addi %add3A_188, %scan3A_111 : i32
        %get3A_190 = arith.index_cast %add3A_189 : i32 to index
        %get3A_191 = arith.constant 32 : index
        %get3A_192 = tpu.vector_load %arg7[%get3A_190, %get3A_191] {strides = array<i32>} : memref<128x128xf32, #tpu.memory_space<vmem>>, vector<1x16xf32>,
        %get3A_193 = vector.shape_cast %get3A_192 : vector<1x16xf32> to vector<16xf32>
        %add3A_194 = arith.addf %add3A_187, %get3A_193 : vector<16xf32>
        %swap3A_195 = arith.index_cast %scan3A_111 : i32 to index
        %swap3A_196 = arith.constant 32 : index
        %swap3A_197 = tpu.vector_load %arg9[%swap3A_195, %swap3A_196] {strides = array<i32>} : memref<32x128xf32, #tpu.memory_space<vmem>>, vector<1x16xf32>,
        %swap3A_198 = vector.shape_cast %swap3A_197 : vector<1x16xf32> to vector<16xf32>
        %swap3A_199 = vector.shape_cast %add3A_194 : vector<16xf32> to vector<1x16xf32>
        tpu.vector_store %arg9[%swap3A_195, %swap3A_196], %swap3A_199 {strides = array<i32>} : memref<32x128xf32, #tpu.memory_space<vmem>>, vector<1x16xf32>,
        %get3A_200 = arith.index_cast %scan3A_111 : i32 to index
        %get3A_201 = arith.constant 48 : index
        %get3A_202 = tpu.vector_load %arg7[%get3A_200, %get3A_201] {strides = array<i32>} : memref<128x128xf32, #tpu.memory_space<vmem>>, vector<1x16xf32>,
        %get3A_203 = vector.shape_cast %get3A_202 : vector<1x16xf32> to vector<16xf32>
        %add3A_204 = arith.constant 32 : i32
        %add3A_205 = arith.addi %add3A_204, %scan3A_111 : i32
        %get3A_206 = arith.index_cast %add3A_205 : i32 to index
        %get3A_207 = arith.constant 48 : index
        %get3A_208 = tpu.vector_load %arg7[%get3A_206, %get3A_207] {strides = array<i32>} : memref<128x128xf32, #tpu.memory_space<vmem>>, vector<1x16xf32>,
        %get3A_209 = vector.shape_cast %get3A_208 : vector<1x16xf32> to vector<16xf32>
        %add3A_210 = arith.addf %get3A_203, %get3A_209 : vector<16xf32>
        %add3A_211 = arith.constant 64 : i32
        %add3A_212 = arith.addi %add3A_211, %scan3A_111 : i32
        %get3A_213 = arith.index_cast %add3A_212 : i32 to index
        %get3A_214 = arith.constant 48 : index
        %get3A_215 = tpu.vector_load %arg7[%get3A_213, %get3A_214] {strides = array<i32>} : memref<128x128xf32, #tpu.memory_space<vmem>>, vector<1x16xf32>,
        %get3A_216 = vector.shape_cast %get3A_215 : vector<1x16xf32> to vector<16xf32>
        %add3A_217 = arith.addf %add3A_210, %get3A_216 : vector<16xf32>
        %add3A_218 = arith.constant 96 : i32
        %add3A_219 = arith.addi %add3A_218, %scan3A_111 : i32
        %get3A_220 = arith.index_cast %add3A_219 : i32 to index
        %get3A_221 = arith.constant 48 : index
        %get3A_222 = tpu.vector_load %arg7[%get3A_220, %get3A_221] {strides = array<i32>} : memref<128x128xf32, #tpu.memory_space<vmem>>, vector<1x16xf32>,
        %get3A_223 = vector.shape_cast %get3A_222 : vector<1x16xf32> to vector<16xf32>
        %add3A_224 = arith.addf %add3A_217, %get3A_223 : vector<16xf32>
        %swap3A_225 = arith.index_cast %scan3A_111 : i32 to index
        %swap3A_226 = arith.constant 48 : index
        %swap3A_227 = tpu.vector_load %arg9[%swap3A_225, %swap3A_226] {strides = array<i32>} : memref<32x128xf32, #tpu.memory_space<vmem>>, vector<1x16xf32>,
        %swap3A_228 = vector.shape_cast %swap3A_227 : vector<1x16xf32> to vector<16xf32>
        %swap3A_229 = vector.shape_cast %add3A_224 : vector<16xf32> to vector<1x16xf32>
        tpu.vector_store %arg9[%swap3A_225, %swap3A_226], %swap3A_229 {strides = array<i32>} : memref<32x128xf32, #tpu.memory_space<vmem>>, vector<1x16xf32>,
        %get3A_230 = arith.index_cast %scan3A_111 : i32 to index
        %get3A_231 = arith.constant 64 : index
        %get3A_232 = tpu.vector_load %arg7[%get3A_230, %get3A_231] {strides = array<i32>} : memref<128x128xf32, #tpu.memory_space<vmem>>, vector<1x16xf32>,
        %get3A_233 = vector.shape_cast %get3A_232 : vector<1x16xf32> to vector<16xf32>
        %add3A_234 = arith.constant 32 : i32
        %add3A_235 = arith.addi %add3A_234, %scan3A_111 : i32
        %get3A_236 = arith.index_cast %add3A_235 : i32 to index
        %get3A_237 = arith.constant 64 : index
        %get3A_238 = tpu.vector_load %arg7[%get3A_236, %get3A_237] {strides = array<i32>} : memref<128x128xf32, #tpu.memory_space<vmem>>, vector<1x16xf32>,
        %get3A_239 = vector.shape_cast %get3A_238 : vector<1x16xf32> to vector<16xf32>
        %add3A_240 = arith.addf %get3A_233, %get3A_239 : vector<16xf32>
        %add3A_241 = arith.constant 64 : i32
        %add3A_242 = arith.addi %add3A_241, %scan3A_111 : i32
        %get3A_243 = arith.index_cast %add3A_242 : i32 to index
        %get3A_244 = arith.constant 64 : index
        %get3A_245 = tpu.vector_load %arg7[%get3A_243, %get3A_244] {strides = array<i32>} : memref<128x128xf32, #tpu.memory_space<vmem>>, vector<1x16xf32>,
        %get3A_246 = vector.shape_cast %get3A_245 : vector<1x16xf32> to vector<16xf32>
        %add3A_247 = arith.addf %add3A_240, %get3A_246 : vector<16xf32>
        %add3A_248 = arith.constant 96 : i32
        %add3A_249 = arith.addi %add3A_248, %scan3A_111 : i32
        %get3A_250 = arith.index_cast %add3A_249 : i32 to index
        %get3A_251 = arith.constant 64 : index
        %get3A_252 = tpu.vector_load %arg7[%get3A_250, %get3A_251] {strides = array<i32>} : memref<128x128xf32, #tpu.memory_space<vmem>>, vector<1x16xf32>,
        %get3A_253 = vector.shape_cast %get3A_252 : vector<1x16xf32> to vector<16xf32>
        %add3A_254 = arith.addf %add3A_247, %get3A_253 : vector<16xf32>
        %swap3A_255 = arith.index_cast %scan3A_111 : i32 to index
        %swap3A_256 = arith.constant 64 : index
        %swap3A_257 = tpu.vector_load %arg9[%swap3A_255, %swap3A_256] {strides = array<i32>} : memref<32x128xf32, #tpu.memory_space<vmem>>, vector<1x16xf32>,
        %swap3A_258 = vector.shape_cast %swap3A_257 : vector<1x16xf32> to vector<16xf32>
        %swap3A_259 = vector.shape_cast %add3A_254 : vector<16xf32> to vector<1x16xf32>
        tpu.vector_store %arg9[%swap3A_255, %swap3A_256], %swap3A_259 {strides = array<i32>} : memref<32x128xf32, #tpu.memory_space<vmem>>, vector<1x16xf32>,
        %get3A_260 = arith.index_cast %scan3A_111 : i32 to index
        %get3A_261 = arith.constant 80 : index
        %get3A_262 = tpu.vector_load %arg7[%get3A_260, %get3A_261] {strides = array<i32>} : memref<128x128xf32, #tpu.memory_space<vmem>>, vector<1x16xf32>,
        %get3A_263 = vector.shape_cast %get3A_262 : vector<1x16xf32> to vector<16xf32>
        %add3A_264 = arith.constant 32 : i32
        %add3A_265 = arith.addi %add3A_264, %scan3A_111 : i32
        %get3A_266 = arith.index_cast %add3A_265 : i32 to index
        %get3A_267 = arith.constant 80 : index
        %get3A_268 = tpu.vector_load %arg7[%get3A_266, %get3A_267] {strides = array<i32>} : memref<128x128xf32, #tpu.memory_space<vmem>>, vector<1x16xf32>,
        %get3A_269 = vector.shape_cast %get3A_268 : vector<1x16xf32> to vector<16xf32>
        %add3A_270 = arith.addf %get3A_263, %get3A_269 : vector<16xf32>
        %add3A_271 = arith.constant 64 : i32
        %add3A_272 = arith.addi %add3A_271, %scan3A_111 : i32
        %get3A_273 = arith.index_cast %add3A_272 : i32 to index
        %get3A_274 = arith.constant 80 : index
        %get3A_275 = tpu.vector_load %arg7[%get3A_273, %get3A_274] {strides = array<i32>} : memref<128x128xf32, #tpu.memory_space<vmem>>, vector<1x16xf32>,
        %get3A_276 = vector.shape_cast %get3A_275 : vector<1x16xf32> to vector<16xf32>
        %add3A_277 = arith.addf %add3A_270, %get3A_276 : vector<16xf32>
        %add3A_278 = arith.constant 96 : i32
        %add3A_279 = arith.addi %add3A_278, %scan3A_111 : i32
        %get3A_280 = arith.index_cast %add3A_279 : i32 to index
        %get3A_281 = arith.constant 80 : index
        %get3A_282 = tpu.vector_load %arg7[%get3A_280, %get3A_281] {strides = array<i32>} : memref<128x128xf32, #tpu.memory_space<vmem>>, vector<1x16xf32>,
        %get3A_283 = vector.shape_cast %get3A_282 : vector<1x16xf32> to vector<16xf32>
        %add3A_284 = arith.addf %add3A_277, %get3A_283 : vector<16xf32>
        %swap3A_285 = arith.index_cast %scan3A_111 : i32 to index
        %swap3A_286 = arith.constant 80 : index
        %swap3A_287 = tpu.vector_load %arg9[%swap3A_285, %swap3A_286] {strides = array<i32>} : memref<32x128xf32, #tpu.memory_space<vmem>>, vector<1x16xf32>,
        %swap3A_288 = vector.shape_cast %swap3A_287 : vector<1x16xf32> to vector<16xf32>
        %swap3A_289 = vector.shape_cast %add3A_284 : vector<16xf32> to vector<1x16xf32>
        tpu.vector_store %arg9[%swap3A_285, %swap3A_286], %swap3A_289 {strides = array<i32>} : memref<32x128xf32, #tpu.memory_space<vmem>>, vector<1x16xf32>,
        %get3A_290 = arith.index_cast %scan3A_111 : i32 to index
        %get3A_291 = arith.constant 96 : index
        %get3A_292 = tpu.vector_load %arg7[%get3A_290, %get3A_291] {strides = array<i32>} : memref<128x128xf32, #tpu.memory_space<vmem>>, vector<1x16xf32>,
        %get3A_293 = vector.shape_cast %get3A_292 : vector<1x16xf32> to vector<16xf32>
        %add3A_294 = arith.constant 32 : i32
        %add3A_295 = arith.addi %add3A_294, %scan3A_111 : i32
        %get3A_296 = arith.index_cast %add3A_295 : i32 to index
        %get3A_297 = arith.constant 96 : index
        %get3A_298 = tpu.vector_load %arg7[%get3A_296, %get3A_297] {strides = array<i32>} : memref<128x128xf32, #tpu.memory_space<vmem>>, vector<1x16xf32>,
        %get3A_299 = vector.shape_cast %get3A_298 : vector<1x16xf32> to vector<16xf32>
        %add3A_300 = arith.addf %get3A_293, %get3A_299 : vector<16xf32>
        %add3A_301 = arith.constant 64 : i32
        %add3A_302 = arith.addi %add3A_301, %scan3A_111 : i32
        %get3A_303 = arith.index_cast %add3A_302 : i32 to index
        %get3A_304 = arith.constant 96 : index
        %get3A_305 = tpu.vector_load %arg7[%get3A_303, %get3A_304] {strides = array<i32>} : memref<128x128xf32, #tpu.memory_space<vmem>>, vector<1x16xf32>,
        %get3A_306 = vector.shape_cast %get3A_305 : vector<1x16xf32> to vector<16xf32>
        %add3A_307 = arith.addf %add3A_300, %get3A_306 : vector<16xf32>
        %add3A_308 = arith.constant 96 : i32
        %add3A_309 = arith.addi %add3A_308, %scan3A_111 : i32
        %get3A_310 = arith.index_cast %add3A_309 : i32 to index
        %get3A_311 = arith.constant 96 : index
        %get3A_312 = tpu.vector_load %arg7[%get3A_310, %get3A_311] {strides = array<i32>} : memref<128x128xf32, #tpu.memory_space<vmem>>, vector<1x16xf32>,
        %get3A_313 = vector.shape_cast %get3A_312 : vector<1x16xf32> to vector<16xf32>
        %add3A_314 = arith.addf %add3A_307, %get3A_313 : vector<16xf32>
        %swap3A_315 = arith.index_cast %scan3A_111 : i32 to index
        %swap3A_316 = arith.constant 96 : index
        %swap3A_317 = tpu.vector_load %arg9[%swap3A_315, %swap3A_316] {strides = array<i32>} : memref<32x128xf32, #tpu.memory_space<vmem>>, vector<1x16xf32>,
        %swap3A_318 = vector.shape_cast %swap3A_317 : vector<1x16xf32> to vector<16xf32>
        %swap3A_319 = vector.shape_cast %add3A_314 : vector<16xf32> to vector<1x16xf32>
        tpu.vector_store %arg9[%swap3A_315, %swap3A_316], %swap3A_319 {strides = array<i32>} : memref<32x128xf32, #tpu.memory_space<vmem>>, vector<1x16xf32>,
        %get3A_320 = arith.index_cast %scan3A_111 : i32 to index
        %get3A_321 = arith.constant 112 : index
        %get3A_322 = tpu.vector_load %arg7[%get3A_320, %get3A_321] {strides = array<i32>} : memref<128x128xf32, #tpu.memory_space<vmem>>, vector<1x16xf32>,
        %get3A_323 = vector.shape_cast %get3A_322 : vector<1x16xf32> to vector<16xf32>
        %add3A_324 = arith.constant 32 : i32
        %add3A_325 = arith.addi %add3A_324, %scan3A_111 : i32
        %get3A_326 = arith.index_cast %add3A_325 : i32 to index
        %get3A_327 = arith.constant 112 : index
        %get3A_328 = tpu.vector_load %arg7[%get3A_326, %get3A_327] {strides = array<i32>} : memref<128x128xf32, #tpu.memory_space<vmem>>, vector<1x16xf32>,
        %get3A_329 = vector.shape_cast %get3A_328 : vector<1x16xf32> to vector<16xf32>
        %add3A_330 = arith.addf %get3A_323, %get3A_329 : vector<16xf32>
        %add3A_331 = arith.constant 64 : i32
        %add3A_332 = arith.addi %add3A_331, %scan3A_111 : i32
        %get3A_333 = arith.index_cast %add3A_332 : i32 to index
        %get3A_334 = arith.constant 112 : index
        %get3A_335 = tpu.vector_load %arg7[%get3A_333, %get3A_334] {strides = array<i32>} : memref<128x128xf32, #tpu.memory_space<vmem>>, vector<1x16xf32>,
        %get3A_336 = vector.shape_cast %get3A_335 : vector<1x16xf32> to vector<16xf32>
        %add3A_337 = arith.addf %add3A_330, %get3A_336 : vector<16xf32>
        %add3A_338 = arith.constant 96 : i32
        %add3A_339 = arith.addi %add3A_338, %scan3A_111 : i32
        %get3A_340 = arith.index_cast %add3A_339 : i32 to index
        %get3A_341 = arith.constant 112 : index
        %get3A_342 = tpu.vector_load %arg7[%get3A_340, %get3A_341] {strides = array<i32>} : memref<128x128xf32, #tpu.memory_space<vmem>>, vector<1x16xf32>,
        %get3A_343 = vector.shape_cast %get3A_342 : vector<1x16xf32> to vector<16xf32>
        %add3A_344 = arith.addf %add3A_337, %get3A_343 : vector<16xf32>
        %swap3A_345 = arith.index_cast %scan3A_111 : i32 to index
        %swap3A_346 = arith.constant 112 : index
        %swap3A_347 = tpu.vector_load %arg9[%swap3A_345, %swap3A_346] {strides = array<i32>} : memref<32x128xf32, #tpu.memory_space<vmem>>, vector<1x16xf32>,
        %swap3A_348 = vector.shape_cast %swap3A_347 : vector<1x16xf32> to vector<16xf32>
        %swap3A_349 = vector.shape_cast %add3A_344 : vector<16xf32> to vector<1x16xf32>
        tpu.vector_store %arg9[%swap3A_345, %swap3A_346], %swap3A_349 {strides = array<i32>} : memref<32x128xf32, #tpu.memory_space<vmem>>, vector<1x16xf32>,
      }
      %scan3A_103 = arith.constant 32 : i32
      %mul3A_104 = arith.constant 32 : i32
      %mul3A_105 = arith.muli %add3A_53, %mul3A_104 : i32
      %add3A_106 = arith.addi %mul3A_10, %mul3A_105 : i32
      %dma_start3A_107 = arith.constant 0 : i32
      %dma_start3A_108 = tpu.memref_slice %arg4[%add3A_106, %dma_start3A_107] : memref<102400x128xf32, #tpu.memory_space<hbm>> -> memref<32x128xf32, #tpu.memory_space<hbm>>
      %dma_start3A_109 = arith.constant 0 : i32
      %dma_start3A_110 = tpu.memref_slice %arg4[%add3A_106, %dma_start3A_109] : memref<102400x128xf32, #tpu.memory_space<hbm>> -> memref<32x128xf32, #tpu.memory_space<hbm>>
      tpu.enqueue_dma source(%arg9 : memref<32x128xf32, #tpu.memory_space<vmem>>) target(%dma_start3A_110 : memref<32x128xf32, #tpu.memory_space<hbm>>) target_semaphore(%arg13 : memref<!tpu.dma_semaphore, #tpu.memory_space<semaphore_mem>>)
    }
    %mul3A_29 = arith.constant 2 : i32
    %mul3A_30 = arith.muli %mul3A_29, %select_n3A_8 : i32
    %sub3A = arith.constant 2 : i32
    %sub3A_31 = arith.subi %mul3A_30, %sub3A : i32
    %mul3A_32 = arith.constant 32 : i32
    %mul3A_33 = arith.muli %sub3A_31, %mul3A_32 : i32
    %add3A_34 = arith.addi %mul3A_10, %mul3A_33 : i32
    %dma_wait3A = arith.constant 0 : i32
    %dma_wait3A_35 = tpu.memref_slice %arg4[%add3A_34, %dma_wait3A] : memref<102400x128xf32, #tpu.memory_space<hbm>> -> memref<32x128xf32, #tpu.memory_space<hbm>>
    %dma_wait3A_36 = arith.constant 0 : i32
    %dma_wait3A_37 = tpu.memref_slice %arg4[%add3A_34, %dma_wait3A_36] : memref<102400x128xf32, #tpu.memory_space<hbm>> -> memref<32x128xf32, #tpu.memory_space<hbm>>
    tpu.wait_dma2 semaphore(%arg12 : memref<!tpu.dma_semaphore, #tpu.memory_space<semaphore_mem>>) src(%arg8 : memref<32x128xf32, #tpu.memory_space<vmem>>) dst(%dma_wait3A_37 : memref<32x128xf32, #tpu.memory_space<hbm>>)
    %mul3A_38 = arith.constant 2 : i32
    %mul3A_39 = arith.muli %mul3A_38, %select_n3A_8 : i32
    %sub3A_40 = arith.constant 1 : i32
    %sub3A_41 = arith.subi %mul3A_39, %sub3A_40 : i32
    %mul3A_42 = arith.constant 32 : i32
    %mul3A_43 = arith.muli %sub3A_41, %mul3A_42 : i32
    %add3A_44 = arith.addi %mul3A_10, %mul3A_43 : i32
    %dma_wait3A_45 = arith.constant 0 : i32
    %dma_wait3A_46 = tpu.memref_slice %arg4[%add3A_44, %dma_wait3A_45] : memref<102400x128xf32, #tpu.memory_space<hbm>> -> memref<32x128xf32, #tpu.memory_space<hbm>>
    %dma_wait3A_47 = arith.constant 0 : i32
    %dma_wait3A_48 = tpu.memref_slice %arg4[%add3A_44, %dma_wait3A_47] : memref<102400x128xf32, #tpu.memory_space<hbm>> -> memref<32x128xf32, #tpu.memory_space<hbm>>
    tpu.wait_dma2 semaphore(%arg13 : memref<!tpu.dma_semaphore, #tpu.memory_space<semaphore_mem>>) src(%arg9 : memref<32x128xf32, #tpu.memory_space<vmem>>) dst(%dma_wait3A_48 : memref<32x128xf32, #tpu.memory_space<hbm>>)
    return
  }
}

#map = affine_map<(d0, d1) -> (0, 0)>
module attributes {stable_mosaic.version = 14 : i64} {
  func.func @k(%arg0: i32, %arg1: i32, %arg2: memref<100000x128xf32, #tpu.memory_space<hbm>>, %arg3: memref<3200x128xi32, #tpu.memory_space<hbm>>, %arg4: memref<400000x16xf32, #tpu.memory_space<hbm>>, %arg5: memref<3200x128xi32, #tpu.memory_space<hbm>>, %arg6: memref<102400x128xf32, #tpu.memory_space<hbm>>, %arg7: memref<102400x128xf32, #tpu.memory_space<hbm>>, %arg8: memref<144x128xi32, #tpu.memory_space<vmem>>, %arg9: memref<144x128xi32, #tpu.memory_space<vmem>>, %arg10: memref<128x128xf32, #tpu.memory_space<vmem>>, %arg11: memref<128x128xf32, #tpu.memory_space<vmem>>, %arg12: memref<128x16xf32, #tpu.memory_space<vmem>>, %arg13: memref<128x16xf32, #tpu.memory_space<vmem>>, %arg14: memref<32x128xf32, #tpu.memory_space<vmem>>, %arg15: memref<32x128xf32, #tpu.memory_space<vmem>>, %arg16: memref<32x128xf32, #tpu.memory_space<vmem>>, %arg17: memref<32x128xf32, #tpu.memory_space<vmem>>, %arg18: memref<!tpu.dma_semaphore, #tpu.memory_space<semaphore_mem>>, %arg19: memref<!tpu.dma_semaphore, #tpu.memory_space<semaphore_mem>>, %arg20: memref<!tpu.dma_semaphore, #tpu.memory_space<semaphore_mem>>, %arg21: memref<!tpu.dma_semaphore, #tpu.memory_space<semaphore_mem>>) attributes {dimension_semantics = [#tpu.dimension_semantics<core_parallel>, #tpu.dimension_semantics<subcore_parallel>], iteration_bounds = array<i64: 2, 16>, scalar_prefetch = 0 : i64, scratch_operands = 14 : i64, tpu.core_type = #tpu.core_type<sc_vector_subcore>, window_params = [{transform_indices = #map}, {transform_indices = #map}, {transform_indices = #map}, {transform_indices = #map}, {transform_indices = #map}, {transform_indices = #map}]} {
    %eq3A = arith.constant 0 : i32
    %eq3A_0 = arith.cmpi eq, %arg0, %eq3A : i32
    %mul3A = arith.constant 144 : i32
    %mul3A_1 = arith.muli %arg1, %mul3A : i32
    %mul3A_2 = arith.constant 56 : i32
    %mul3A_3 = arith.muli %arg1, %mul3A_2 : i32
    %add3A = arith.constant 2304 : i32
    %add3A_4 = arith.addi %add3A, %mul3A_3 : i32
    %select_n3A = arith.select %eq3A_0, %mul3A_1, %add3A_4 : i32
    %eq3A_5 = arith.constant 0 : i32
    %eq3A_6 = arith.cmpi eq, %arg0, %eq3A_5 : i32
    %jit3A = arith.constant 72 : i32
    %jit3A_7 = arith.constant 28 : i32
    %select_n3A_8 = arith.select %eq3A_6, %jit3A, %jit3A_7 : i32
    %mul3A_9 = arith.constant 32 : i32
    %mul3A_10 = arith.muli %select_n3A, %mul3A_9 : i32
    "tpu.region"() ({
      %run_scoped3A = tpu.sem_alloc : memref<!tpu.dma_semaphore, #tpu.memory_space<semaphore_mem>>
      %dma_start3A_88 = arith.constant 0 : i32
      %dma_start3A_89 = arith.constant 0 : i32
      %dma_start3A_90 = tpu.memref_slice %arg8[%dma_start3A_88, %dma_start3A_89] : memref<144x128xi32, #tpu.memory_space<vmem>> -> memref<56x128xi32, #tpu.memory_space<vmem>>
      %dma_start3A_91 = arith.constant 0 : i32
      %dma_start3A_92 = tpu.memref_slice %arg3[%select_n3A, %dma_start3A_91] : memref<3200x128xi32, #tpu.memory_space<hbm>> -> memref<56x128xi32, #tpu.memory_space<hbm>>
      %dma_start3A_93 = arith.constant 0 : i32
      %dma_start3A_94 = arith.constant 0 : i32
      %dma_start3A_95 = tpu.memref_slice %arg8[%dma_start3A_93, %dma_start3A_94] : memref<144x128xi32, #tpu.memory_space<vmem>> -> memref<56x128xi32, #tpu.memory_space<vmem>>
      %dma_start3A_96 = arith.constant 0 : i32
      %dma_start3A_97 = tpu.memref_slice %arg3[%select_n3A, %dma_start3A_96] : memref<3200x128xi32, #tpu.memory_space<hbm>> -> memref<56x128xi32, #tpu.memory_space<hbm>>
      tpu.enqueue_dma source(%dma_start3A_97 : memref<56x128xi32, #tpu.memory_space<hbm>>) target(%dma_start3A_95 : memref<56x128xi32, #tpu.memory_space<vmem>>) target_semaphore(%run_scoped3A : memref<!tpu.dma_semaphore, #tpu.memory_space<semaphore_mem>>)
      %dma_wait3A_98 = arith.constant 0 : i32
      %dma_wait3A_99 = arith.constant 0 : i32
      %dma_wait3A_100 = tpu.memref_slice %arg8[%dma_wait3A_98, %dma_wait3A_99] : memref<144x128xi32, #tpu.memory_space<vmem>> -> memref<56x128xi32, #tpu.memory_space<vmem>>
      %dma_wait3A_101 = arith.constant 0 : i32
      %dma_wait3A_102 = tpu.memref_slice %arg3[%select_n3A, %dma_wait3A_101] : memref<3200x128xi32, #tpu.memory_space<hbm>> -> memref<56x128xi32, #tpu.memory_space<hbm>>
      %dma_wait3A_103 = arith.constant 0 : i32
      %dma_wait3A_104 = arith.constant 0 : i32
      %dma_wait3A_105 = tpu.memref_slice %arg8[%dma_wait3A_103, %dma_wait3A_104] : memref<144x128xi32, #tpu.memory_space<vmem>> -> memref<56x128xi32, #tpu.memory_space<vmem>>
      %dma_wait3A_106 = arith.constant 0 : i32
      %dma_wait3A_107 = tpu.memref_slice %arg3[%select_n3A, %dma_wait3A_106] : memref<3200x128xi32, #tpu.memory_space<hbm>> -> memref<56x128xi32, #tpu.memory_space<hbm>>
      tpu.wait_dma2 semaphore(%run_scoped3A : memref<!tpu.dma_semaphore, #tpu.memory_space<semaphore_mem>>) src(%dma_wait3A_107 : memref<56x128xi32, #tpu.memory_space<hbm>>) dst(%dma_wait3A_105 : memref<56x128xi32, #tpu.memory_space<vmem>>)
      tpu.yield
    }) : () -> ()
    %eq3A_11 = arith.constant 0 : i32
    %eq3A_12 = arith.cmpi eq, %arg0, %eq3A_11 : i32
    %convert_element_type3A = arith.extui %eq3A_12 : i1 to i32
    %cond3A = arith.constant 0 : i32
    %cond3A_13 = arith.cmpi ne, %convert_element_type3A, %cond3A : i32
    scf.if %cond3A_13 {
      %add3A_88 = arith.constant 56 : i32
      %add3A_89 = arith.addi %select_n3A, %add3A_88 : i32
      "tpu.region"() ({
        %run_scoped3A = tpu.sem_alloc : memref<!tpu.dma_semaphore, #tpu.memory_space<semaphore_mem>>
        %dma_start3A_90 = arith.constant 56 : i32
        %dma_start3A_91 = arith.constant 0 : i32
        %dma_start3A_92 = tpu.memref_slice %arg8[%dma_start3A_90, %dma_start3A_91] : memref<144x128xi32, #tpu.memory_space<vmem>> -> memref<88x128xi32, #tpu.memory_space<vmem>>
        %dma_start3A_93 = arith.constant 0 : i32
        %dma_start3A_94 = tpu.memref_slice %arg3[%add3A_89, %dma_start3A_93] : memref<3200x128xi32, #tpu.memory_space<hbm>> -> memref<88x128xi32, #tpu.memory_space<hbm>>
        %dma_start3A_95 = arith.constant 56 : i32
        %dma_start3A_96 = arith.constant 0 : i32
        %dma_start3A_97 = tpu.memref_slice %arg8[%dma_start3A_95, %dma_start3A_96] : memref<144x128xi32, #tpu.memory_space<vmem>> -> memref<88x128xi32, #tpu.memory_space<vmem>>
        %dma_start3A_98 = arith.constant 0 : i32
        %dma_start3A_99 = tpu.memref_slice %arg3[%add3A_89, %dma_start3A_98] : memref<3200x128xi32, #tpu.memory_space<hbm>> -> memref<88x128xi32, #tpu.memory_space<hbm>>
        tpu.enqueue_dma source(%dma_start3A_99 : memref<88x128xi32, #tpu.memory_space<hbm>>) target(%dma_start3A_97 : memref<88x128xi32, #tpu.memory_space<vmem>>) target_semaphore(%run_scoped3A : memref<!tpu.dma_semaphore, #tpu.memory_space<semaphore_mem>>)
        %dma_wait3A_100 = arith.constant 56 : i32
        %dma_wait3A_101 = arith.constant 0 : i32
        %dma_wait3A_102 = tpu.memref_slice %arg8[%dma_wait3A_100, %dma_wait3A_101] : memref<144x128xi32, #tpu.memory_space<vmem>> -> memref<88x128xi32, #tpu.memory_space<vmem>>
        %dma_wait3A_103 = arith.constant 0 : i32
        %dma_wait3A_104 = tpu.memref_slice %arg3[%add3A_89, %dma_wait3A_103] : memref<3200x128xi32, #tpu.memory_space<hbm>> -> memref<88x128xi32, #tpu.memory_space<hbm>>
        %dma_wait3A_105 = arith.constant 56 : i32
        %dma_wait3A_106 = arith.constant 0 : i32
        %dma_wait3A_107 = tpu.memref_slice %arg8[%dma_wait3A_105, %dma_wait3A_106] : memref<144x128xi32, #tpu.memory_space<vmem>> -> memref<88x128xi32, #tpu.memory_space<vmem>>
        %dma_wait3A_108 = arith.constant 0 : i32
        %dma_wait3A_109 = tpu.memref_slice %arg3[%add3A_89, %dma_wait3A_108] : memref<3200x128xi32, #tpu.memory_space<hbm>> -> memref<88x128xi32, #tpu.memory_space<hbm>>
        tpu.wait_dma2 semaphore(%run_scoped3A : memref<!tpu.dma_semaphore, #tpu.memory_space<semaphore_mem>>) src(%dma_wait3A_109 : memref<88x128xi32, #tpu.memory_space<hbm>>) dst(%dma_wait3A_107 : memref<88x128xi32, #tpu.memory_space<vmem>>)
        tpu.yield
      }) : () -> ()
    } else {
    }
    "tpu.region"() ({
      %run_scoped3A = tpu.sem_alloc : memref<!tpu.dma_semaphore, #tpu.memory_space<semaphore_mem>>
      %dma_start3A_88 = arith.constant 0 : i32
      %dma_start3A_89 = arith.constant 0 : i32
      %dma_start3A_90 = tpu.memref_slice %arg9[%dma_start3A_88, %dma_start3A_89] : memref<144x128xi32, #tpu.memory_space<vmem>> -> memref<56x128xi32, #tpu.memory_space<vmem>>
      %dma_start3A_91 = arith.constant 0 : i32
      %dma_start3A_92 = tpu.memref_slice %arg5[%select_n3A, %dma_start3A_91] : memref<3200x128xi32, #tpu.memory_space<hbm>> -> memref<56x128xi32, #tpu.memory_space<hbm>>
      %dma_start3A_93 = arith.constant 0 : i32
      %dma_start3A_94 = arith.constant 0 : i32
      %dma_start3A_95 = tpu.memref_slice %arg9[%dma_start3A_93, %dma_start3A_94] : memref<144x128xi32, #tpu.memory_space<vmem>> -> memref<56x128xi32, #tpu.memory_space<vmem>>
      %dma_start3A_96 = arith.constant 0 : i32
      %dma_start3A_97 = tpu.memref_slice %arg5[%select_n3A, %dma_start3A_96] : memref<3200x128xi32, #tpu.memory_space<hbm>> -> memref<56x128xi32, #tpu.memory_space<hbm>>
      tpu.enqueue_dma source(%dma_start3A_97 : memref<56x128xi32, #tpu.memory_space<hbm>>) target(%dma_start3A_95 : memref<56x128xi32, #tpu.memory_space<vmem>>) target_semaphore(%run_scoped3A : memref<!tpu.dma_semaphore, #tpu.memory_space<semaphore_mem>>)
      %dma_wait3A_98 = arith.constant 0 : i32
      %dma_wait3A_99 = arith.constant 0 : i32
      %dma_wait3A_100 = tpu.memref_slice %arg9[%dma_wait3A_98, %dma_wait3A_99] : memref<144x128xi32, #tpu.memory_space<vmem>> -> memref<56x128xi32, #tpu.memory_space<vmem>>
      %dma_wait3A_101 = arith.constant 0 : i32
      %dma_wait3A_102 = tpu.memref_slice %arg5[%select_n3A, %dma_wait3A_101] : memref<3200x128xi32, #tpu.memory_space<hbm>> -> memref<56x128xi32, #tpu.memory_space<hbm>>
      %dma_wait3A_103 = arith.constant 0 : i32
      %dma_wait3A_104 = arith.constant 0 : i32
      %dma_wait3A_105 = tpu.memref_slice %arg9[%dma_wait3A_103, %dma_wait3A_104] : memref<144x128xi32, #tpu.memory_space<vmem>> -> memref<56x128xi32, #tpu.memory_space<vmem>>
      %dma_wait3A_106 = arith.constant 0 : i32
      %dma_wait3A_107 = tpu.memref_slice %arg5[%select_n3A, %dma_wait3A_106] : memref<3200x128xi32, #tpu.memory_space<hbm>> -> memref<56x128xi32, #tpu.memory_space<hbm>>
      tpu.wait_dma2 semaphore(%run_scoped3A : memref<!tpu.dma_semaphore, #tpu.memory_space<semaphore_mem>>) src(%dma_wait3A_107 : memref<56x128xi32, #tpu.memory_space<hbm>>) dst(%dma_wait3A_105 : memref<56x128xi32, #tpu.memory_space<vmem>>)
      tpu.yield
    }) : () -> ()
    %eq3A_14 = arith.constant 0 : i32
    %eq3A_15 = arith.cmpi eq, %arg0, %eq3A_14 : i32
    %convert_element_type3A_16 = arith.extui %eq3A_15 : i1 to i32
    %cond3A_17 = arith.constant 0 : i32
    %cond3A_18 = arith.cmpi ne, %convert_element_type3A_16, %cond3A_17 : i32
    scf.if %cond3A_18 {
      %add3A_88 = arith.constant 56 : i32
      %add3A_89 = arith.addi %select_n3A, %add3A_88 : i32
      "tpu.region"() ({
        %run_scoped3A = tpu.sem_alloc : memref<!tpu.dma_semaphore, #tpu.memory_space<semaphore_mem>>
        %dma_start3A_90 = arith.constant 56 : i32
        %dma_start3A_91 = arith.constant 0 : i32
        %dma_start3A_92 = tpu.memref_slice %arg9[%dma_start3A_90, %dma_start3A_91] : memref<144x128xi32, #tpu.memory_space<vmem>> -> memref<88x128xi32, #tpu.memory_space<vmem>>
        %dma_start3A_93 = arith.constant 0 : i32
        %dma_start3A_94 = tpu.memref_slice %arg5[%add3A_89, %dma_start3A_93] : memref<3200x128xi32, #tpu.memory_space<hbm>> -> memref<88x128xi32, #tpu.memory_space<hbm>>
        %dma_start3A_95 = arith.constant 56 : i32
        %dma_start3A_96 = arith.constant 0 : i32
        %dma_start3A_97 = tpu.memref_slice %arg9[%dma_start3A_95, %dma_start3A_96] : memref<144x128xi32, #tpu.memory_space<vmem>> -> memref<88x128xi32, #tpu.memory_space<vmem>>
        %dma_start3A_98 = arith.constant 0 : i32
        %dma_start3A_99 = tpu.memref_slice %arg5[%add3A_89, %dma_start3A_98] : memref<3200x128xi32, #tpu.memory_space<hbm>> -> memref<88x128xi32, #tpu.memory_space<hbm>>
        tpu.enqueue_dma source(%dma_start3A_99 : memref<88x128xi32, #tpu.memory_space<hbm>>) target(%dma_start3A_97 : memref<88x128xi32, #tpu.memory_space<vmem>>) target_semaphore(%run_scoped3A : memref<!tpu.dma_semaphore, #tpu.memory_space<semaphore_mem>>)
        %dma_wait3A_100 = arith.constant 56 : i32
        %dma_wait3A_101 = arith.constant 0 : i32
        %dma_wait3A_102 = tpu.memref_slice %arg9[%dma_wait3A_100, %dma_wait3A_101] : memref<144x128xi32, #tpu.memory_space<vmem>> -> memref<88x128xi32, #tpu.memory_space<vmem>>
        %dma_wait3A_103 = arith.constant 0 : i32
        %dma_wait3A_104 = tpu.memref_slice %arg5[%add3A_89, %dma_wait3A_103] : memref<3200x128xi32, #tpu.memory_space<hbm>> -> memref<88x128xi32, #tpu.memory_space<hbm>>
        %dma_wait3A_105 = arith.constant 56 : i32
        %dma_wait3A_106 = arith.constant 0 : i32
        %dma_wait3A_107 = tpu.memref_slice %arg9[%dma_wait3A_105, %dma_wait3A_106] : memref<144x128xi32, #tpu.memory_space<vmem>> -> memref<88x128xi32, #tpu.memory_space<vmem>>
        %dma_wait3A_108 = arith.constant 0 : i32
        %dma_wait3A_109 = tpu.memref_slice %arg5[%add3A_89, %dma_wait3A_108] : memref<3200x128xi32, #tpu.memory_space<hbm>> -> memref<88x128xi32, #tpu.memory_space<hbm>>
        tpu.wait_dma2 semaphore(%run_scoped3A : memref<!tpu.dma_semaphore, #tpu.memory_space<semaphore_mem>>) src(%dma_wait3A_109 : memref<88x128xi32, #tpu.memory_space<hbm>>) dst(%dma_wait3A_107 : memref<88x128xi32, #tpu.memory_space<vmem>>)
        tpu.yield
      }) : () -> ()
    } else {
    }
    %scan3A = arith.constant 0 : i32
    %scan3A_19 = arith.constant 0 : i32
    %scan3A_20 = arith.constant 32 : i32
    %scan3A_21 = arith.addi %scan3A_19, %scan3A_20 : i32
    %scan3A_22 = arith.constant 1 : i32
    scf.for %scan3A_88 = %scan3A_19 to %scan3A_21 step %scan3A_22  : i32 {
      %broadcast_in_dim3A = arith.constant 0.000000e+00 : f32
      %broadcast_in_dim3A_89 = vector.broadcast %broadcast_in_dim3A : f32 to vector<16xf32>
      %swap3A = arith.index_cast %scan3A_88 : i32 to index
      %swap3A_90 = arith.constant 0 : index
      %swap3A_91 = tpu.vector_load %arg16[%swap3A, %swap3A_90] {strides = array<i32>} : memref<32x128xf32, #tpu.memory_space<vmem>>, vector<1x16xf32>,
      %swap3A_92 = vector.shape_cast %swap3A_91 : vector<1x16xf32> to vector<16xf32>
      %swap3A_93 = vector.shape_cast %broadcast_in_dim3A_89 : vector<16xf32> to vector<1x16xf32>
      tpu.vector_store %arg16[%swap3A, %swap3A_90], %swap3A_93 {strides = array<i32>} : memref<32x128xf32, #tpu.memory_space<vmem>>, vector<1x16xf32>,
      %broadcast_in_dim3A_94 = arith.constant 0.000000e+00 : f32
      %broadcast_in_dim3A_95 = vector.broadcast %broadcast_in_dim3A_94 : f32 to vector<16xf32>
      %swap3A_96 = arith.index_cast %scan3A_88 : i32 to index
      %swap3A_97 = arith.constant 16 : index
      %swap3A_98 = tpu.vector_load %arg16[%swap3A_96, %swap3A_97] {strides = array<i32>} : memref<32x128xf32, #tpu.memory_space<vmem>>, vector<1x16xf32>,
      %swap3A_99 = vector.shape_cast %swap3A_98 : vector<1x16xf32> to vector<16xf32>
      %swap3A_100 = vector.shape_cast %broadcast_in_dim3A_95 : vector<16xf32> to vector<1x16xf32>
      tpu.vector_store %arg16[%swap3A_96, %swap3A_97], %swap3A_100 {strides = array<i32>} : memref<32x128xf32, #tpu.memory_space<vmem>>, vector<1x16xf32>,
      %broadcast_in_dim3A_101 = arith.constant 0.000000e+00 : f32
      %broadcast_in_dim3A_102 = vector.broadcast %broadcast_in_dim3A_101 : f32 to vector<16xf32>
      %swap3A_103 = arith.index_cast %scan3A_88 : i32 to index
      %swap3A_104 = arith.constant 32 : index
      %swap3A_105 = tpu.vector_load %arg16[%swap3A_103, %swap3A_104] {strides = array<i32>} : memref<32x128xf32, #tpu.memory_space<vmem>>, vector<1x16xf32>,
      %swap3A_106 = vector.shape_cast %swap3A_105 : vector<1x16xf32> to vector<16xf32>
      %swap3A_107 = vector.shape_cast %broadcast_in_dim3A_102 : vector<16xf32> to vector<1x16xf32>
      tpu.vector_store %arg16[%swap3A_103, %swap3A_104], %swap3A_107 {strides = array<i32>} : memref<32x128xf32, #tpu.memory_space<vmem>>, vector<1x16xf32>,
      %broadcast_in_dim3A_108 = arith.constant 0.000000e+00 : f32
      %broadcast_in_dim3A_109 = vector.broadcast %broadcast_in_dim3A_108 : f32 to vector<16xf32>
      %swap3A_110 = arith.index_cast %scan3A_88 : i32 to index
      %swap3A_111 = arith.constant 48 : index
      %swap3A_112 = tpu.vector_load %arg16[%swap3A_110, %swap3A_111] {strides = array<i32>} : memref<32x128xf32, #tpu.memory_space<vmem>>, vector<1x16xf32>,
      %swap3A_113 = vector.shape_cast %swap3A_112 : vector<1x16xf32> to vector<16xf32>
      %swap3A_114 = vector.shape_cast %broadcast_in_dim3A_109 : vector<16xf32> to vector<1x16xf32>
      tpu.vector_store %arg16[%swap3A_110, %swap3A_111], %swap3A_114 {strides = array<i32>} : memref<32x128xf32, #tpu.memory_space<vmem>>, vector<1x16xf32>,
      %broadcast_in_dim3A_115 = arith.constant 0.000000e+00 : f32
      %broadcast_in_dim3A_116 = vector.broadcast %broadcast_in_dim3A_115 : f32 to vector<16xf32>
      %swap3A_117 = arith.index_cast %scan3A_88 : i32 to index
      %swap3A_118 = arith.constant 64 : index
      %swap3A_119 = tpu.vector_load %arg16[%swap3A_117, %swap3A_118] {strides = array<i32>} : memref<32x128xf32, #tpu.memory_space<vmem>>, vector<1x16xf32>,
      %swap3A_120 = vector.shape_cast %swap3A_119 : vector<1x16xf32> to vector<16xf32>
      %swap3A_121 = vector.shape_cast %broadcast_in_dim3A_116 : vector<16xf32> to vector<1x16xf32>
      tpu.vector_store %arg16[%swap3A_117, %swap3A_118], %swap3A_121 {strides = array<i32>} : memref<32x128xf32, #tpu.memory_space<vmem>>, vector<1x16xf32>,
      %broadcast_in_dim3A_122 = arith.constant 0.000000e+00 : f32
      %broadcast_in_dim3A_123 = vector.broadcast %broadcast_in_dim3A_122 : f32 to vector<16xf32>
      %swap3A_124 = arith.index_cast %scan3A_88 : i32 to index
      %swap3A_125 = arith.constant 80 : index
      %swap3A_126 = tpu.vector_load %arg16[%swap3A_124, %swap3A_125] {strides = array<i32>} : memref<32x128xf32, #tpu.memory_space<vmem>>, vector<1x16xf32>,
      %swap3A_127 = vector.shape_cast %swap3A_126 : vector<1x16xf32> to vector<16xf32>
      %swap3A_128 = vector.shape_cast %broadcast_in_dim3A_123 : vector<16xf32> to vector<1x16xf32>
      tpu.vector_store %arg16[%swap3A_124, %swap3A_125], %swap3A_128 {strides = array<i32>} : memref<32x128xf32, #tpu.memory_space<vmem>>, vector<1x16xf32>,
      %broadcast_in_dim3A_129 = arith.constant 0.000000e+00 : f32
      %broadcast_in_dim3A_130 = vector.broadcast %broadcast_in_dim3A_129 : f32 to vector<16xf32>
      %swap3A_131 = arith.index_cast %scan3A_88 : i32 to index
      %swap3A_132 = arith.constant 96 : index
      %swap3A_133 = tpu.vector_load %arg16[%swap3A_131, %swap3A_132] {strides = array<i32>} : memref<32x128xf32, #tpu.memory_space<vmem>>, vector<1x16xf32>,
      %swap3A_134 = vector.shape_cast %swap3A_133 : vector<1x16xf32> to vector<16xf32>
      %swap3A_135 = vector.shape_cast %broadcast_in_dim3A_130 : vector<16xf32> to vector<1x16xf32>
      tpu.vector_store %arg16[%swap3A_131, %swap3A_132], %swap3A_135 {strides = array<i32>} : memref<32x128xf32, #tpu.memory_space<vmem>>, vector<1x16xf32>,
      %broadcast_in_dim3A_136 = arith.constant 0.000000e+00 : f32
      %broadcast_in_dim3A_137 = vector.broadcast %broadcast_in_dim3A_136 : f32 to vector<16xf32>
      %swap3A_138 = arith.index_cast %scan3A_88 : i32 to index
      %swap3A_139 = arith.constant 112 : index
      %swap3A_140 = tpu.vector_load %arg16[%swap3A_138, %swap3A_139] {strides = array<i32>} : memref<32x128xf32, #tpu.memory_space<vmem>>, vector<1x16xf32>,
      %swap3A_141 = vector.shape_cast %swap3A_140 : vector<1x16xf32> to vector<16xf32>
      %swap3A_142 = vector.shape_cast %broadcast_in_dim3A_137 : vector<16xf32> to vector<1x16xf32>
      tpu.vector_store %arg16[%swap3A_138, %swap3A_139], %swap3A_142 {strides = array<i32>} : memref<32x128xf32, #tpu.memory_space<vmem>>, vector<1x16xf32>,
      %broadcast_in_dim3A_143 = arith.constant 0.000000e+00 : f32
      %broadcast_in_dim3A_144 = vector.broadcast %broadcast_in_dim3A_143 : f32 to vector<16xf32>
      %swap3A_145 = arith.index_cast %scan3A_88 : i32 to index
      %swap3A_146 = arith.constant 0 : index
      %swap3A_147 = tpu.vector_load %arg17[%swap3A_145, %swap3A_146] {strides = array<i32>} : memref<32x128xf32, #tpu.memory_space<vmem>>, vector<1x16xf32>,
      %swap3A_148 = vector.shape_cast %swap3A_147 : vector<1x16xf32> to vector<16xf32>
      %swap3A_149 = vector.shape_cast %broadcast_in_dim3A_144 : vector<16xf32> to vector<1x16xf32>
      tpu.vector_store %arg17[%swap3A_145, %swap3A_146], %swap3A_149 {strides = array<i32>} : memref<32x128xf32, #tpu.memory_space<vmem>>, vector<1x16xf32>,
      %broadcast_in_dim3A_150 = arith.constant 0.000000e+00 : f32
      %broadcast_in_dim3A_151 = vector.broadcast %broadcast_in_dim3A_150 : f32 to vector<16xf32>
      %swap3A_152 = arith.index_cast %scan3A_88 : i32 to index
      %swap3A_153 = arith.constant 16 : index
      %swap3A_154 = tpu.vector_load %arg17[%swap3A_152, %swap3A_153] {strides = array<i32>} : memref<32x128xf32, #tpu.memory_space<vmem>>, vector<1x16xf32>,
      %swap3A_155 = vector.shape_cast %swap3A_154 : vector<1x16xf32> to vector<16xf32>
      %swap3A_156 = vector.shape_cast %broadcast_in_dim3A_151 : vector<16xf32> to vector<1x16xf32>
      tpu.vector_store %arg17[%swap3A_152, %swap3A_153], %swap3A_156 {strides = array<i32>} : memref<32x128xf32, #tpu.memory_space<vmem>>, vector<1x16xf32>,
      %broadcast_in_dim3A_157 = arith.constant 0.000000e+00 : f32
      %broadcast_in_dim3A_158 = vector.broadcast %broadcast_in_dim3A_157 : f32 to vector<16xf32>
      %swap3A_159 = arith.index_cast %scan3A_88 : i32 to index
      %swap3A_160 = arith.constant 32 : index
      %swap3A_161 = tpu.vector_load %arg17[%swap3A_159, %swap3A_160] {strides = array<i32>} : memref<32x128xf32, #tpu.memory_space<vmem>>, vector<1x16xf32>,
      %swap3A_162 = vector.shape_cast %swap3A_161 : vector<1x16xf32> to vector<16xf32>
      %swap3A_163 = vector.shape_cast %broadcast_in_dim3A_158 : vector<16xf32> to vector<1x16xf32>
      tpu.vector_store %arg17[%swap3A_159, %swap3A_160], %swap3A_163 {strides = array<i32>} : memref<32x128xf32, #tpu.memory_space<vmem>>, vector<1x16xf32>,
      %broadcast_in_dim3A_164 = arith.constant 0.000000e+00 : f32
      %broadcast_in_dim3A_165 = vector.broadcast %broadcast_in_dim3A_164 : f32 to vector<16xf32>
      %swap3A_166 = arith.index_cast %scan3A_88 : i32 to index
      %swap3A_167 = arith.constant 48 : index
      %swap3A_168 = tpu.vector_load %arg17[%swap3A_166, %swap3A_167] {strides = array<i32>} : memref<32x128xf32, #tpu.memory_space<vmem>>, vector<1x16xf32>,
      %swap3A_169 = vector.shape_cast %swap3A_168 : vector<1x16xf32> to vector<16xf32>
      %swap3A_170 = vector.shape_cast %broadcast_in_dim3A_165 : vector<16xf32> to vector<1x16xf32>
      tpu.vector_store %arg17[%swap3A_166, %swap3A_167], %swap3A_170 {strides = array<i32>} : memref<32x128xf32, #tpu.memory_space<vmem>>, vector<1x16xf32>,
      %broadcast_in_dim3A_171 = arith.constant 0.000000e+00 : f32
      %broadcast_in_dim3A_172 = vector.broadcast %broadcast_in_dim3A_171 : f32 to vector<16xf32>
      %swap3A_173 = arith.index_cast %scan3A_88 : i32 to index
      %swap3A_174 = arith.constant 64 : index
      %swap3A_175 = tpu.vector_load %arg17[%swap3A_173, %swap3A_174] {strides = array<i32>} : memref<32x128xf32, #tpu.memory_space<vmem>>, vector<1x16xf32>,
      %swap3A_176 = vector.shape_cast %swap3A_175 : vector<1x16xf32> to vector<16xf32>
      %swap3A_177 = vector.shape_cast %broadcast_in_dim3A_172 : vector<16xf32> to vector<1x16xf32>
      tpu.vector_store %arg17[%swap3A_173, %swap3A_174], %swap3A_177 {strides = array<i32>} : memref<32x128xf32, #tpu.memory_space<vmem>>, vector<1x16xf32>,
      %broadcast_in_dim3A_178 = arith.constant 0.000000e+00 : f32
      %broadcast_in_dim3A_179 = vector.broadcast %broadcast_in_dim3A_178 : f32 to vector<16xf32>
      %swap3A_180 = arith.index_cast %scan3A_88 : i32 to index
      %swap3A_181 = arith.constant 80 : index
      %swap3A_182 = tpu.vector_load %arg17[%swap3A_180, %swap3A_181] {strides = array<i32>} : memref<32x128xf32, #tpu.memory_space<vmem>>, vector<1x16xf32>,
      %swap3A_183 = vector.shape_cast %swap3A_182 : vector<1x16xf32> to vector<16xf32>
      %swap3A_184 = vector.shape_cast %broadcast_in_dim3A_179 : vector<16xf32> to vector<1x16xf32>
      tpu.vector_store %arg17[%swap3A_180, %swap3A_181], %swap3A_184 {strides = array<i32>} : memref<32x128xf32, #tpu.memory_space<vmem>>, vector<1x16xf32>,
      %broadcast_in_dim3A_185 = arith.constant 0.000000e+00 : f32
      %broadcast_in_dim3A_186 = vector.broadcast %broadcast_in_dim3A_185 : f32 to vector<16xf32>
      %swap3A_187 = arith.index_cast %scan3A_88 : i32 to index
      %swap3A_188 = arith.constant 96 : index
      %swap3A_189 = tpu.vector_load %arg17[%swap3A_187, %swap3A_188] {strides = array<i32>} : memref<32x128xf32, #tpu.memory_space<vmem>>, vector<1x16xf32>,
      %swap3A_190 = vector.shape_cast %swap3A_189 : vector<1x16xf32> to vector<16xf32>
      %swap3A_191 = vector.shape_cast %broadcast_in_dim3A_186 : vector<16xf32> to vector<1x16xf32>
      tpu.vector_store %arg17[%swap3A_187, %swap3A_188], %swap3A_191 {strides = array<i32>} : memref<32x128xf32, #tpu.memory_space<vmem>>, vector<1x16xf32>,
      %broadcast_in_dim3A_192 = arith.constant 0.000000e+00 : f32
      %broadcast_in_dim3A_193 = vector.broadcast %broadcast_in_dim3A_192 : f32 to vector<16xf32>
      %swap3A_194 = arith.index_cast %scan3A_88 : i32 to index
      %swap3A_195 = arith.constant 112 : index
      %swap3A_196 = tpu.vector_load %arg17[%swap3A_194, %swap3A_195] {strides = array<i32>} : memref<32x128xf32, #tpu.memory_space<vmem>>, vector<1x16xf32>,
      %swap3A_197 = vector.shape_cast %swap3A_196 : vector<1x16xf32> to vector<16xf32>
      %swap3A_198 = vector.shape_cast %broadcast_in_dim3A_193 : vector<16xf32> to vector<1x16xf32>
      tpu.vector_store %arg17[%swap3A_194, %swap3A_195], %swap3A_198 {strides = array<i32>} : memref<32x128xf32, #tpu.memory_space<vmem>>, vector<1x16xf32>,
    }
    %scan3A_23 = arith.constant 32 : i32
    %dma_start3A = arith.constant 0 : i32
    %dma_start3A_24 = arith.constant 0 : i32
    %dma_start3A_25 = tpu.memref_slice %arg8[%dma_start3A, %dma_start3A_24] : memref<144x128xi32, #tpu.memory_space<vmem>> -> memref<1x128xi32, #tpu.memory_space<vmem>>
    %dma_start3A_26 = tpu.memref_squeeze %dma_start3A_25 : memref<1x128xi32, #tpu.memory_space<vmem>> -> memref<128xi32, #tpu.memory_space<vmem>>
    %dma_start3A_27 = arith.constant 0 : i32
    %dma_start3A_28 = arith.constant 0 : i32
    %dma_start3A_29 = tpu.memref_slice %arg2[%dma_start3A_27, %dma_start3A_28] : memref<100000x128xf32, #tpu.memory_space<hbm>> -> memref<100000x128xf32, #tpu.memory_space<hbm>>
    tpu.enqueue_indirect_dma source(%dma_start3A_29 : memref<100000x128xf32, #tpu.memory_space<hbm>>) target(%arg10 : memref<128x128xf32, #tpu.memory_space<vmem>>) offsets(%dma_start3A_26 : memref<128xi32, #tpu.memory_space<vmem>>) semaphore(%arg18 : memref<!tpu.dma_semaphore, #tpu.memory_space<semaphore_mem>>)
    %dma_start3A_30 = arith.constant 0 : i32
    %dma_start3A_31 = arith.constant 0 : i32
    %dma_start3A_32 = tpu.memref_slice %arg9[%dma_start3A_30, %dma_start3A_31] : memref<144x128xi32, #tpu.memory_space<vmem>> -> memref<1x128xi32, #tpu.memory_space<vmem>>
    %dma_start3A_33 = tpu.memref_squeeze %dma_start3A_32 : memref<1x128xi32, #tpu.memory_space<vmem>> -> memref<128xi32, #tpu.memory_space<vmem>>
    %dma_start3A_34 = arith.constant 0 : i32
    %dma_start3A_35 = arith.constant 0 : i32
    %dma_start3A_36 = tpu.memref_slice %arg4[%dma_start3A_34, %dma_start3A_35] : memref<400000x16xf32, #tpu.memory_space<hbm>> -> memref<400000x16xf32, #tpu.memory_space<hbm>>
    tpu.enqueue_indirect_dma source(%dma_start3A_36 : memref<400000x16xf32, #tpu.memory_space<hbm>>) target(%arg12 : memref<128x16xf32, #tpu.memory_space<vmem>>) offsets(%dma_start3A_33 : memref<128xi32, #tpu.memory_space<vmem>>) semaphore(%arg18 : memref<!tpu.dma_semaphore, #tpu.memory_space<semaphore_mem>>)
    %while3A = arith.constant 0 : i32
    %while3A_37 = arith.constant 0 : i32
    %while3A_38 = arith.subi %select_n3A_8, %while3A_37 : i32
    %while3A_39 = arith.addi %while3A_37, %while3A_38 : i32
    %while3A_40 = arith.constant 1 : i32
    %while3A_41 = arith.divsi %while3A_38, %while3A_40 : i32
    %while3A_42 = arith.muli %while3A_41, %while3A_40 : i32
    %while3A_43 = arith.addi %while3A_37, %while3A_42 : i32
    %while3A_44 = arith.constant 1 : i32
    scf.for %while3A_88 = %while3A_37 to %while3A_43 step %while3A_44  : i32 {
      %mul3A_89 = arith.constant 2 : i32
      %mul3A_90 = arith.muli %mul3A_89, %while3A_88 : i32
      %add3A_91 = arith.constant 1 : i32
      %add3A_92 = arith.addi %mul3A_90, %add3A_91 : i32
      %dma_start3A_93 = arith.constant 0 : i32
      %dma_start3A_94 = tpu.memref_slice %arg8[%add3A_92, %dma_start3A_93] : memref<144x128xi32, #tpu.memory_space<vmem>> -> memref<1x128xi32, #tpu.memory_space<vmem>>
      %dma_start3A_95 = tpu.memref_squeeze %dma_start3A_94 : memref<1x128xi32, #tpu.memory_space<vmem>> -> memref<128xi32, #tpu.memory_space<vmem>>
      %dma_start3A_96 = arith.constant 0 : i32
      %dma_start3A_97 = arith.constant 0 : i32
      %dma_start3A_98 = tpu.memref_slice %arg2[%dma_start3A_96, %dma_start3A_97] : memref<100000x128xf32, #tpu.memory_space<hbm>> -> memref<100000x128xf32, #tpu.memory_space<hbm>>
      tpu.enqueue_indirect_dma source(%dma_start3A_98 : memref<100000x128xf32, #tpu.memory_space<hbm>>) target(%arg11 : memref<128x128xf32, #tpu.memory_space<vmem>>) offsets(%dma_start3A_95 : memref<128xi32, #tpu.memory_space<vmem>>) semaphore(%arg19 : memref<!tpu.dma_semaphore, #tpu.memory_space<semaphore_mem>>)
      %dma_start3A_99 = arith.constant 0 : i32
      %dma_start3A_100 = tpu.memref_slice %arg9[%add3A_92, %dma_start3A_99] : memref<144x128xi32, #tpu.memory_space<vmem>> -> memref<1x128xi32, #tpu.memory_space<vmem>>
      %dma_start3A_101 = tpu.memref_squeeze %dma_start3A_100 : memref<1x128xi32, #tpu.memory_space<vmem>> -> memref<128xi32, #tpu.memory_space<vmem>>
      %dma_start3A_102 = arith.constant 0 : i32
      %dma_start3A_103 = arith.constant 0 : i32
      %dma_start3A_104 = tpu.memref_slice %arg4[%dma_start3A_102, %dma_start3A_103] : memref<400000x16xf32, #tpu.memory_space<hbm>> -> memref<400000x16xf32, #tpu.memory_space<hbm>>
      tpu.enqueue_indirect_dma source(%dma_start3A_104 : memref<400000x16xf32, #tpu.memory_space<hbm>>) target(%arg13 : memref<128x16xf32, #tpu.memory_space<vmem>>) offsets(%dma_start3A_101 : memref<128xi32, #tpu.memory_space<vmem>>) semaphore(%arg19 : memref<!tpu.dma_semaphore, #tpu.memory_space<semaphore_mem>>)
      %gt3A = arith.constant 0 : i32
      %gt3A_105 = arith.cmpi sgt, %while3A_88, %gt3A : i32
      %convert_element_type3A_106 = arith.extui %gt3A_105 : i1 to i32
      %cond3A_107 = arith.constant 0 : i32
      %cond3A_108 = arith.cmpi ne, %convert_element_type3A_106, %cond3A_107 : i32
      scf.if %cond3A_108 {
        %sub3A_195 = arith.constant 2 : i32
        %sub3A_196 = arith.subi %mul3A_90, %sub3A_195 : i32
        %mul3A_197 = arith.constant 32 : i32
        %mul3A_198 = arith.muli %sub3A_196, %mul3A_197 : i32
        %add3A_199 = arith.addi %mul3A_10, %mul3A_198 : i32
        %dma_wait3A_200 = arith.constant 0 : i32
        %dma_wait3A_201 = tpu.memref_slice %arg6[%add3A_199, %dma_wait3A_200] : memref<102400x128xf32, #tpu.memory_space<hbm>> -> memref<32x128xf32, #tpu.memory_space<hbm>>
        %dma_wait3A_202 = arith.constant 0 : i32
        %dma_wait3A_203 = tpu.memref_slice %arg6[%add3A_199, %dma_wait3A_202] : memref<102400x128xf32, #tpu.memory_space<hbm>> -> memref<32x128xf32, #tpu.memory_space<hbm>>
        tpu.wait_dma2 semaphore(%arg20 : memref<!tpu.dma_semaphore, #tpu.memory_space<semaphore_mem>>) src(%arg14 : memref<32x128xf32, #tpu.memory_space<vmem>>) dst(%dma_wait3A_203 : memref<32x128xf32, #tpu.memory_space<hbm>>)
        %sub3A_204 = arith.constant 2 : i32
        %sub3A_205 = arith.subi %mul3A_90, %sub3A_204 : i32
        %mul3A_206 = arith.constant 32 : i32
        %mul3A_207 = arith.muli %sub3A_205, %mul3A_206 : i32
        %add3A_208 = arith.addi %mul3A_10, %mul3A_207 : i32
        %dma_wait3A_209 = arith.constant 0 : i32
        %dma_wait3A_210 = tpu.memref_slice %arg7[%add3A_208, %dma_wait3A_209] : memref<102400x128xf32, #tpu.memory_space<hbm>> -> memref<32x128xf32, #tpu.memory_space<hbm>>
        %dma_wait3A_211 = arith.constant 0 : i32
        %dma_wait3A_212 = tpu.memref_slice %arg7[%add3A_208, %dma_wait3A_211] : memref<102400x128xf32, #tpu.memory_space<hbm>> -> memref<32x128xf32, #tpu.memory_space<hbm>>
        tpu.wait_dma2 semaphore(%arg20 : memref<!tpu.dma_semaphore, #tpu.memory_space<semaphore_mem>>) src(%arg16 : memref<32x128xf32, #tpu.memory_space<vmem>>) dst(%dma_wait3A_212 : memref<32x128xf32, #tpu.memory_space<hbm>>)
      } else {
      }
      %dma_wait3A_109 = arith.constant 0 : i32
      %dma_wait3A_110 = tpu.memref_slice %arg8[%mul3A_90, %dma_wait3A_109] : memref<144x128xi32, #tpu.memory_space<vmem>> -> memref<1x128xi32, #tpu.memory_space<vmem>>
      %dma_wait3A_111 = tpu.memref_squeeze %dma_wait3A_110 : memref<1x128xi32, #tpu.memory_space<vmem>> -> memref<128xi32, #tpu.memory_space<vmem>>
      %dma_wait3A_112 = arith.constant 0 : i32
      %dma_wait3A_113 = arith.constant 0 : i32
      %dma_wait3A_114 = tpu.memref_slice %arg2[%dma_wait3A_112, %dma_wait3A_113] : memref<100000x128xf32, #tpu.memory_space<hbm>> -> memref<100000x128xf32, #tpu.memory_space<hbm>>
      tpu.wait_indirect_dma semaphore(%arg18 : memref<!tpu.dma_semaphore, #tpu.memory_space<semaphore_mem>>) src(%dma_wait3A_114 : memref<100000x128xf32, #tpu.memory_space<hbm>>) dst(%arg10 : memref<128x128xf32, #tpu.memory_space<vmem>>)
      %dma_wait3A_115 = arith.constant 0 : i32
      %dma_wait3A_116 = tpu.memref_slice %arg9[%mul3A_90, %dma_wait3A_115] : memref<144x128xi32, #tpu.memory_space<vmem>> -> memref<1x128xi32, #tpu.memory_space<vmem>>
      %dma_wait3A_117 = tpu.memref_squeeze %dma_wait3A_116 : memref<1x128xi32, #tpu.memory_space<vmem>> -> memref<128xi32, #tpu.memory_space<vmem>>
      %dma_wait3A_118 = arith.constant 0 : i32
      %dma_wait3A_119 = arith.constant 0 : i32
      %dma_wait3A_120 = tpu.memref_slice %arg4[%dma_wait3A_118, %dma_wait3A_119] : memref<400000x16xf32, #tpu.memory_space<hbm>> -> memref<400000x16xf32, #tpu.memory_space<hbm>>
      tpu.wait_indirect_dma semaphore(%arg18 : memref<!tpu.dma_semaphore, #tpu.memory_space<semaphore_mem>>) src(%dma_wait3A_120 : memref<400000x16xf32, #tpu.memory_space<hbm>>) dst(%arg12 : memref<128x16xf32, #tpu.memory_space<vmem>>)
      %scan3A_121 = arith.constant 0 : i32
      %scan3A_122 = arith.constant 0 : i32
      %scan3A_123 = arith.constant 32 : i32
      %scan3A_124 = arith.addi %scan3A_122, %scan3A_123 : i32
      %scan3A_125 = arith.constant 1 : i32
      scf.for %scan3A_195 = %scan3A_122 to %scan3A_124 step %scan3A_125  : i32 {
        %get3A = arith.index_cast %scan3A_195 : i32 to index
        %get3A_196 = arith.constant 0 : index
        %get3A_197 = tpu.vector_load %arg10[%get3A, %get3A_196] {strides = array<i32>} : memref<128x128xf32, #tpu.memory_space<vmem>>, vector<1x16xf32>,
        %get3A_198 = vector.shape_cast %get3A_197 : vector<1x16xf32> to vector<16xf32>
        %add3A_199 = arith.constant 32 : i32
        %add3A_200 = arith.addi %add3A_199, %scan3A_195 : i32
        %get3A_201 = arith.index_cast %add3A_200 : i32 to index
        %get3A_202 = arith.constant 0 : index
        %get3A_203 = tpu.vector_load %arg10[%get3A_201, %get3A_202] {strides = array<i32>} : memref<128x128xf32, #tpu.memory_space<vmem>>, vector<1x16xf32>,
        %get3A_204 = vector.shape_cast %get3A_203 : vector<1x16xf32> to vector<16xf32>
        %add3A_205 = arith.addf %get3A_198, %get3A_204 : vector<16xf32>
        %add3A_206 = arith.constant 64 : i32
        %add3A_207 = arith.addi %add3A_206, %scan3A_195 : i32
        %get3A_208 = arith.index_cast %add3A_207 : i32 to index
        %get3A_209 = arith.constant 0 : index
        %get3A_210 = tpu.vector_load %arg10[%get3A_208, %get3A_209] {strides = array<i32>} : memref<128x128xf32, #tpu.memory_space<vmem>>, vector<1x16xf32>,
        %get3A_211 = vector.shape_cast %get3A_210 : vector<1x16xf32> to vector<16xf32>
        %add3A_212 = arith.addf %add3A_205, %get3A_211 : vector<16xf32>
        %add3A_213 = arith.constant 96 : i32
        %add3A_214 = arith.addi %add3A_213, %scan3A_195 : i32
        %get3A_215 = arith.index_cast %add3A_214 : i32 to index
        %get3A_216 = arith.constant 0 : index
        %get3A_217 = tpu.vector_load %arg10[%get3A_215, %get3A_216] {strides = array<i32>} : memref<128x128xf32, #tpu.memory_space<vmem>>, vector<1x16xf32>,
        %get3A_218 = vector.shape_cast %get3A_217 : vector<1x16xf32> to vector<16xf32>
        %add3A_219 = arith.addf %add3A_212, %get3A_218 : vector<16xf32>
        %swap3A = arith.index_cast %scan3A_195 : i32 to index
        %swap3A_220 = arith.constant 0 : index
        %swap3A_221 = tpu.vector_load %arg14[%swap3A, %swap3A_220] {strides = array<i32>} : memref<32x128xf32, #tpu.memory_space<vmem>>, vector<1x16xf32>,
        %swap3A_222 = vector.shape_cast %swap3A_221 : vector<1x16xf32> to vector<16xf32>
        %swap3A_223 = vector.shape_cast %add3A_219 : vector<16xf32> to vector<1x16xf32>
        tpu.vector_store %arg14[%swap3A, %swap3A_220], %swap3A_223 {strides = array<i32>} : memref<32x128xf32, #tpu.memory_space<vmem>>, vector<1x16xf32>,
        %get3A_224 = arith.index_cast %scan3A_195 : i32 to index
        %get3A_225 = arith.constant 16 : index
        %get3A_226 = tpu.vector_load %arg10[%get3A_224, %get3A_225] {strides = array<i32>} : memref<128x128xf32, #tpu.memory_space<vmem>>, vector<1x16xf32>,
        %get3A_227 = vector.shape_cast %get3A_226 : vector<1x16xf32> to vector<16xf32>
        %add3A_228 = arith.constant 32 : i32
        %add3A_229 = arith.addi %add3A_228, %scan3A_195 : i32
        %get3A_230 = arith.index_cast %add3A_229 : i32 to index
        %get3A_231 = arith.constant 16 : index
        %get3A_232 = tpu.vector_load %arg10[%get3A_230, %get3A_231] {strides = array<i32>} : memref<128x128xf32, #tpu.memory_space<vmem>>, vector<1x16xf32>,
        %get3A_233 = vector.shape_cast %get3A_232 : vector<1x16xf32> to vector<16xf32>
        %add3A_234 = arith.addf %get3A_227, %get3A_233 : vector<16xf32>
        %add3A_235 = arith.constant 64 : i32
        %add3A_236 = arith.addi %add3A_235, %scan3A_195 : i32
        %get3A_237 = arith.index_cast %add3A_236 : i32 to index
        %get3A_238 = arith.constant 16 : index
        %get3A_239 = tpu.vector_load %arg10[%get3A_237, %get3A_238] {strides = array<i32>} : memref<128x128xf32, #tpu.memory_space<vmem>>, vector<1x16xf32>,
        %get3A_240 = vector.shape_cast %get3A_239 : vector<1x16xf32> to vector<16xf32>
        %add3A_241 = arith.addf %add3A_234, %get3A_240 : vector<16xf32>
        %add3A_242 = arith.constant 96 : i32
        %add3A_243 = arith.addi %add3A_242, %scan3A_195 : i32
        %get3A_244 = arith.index_cast %add3A_243 : i32 to index
        %get3A_245 = arith.constant 16 : index
        %get3A_246 = tpu.vector_load %arg10[%get3A_244, %get3A_245] {strides = array<i32>} : memref<128x128xf32, #tpu.memory_space<vmem>>, vector<1x16xf32>,
        %get3A_247 = vector.shape_cast %get3A_246 : vector<1x16xf32> to vector<16xf32>
        %add3A_248 = arith.addf %add3A_241, %get3A_247 : vector<16xf32>
        %swap3A_249 = arith.index_cast %scan3A_195 : i32 to index
        %swap3A_250 = arith.constant 16 : index
        %swap3A_251 = tpu.vector_load %arg14[%swap3A_249, %swap3A_250] {strides = array<i32>} : memref<32x128xf32, #tpu.memory_space<vmem>>, vector<1x16xf32>,
        %swap3A_252 = vector.shape_cast %swap3A_251 : vector<1x16xf32> to vector<16xf32>
        %swap3A_253 = vector.shape_cast %add3A_248 : vector<16xf32> to vector<1x16xf32>
        tpu.vector_store %arg14[%swap3A_249, %swap3A_250], %swap3A_253 {strides = array<i32>} : memref<32x128xf32, #tpu.memory_space<vmem>>, vector<1x16xf32>,
        %get3A_254 = arith.index_cast %scan3A_195 : i32 to index
        %get3A_255 = arith.constant 32 : index
        %get3A_256 = tpu.vector_load %arg10[%get3A_254, %get3A_255] {strides = array<i32>} : memref<128x128xf32, #tpu.memory_space<vmem>>, vector<1x16xf32>,
        %get3A_257 = vector.shape_cast %get3A_256 : vector<1x16xf32> to vector<16xf32>
        %add3A_258 = arith.constant 32 : i32
        %add3A_259 = arith.addi %add3A_258, %scan3A_195 : i32
        %get3A_260 = arith.index_cast %add3A_259 : i32 to index
        %get3A_261 = arith.constant 32 : index
        %get3A_262 = tpu.vector_load %arg10[%get3A_260, %get3A_261] {strides = array<i32>} : memref<128x128xf32, #tpu.memory_space<vmem>>, vector<1x16xf32>,
        %get3A_263 = vector.shape_cast %get3A_262 : vector<1x16xf32> to vector<16xf32>
        %add3A_264 = arith.addf %get3A_257, %get3A_263 : vector<16xf32>
        %add3A_265 = arith.constant 64 : i32
        %add3A_266 = arith.addi %add3A_265, %scan3A_195 : i32
        %get3A_267 = arith.index_cast %add3A_266 : i32 to index
        %get3A_268 = arith.constant 32 : index
        %get3A_269 = tpu.vector_load %arg10[%get3A_267, %get3A_268] {strides = array<i32>} : memref<128x128xf32, #tpu.memory_space<vmem>>, vector<1x16xf32>,
        %get3A_270 = vector.shape_cast %get3A_269 : vector<1x16xf32> to vector<16xf32>
        %add3A_271 = arith.addf %add3A_264, %get3A_270 : vector<16xf32>
        %add3A_272 = arith.constant 96 : i32
        %add3A_273 = arith.addi %add3A_272, %scan3A_195 : i32
        %get3A_274 = arith.index_cast %add3A_273 : i32 to index
        %get3A_275 = arith.constant 32 : index
        %get3A_276 = tpu.vector_load %arg10[%get3A_274, %get3A_275] {strides = array<i32>} : memref<128x128xf32, #tpu.memory_space<vmem>>, vector<1x16xf32>,
        %get3A_277 = vector.shape_cast %get3A_276 : vector<1x16xf32> to vector<16xf32>
        %add3A_278 = arith.addf %add3A_271, %get3A_277 : vector<16xf32>
        %swap3A_279 = arith.index_cast %scan3A_195 : i32 to index
        %swap3A_280 = arith.constant 32 : index
        %swap3A_281 = tpu.vector_load %arg14[%swap3A_279, %swap3A_280] {strides = array<i32>} : memref<32x128xf32, #tpu.memory_space<vmem>>, vector<1x16xf32>,
        %swap3A_282 = vector.shape_cast %swap3A_281 : vector<1x16xf32> to vector<16xf32>
        %swap3A_283 = vector.shape_cast %add3A_278 : vector<16xf32> to vector<1x16xf32>
        tpu.vector_store %arg14[%swap3A_279, %swap3A_280], %swap3A_283 {strides = array<i32>} : memref<32x128xf32, #tpu.memory_space<vmem>>, vector<1x16xf32>,
        %get3A_284 = arith.index_cast %scan3A_195 : i32 to index
        %get3A_285 = arith.constant 48 : index
        %get3A_286 = tpu.vector_load %arg10[%get3A_284, %get3A_285] {strides = array<i32>} : memref<128x128xf32, #tpu.memory_space<vmem>>, vector<1x16xf32>,
        %get3A_287 = vector.shape_cast %get3A_286 : vector<1x16xf32> to vector<16xf32>
        %add3A_288 = arith.constant 32 : i32
        %add3A_289 = arith.addi %add3A_288, %scan3A_195 : i32
        %get3A_290 = arith.index_cast %add3A_289 : i32 to index
        %get3A_291 = arith.constant 48 : index
        %get3A_292 = tpu.vector_load %arg10[%get3A_290, %get3A_291] {strides = array<i32>} : memref<128x128xf32, #tpu.memory_space<vmem>>, vector<1x16xf32>,
        %get3A_293 = vector.shape_cast %get3A_292 : vector<1x16xf32> to vector<16xf32>
        %add3A_294 = arith.addf %get3A_287, %get3A_293 : vector<16xf32>
        %add3A_295 = arith.constant 64 : i32
        %add3A_296 = arith.addi %add3A_295, %scan3A_195 : i32
        %get3A_297 = arith.index_cast %add3A_296 : i32 to index
        %get3A_298 = arith.constant 48 : index
        %get3A_299 = tpu.vector_load %arg10[%get3A_297, %get3A_298] {strides = array<i32>} : memref<128x128xf32, #tpu.memory_space<vmem>>, vector<1x16xf32>,
        %get3A_300 = vector.shape_cast %get3A_299 : vector<1x16xf32> to vector<16xf32>
        %add3A_301 = arith.addf %add3A_294, %get3A_300 : vector<16xf32>
        %add3A_302 = arith.constant 96 : i32
        %add3A_303 = arith.addi %add3A_302, %scan3A_195 : i32
        %get3A_304 = arith.index_cast %add3A_303 : i32 to index
        %get3A_305 = arith.constant 48 : index
        %get3A_306 = tpu.vector_load %arg10[%get3A_304, %get3A_305] {strides = array<i32>} : memref<128x128xf32, #tpu.memory_space<vmem>>, vector<1x16xf32>,
        %get3A_307 = vector.shape_cast %get3A_306 : vector<1x16xf32> to vector<16xf32>
        %add3A_308 = arith.addf %add3A_301, %get3A_307 : vector<16xf32>
        %swap3A_309 = arith.index_cast %scan3A_195 : i32 to index
        %swap3A_310 = arith.constant 48 : index
        %swap3A_311 = tpu.vector_load %arg14[%swap3A_309, %swap3A_310] {strides = array<i32>} : memref<32x128xf32, #tpu.memory_space<vmem>>, vector<1x16xf32>,
        %swap3A_312 = vector.shape_cast %swap3A_311 : vector<1x16xf32> to vector<16xf32>
        %swap3A_313 = vector.shape_cast %add3A_308 : vector<16xf32> to vector<1x16xf32>
        tpu.vector_store %arg14[%swap3A_309, %swap3A_310], %swap3A_313 {strides = array<i32>} : memref<32x128xf32, #tpu.memory_space<vmem>>, vector<1x16xf32>,
        %get3A_314 = arith.index_cast %scan3A_195 : i32 to index
        %get3A_315 = arith.constant 64 : index
        %get3A_316 = tpu.vector_load %arg10[%get3A_314, %get3A_315] {strides = array<i32>} : memref<128x128xf32, #tpu.memory_space<vmem>>, vector<1x16xf32>,
        %get3A_317 = vector.shape_cast %get3A_316 : vector<1x16xf32> to vector<16xf32>
        %add3A_318 = arith.constant 32 : i32
        %add3A_319 = arith.addi %add3A_318, %scan3A_195 : i32
        %get3A_320 = arith.index_cast %add3A_319 : i32 to index
        %get3A_321 = arith.constant 64 : index
        %get3A_322 = tpu.vector_load %arg10[%get3A_320, %get3A_321] {strides = array<i32>} : memref<128x128xf32, #tpu.memory_space<vmem>>, vector<1x16xf32>,
        %get3A_323 = vector.shape_cast %get3A_322 : vector<1x16xf32> to vector<16xf32>
        %add3A_324 = arith.addf %get3A_317, %get3A_323 : vector<16xf32>
        %add3A_325 = arith.constant 64 : i32
        %add3A_326 = arith.addi %add3A_325, %scan3A_195 : i32
        %get3A_327 = arith.index_cast %add3A_326 : i32 to index
        %get3A_328 = arith.constant 64 : index
        %get3A_329 = tpu.vector_load %arg10[%get3A_327, %get3A_328] {strides = array<i32>} : memref<128x128xf32, #tpu.memory_space<vmem>>, vector<1x16xf32>,
        %get3A_330 = vector.shape_cast %get3A_329 : vector<1x16xf32> to vector<16xf32>
        %add3A_331 = arith.addf %add3A_324, %get3A_330 : vector<16xf32>
        %add3A_332 = arith.constant 96 : i32
        %add3A_333 = arith.addi %add3A_332, %scan3A_195 : i32
        %get3A_334 = arith.index_cast %add3A_333 : i32 to index
        %get3A_335 = arith.constant 64 : index
        %get3A_336 = tpu.vector_load %arg10[%get3A_334, %get3A_335] {strides = array<i32>} : memref<128x128xf32, #tpu.memory_space<vmem>>, vector<1x16xf32>,
        %get3A_337 = vector.shape_cast %get3A_336 : vector<1x16xf32> to vector<16xf32>
        %add3A_338 = arith.addf %add3A_331, %get3A_337 : vector<16xf32>
        %swap3A_339 = arith.index_cast %scan3A_195 : i32 to index
        %swap3A_340 = arith.constant 64 : index
        %swap3A_341 = tpu.vector_load %arg14[%swap3A_339, %swap3A_340] {strides = array<i32>} : memref<32x128xf32, #tpu.memory_space<vmem>>, vector<1x16xf32>,
        %swap3A_342 = vector.shape_cast %swap3A_341 : vector<1x16xf32> to vector<16xf32>
        %swap3A_343 = vector.shape_cast %add3A_338 : vector<16xf32> to vector<1x16xf32>
        tpu.vector_store %arg14[%swap3A_339, %swap3A_340], %swap3A_343 {strides = array<i32>} : memref<32x128xf32, #tpu.memory_space<vmem>>, vector<1x16xf32>,
        %get3A_344 = arith.index_cast %scan3A_195 : i32 to index
        %get3A_345 = arith.constant 80 : index
        %get3A_346 = tpu.vector_load %arg10[%get3A_344, %get3A_345] {strides = array<i32>} : memref<128x128xf32, #tpu.memory_space<vmem>>, vector<1x16xf32>,
        %get3A_347 = vector.shape_cast %get3A_346 : vector<1x16xf32> to vector<16xf32>
        %add3A_348 = arith.constant 32 : i32
        %add3A_349 = arith.addi %add3A_348, %scan3A_195 : i32
        %get3A_350 = arith.index_cast %add3A_349 : i32 to index
        %get3A_351 = arith.constant 80 : index
        %get3A_352 = tpu.vector_load %arg10[%get3A_350, %get3A_351] {strides = array<i32>} : memref<128x128xf32, #tpu.memory_space<vmem>>, vector<1x16xf32>,
        %get3A_353 = vector.shape_cast %get3A_352 : vector<1x16xf32> to vector<16xf32>
        %add3A_354 = arith.addf %get3A_347, %get3A_353 : vector<16xf32>
        %add3A_355 = arith.constant 64 : i32
        %add3A_356 = arith.addi %add3A_355, %scan3A_195 : i32
        %get3A_357 = arith.index_cast %add3A_356 : i32 to index
        %get3A_358 = arith.constant 80 : index
        %get3A_359 = tpu.vector_load %arg10[%get3A_357, %get3A_358] {strides = array<i32>} : memref<128x128xf32, #tpu.memory_space<vmem>>, vector<1x16xf32>,
        %get3A_360 = vector.shape_cast %get3A_359 : vector<1x16xf32> to vector<16xf32>
        %add3A_361 = arith.addf %add3A_354, %get3A_360 : vector<16xf32>
        %add3A_362 = arith.constant 96 : i32
        %add3A_363 = arith.addi %add3A_362, %scan3A_195 : i32
        %get3A_364 = arith.index_cast %add3A_363 : i32 to index
        %get3A_365 = arith.constant 80 : index
        %get3A_366 = tpu.vector_load %arg10[%get3A_364, %get3A_365] {strides = array<i32>} : memref<128x128xf32, #tpu.memory_space<vmem>>, vector<1x16xf32>,
        %get3A_367 = vector.shape_cast %get3A_366 : vector<1x16xf32> to vector<16xf32>
        %add3A_368 = arith.addf %add3A_361, %get3A_367 : vector<16xf32>
        %swap3A_369 = arith.index_cast %scan3A_195 : i32 to index
        %swap3A_370 = arith.constant 80 : index
        %swap3A_371 = tpu.vector_load %arg14[%swap3A_369, %swap3A_370] {strides = array<i32>} : memref<32x128xf32, #tpu.memory_space<vmem>>, vector<1x16xf32>,
        %swap3A_372 = vector.shape_cast %swap3A_371 : vector<1x16xf32> to vector<16xf32>
        %swap3A_373 = vector.shape_cast %add3A_368 : vector<16xf32> to vector<1x16xf32>
        tpu.vector_store %arg14[%swap3A_369, %swap3A_370], %swap3A_373 {strides = array<i32>} : memref<32x128xf32, #tpu.memory_space<vmem>>, vector<1x16xf32>,
        %get3A_374 = arith.index_cast %scan3A_195 : i32 to index
        %get3A_375 = arith.constant 96 : index
        %get3A_376 = tpu.vector_load %arg10[%get3A_374, %get3A_375] {strides = array<i32>} : memref<128x128xf32, #tpu.memory_space<vmem>>, vector<1x16xf32>,
        %get3A_377 = vector.shape_cast %get3A_376 : vector<1x16xf32> to vector<16xf32>
        %add3A_378 = arith.constant 32 : i32
        %add3A_379 = arith.addi %add3A_378, %scan3A_195 : i32
        %get3A_380 = arith.index_cast %add3A_379 : i32 to index
        %get3A_381 = arith.constant 96 : index
        %get3A_382 = tpu.vector_load %arg10[%get3A_380, %get3A_381] {strides = array<i32>} : memref<128x128xf32, #tpu.memory_space<vmem>>, vector<1x16xf32>,
        %get3A_383 = vector.shape_cast %get3A_382 : vector<1x16xf32> to vector<16xf32>
        %add3A_384 = arith.addf %get3A_377, %get3A_383 : vector<16xf32>
        %add3A_385 = arith.constant 64 : i32
        %add3A_386 = arith.addi %add3A_385, %scan3A_195 : i32
        %get3A_387 = arith.index_cast %add3A_386 : i32 to index
        %get3A_388 = arith.constant 96 : index
        %get3A_389 = tpu.vector_load %arg10[%get3A_387, %get3A_388] {strides = array<i32>} : memref<128x128xf32, #tpu.memory_space<vmem>>, vector<1x16xf32>,
        %get3A_390 = vector.shape_cast %get3A_389 : vector<1x16xf32> to vector<16xf32>
        %add3A_391 = arith.addf %add3A_384, %get3A_390 : vector<16xf32>
        %add3A_392 = arith.constant 96 : i32
        %add3A_393 = arith.addi %add3A_392, %scan3A_195 : i32
        %get3A_394 = arith.index_cast %add3A_393 : i32 to index
        %get3A_395 = arith.constant 96 : index
        %get3A_396 = tpu.vector_load %arg10[%get3A_394, %get3A_395] {strides = array<i32>} : memref<128x128xf32, #tpu.memory_space<vmem>>, vector<1x16xf32>,
        %get3A_397 = vector.shape_cast %get3A_396 : vector<1x16xf32> to vector<16xf32>
        %add3A_398 = arith.addf %add3A_391, %get3A_397 : vector<16xf32>
        %swap3A_399 = arith.index_cast %scan3A_195 : i32 to index
        %swap3A_400 = arith.constant 96 : index
        %swap3A_401 = tpu.vector_load %arg14[%swap3A_399, %swap3A_400] {strides = array<i32>} : memref<32x128xf32, #tpu.memory_space<vmem>>, vector<1x16xf32>,
        %swap3A_402 = vector.shape_cast %swap3A_401 : vector<1x16xf32> to vector<16xf32>
        %swap3A_403 = vector.shape_cast %add3A_398 : vector<16xf32> to vector<1x16xf32>
        tpu.vector_store %arg14[%swap3A_399, %swap3A_400], %swap3A_403 {strides = array<i32>} : memref<32x128xf32, #tpu.memory_space<vmem>>, vector<1x16xf32>,
        %get3A_404 = arith.index_cast %scan3A_195 : i32 to index
        %get3A_405 = arith.constant 112 : index
        %get3A_406 = tpu.vector_load %arg10[%get3A_404, %get3A_405] {strides = array<i32>} : memref<128x128xf32, #tpu.memory_space<vmem>>, vector<1x16xf32>,
        %get3A_407 = vector.shape_cast %get3A_406 : vector<1x16xf32> to vector<16xf32>
        %add3A_408 = arith.constant 32 : i32
        %add3A_409 = arith.addi %add3A_408, %scan3A_195 : i32
        %get3A_410 = arith.index_cast %add3A_409 : i32 to index
        %get3A_411 = arith.constant 112 : index
        %get3A_412 = tpu.vector_load %arg10[%get3A_410, %get3A_411] {strides = array<i32>} : memref<128x128xf32, #tpu.memory_space<vmem>>, vector<1x16xf32>,
        %get3A_413 = vector.shape_cast %get3A_412 : vector<1x16xf32> to vector<16xf32>
        %add3A_414 = arith.addf %get3A_407, %get3A_413 : vector<16xf32>
        %add3A_415 = arith.constant 64 : i32
        %add3A_416 = arith.addi %add3A_415, %scan3A_195 : i32
        %get3A_417 = arith.index_cast %add3A_416 : i32 to index
        %get3A_418 = arith.constant 112 : index
        %get3A_419 = tpu.vector_load %arg10[%get3A_417, %get3A_418] {strides = array<i32>} : memref<128x128xf32, #tpu.memory_space<vmem>>, vector<1x16xf32>,
        %get3A_420 = vector.shape_cast %get3A_419 : vector<1x16xf32> to vector<16xf32>
        %add3A_421 = arith.addf %add3A_414, %get3A_420 : vector<16xf32>
        %add3A_422 = arith.constant 96 : i32
        %add3A_423 = arith.addi %add3A_422, %scan3A_195 : i32
        %get3A_424 = arith.index_cast %add3A_423 : i32 to index
        %get3A_425 = arith.constant 112 : index
        %get3A_426 = tpu.vector_load %arg10[%get3A_424, %get3A_425] {strides = array<i32>} : memref<128x128xf32, #tpu.memory_space<vmem>>, vector<1x16xf32>,
        %get3A_427 = vector.shape_cast %get3A_426 : vector<1x16xf32> to vector<16xf32>
        %add3A_428 = arith.addf %add3A_421, %get3A_427 : vector<16xf32>
        %swap3A_429 = arith.index_cast %scan3A_195 : i32 to index
        %swap3A_430 = arith.constant 112 : index
        %swap3A_431 = tpu.vector_load %arg14[%swap3A_429, %swap3A_430] {strides = array<i32>} : memref<32x128xf32, #tpu.memory_space<vmem>>, vector<1x16xf32>,
        %swap3A_432 = vector.shape_cast %swap3A_431 : vector<1x16xf32> to vector<16xf32>
        %swap3A_433 = vector.shape_cast %add3A_428 : vector<16xf32> to vector<1x16xf32>
        tpu.vector_store %arg14[%swap3A_429, %swap3A_430], %swap3A_433 {strides = array<i32>} : memref<32x128xf32, #tpu.memory_space<vmem>>, vector<1x16xf32>,
      }
      %scan3A_126 = arith.constant 32 : i32
      %scan3A_127 = arith.constant 0 : i32
      %scan3A_128 = arith.constant 0 : i32
      %scan3A_129 = arith.constant 32 : i32
      %scan3A_130 = arith.addi %scan3A_128, %scan3A_129 : i32
      %scan3A_131 = arith.constant 1 : i32
      scf.for %scan3A_195 = %scan3A_128 to %scan3A_130 step %scan3A_131  : i32 {
        %get3A = arith.index_cast %scan3A_195 : i32 to index
        %get3A_196 = arith.constant 0 : index
        %get3A_197 = tpu.vector_load %arg12[%get3A, %get3A_196] {strides = array<i32>} : memref<128x16xf32, #tpu.memory_space<vmem>>, vector<1x16xf32>,
        %get3A_198 = vector.shape_cast %get3A_197 : vector<1x16xf32> to vector<16xf32>
        %add3A_199 = arith.constant 32 : i32
        %add3A_200 = arith.addi %add3A_199, %scan3A_195 : i32
        %get3A_201 = arith.index_cast %add3A_200 : i32 to index
        %get3A_202 = arith.constant 0 : index
        %get3A_203 = tpu.vector_load %arg12[%get3A_201, %get3A_202] {strides = array<i32>} : memref<128x16xf32, #tpu.memory_space<vmem>>, vector<1x16xf32>,
        %get3A_204 = vector.shape_cast %get3A_203 : vector<1x16xf32> to vector<16xf32>
        %add3A_205 = arith.addf %get3A_198, %get3A_204 : vector<16xf32>
        %add3A_206 = arith.constant 64 : i32
        %add3A_207 = arith.addi %add3A_206, %scan3A_195 : i32
        %get3A_208 = arith.index_cast %add3A_207 : i32 to index
        %get3A_209 = arith.constant 0 : index
        %get3A_210 = tpu.vector_load %arg12[%get3A_208, %get3A_209] {strides = array<i32>} : memref<128x16xf32, #tpu.memory_space<vmem>>, vector<1x16xf32>,
        %get3A_211 = vector.shape_cast %get3A_210 : vector<1x16xf32> to vector<16xf32>
        %add3A_212 = arith.addf %add3A_205, %get3A_211 : vector<16xf32>
        %add3A_213 = arith.constant 96 : i32
        %add3A_214 = arith.addi %add3A_213, %scan3A_195 : i32
        %get3A_215 = arith.index_cast %add3A_214 : i32 to index
        %get3A_216 = arith.constant 0 : index
        %get3A_217 = tpu.vector_load %arg12[%get3A_215, %get3A_216] {strides = array<i32>} : memref<128x16xf32, #tpu.memory_space<vmem>>, vector<1x16xf32>,
        %get3A_218 = vector.shape_cast %get3A_217 : vector<1x16xf32> to vector<16xf32>
        %add3A_219 = arith.addf %add3A_212, %get3A_218 : vector<16xf32>
        %swap3A = arith.index_cast %scan3A_195 : i32 to index
        %swap3A_220 = arith.constant 0 : index
        %swap3A_221 = tpu.vector_load %arg16[%swap3A, %swap3A_220] {strides = array<i32>} : memref<32x128xf32, #tpu.memory_space<vmem>>, vector<1x16xf32>,
        %swap3A_222 = vector.shape_cast %swap3A_221 : vector<1x16xf32> to vector<16xf32>
        %swap3A_223 = vector.shape_cast %add3A_219 : vector<16xf32> to vector<1x16xf32>
        tpu.vector_store %arg16[%swap3A, %swap3A_220], %swap3A_223 {strides = array<i32>} : memref<32x128xf32, #tpu.memory_space<vmem>>, vector<1x16xf32>,
      }
      %scan3A_132 = arith.constant 32 : i32
      %mul3A_133 = arith.constant 32 : i32
      %mul3A_134 = arith.muli %mul3A_90, %mul3A_133 : i32
      %add3A_135 = arith.addi %mul3A_10, %mul3A_134 : i32
      %dma_start3A_136 = arith.constant 0 : i32
      %dma_start3A_137 = tpu.memref_slice %arg6[%add3A_135, %dma_start3A_136] : memref<102400x128xf32, #tpu.memory_space<hbm>> -> memref<32x128xf32, #tpu.memory_space<hbm>>
      %dma_start3A_138 = arith.constant 0 : i32
      %dma_start3A_139 = tpu.memref_slice %arg6[%add3A_135, %dma_start3A_138] : memref<102400x128xf32, #tpu.memory_space<hbm>> -> memref<32x128xf32, #tpu.memory_space<hbm>>
      tpu.enqueue_dma source(%arg14 : memref<32x128xf32, #tpu.memory_space<vmem>>) target(%dma_start3A_139 : memref<32x128xf32, #tpu.memory_space<hbm>>) target_semaphore(%arg20 : memref<!tpu.dma_semaphore, #tpu.memory_space<semaphore_mem>>)
      %mul3A_140 = arith.constant 32 : i32
      %mul3A_141 = arith.muli %mul3A_90, %mul3A_140 : i32
      %add3A_142 = arith.addi %mul3A_10, %mul3A_141 : i32
      %dma_start3A_143 = arith.constant 0 : i32
      %dma_start3A_144 = tpu.memref_slice %arg7[%add3A_142, %dma_start3A_143] : memref<102400x128xf32, #tpu.memory_space<hbm>> -> memref<32x128xf32, #tpu.memory_space<hbm>>
      %dma_start3A_145 = arith.constant 0 : i32
      %dma_start3A_146 = tpu.memref_slice %arg7[%add3A_142, %dma_start3A_145] : memref<102400x128xf32, #tpu.memory_space<hbm>> -> memref<32x128xf32, #tpu.memory_space<hbm>>
      tpu.enqueue_dma source(%arg16 : memref<32x128xf32, #tpu.memory_space<vmem>>) target(%dma_start3A_146 : memref<32x128xf32, #tpu.memory_space<hbm>>) target_semaphore(%arg20 : memref<!tpu.dma_semaphore, #tpu.memory_space<semaphore_mem>>)
      %sub3A_147 = arith.constant 1 : i32
      %sub3A_148 = arith.subi %select_n3A_8, %sub3A_147 : i32
      %lt3A = arith.cmpi slt, %while3A_88, %sub3A_148 : i32
      %convert_element_type3A_149 = arith.extui %lt3A : i1 to i32
      %cond3A_150 = arith.constant 0 : i32
      %cond3A_151 = arith.cmpi ne, %convert_element_type3A_149, %cond3A_150 : i32
      scf.if %cond3A_151 {
        %add3A_195 = arith.constant 2 : i32
        %add3A_196 = arith.addi %mul3A_90, %add3A_195 : i32
        %dma_start3A_197 = arith.constant 0 : i32
        %dma_start3A_198 = tpu.memref_slice %arg8[%add3A_196, %dma_start3A_197] : memref<144x128xi32, #tpu.memory_space<vmem>> -> memref<1x128xi32, #tpu.memory_space<vmem>>
        %dma_start3A_199 = tpu.memref_squeeze %dma_start3A_198 : memref<1x128xi32, #tpu.memory_space<vmem>> -> memref<128xi32, #tpu.memory_space<vmem>>
        %dma_start3A_200 = arith.constant 0 : i32
        %dma_start3A_201 = arith.constant 0 : i32
        %dma_start3A_202 = tpu.memref_slice %arg2[%dma_start3A_200, %dma_start3A_201] : memref<100000x128xf32, #tpu.memory_space<hbm>> -> memref<100000x128xf32, #tpu.memory_space<hbm>>
        tpu.enqueue_indirect_dma source(%dma_start3A_202 : memref<100000x128xf32, #tpu.memory_space<hbm>>) target(%arg10 : memref<128x128xf32, #tpu.memory_space<vmem>>) offsets(%dma_start3A_199 : memref<128xi32, #tpu.memory_space<vmem>>) semaphore(%arg18 : memref<!tpu.dma_semaphore, #tpu.memory_space<semaphore_mem>>)
        %add3A_203 = arith.constant 2 : i32
        %add3A_204 = arith.addi %mul3A_90, %add3A_203 : i32
        %dma_start3A_205 = arith.constant 0 : i32
        %dma_start3A_206 = tpu.memref_slice %arg9[%add3A_204, %dma_start3A_205] : memref<144x128xi32, #tpu.memory_space<vmem>> -> memref<1x128xi32, #tpu.memory_space<vmem>>
        %dma_start3A_207 = tpu.memref_squeeze %dma_start3A_206 : memref<1x128xi32, #tpu.memory_space<vmem>> -> memref<128xi32, #tpu.memory_space<vmem>>
        %dma_start3A_208 = arith.constant 0 : i32
        %dma_start3A_209 = arith.constant 0 : i32
        %dma_start3A_210 = tpu.memref_slice %arg4[%dma_start3A_208, %dma_start3A_209] : memref<400000x16xf32, #tpu.memory_space<hbm>> -> memref<400000x16xf32, #tpu.memory_space<hbm>>
        tpu.enqueue_indirect_dma source(%dma_start3A_210 : memref<400000x16xf32, #tpu.memory_space<hbm>>) target(%arg12 : memref<128x16xf32, #tpu.memory_space<vmem>>) offsets(%dma_start3A_207 : memref<128xi32, #tpu.memory_space<vmem>>) semaphore(%arg18 : memref<!tpu.dma_semaphore, #tpu.memory_space<semaphore_mem>>)
      } else {
      }
      %gt3A_152 = arith.constant 0 : i32
      %gt3A_153 = arith.cmpi sgt, %while3A_88, %gt3A_152 : i32
      %convert_element_type3A_154 = arith.extui %gt3A_153 : i1 to i32
      %cond3A_155 = arith.constant 0 : i32
      %cond3A_156 = arith.cmpi ne, %convert_element_type3A_154, %cond3A_155 : i32
      scf.if %cond3A_156 {
        %sub3A_195 = arith.constant 2 : i32
        %sub3A_196 = arith.subi %add3A_92, %sub3A_195 : i32
        %mul3A_197 = arith.constant 32 : i32
        %mul3A_198 = arith.muli %sub3A_196, %mul3A_197 : i32
        %add3A_199 = arith.addi %mul3A_10, %mul3A_198 : i32
        %dma_wait3A_200 = arith.constant 0 : i32
        %dma_wait3A_201 = tpu.memref_slice %arg6[%add3A_199, %dma_wait3A_200] : memref<102400x128xf32, #tpu.memory_space<hbm>> -> memref<32x128xf32, #tpu.memory_space<hbm>>
        %dma_wait3A_202 = arith.constant 0 : i32
        %dma_wait3A_203 = tpu.memref_slice %arg6[%add3A_199, %dma_wait3A_202] : memref<102400x128xf32, #tpu.memory_space<hbm>> -> memref<32x128xf32, #tpu.memory_space<hbm>>
        tpu.wait_dma2 semaphore(%arg21 : memref<!tpu.dma_semaphore, #tpu.memory_space<semaphore_mem>>) src(%arg15 : memref<32x128xf32, #tpu.memory_space<vmem>>) dst(%dma_wait3A_203 : memref<32x128xf32, #tpu.memory_space<hbm>>)
        %sub3A_204 = arith.constant 2 : i32
        %sub3A_205 = arith.subi %add3A_92, %sub3A_204 : i32
        %mul3A_206 = arith.constant 32 : i32
        %mul3A_207 = arith.muli %sub3A_205, %mul3A_206 : i32
        %add3A_208 = arith.addi %mul3A_10, %mul3A_207 : i32
        %dma_wait3A_209 = arith.constant 0 : i32
        %dma_wait3A_210 = tpu.memref_slice %arg7[%add3A_208, %dma_wait3A_209] : memref<102400x128xf32, #tpu.memory_space<hbm>> -> memref<32x128xf32, #tpu.memory_space<hbm>>
        %dma_wait3A_211 = arith.constant 0 : i32
        %dma_wait3A_212 = tpu.memref_slice %arg7[%add3A_208, %dma_wait3A_211] : memref<102400x128xf32, #tpu.memory_space<hbm>> -> memref<32x128xf32, #tpu.memory_space<hbm>>
        tpu.wait_dma2 semaphore(%arg21 : memref<!tpu.dma_semaphore, #tpu.memory_space<semaphore_mem>>) src(%arg17 : memref<32x128xf32, #tpu.memory_space<vmem>>) dst(%dma_wait3A_212 : memref<32x128xf32, #tpu.memory_space<hbm>>)
      } else {
      }
      %dma_wait3A_157 = arith.constant 0 : i32
      %dma_wait3A_158 = tpu.memref_slice %arg8[%add3A_92, %dma_wait3A_157] : memref<144x128xi32, #tpu.memory_space<vmem>> -> memref<1x128xi32, #tpu.memory_space<vmem>>
      %dma_wait3A_159 = tpu.memref_squeeze %dma_wait3A_158 : memref<1x128xi32, #tpu.memory_space<vmem>> -> memref<128xi32, #tpu.memory_space<vmem>>
      %dma_wait3A_160 = arith.constant 0 : i32
      %dma_wait3A_161 = arith.constant 0 : i32
      %dma_wait3A_162 = tpu.memref_slice %arg2[%dma_wait3A_160, %dma_wait3A_161] : memref<100000x128xf32, #tpu.memory_space<hbm>> -> memref<100000x128xf32, #tpu.memory_space<hbm>>
      tpu.wait_indirect_dma semaphore(%arg19 : memref<!tpu.dma_semaphore, #tpu.memory_space<semaphore_mem>>) src(%dma_wait3A_162 : memref<100000x128xf32, #tpu.memory_space<hbm>>) dst(%arg11 : memref<128x128xf32, #tpu.memory_space<vmem>>)
      %dma_wait3A_163 = arith.constant 0 : i32
      %dma_wait3A_164 = tpu.memref_slice %arg9[%add3A_92, %dma_wait3A_163] : memref<144x128xi32, #tpu.memory_space<vmem>> -> memref<1x128xi32, #tpu.memory_space<vmem>>
      %dma_wait3A_165 = tpu.memref_squeeze %dma_wait3A_164 : memref<1x128xi32, #tpu.memory_space<vmem>> -> memref<128xi32, #tpu.memory_space<vmem>>
      %dma_wait3A_166 = arith.constant 0 : i32
      %dma_wait3A_167 = arith.constant 0 : i32
      %dma_wait3A_168 = tpu.memref_slice %arg4[%dma_wait3A_166, %dma_wait3A_167] : memref<400000x16xf32, #tpu.memory_space<hbm>> -> memref<400000x16xf32, #tpu.memory_space<hbm>>
      tpu.wait_indirect_dma semaphore(%arg19 : memref<!tpu.dma_semaphore, #tpu.memory_space<semaphore_mem>>) src(%dma_wait3A_168 : memref<400000x16xf32, #tpu.memory_space<hbm>>) dst(%arg13 : memref<128x16xf32, #tpu.memory_space<vmem>>)
      %scan3A_169 = arith.constant 0 : i32
      %scan3A_170 = arith.constant 0 : i32
      %scan3A_171 = arith.constant 32 : i32
      %scan3A_172 = arith.addi %scan3A_170, %scan3A_171 : i32
      %scan3A_173 = arith.constant 1 : i32
      scf.for %scan3A_195 = %scan3A_170 to %scan3A_172 step %scan3A_173  : i32 {
        %get3A = arith.index_cast %scan3A_195 : i32 to index
        %get3A_196 = arith.constant 0 : index
        %get3A_197 = tpu.vector_load %arg11[%get3A, %get3A_196] {strides = array<i32>} : memref<128x128xf32, #tpu.memory_space<vmem>>, vector<1x16xf32>,
        %get3A_198 = vector.shape_cast %get3A_197 : vector<1x16xf32> to vector<16xf32>
        %add3A_199 = arith.constant 32 : i32
        %add3A_200 = arith.addi %add3A_199, %scan3A_195 : i32
        %get3A_201 = arith.index_cast %add3A_200 : i32 to index
        %get3A_202 = arith.constant 0 : index
        %get3A_203 = tpu.vector_load %arg11[%get3A_201, %get3A_202] {strides = array<i32>} : memref<128x128xf32, #tpu.memory_space<vmem>>, vector<1x16xf32>,
        %get3A_204 = vector.shape_cast %get3A_203 : vector<1x16xf32> to vector<16xf32>
        %add3A_205 = arith.addf %get3A_198, %get3A_204 : vector<16xf32>
        %add3A_206 = arith.constant 64 : i32
        %add3A_207 = arith.addi %add3A_206, %scan3A_195 : i32
        %get3A_208 = arith.index_cast %add3A_207 : i32 to index
        %get3A_209 = arith.constant 0 : index
        %get3A_210 = tpu.vector_load %arg11[%get3A_208, %get3A_209] {strides = array<i32>} : memref<128x128xf32, #tpu.memory_space<vmem>>, vector<1x16xf32>,
        %get3A_211 = vector.shape_cast %get3A_210 : vector<1x16xf32> to vector<16xf32>
        %add3A_212 = arith.addf %add3A_205, %get3A_211 : vector<16xf32>
        %add3A_213 = arith.constant 96 : i32
        %add3A_214 = arith.addi %add3A_213, %scan3A_195 : i32
        %get3A_215 = arith.index_cast %add3A_214 : i32 to index
        %get3A_216 = arith.constant 0 : index
        %get3A_217 = tpu.vector_load %arg11[%get3A_215, %get3A_216] {strides = array<i32>} : memref<128x128xf32, #tpu.memory_space<vmem>>, vector<1x16xf32>,
        %get3A_218 = vector.shape_cast %get3A_217 : vector<1x16xf32> to vector<16xf32>
        %add3A_219 = arith.addf %add3A_212, %get3A_218 : vector<16xf32>
        %swap3A = arith.index_cast %scan3A_195 : i32 to index
        %swap3A_220 = arith.constant 0 : index
        %swap3A_221 = tpu.vector_load %arg15[%swap3A, %swap3A_220] {strides = array<i32>} : memref<32x128xf32, #tpu.memory_space<vmem>>, vector<1x16xf32>,
        %swap3A_222 = vector.shape_cast %swap3A_221 : vector<1x16xf32> to vector<16xf32>
        %swap3A_223 = vector.shape_cast %add3A_219 : vector<16xf32> to vector<1x16xf32>
        tpu.vector_store %arg15[%swap3A, %swap3A_220], %swap3A_223 {strides = array<i32>} : memref<32x128xf32, #tpu.memory_space<vmem>>, vector<1x16xf32>,
        %get3A_224 = arith.index_cast %scan3A_195 : i32 to index
        %get3A_225 = arith.constant 16 : index
        %get3A_226 = tpu.vector_load %arg11[%get3A_224, %get3A_225] {strides = array<i32>} : memref<128x128xf32, #tpu.memory_space<vmem>>, vector<1x16xf32>,
        %get3A_227 = vector.shape_cast %get3A_226 : vector<1x16xf32> to vector<16xf32>
        %add3A_228 = arith.constant 32 : i32
        %add3A_229 = arith.addi %add3A_228, %scan3A_195 : i32
        %get3A_230 = arith.index_cast %add3A_229 : i32 to index
        %get3A_231 = arith.constant 16 : index
        %get3A_232 = tpu.vector_load %arg11[%get3A_230, %get3A_231] {strides = array<i32>} : memref<128x128xf32, #tpu.memory_space<vmem>>, vector<1x16xf32>,
        %get3A_233 = vector.shape_cast %get3A_232 : vector<1x16xf32> to vector<16xf32>
        %add3A_234 = arith.addf %get3A_227, %get3A_233 : vector<16xf32>
        %add3A_235 = arith.constant 64 : i32
        %add3A_236 = arith.addi %add3A_235, %scan3A_195 : i32
        %get3A_237 = arith.index_cast %add3A_236 : i32 to index
        %get3A_238 = arith.constant 16 : index
        %get3A_239 = tpu.vector_load %arg11[%get3A_237, %get3A_238] {strides = array<i32>} : memref<128x128xf32, #tpu.memory_space<vmem>>, vector<1x16xf32>,
        %get3A_240 = vector.shape_cast %get3A_239 : vector<1x16xf32> to vector<16xf32>
        %add3A_241 = arith.addf %add3A_234, %get3A_240 : vector<16xf32>
        %add3A_242 = arith.constant 96 : i32
        %add3A_243 = arith.addi %add3A_242, %scan3A_195 : i32
        %get3A_244 = arith.index_cast %add3A_243 : i32 to index
        %get3A_245 = arith.constant 16 : index
        %get3A_246 = tpu.vector_load %arg11[%get3A_244, %get3A_245] {strides = array<i32>} : memref<128x128xf32, #tpu.memory_space<vmem>>, vector<1x16xf32>,
        %get3A_247 = vector.shape_cast %get3A_246 : vector<1x16xf32> to vector<16xf32>
        %add3A_248 = arith.addf %add3A_241, %get3A_247 : vector<16xf32>
        %swap3A_249 = arith.index_cast %scan3A_195 : i32 to index
        %swap3A_250 = arith.constant 16 : index
        %swap3A_251 = tpu.vector_load %arg15[%swap3A_249, %swap3A_250] {strides = array<i32>} : memref<32x128xf32, #tpu.memory_space<vmem>>, vector<1x16xf32>,
        %swap3A_252 = vector.shape_cast %swap3A_251 : vector<1x16xf32> to vector<16xf32>
        %swap3A_253 = vector.shape_cast %add3A_248 : vector<16xf32> to vector<1x16xf32>
        tpu.vector_store %arg15[%swap3A_249, %swap3A_250], %swap3A_253 {strides = array<i32>} : memref<32x128xf32, #tpu.memory_space<vmem>>, vector<1x16xf32>,
        %get3A_254 = arith.index_cast %scan3A_195 : i32 to index
        %get3A_255 = arith.constant 32 : index
        %get3A_256 = tpu.vector_load %arg11[%get3A_254, %get3A_255] {strides = array<i32>} : memref<128x128xf32, #tpu.memory_space<vmem>>, vector<1x16xf32>,
        %get3A_257 = vector.shape_cast %get3A_256 : vector<1x16xf32> to vector<16xf32>
        %add3A_258 = arith.constant 32 : i32
        %add3A_259 = arith.addi %add3A_258, %scan3A_195 : i32
        %get3A_260 = arith.index_cast %add3A_259 : i32 to index
        %get3A_261 = arith.constant 32 : index
        %get3A_262 = tpu.vector_load %arg11[%get3A_260, %get3A_261] {strides = array<i32>} : memref<128x128xf32, #tpu.memory_space<vmem>>, vector<1x16xf32>,
        %get3A_263 = vector.shape_cast %get3A_262 : vector<1x16xf32> to vector<16xf32>
        %add3A_264 = arith.addf %get3A_257, %get3A_263 : vector<16xf32>
        %add3A_265 = arith.constant 64 : i32
        %add3A_266 = arith.addi %add3A_265, %scan3A_195 : i32
        %get3A_267 = arith.index_cast %add3A_266 : i32 to index
        %get3A_268 = arith.constant 32 : index
        %get3A_269 = tpu.vector_load %arg11[%get3A_267, %get3A_268] {strides = array<i32>} : memref<128x128xf32, #tpu.memory_space<vmem>>, vector<1x16xf32>,
        %get3A_270 = vector.shape_cast %get3A_269 : vector<1x16xf32> to vector<16xf32>
        %add3A_271 = arith.addf %add3A_264, %get3A_270 : vector<16xf32>
        %add3A_272 = arith.constant 96 : i32
        %add3A_273 = arith.addi %add3A_272, %scan3A_195 : i32
        %get3A_274 = arith.index_cast %add3A_273 : i32 to index
        %get3A_275 = arith.constant 32 : index
        %get3A_276 = tpu.vector_load %arg11[%get3A_274, %get3A_275] {strides = array<i32>} : memref<128x128xf32, #tpu.memory_space<vmem>>, vector<1x16xf32>,
        %get3A_277 = vector.shape_cast %get3A_276 : vector<1x16xf32> to vector<16xf32>
        %add3A_278 = arith.addf %add3A_271, %get3A_277 : vector<16xf32>
        %swap3A_279 = arith.index_cast %scan3A_195 : i32 to index
        %swap3A_280 = arith.constant 32 : index
        %swap3A_281 = tpu.vector_load %arg15[%swap3A_279, %swap3A_280] {strides = array<i32>} : memref<32x128xf32, #tpu.memory_space<vmem>>, vector<1x16xf32>,
        %swap3A_282 = vector.shape_cast %swap3A_281 : vector<1x16xf32> to vector<16xf32>
        %swap3A_283 = vector.shape_cast %add3A_278 : vector<16xf32> to vector<1x16xf32>
        tpu.vector_store %arg15[%swap3A_279, %swap3A_280], %swap3A_283 {strides = array<i32>} : memref<32x128xf32, #tpu.memory_space<vmem>>, vector<1x16xf32>,
        %get3A_284 = arith.index_cast %scan3A_195 : i32 to index
        %get3A_285 = arith.constant 48 : index
        %get3A_286 = tpu.vector_load %arg11[%get3A_284, %get3A_285] {strides = array<i32>} : memref<128x128xf32, #tpu.memory_space<vmem>>, vector<1x16xf32>,
        %get3A_287 = vector.shape_cast %get3A_286 : vector<1x16xf32> to vector<16xf32>
        %add3A_288 = arith.constant 32 : i32
        %add3A_289 = arith.addi %add3A_288, %scan3A_195 : i32
        %get3A_290 = arith.index_cast %add3A_289 : i32 to index
        %get3A_291 = arith.constant 48 : index
        %get3A_292 = tpu.vector_load %arg11[%get3A_290, %get3A_291] {strides = array<i32>} : memref<128x128xf32, #tpu.memory_space<vmem>>, vector<1x16xf32>,
        %get3A_293 = vector.shape_cast %get3A_292 : vector<1x16xf32> to vector<16xf32>
        %add3A_294 = arith.addf %get3A_287, %get3A_293 : vector<16xf32>
        %add3A_295 = arith.constant 64 : i32
        %add3A_296 = arith.addi %add3A_295, %scan3A_195 : i32
        %get3A_297 = arith.index_cast %add3A_296 : i32 to index
        %get3A_298 = arith.constant 48 : index
        %get3A_299 = tpu.vector_load %arg11[%get3A_297, %get3A_298] {strides = array<i32>} : memref<128x128xf32, #tpu.memory_space<vmem>>, vector<1x16xf32>,
        %get3A_300 = vector.shape_cast %get3A_299 : vector<1x16xf32> to vector<16xf32>
        %add3A_301 = arith.addf %add3A_294, %get3A_300 : vector<16xf32>
        %add3A_302 = arith.constant 96 : i32
        %add3A_303 = arith.addi %add3A_302, %scan3A_195 : i32
        %get3A_304 = arith.index_cast %add3A_303 : i32 to index
        %get3A_305 = arith.constant 48 : index
        %get3A_306 = tpu.vector_load %arg11[%get3A_304, %get3A_305] {strides = array<i32>} : memref<128x128xf32, #tpu.memory_space<vmem>>, vector<1x16xf32>,
        %get3A_307 = vector.shape_cast %get3A_306 : vector<1x16xf32> to vector<16xf32>
        %add3A_308 = arith.addf %add3A_301, %get3A_307 : vector<16xf32>
        %swap3A_309 = arith.index_cast %scan3A_195 : i32 to index
        %swap3A_310 = arith.constant 48 : index
        %swap3A_311 = tpu.vector_load %arg15[%swap3A_309, %swap3A_310] {strides = array<i32>} : memref<32x128xf32, #tpu.memory_space<vmem>>, vector<1x16xf32>,
        %swap3A_312 = vector.shape_cast %swap3A_311 : vector<1x16xf32> to vector<16xf32>
        %swap3A_313 = vector.shape_cast %add3A_308 : vector<16xf32> to vector<1x16xf32>
        tpu.vector_store %arg15[%swap3A_309, %swap3A_310], %swap3A_313 {strides = array<i32>} : memref<32x128xf32, #tpu.memory_space<vmem>>, vector<1x16xf32>,
        %get3A_314 = arith.index_cast %scan3A_195 : i32 to index
        %get3A_315 = arith.constant 64 : index
        %get3A_316 = tpu.vector_load %arg11[%get3A_314, %get3A_315] {strides = array<i32>} : memref<128x128xf32, #tpu.memory_space<vmem>>, vector<1x16xf32>,
        %get3A_317 = vector.shape_cast %get3A_316 : vector<1x16xf32> to vector<16xf32>
        %add3A_318 = arith.constant 32 : i32
        %add3A_319 = arith.addi %add3A_318, %scan3A_195 : i32
        %get3A_320 = arith.index_cast %add3A_319 : i32 to index
        %get3A_321 = arith.constant 64 : index
        %get3A_322 = tpu.vector_load %arg11[%get3A_320, %get3A_321] {strides = array<i32>} : memref<128x128xf32, #tpu.memory_space<vmem>>, vector<1x16xf32>,
        %get3A_323 = vector.shape_cast %get3A_322 : vector<1x16xf32> to vector<16xf32>
        %add3A_324 = arith.addf %get3A_317, %get3A_323 : vector<16xf32>
        %add3A_325 = arith.constant 64 : i32
        %add3A_326 = arith.addi %add3A_325, %scan3A_195 : i32
        %get3A_327 = arith.index_cast %add3A_326 : i32 to index
        %get3A_328 = arith.constant 64 : index
        %get3A_329 = tpu.vector_load %arg11[%get3A_327, %get3A_328] {strides = array<i32>} : memref<128x128xf32, #tpu.memory_space<vmem>>, vector<1x16xf32>,
        %get3A_330 = vector.shape_cast %get3A_329 : vector<1x16xf32> to vector<16xf32>
        %add3A_331 = arith.addf %add3A_324, %get3A_330 : vector<16xf32>
        %add3A_332 = arith.constant 96 : i32
        %add3A_333 = arith.addi %add3A_332, %scan3A_195 : i32
        %get3A_334 = arith.index_cast %add3A_333 : i32 to index
        %get3A_335 = arith.constant 64 : index
        %get3A_336 = tpu.vector_load %arg11[%get3A_334, %get3A_335] {strides = array<i32>} : memref<128x128xf32, #tpu.memory_space<vmem>>, vector<1x16xf32>,
        %get3A_337 = vector.shape_cast %get3A_336 : vector<1x16xf32> to vector<16xf32>
        %add3A_338 = arith.addf %add3A_331, %get3A_337 : vector<16xf32>
        %swap3A_339 = arith.index_cast %scan3A_195 : i32 to index
        %swap3A_340 = arith.constant 64 : index
        %swap3A_341 = tpu.vector_load %arg15[%swap3A_339, %swap3A_340] {strides = array<i32>} : memref<32x128xf32, #tpu.memory_space<vmem>>, vector<1x16xf32>,
        %swap3A_342 = vector.shape_cast %swap3A_341 : vector<1x16xf32> to vector<16xf32>
        %swap3A_343 = vector.shape_cast %add3A_338 : vector<16xf32> to vector<1x16xf32>
        tpu.vector_store %arg15[%swap3A_339, %swap3A_340], %swap3A_343 {strides = array<i32>} : memref<32x128xf32, #tpu.memory_space<vmem>>, vector<1x16xf32>,
        %get3A_344 = arith.index_cast %scan3A_195 : i32 to index
        %get3A_345 = arith.constant 80 : index
        %get3A_346 = tpu.vector_load %arg11[%get3A_344, %get3A_345] {strides = array<i32>} : memref<128x128xf32, #tpu.memory_space<vmem>>, vector<1x16xf32>,
        %get3A_347 = vector.shape_cast %get3A_346 : vector<1x16xf32> to vector<16xf32>
        %add3A_348 = arith.constant 32 : i32
        %add3A_349 = arith.addi %add3A_348, %scan3A_195 : i32
        %get3A_350 = arith.index_cast %add3A_349 : i32 to index
        %get3A_351 = arith.constant 80 : index
        %get3A_352 = tpu.vector_load %arg11[%get3A_350, %get3A_351] {strides = array<i32>} : memref<128x128xf32, #tpu.memory_space<vmem>>, vector<1x16xf32>,
        %get3A_353 = vector.shape_cast %get3A_352 : vector<1x16xf32> to vector<16xf32>
        %add3A_354 = arith.addf %get3A_347, %get3A_353 : vector<16xf32>
        %add3A_355 = arith.constant 64 : i32
        %add3A_356 = arith.addi %add3A_355, %scan3A_195 : i32
        %get3A_357 = arith.index_cast %add3A_356 : i32 to index
        %get3A_358 = arith.constant 80 : index
        %get3A_359 = tpu.vector_load %arg11[%get3A_357, %get3A_358] {strides = array<i32>} : memref<128x128xf32, #tpu.memory_space<vmem>>, vector<1x16xf32>,
        %get3A_360 = vector.shape_cast %get3A_359 : vector<1x16xf32> to vector<16xf32>
        %add3A_361 = arith.addf %add3A_354, %get3A_360 : vector<16xf32>
        %add3A_362 = arith.constant 96 : i32
        %add3A_363 = arith.addi %add3A_362, %scan3A_195 : i32
        %get3A_364 = arith.index_cast %add3A_363 : i32 to index
        %get3A_365 = arith.constant 80 : index
        %get3A_366 = tpu.vector_load %arg11[%get3A_364, %get3A_365] {strides = array<i32>} : memref<128x128xf32, #tpu.memory_space<vmem>>, vector<1x16xf32>,
        %get3A_367 = vector.shape_cast %get3A_366 : vector<1x16xf32> to vector<16xf32>
        %add3A_368 = arith.addf %add3A_361, %get3A_367 : vector<16xf32>
        %swap3A_369 = arith.index_cast %scan3A_195 : i32 to index
        %swap3A_370 = arith.constant 80 : index
        %swap3A_371 = tpu.vector_load %arg15[%swap3A_369, %swap3A_370] {strides = array<i32>} : memref<32x128xf32, #tpu.memory_space<vmem>>, vector<1x16xf32>,
        %swap3A_372 = vector.shape_cast %swap3A_371 : vector<1x16xf32> to vector<16xf32>
        %swap3A_373 = vector.shape_cast %add3A_368 : vector<16xf32> to vector<1x16xf32>
        tpu.vector_store %arg15[%swap3A_369, %swap3A_370], %swap3A_373 {strides = array<i32>} : memref<32x128xf32, #tpu.memory_space<vmem>>, vector<1x16xf32>,
        %get3A_374 = arith.index_cast %scan3A_195 : i32 to index
        %get3A_375 = arith.constant 96 : index
        %get3A_376 = tpu.vector_load %arg11[%get3A_374, %get3A_375] {strides = array<i32>} : memref<128x128xf32, #tpu.memory_space<vmem>>, vector<1x16xf32>,
        %get3A_377 = vector.shape_cast %get3A_376 : vector<1x16xf32> to vector<16xf32>
        %add3A_378 = arith.constant 32 : i32
        %add3A_379 = arith.addi %add3A_378, %scan3A_195 : i32
        %get3A_380 = arith.index_cast %add3A_379 : i32 to index
        %get3A_381 = arith.constant 96 : index
        %get3A_382 = tpu.vector_load %arg11[%get3A_380, %get3A_381] {strides = array<i32>} : memref<128x128xf32, #tpu.memory_space<vmem>>, vector<1x16xf32>,
        %get3A_383 = vector.shape_cast %get3A_382 : vector<1x16xf32> to vector<16xf32>
        %add3A_384 = arith.addf %get3A_377, %get3A_383 : vector<16xf32>
        %add3A_385 = arith.constant 64 : i32
        %add3A_386 = arith.addi %add3A_385, %scan3A_195 : i32
        %get3A_387 = arith.index_cast %add3A_386 : i32 to index
        %get3A_388 = arith.constant 96 : index
        %get3A_389 = tpu.vector_load %arg11[%get3A_387, %get3A_388] {strides = array<i32>} : memref<128x128xf32, #tpu.memory_space<vmem>>, vector<1x16xf32>,
        %get3A_390 = vector.shape_cast %get3A_389 : vector<1x16xf32> to vector<16xf32>
        %add3A_391 = arith.addf %add3A_384, %get3A_390 : vector<16xf32>
        %add3A_392 = arith.constant 96 : i32
        %add3A_393 = arith.addi %add3A_392, %scan3A_195 : i32
        %get3A_394 = arith.index_cast %add3A_393 : i32 to index
        %get3A_395 = arith.constant 96 : index
        %get3A_396 = tpu.vector_load %arg11[%get3A_394, %get3A_395] {strides = array<i32>} : memref<128x128xf32, #tpu.memory_space<vmem>>, vector<1x16xf32>,
        %get3A_397 = vector.shape_cast %get3A_396 : vector<1x16xf32> to vector<16xf32>
        %add3A_398 = arith.addf %add3A_391, %get3A_397 : vector<16xf32>
        %swap3A_399 = arith.index_cast %scan3A_195 : i32 to index
        %swap3A_400 = arith.constant 96 : index
        %swap3A_401 = tpu.vector_load %arg15[%swap3A_399, %swap3A_400] {strides = array<i32>} : memref<32x128xf32, #tpu.memory_space<vmem>>, vector<1x16xf32>,
        %swap3A_402 = vector.shape_cast %swap3A_401 : vector<1x16xf32> to vector<16xf32>
        %swap3A_403 = vector.shape_cast %add3A_398 : vector<16xf32> to vector<1x16xf32>
        tpu.vector_store %arg15[%swap3A_399, %swap3A_400], %swap3A_403 {strides = array<i32>} : memref<32x128xf32, #tpu.memory_space<vmem>>, vector<1x16xf32>,
        %get3A_404 = arith.index_cast %scan3A_195 : i32 to index
        %get3A_405 = arith.constant 112 : index
        %get3A_406 = tpu.vector_load %arg11[%get3A_404, %get3A_405] {strides = array<i32>} : memref<128x128xf32, #tpu.memory_space<vmem>>, vector<1x16xf32>,
        %get3A_407 = vector.shape_cast %get3A_406 : vector<1x16xf32> to vector<16xf32>
        %add3A_408 = arith.constant 32 : i32
        %add3A_409 = arith.addi %add3A_408, %scan3A_195 : i32
        %get3A_410 = arith.index_cast %add3A_409 : i32 to index
        %get3A_411 = arith.constant 112 : index
        %get3A_412 = tpu.vector_load %arg11[%get3A_410, %get3A_411] {strides = array<i32>} : memref<128x128xf32, #tpu.memory_space<vmem>>, vector<1x16xf32>,
        %get3A_413 = vector.shape_cast %get3A_412 : vector<1x16xf32> to vector<16xf32>
        %add3A_414 = arith.addf %get3A_407, %get3A_413 : vector<16xf32>
        %add3A_415 = arith.constant 64 : i32
        %add3A_416 = arith.addi %add3A_415, %scan3A_195 : i32
        %get3A_417 = arith.index_cast %add3A_416 : i32 to index
        %get3A_418 = arith.constant 112 : index
        %get3A_419 = tpu.vector_load %arg11[%get3A_417, %get3A_418] {strides = array<i32>} : memref<128x128xf32, #tpu.memory_space<vmem>>, vector<1x16xf32>,
        %get3A_420 = vector.shape_cast %get3A_419 : vector<1x16xf32> to vector<16xf32>
        %add3A_421 = arith.addf %add3A_414, %get3A_420 : vector<16xf32>
        %add3A_422 = arith.constant 96 : i32
        %add3A_423 = arith.addi %add3A_422, %scan3A_195 : i32
        %get3A_424 = arith.index_cast %add3A_423 : i32 to index
        %get3A_425 = arith.constant 112 : index
        %get3A_426 = tpu.vector_load %arg11[%get3A_424, %get3A_425] {strides = array<i32>} : memref<128x128xf32, #tpu.memory_space<vmem>>, vector<1x16xf32>,
        %get3A_427 = vector.shape_cast %get3A_426 : vector<1x16xf32> to vector<16xf32>
        %add3A_428 = arith.addf %add3A_421, %get3A_427 : vector<16xf32>
        %swap3A_429 = arith.index_cast %scan3A_195 : i32 to index
        %swap3A_430 = arith.constant 112 : index
        %swap3A_431 = tpu.vector_load %arg15[%swap3A_429, %swap3A_430] {strides = array<i32>} : memref<32x128xf32, #tpu.memory_space<vmem>>, vector<1x16xf32>,
        %swap3A_432 = vector.shape_cast %swap3A_431 : vector<1x16xf32> to vector<16xf32>
        %swap3A_433 = vector.shape_cast %add3A_428 : vector<16xf32> to vector<1x16xf32>
        tpu.vector_store %arg15[%swap3A_429, %swap3A_430], %swap3A_433 {strides = array<i32>} : memref<32x128xf32, #tpu.memory_space<vmem>>, vector<1x16xf32>,
      }
      %scan3A_174 = arith.constant 32 : i32
      %scan3A_175 = arith.constant 0 : i32
      %scan3A_176 = arith.constant 0 : i32
      %scan3A_177 = arith.constant 32 : i32
      %scan3A_178 = arith.addi %scan3A_176, %scan3A_177 : i32
      %scan3A_179 = arith.constant 1 : i32
      scf.for %scan3A_195 = %scan3A_176 to %scan3A_178 step %scan3A_179  : i32 {
        %get3A = arith.index_cast %scan3A_195 : i32 to index
        %get3A_196 = arith.constant 0 : index
        %get3A_197 = tpu.vector_load %arg13[%get3A, %get3A_196] {strides = array<i32>} : memref<128x16xf32, #tpu.memory_space<vmem>>, vector<1x16xf32>,
        %get3A_198 = vector.shape_cast %get3A_197 : vector<1x16xf32> to vector<16xf32>
        %add3A_199 = arith.constant 32 : i32
        %add3A_200 = arith.addi %add3A_199, %scan3A_195 : i32
        %get3A_201 = arith.index_cast %add3A_200 : i32 to index
        %get3A_202 = arith.constant 0 : index
        %get3A_203 = tpu.vector_load %arg13[%get3A_201, %get3A_202] {strides = array<i32>} : memref<128x16xf32, #tpu.memory_space<vmem>>, vector<1x16xf32>,
        %get3A_204 = vector.shape_cast %get3A_203 : vector<1x16xf32> to vector<16xf32>
        %add3A_205 = arith.addf %get3A_198, %get3A_204 : vector<16xf32>
        %add3A_206 = arith.constant 64 : i32
        %add3A_207 = arith.addi %add3A_206, %scan3A_195 : i32
        %get3A_208 = arith.index_cast %add3A_207 : i32 to index
        %get3A_209 = arith.constant 0 : index
        %get3A_210 = tpu.vector_load %arg13[%get3A_208, %get3A_209] {strides = array<i32>} : memref<128x16xf32, #tpu.memory_space<vmem>>, vector<1x16xf32>,
        %get3A_211 = vector.shape_cast %get3A_210 : vector<1x16xf32> to vector<16xf32>
        %add3A_212 = arith.addf %add3A_205, %get3A_211 : vector<16xf32>
        %add3A_213 = arith.constant 96 : i32
        %add3A_214 = arith.addi %add3A_213, %scan3A_195 : i32
        %get3A_215 = arith.index_cast %add3A_214 : i32 to index
        %get3A_216 = arith.constant 0 : index
        %get3A_217 = tpu.vector_load %arg13[%get3A_215, %get3A_216] {strides = array<i32>} : memref<128x16xf32, #tpu.memory_space<vmem>>, vector<1x16xf32>,
        %get3A_218 = vector.shape_cast %get3A_217 : vector<1x16xf32> to vector<16xf32>
        %add3A_219 = arith.addf %add3A_212, %get3A_218 : vector<16xf32>
        %swap3A = arith.index_cast %scan3A_195 : i32 to index
        %swap3A_220 = arith.constant 0 : index
        %swap3A_221 = tpu.vector_load %arg17[%swap3A, %swap3A_220] {strides = array<i32>} : memref<32x128xf32, #tpu.memory_space<vmem>>, vector<1x16xf32>,
        %swap3A_222 = vector.shape_cast %swap3A_221 : vector<1x16xf32> to vector<16xf32>
        %swap3A_223 = vector.shape_cast %add3A_219 : vector<16xf32> to vector<1x16xf32>
        tpu.vector_store %arg17[%swap3A, %swap3A_220], %swap3A_223 {strides = array<i32>} : memref<32x128xf32, #tpu.memory_space<vmem>>, vector<1x16xf32>,
      }
      %scan3A_180 = arith.constant 32 : i32
      %mul3A_181 = arith.constant 32 : i32
      %mul3A_182 = arith.muli %add3A_92, %mul3A_181 : i32
      %add3A_183 = arith.addi %mul3A_10, %mul3A_182 : i32
      %dma_start3A_184 = arith.constant 0 : i32
      %dma_start3A_185 = tpu.memref_slice %arg6[%add3A_183, %dma_start3A_184] : memref<102400x128xf32, #tpu.memory_space<hbm>> -> memref<32x128xf32, #tpu.memory_space<hbm>>
      %dma_start3A_186 = arith.constant 0 : i32
      %dma_start3A_187 = tpu.memref_slice %arg6[%add3A_183, %dma_start3A_186] : memref<102400x128xf32, #tpu.memory_space<hbm>> -> memref<32x128xf32, #tpu.memory_space<hbm>>
      tpu.enqueue_dma source(%arg15 : memref<32x128xf32, #tpu.memory_space<vmem>>) target(%dma_start3A_187 : memref<32x128xf32, #tpu.memory_space<hbm>>) target_semaphore(%arg21 : memref<!tpu.dma_semaphore, #tpu.memory_space<semaphore_mem>>)
      %mul3A_188 = arith.constant 32 : i32
      %mul3A_189 = arith.muli %add3A_92, %mul3A_188 : i32
      %add3A_190 = arith.addi %mul3A_10, %mul3A_189 : i32
      %dma_start3A_191 = arith.constant 0 : i32
      %dma_start3A_192 = tpu.memref_slice %arg7[%add3A_190, %dma_start3A_191] : memref<102400x128xf32, #tpu.memory_space<hbm>> -> memref<32x128xf32, #tpu.memory_space<hbm>>
      %dma_start3A_193 = arith.constant 0 : i32
      %dma_start3A_194 = tpu.memref_slice %arg7[%add3A_190, %dma_start3A_193] : memref<102400x128xf32, #tpu.memory_space<hbm>> -> memref<32x128xf32, #tpu.memory_space<hbm>>
      tpu.enqueue_dma source(%arg17 : memref<32x128xf32, #tpu.memory_space<vmem>>) target(%dma_start3A_194 : memref<32x128xf32, #tpu.memory_space<hbm>>) target_semaphore(%arg21 : memref<!tpu.dma_semaphore, #tpu.memory_space<semaphore_mem>>)
    }
    %while3A_45 = arith.constant 1 : i32
    scf.for %while3A_88 = %while3A_43 to %while3A_39 step %while3A_45  : i32 {
      %mul3A_89 = arith.constant 2 : i32
      %mul3A_90 = arith.muli %mul3A_89, %while3A_88 : i32
      %add3A_91 = arith.constant 1 : i32
      %add3A_92 = arith.addi %mul3A_90, %add3A_91 : i32
      %dma_start3A_93 = arith.constant 0 : i32
      %dma_start3A_94 = tpu.memref_slice %arg8[%add3A_92, %dma_start3A_93] : memref<144x128xi32, #tpu.memory_space<vmem>> -> memref<1x128xi32, #tpu.memory_space<vmem>>
      %dma_start3A_95 = tpu.memref_squeeze %dma_start3A_94 : memref<1x128xi32, #tpu.memory_space<vmem>> -> memref<128xi32, #tpu.memory_space<vmem>>
      %dma_start3A_96 = arith.constant 0 : i32
      %dma_start3A_97 = arith.constant 0 : i32
      %dma_start3A_98 = tpu.memref_slice %arg2[%dma_start3A_96, %dma_start3A_97] : memref<100000x128xf32, #tpu.memory_space<hbm>> -> memref<100000x128xf32, #tpu.memory_space<hbm>>
      tpu.enqueue_indirect_dma source(%dma_start3A_98 : memref<100000x128xf32, #tpu.memory_space<hbm>>) target(%arg11 : memref<128x128xf32, #tpu.memory_space<vmem>>) offsets(%dma_start3A_95 : memref<128xi32, #tpu.memory_space<vmem>>) semaphore(%arg19 : memref<!tpu.dma_semaphore, #tpu.memory_space<semaphore_mem>>)
      %dma_start3A_99 = arith.constant 0 : i32
      %dma_start3A_100 = tpu.memref_slice %arg9[%add3A_92, %dma_start3A_99] : memref<144x128xi32, #tpu.memory_space<vmem>> -> memref<1x128xi32, #tpu.memory_space<vmem>>
      %dma_start3A_101 = tpu.memref_squeeze %dma_start3A_100 : memref<1x128xi32, #tpu.memory_space<vmem>> -> memref<128xi32, #tpu.memory_space<vmem>>
      %dma_start3A_102 = arith.constant 0 : i32
      %dma_start3A_103 = arith.constant 0 : i32
      %dma_start3A_104 = tpu.memref_slice %arg4[%dma_start3A_102, %dma_start3A_103] : memref<400000x16xf32, #tpu.memory_space<hbm>> -> memref<400000x16xf32, #tpu.memory_space<hbm>>
      tpu.enqueue_indirect_dma source(%dma_start3A_104 : memref<400000x16xf32, #tpu.memory_space<hbm>>) target(%arg13 : memref<128x16xf32, #tpu.memory_space<vmem>>) offsets(%dma_start3A_101 : memref<128xi32, #tpu.memory_space<vmem>>) semaphore(%arg19 : memref<!tpu.dma_semaphore, #tpu.memory_space<semaphore_mem>>)
      %gt3A = arith.constant 0 : i32
      %gt3A_105 = arith.cmpi sgt, %while3A_88, %gt3A : i32
      %convert_element_type3A_106 = arith.extui %gt3A_105 : i1 to i32
      %cond3A_107 = arith.constant 0 : i32
      %cond3A_108 = arith.cmpi ne, %convert_element_type3A_106, %cond3A_107 : i32
      scf.if %cond3A_108 {
        %sub3A_195 = arith.constant 2 : i32
        %sub3A_196 = arith.subi %mul3A_90, %sub3A_195 : i32
        %mul3A_197 = arith.constant 32 : i32
        %mul3A_198 = arith.muli %sub3A_196, %mul3A_197 : i32
        %add3A_199 = arith.addi %mul3A_10, %mul3A_198 : i32
        %dma_wait3A_200 = arith.constant 0 : i32
        %dma_wait3A_201 = tpu.memref_slice %arg6[%add3A_199, %dma_wait3A_200] : memref<102400x128xf32, #tpu.memory_space<hbm>> -> memref<32x128xf32, #tpu.memory_space<hbm>>
        %dma_wait3A_202 = arith.constant 0 : i32
        %dma_wait3A_203 = tpu.memref_slice %arg6[%add3A_199, %dma_wait3A_202] : memref<102400x128xf32, #tpu.memory_space<hbm>> -> memref<32x128xf32, #tpu.memory_space<hbm>>
        tpu.wait_dma2 semaphore(%arg20 : memref<!tpu.dma_semaphore, #tpu.memory_space<semaphore_mem>>) src(%arg14 : memref<32x128xf32, #tpu.memory_space<vmem>>) dst(%dma_wait3A_203 : memref<32x128xf32, #tpu.memory_space<hbm>>)
        %sub3A_204 = arith.constant 2 : i32
        %sub3A_205 = arith.subi %mul3A_90, %sub3A_204 : i32
        %mul3A_206 = arith.constant 32 : i32
        %mul3A_207 = arith.muli %sub3A_205, %mul3A_206 : i32
        %add3A_208 = arith.addi %mul3A_10, %mul3A_207 : i32
        %dma_wait3A_209 = arith.constant 0 : i32
        %dma_wait3A_210 = tpu.memref_slice %arg7[%add3A_208, %dma_wait3A_209] : memref<102400x128xf32, #tpu.memory_space<hbm>> -> memref<32x128xf32, #tpu.memory_space<hbm>>
        %dma_wait3A_211 = arith.constant 0 : i32
        %dma_wait3A_212 = tpu.memref_slice %arg7[%add3A_208, %dma_wait3A_211] : memref<102400x128xf32, #tpu.memory_space<hbm>> -> memref<32x128xf32, #tpu.memory_space<hbm>>
        tpu.wait_dma2 semaphore(%arg20 : memref<!tpu.dma_semaphore, #tpu.memory_space<semaphore_mem>>) src(%arg16 : memref<32x128xf32, #tpu.memory_space<vmem>>) dst(%dma_wait3A_212 : memref<32x128xf32, #tpu.memory_space<hbm>>)
      } else {
      }
      %dma_wait3A_109 = arith.constant 0 : i32
      %dma_wait3A_110 = tpu.memref_slice %arg8[%mul3A_90, %dma_wait3A_109] : memref<144x128xi32, #tpu.memory_space<vmem>> -> memref<1x128xi32, #tpu.memory_space<vmem>>
      %dma_wait3A_111 = tpu.memref_squeeze %dma_wait3A_110 : memref<1x128xi32, #tpu.memory_space<vmem>> -> memref<128xi32, #tpu.memory_space<vmem>>
      %dma_wait3A_112 = arith.constant 0 : i32
      %dma_wait3A_113 = arith.constant 0 : i32
      %dma_wait3A_114 = tpu.memref_slice %arg2[%dma_wait3A_112, %dma_wait3A_113] : memref<100000x128xf32, #tpu.memory_space<hbm>> -> memref<100000x128xf32, #tpu.memory_space<hbm>>
      tpu.wait_indirect_dma semaphore(%arg18 : memref<!tpu.dma_semaphore, #tpu.memory_space<semaphore_mem>>) src(%dma_wait3A_114 : memref<100000x128xf32, #tpu.memory_space<hbm>>) dst(%arg10 : memref<128x128xf32, #tpu.memory_space<vmem>>)
      %dma_wait3A_115 = arith.constant 0 : i32
      %dma_wait3A_116 = tpu.memref_slice %arg9[%mul3A_90, %dma_wait3A_115] : memref<144x128xi32, #tpu.memory_space<vmem>> -> memref<1x128xi32, #tpu.memory_space<vmem>>
      %dma_wait3A_117 = tpu.memref_squeeze %dma_wait3A_116 : memref<1x128xi32, #tpu.memory_space<vmem>> -> memref<128xi32, #tpu.memory_space<vmem>>
      %dma_wait3A_118 = arith.constant 0 : i32
      %dma_wait3A_119 = arith.constant 0 : i32
      %dma_wait3A_120 = tpu.memref_slice %arg4[%dma_wait3A_118, %dma_wait3A_119] : memref<400000x16xf32, #tpu.memory_space<hbm>> -> memref<400000x16xf32, #tpu.memory_space<hbm>>
      tpu.wait_indirect_dma semaphore(%arg18 : memref<!tpu.dma_semaphore, #tpu.memory_space<semaphore_mem>>) src(%dma_wait3A_120 : memref<400000x16xf32, #tpu.memory_space<hbm>>) dst(%arg12 : memref<128x16xf32, #tpu.memory_space<vmem>>)
      %scan3A_121 = arith.constant 0 : i32
      %scan3A_122 = arith.constant 0 : i32
      %scan3A_123 = arith.constant 32 : i32
      %scan3A_124 = arith.addi %scan3A_122, %scan3A_123 : i32
      %scan3A_125 = arith.constant 1 : i32
      scf.for %scan3A_195 = %scan3A_122 to %scan3A_124 step %scan3A_125  : i32 {
        %get3A = arith.index_cast %scan3A_195 : i32 to index
        %get3A_196 = arith.constant 0 : index
        %get3A_197 = tpu.vector_load %arg10[%get3A, %get3A_196] {strides = array<i32>} : memref<128x128xf32, #tpu.memory_space<vmem>>, vector<1x16xf32>,
        %get3A_198 = vector.shape_cast %get3A_197 : vector<1x16xf32> to vector<16xf32>
        %add3A_199 = arith.constant 32 : i32
        %add3A_200 = arith.addi %add3A_199, %scan3A_195 : i32
        %get3A_201 = arith.index_cast %add3A_200 : i32 to index
        %get3A_202 = arith.constant 0 : index
        %get3A_203 = tpu.vector_load %arg10[%get3A_201, %get3A_202] {strides = array<i32>} : memref<128x128xf32, #tpu.memory_space<vmem>>, vector<1x16xf32>,
        %get3A_204 = vector.shape_cast %get3A_203 : vector<1x16xf32> to vector<16xf32>
        %add3A_205 = arith.addf %get3A_198, %get3A_204 : vector<16xf32>
        %add3A_206 = arith.constant 64 : i32
        %add3A_207 = arith.addi %add3A_206, %scan3A_195 : i32
        %get3A_208 = arith.index_cast %add3A_207 : i32 to index
        %get3A_209 = arith.constant 0 : index
        %get3A_210 = tpu.vector_load %arg10[%get3A_208, %get3A_209] {strides = array<i32>} : memref<128x128xf32, #tpu.memory_space<vmem>>, vector<1x16xf32>,
        %get3A_211 = vector.shape_cast %get3A_210 : vector<1x16xf32> to vector<16xf32>
        %add3A_212 = arith.addf %add3A_205, %get3A_211 : vector<16xf32>
        %add3A_213 = arith.constant 96 : i32
        %add3A_214 = arith.addi %add3A_213, %scan3A_195 : i32
        %get3A_215 = arith.index_cast %add3A_214 : i32 to index
        %get3A_216 = arith.constant 0 : index
        %get3A_217 = tpu.vector_load %arg10[%get3A_215, %get3A_216] {strides = array<i32>} : memref<128x128xf32, #tpu.memory_space<vmem>>, vector<1x16xf32>,
        %get3A_218 = vector.shape_cast %get3A_217 : vector<1x16xf32> to vector<16xf32>
        %add3A_219 = arith.addf %add3A_212, %get3A_218 : vector<16xf32>
        %swap3A = arith.index_cast %scan3A_195 : i32 to index
        %swap3A_220 = arith.constant 0 : index
        %swap3A_221 = tpu.vector_load %arg14[%swap3A, %swap3A_220] {strides = array<i32>} : memref<32x128xf32, #tpu.memory_space<vmem>>, vector<1x16xf32>,
        %swap3A_222 = vector.shape_cast %swap3A_221 : vector<1x16xf32> to vector<16xf32>
        %swap3A_223 = vector.shape_cast %add3A_219 : vector<16xf32> to vector<1x16xf32>
        tpu.vector_store %arg14[%swap3A, %swap3A_220], %swap3A_223 {strides = array<i32>} : memref<32x128xf32, #tpu.memory_space<vmem>>, vector<1x16xf32>,
        %get3A_224 = arith.index_cast %scan3A_195 : i32 to index
        %get3A_225 = arith.constant 16 : index
        %get3A_226 = tpu.vector_load %arg10[%get3A_224, %get3A_225] {strides = array<i32>} : memref<128x128xf32, #tpu.memory_space<vmem>>, vector<1x16xf32>,
        %get3A_227 = vector.shape_cast %get3A_226 : vector<1x16xf32> to vector<16xf32>
        %add3A_228 = arith.constant 32 : i32
        %add3A_229 = arith.addi %add3A_228, %scan3A_195 : i32
        %get3A_230 = arith.index_cast %add3A_229 : i32 to index
        %get3A_231 = arith.constant 16 : index
        %get3A_232 = tpu.vector_load %arg10[%get3A_230, %get3A_231] {strides = array<i32>} : memref<128x128xf32, #tpu.memory_space<vmem>>, vector<1x16xf32>,
        %get3A_233 = vector.shape_cast %get3A_232 : vector<1x16xf32> to vector<16xf32>
        %add3A_234 = arith.addf %get3A_227, %get3A_233 : vector<16xf32>
        %add3A_235 = arith.constant 64 : i32
        %add3A_236 = arith.addi %add3A_235, %scan3A_195 : i32
        %get3A_237 = arith.index_cast %add3A_236 : i32 to index
        %get3A_238 = arith.constant 16 : index
        %get3A_239 = tpu.vector_load %arg10[%get3A_237, %get3A_238] {strides = array<i32>} : memref<128x128xf32, #tpu.memory_space<vmem>>, vector<1x16xf32>,
        %get3A_240 = vector.shape_cast %get3A_239 : vector<1x16xf32> to vector<16xf32>
        %add3A_241 = arith.addf %add3A_234, %get3A_240 : vector<16xf32>
        %add3A_242 = arith.constant 96 : i32
        %add3A_243 = arith.addi %add3A_242, %scan3A_195 : i32
        %get3A_244 = arith.index_cast %add3A_243 : i32 to index
        %get3A_245 = arith.constant 16 : index
        %get3A_246 = tpu.vector_load %arg10[%get3A_244, %get3A_245] {strides = array<i32>} : memref<128x128xf32, #tpu.memory_space<vmem>>, vector<1x16xf32>,
        %get3A_247 = vector.shape_cast %get3A_246 : vector<1x16xf32> to vector<16xf32>
        %add3A_248 = arith.addf %add3A_241, %get3A_247 : vector<16xf32>
        %swap3A_249 = arith.index_cast %scan3A_195 : i32 to index
        %swap3A_250 = arith.constant 16 : index
        %swap3A_251 = tpu.vector_load %arg14[%swap3A_249, %swap3A_250] {strides = array<i32>} : memref<32x128xf32, #tpu.memory_space<vmem>>, vector<1x16xf32>,
        %swap3A_252 = vector.shape_cast %swap3A_251 : vector<1x16xf32> to vector<16xf32>
        %swap3A_253 = vector.shape_cast %add3A_248 : vector<16xf32> to vector<1x16xf32>
        tpu.vector_store %arg14[%swap3A_249, %swap3A_250], %swap3A_253 {strides = array<i32>} : memref<32x128xf32, #tpu.memory_space<vmem>>, vector<1x16xf32>,
        %get3A_254 = arith.index_cast %scan3A_195 : i32 to index
        %get3A_255 = arith.constant 32 : index
        %get3A_256 = tpu.vector_load %arg10[%get3A_254, %get3A_255] {strides = array<i32>} : memref<128x128xf32, #tpu.memory_space<vmem>>, vector<1x16xf32>,
        %get3A_257 = vector.shape_cast %get3A_256 : vector<1x16xf32> to vector<16xf32>
        %add3A_258 = arith.constant 32 : i32
        %add3A_259 = arith.addi %add3A_258, %scan3A_195 : i32
        %get3A_260 = arith.index_cast %add3A_259 : i32 to index
        %get3A_261 = arith.constant 32 : index
        %get3A_262 = tpu.vector_load %arg10[%get3A_260, %get3A_261] {strides = array<i32>} : memref<128x128xf32, #tpu.memory_space<vmem>>, vector<1x16xf32>,
        %get3A_263 = vector.shape_cast %get3A_262 : vector<1x16xf32> to vector<16xf32>
        %add3A_264 = arith.addf %get3A_257, %get3A_263 : vector<16xf32>
        %add3A_265 = arith.constant 64 : i32
        %add3A_266 = arith.addi %add3A_265, %scan3A_195 : i32
        %get3A_267 = arith.index_cast %add3A_266 : i32 to index
        %get3A_268 = arith.constant 32 : index
        %get3A_269 = tpu.vector_load %arg10[%get3A_267, %get3A_268] {strides = array<i32>} : memref<128x128xf32, #tpu.memory_space<vmem>>, vector<1x16xf32>,
        %get3A_270 = vector.shape_cast %get3A_269 : vector<1x16xf32> to vector<16xf32>
        %add3A_271 = arith.addf %add3A_264, %get3A_270 : vector<16xf32>
        %add3A_272 = arith.constant 96 : i32
        %add3A_273 = arith.addi %add3A_272, %scan3A_195 : i32
        %get3A_274 = arith.index_cast %add3A_273 : i32 to index
        %get3A_275 = arith.constant 32 : index
        %get3A_276 = tpu.vector_load %arg10[%get3A_274, %get3A_275] {strides = array<i32>} : memref<128x128xf32, #tpu.memory_space<vmem>>, vector<1x16xf32>,
        %get3A_277 = vector.shape_cast %get3A_276 : vector<1x16xf32> to vector<16xf32>
        %add3A_278 = arith.addf %add3A_271, %get3A_277 : vector<16xf32>
        %swap3A_279 = arith.index_cast %scan3A_195 : i32 to index
        %swap3A_280 = arith.constant 32 : index
        %swap3A_281 = tpu.vector_load %arg14[%swap3A_279, %swap3A_280] {strides = array<i32>} : memref<32x128xf32, #tpu.memory_space<vmem>>, vector<1x16xf32>,
        %swap3A_282 = vector.shape_cast %swap3A_281 : vector<1x16xf32> to vector<16xf32>
        %swap3A_283 = vector.shape_cast %add3A_278 : vector<16xf32> to vector<1x16xf32>
        tpu.vector_store %arg14[%swap3A_279, %swap3A_280], %swap3A_283 {strides = array<i32>} : memref<32x128xf32, #tpu.memory_space<vmem>>, vector<1x16xf32>,
        %get3A_284 = arith.index_cast %scan3A_195 : i32 to index
        %get3A_285 = arith.constant 48 : index
        %get3A_286 = tpu.vector_load %arg10[%get3A_284, %get3A_285] {strides = array<i32>} : memref<128x128xf32, #tpu.memory_space<vmem>>, vector<1x16xf32>,
        %get3A_287 = vector.shape_cast %get3A_286 : vector<1x16xf32> to vector<16xf32>
        %add3A_288 = arith.constant 32 : i32
        %add3A_289 = arith.addi %add3A_288, %scan3A_195 : i32
        %get3A_290 = arith.index_cast %add3A_289 : i32 to index
        %get3A_291 = arith.constant 48 : index
        %get3A_292 = tpu.vector_load %arg10[%get3A_290, %get3A_291] {strides = array<i32>} : memref<128x128xf32, #tpu.memory_space<vmem>>, vector<1x16xf32>,
        %get3A_293 = vector.shape_cast %get3A_292 : vector<1x16xf32> to vector<16xf32>
        %add3A_294 = arith.addf %get3A_287, %get3A_293 : vector<16xf32>
        %add3A_295 = arith.constant 64 : i32
        %add3A_296 = arith.addi %add3A_295, %scan3A_195 : i32
        %get3A_297 = arith.index_cast %add3A_296 : i32 to index
        %get3A_298 = arith.constant 48 : index
        %get3A_299 = tpu.vector_load %arg10[%get3A_297, %get3A_298] {strides = array<i32>} : memref<128x128xf32, #tpu.memory_space<vmem>>, vector<1x16xf32>,
        %get3A_300 = vector.shape_cast %get3A_299 : vector<1x16xf32> to vector<16xf32>
        %add3A_301 = arith.addf %add3A_294, %get3A_300 : vector<16xf32>
        %add3A_302 = arith.constant 96 : i32
        %add3A_303 = arith.addi %add3A_302, %scan3A_195 : i32
        %get3A_304 = arith.index_cast %add3A_303 : i32 to index
        %get3A_305 = arith.constant 48 : index
        %get3A_306 = tpu.vector_load %arg10[%get3A_304, %get3A_305] {strides = array<i32>} : memref<128x128xf32, #tpu.memory_space<vmem>>, vector<1x16xf32>,
        %get3A_307 = vector.shape_cast %get3A_306 : vector<1x16xf32> to vector<16xf32>
        %add3A_308 = arith.addf %add3A_301, %get3A_307 : vector<16xf32>
        %swap3A_309 = arith.index_cast %scan3A_195 : i32 to index
        %swap3A_310 = arith.constant 48 : index
        %swap3A_311 = tpu.vector_load %arg14[%swap3A_309, %swap3A_310] {strides = array<i32>} : memref<32x128xf32, #tpu.memory_space<vmem>>, vector<1x16xf32>,
        %swap3A_312 = vector.shape_cast %swap3A_311 : vector<1x16xf32> to vector<16xf32>
        %swap3A_313 = vector.shape_cast %add3A_308 : vector<16xf32> to vector<1x16xf32>
        tpu.vector_store %arg14[%swap3A_309, %swap3A_310], %swap3A_313 {strides = array<i32>} : memref<32x128xf32, #tpu.memory_space<vmem>>, vector<1x16xf32>,
        %get3A_314 = arith.index_cast %scan3A_195 : i32 to index
        %get3A_315 = arith.constant 64 : index
        %get3A_316 = tpu.vector_load %arg10[%get3A_314, %get3A_315] {strides = array<i32>} : memref<128x128xf32, #tpu.memory_space<vmem>>, vector<1x16xf32>,
        %get3A_317 = vector.shape_cast %get3A_316 : vector<1x16xf32> to vector<16xf32>
        %add3A_318 = arith.constant 32 : i32
        %add3A_319 = arith.addi %add3A_318, %scan3A_195 : i32
        %get3A_320 = arith.index_cast %add3A_319 : i32 to index
        %get3A_321 = arith.constant 64 : index
        %get3A_322 = tpu.vector_load %arg10[%get3A_320, %get3A_321] {strides = array<i32>} : memref<128x128xf32, #tpu.memory_space<vmem>>, vector<1x16xf32>,
        %get3A_323 = vector.shape_cast %get3A_322 : vector<1x16xf32> to vector<16xf32>
        %add3A_324 = arith.addf %get3A_317, %get3A_323 : vector<16xf32>
        %add3A_325 = arith.constant 64 : i32
        %add3A_326 = arith.addi %add3A_325, %scan3A_195 : i32
        %get3A_327 = arith.index_cast %add3A_326 : i32 to index
        %get3A_328 = arith.constant 64 : index
        %get3A_329 = tpu.vector_load %arg10[%get3A_327, %get3A_328] {strides = array<i32>} : memref<128x128xf32, #tpu.memory_space<vmem>>, vector<1x16xf32>,
        %get3A_330 = vector.shape_cast %get3A_329 : vector<1x16xf32> to vector<16xf32>
        %add3A_331 = arith.addf %add3A_324, %get3A_330 : vector<16xf32>
        %add3A_332 = arith.constant 96 : i32
        %add3A_333 = arith.addi %add3A_332, %scan3A_195 : i32
        %get3A_334 = arith.index_cast %add3A_333 : i32 to index
        %get3A_335 = arith.constant 64 : index
        %get3A_336 = tpu.vector_load %arg10[%get3A_334, %get3A_335] {strides = array<i32>} : memref<128x128xf32, #tpu.memory_space<vmem>>, vector<1x16xf32>,
        %get3A_337 = vector.shape_cast %get3A_336 : vector<1x16xf32> to vector<16xf32>
        %add3A_338 = arith.addf %add3A_331, %get3A_337 : vector<16xf32>
        %swap3A_339 = arith.index_cast %scan3A_195 : i32 to index
        %swap3A_340 = arith.constant 64 : index
        %swap3A_341 = tpu.vector_load %arg14[%swap3A_339, %swap3A_340] {strides = array<i32>} : memref<32x128xf32, #tpu.memory_space<vmem>>, vector<1x16xf32>,
        %swap3A_342 = vector.shape_cast %swap3A_341 : vector<1x16xf32> to vector<16xf32>
        %swap3A_343 = vector.shape_cast %add3A_338 : vector<16xf32> to vector<1x16xf32>
        tpu.vector_store %arg14[%swap3A_339, %swap3A_340], %swap3A_343 {strides = array<i32>} : memref<32x128xf32, #tpu.memory_space<vmem>>, vector<1x16xf32>,
        %get3A_344 = arith.index_cast %scan3A_195 : i32 to index
        %get3A_345 = arith.constant 80 : index
        %get3A_346 = tpu.vector_load %arg10[%get3A_344, %get3A_345] {strides = array<i32>} : memref<128x128xf32, #tpu.memory_space<vmem>>, vector<1x16xf32>,
        %get3A_347 = vector.shape_cast %get3A_346 : vector<1x16xf32> to vector<16xf32>
        %add3A_348 = arith.constant 32 : i32
        %add3A_349 = arith.addi %add3A_348, %scan3A_195 : i32
        %get3A_350 = arith.index_cast %add3A_349 : i32 to index
        %get3A_351 = arith.constant 80 : index
        %get3A_352 = tpu.vector_load %arg10[%get3A_350, %get3A_351] {strides = array<i32>} : memref<128x128xf32, #tpu.memory_space<vmem>>, vector<1x16xf32>,
        %get3A_353 = vector.shape_cast %get3A_352 : vector<1x16xf32> to vector<16xf32>
        %add3A_354 = arith.addf %get3A_347, %get3A_353 : vector<16xf32>
        %add3A_355 = arith.constant 64 : i32
        %add3A_356 = arith.addi %add3A_355, %scan3A_195 : i32
        %get3A_357 = arith.index_cast %add3A_356 : i32 to index
        %get3A_358 = arith.constant 80 : index
        %get3A_359 = tpu.vector_load %arg10[%get3A_357, %get3A_358] {strides = array<i32>} : memref<128x128xf32, #tpu.memory_space<vmem>>, vector<1x16xf32>,
        %get3A_360 = vector.shape_cast %get3A_359 : vector<1x16xf32> to vector<16xf32>
        %add3A_361 = arith.addf %add3A_354, %get3A_360 : vector<16xf32>
        %add3A_362 = arith.constant 96 : i32
        %add3A_363 = arith.addi %add3A_362, %scan3A_195 : i32
        %get3A_364 = arith.index_cast %add3A_363 : i32 to index
        %get3A_365 = arith.constant 80 : index
        %get3A_366 = tpu.vector_load %arg10[%get3A_364, %get3A_365] {strides = array<i32>} : memref<128x128xf32, #tpu.memory_space<vmem>>, vector<1x16xf32>,
        %get3A_367 = vector.shape_cast %get3A_366 : vector<1x16xf32> to vector<16xf32>
        %add3A_368 = arith.addf %add3A_361, %get3A_367 : vector<16xf32>
        %swap3A_369 = arith.index_cast %scan3A_195 : i32 to index
        %swap3A_370 = arith.constant 80 : index
        %swap3A_371 = tpu.vector_load %arg14[%swap3A_369, %swap3A_370] {strides = array<i32>} : memref<32x128xf32, #tpu.memory_space<vmem>>, vector<1x16xf32>,
        %swap3A_372 = vector.shape_cast %swap3A_371 : vector<1x16xf32> to vector<16xf32>
        %swap3A_373 = vector.shape_cast %add3A_368 : vector<16xf32> to vector<1x16xf32>
        tpu.vector_store %arg14[%swap3A_369, %swap3A_370], %swap3A_373 {strides = array<i32>} : memref<32x128xf32, #tpu.memory_space<vmem>>, vector<1x16xf32>,
        %get3A_374 = arith.index_cast %scan3A_195 : i32 to index
        %get3A_375 = arith.constant 96 : index
        %get3A_376 = tpu.vector_load %arg10[%get3A_374, %get3A_375] {strides = array<i32>} : memref<128x128xf32, #tpu.memory_space<vmem>>, vector<1x16xf32>,
        %get3A_377 = vector.shape_cast %get3A_376 : vector<1x16xf32> to vector<16xf32>
        %add3A_378 = arith.constant 32 : i32
        %add3A_379 = arith.addi %add3A_378, %scan3A_195 : i32
        %get3A_380 = arith.index_cast %add3A_379 : i32 to index
        %get3A_381 = arith.constant 96 : index
        %get3A_382 = tpu.vector_load %arg10[%get3A_380, %get3A_381] {strides = array<i32>} : memref<128x128xf32, #tpu.memory_space<vmem>>, vector<1x16xf32>,
        %get3A_383 = vector.shape_cast %get3A_382 : vector<1x16xf32> to vector<16xf32>
        %add3A_384 = arith.addf %get3A_377, %get3A_383 : vector<16xf32>
        %add3A_385 = arith.constant 64 : i32
        %add3A_386 = arith.addi %add3A_385, %scan3A_195 : i32
        %get3A_387 = arith.index_cast %add3A_386 : i32 to index
        %get3A_388 = arith.constant 96 : index
        %get3A_389 = tpu.vector_load %arg10[%get3A_387, %get3A_388] {strides = array<i32>} : memref<128x128xf32, #tpu.memory_space<vmem>>, vector<1x16xf32>,
        %get3A_390 = vector.shape_cast %get3A_389 : vector<1x16xf32> to vector<16xf32>
        %add3A_391 = arith.addf %add3A_384, %get3A_390 : vector<16xf32>
        %add3A_392 = arith.constant 96 : i32
        %add3A_393 = arith.addi %add3A_392, %scan3A_195 : i32
        %get3A_394 = arith.index_cast %add3A_393 : i32 to index
        %get3A_395 = arith.constant 96 : index
        %get3A_396 = tpu.vector_load %arg10[%get3A_394, %get3A_395] {strides = array<i32>} : memref<128x128xf32, #tpu.memory_space<vmem>>, vector<1x16xf32>,
        %get3A_397 = vector.shape_cast %get3A_396 : vector<1x16xf32> to vector<16xf32>
        %add3A_398 = arith.addf %add3A_391, %get3A_397 : vector<16xf32>
        %swap3A_399 = arith.index_cast %scan3A_195 : i32 to index
        %swap3A_400 = arith.constant 96 : index
        %swap3A_401 = tpu.vector_load %arg14[%swap3A_399, %swap3A_400] {strides = array<i32>} : memref<32x128xf32, #tpu.memory_space<vmem>>, vector<1x16xf32>,
        %swap3A_402 = vector.shape_cast %swap3A_401 : vector<1x16xf32> to vector<16xf32>
        %swap3A_403 = vector.shape_cast %add3A_398 : vector<16xf32> to vector<1x16xf32>
        tpu.vector_store %arg14[%swap3A_399, %swap3A_400], %swap3A_403 {strides = array<i32>} : memref<32x128xf32, #tpu.memory_space<vmem>>, vector<1x16xf32>,
        %get3A_404 = arith.index_cast %scan3A_195 : i32 to index
        %get3A_405 = arith.constant 112 : index
        %get3A_406 = tpu.vector_load %arg10[%get3A_404, %get3A_405] {strides = array<i32>} : memref<128x128xf32, #tpu.memory_space<vmem>>, vector<1x16xf32>,
        %get3A_407 = vector.shape_cast %get3A_406 : vector<1x16xf32> to vector<16xf32>
        %add3A_408 = arith.constant 32 : i32
        %add3A_409 = arith.addi %add3A_408, %scan3A_195 : i32
        %get3A_410 = arith.index_cast %add3A_409 : i32 to index
        %get3A_411 = arith.constant 112 : index
        %get3A_412 = tpu.vector_load %arg10[%get3A_410, %get3A_411] {strides = array<i32>} : memref<128x128xf32, #tpu.memory_space<vmem>>, vector<1x16xf32>,
        %get3A_413 = vector.shape_cast %get3A_412 : vector<1x16xf32> to vector<16xf32>
        %add3A_414 = arith.addf %get3A_407, %get3A_413 : vector<16xf32>
        %add3A_415 = arith.constant 64 : i32
        %add3A_416 = arith.addi %add3A_415, %scan3A_195 : i32
        %get3A_417 = arith.index_cast %add3A_416 : i32 to index
        %get3A_418 = arith.constant 112 : index
        %get3A_419 = tpu.vector_load %arg10[%get3A_417, %get3A_418] {strides = array<i32>} : memref<128x128xf32, #tpu.memory_space<vmem>>, vector<1x16xf32>,
        %get3A_420 = vector.shape_cast %get3A_419 : vector<1x16xf32> to vector<16xf32>
        %add3A_421 = arith.addf %add3A_414, %get3A_420 : vector<16xf32>
        %add3A_422 = arith.constant 96 : i32
        %add3A_423 = arith.addi %add3A_422, %scan3A_195 : i32
        %get3A_424 = arith.index_cast %add3A_423 : i32 to index
        %get3A_425 = arith.constant 112 : index
        %get3A_426 = tpu.vector_load %arg10[%get3A_424, %get3A_425] {strides = array<i32>} : memref<128x128xf32, #tpu.memory_space<vmem>>, vector<1x16xf32>,
        %get3A_427 = vector.shape_cast %get3A_426 : vector<1x16xf32> to vector<16xf32>
        %add3A_428 = arith.addf %add3A_421, %get3A_427 : vector<16xf32>
        %swap3A_429 = arith.index_cast %scan3A_195 : i32 to index
        %swap3A_430 = arith.constant 112 : index
        %swap3A_431 = tpu.vector_load %arg14[%swap3A_429, %swap3A_430] {strides = array<i32>} : memref<32x128xf32, #tpu.memory_space<vmem>>, vector<1x16xf32>,
        %swap3A_432 = vector.shape_cast %swap3A_431 : vector<1x16xf32> to vector<16xf32>
        %swap3A_433 = vector.shape_cast %add3A_428 : vector<16xf32> to vector<1x16xf32>
        tpu.vector_store %arg14[%swap3A_429, %swap3A_430], %swap3A_433 {strides = array<i32>} : memref<32x128xf32, #tpu.memory_space<vmem>>, vector<1x16xf32>,
      }
      %scan3A_126 = arith.constant 32 : i32
      %scan3A_127 = arith.constant 0 : i32
      %scan3A_128 = arith.constant 0 : i32
      %scan3A_129 = arith.constant 32 : i32
      %scan3A_130 = arith.addi %scan3A_128, %scan3A_129 : i32
      %scan3A_131 = arith.constant 1 : i32
      scf.for %scan3A_195 = %scan3A_128 to %scan3A_130 step %scan3A_131  : i32 {
        %get3A = arith.index_cast %scan3A_195 : i32 to index
        %get3A_196 = arith.constant 0 : index
        %get3A_197 = tpu.vector_load %arg12[%get3A, %get3A_196] {strides = array<i32>} : memref<128x16xf32, #tpu.memory_space<vmem>>, vector<1x16xf32>,
        %get3A_198 = vector.shape_cast %get3A_197 : vector<1x16xf32> to vector<16xf32>
        %add3A_199 = arith.constant 32 : i32
        %add3A_200 = arith.addi %add3A_199, %scan3A_195 : i32
        %get3A_201 = arith.index_cast %add3A_200 : i32 to index
        %get3A_202 = arith.constant 0 : index
        %get3A_203 = tpu.vector_load %arg12[%get3A_201, %get3A_202] {strides = array<i32>} : memref<128x16xf32, #tpu.memory_space<vmem>>, vector<1x16xf32>,
        %get3A_204 = vector.shape_cast %get3A_203 : vector<1x16xf32> to vector<16xf32>
        %add3A_205 = arith.addf %get3A_198, %get3A_204 : vector<16xf32>
        %add3A_206 = arith.constant 64 : i32
        %add3A_207 = arith.addi %add3A_206, %scan3A_195 : i32
        %get3A_208 = arith.index_cast %add3A_207 : i32 to index
        %get3A_209 = arith.constant 0 : index
        %get3A_210 = tpu.vector_load %arg12[%get3A_208, %get3A_209] {strides = array<i32>} : memref<128x16xf32, #tpu.memory_space<vmem>>, vector<1x16xf32>,
        %get3A_211 = vector.shape_cast %get3A_210 : vector<1x16xf32> to vector<16xf32>
        %add3A_212 = arith.addf %add3A_205, %get3A_211 : vector<16xf32>
        %add3A_213 = arith.constant 96 : i32
        %add3A_214 = arith.addi %add3A_213, %scan3A_195 : i32
        %get3A_215 = arith.index_cast %add3A_214 : i32 to index
        %get3A_216 = arith.constant 0 : index
        %get3A_217 = tpu.vector_load %arg12[%get3A_215, %get3A_216] {strides = array<i32>} : memref<128x16xf32, #tpu.memory_space<vmem>>, vector<1x16xf32>,
        %get3A_218 = vector.shape_cast %get3A_217 : vector<1x16xf32> to vector<16xf32>
        %add3A_219 = arith.addf %add3A_212, %get3A_218 : vector<16xf32>
        %swap3A = arith.index_cast %scan3A_195 : i32 to index
        %swap3A_220 = arith.constant 0 : index
        %swap3A_221 = tpu.vector_load %arg16[%swap3A, %swap3A_220] {strides = array<i32>} : memref<32x128xf32, #tpu.memory_space<vmem>>, vector<1x16xf32>,
        %swap3A_222 = vector.shape_cast %swap3A_221 : vector<1x16xf32> to vector<16xf32>
        %swap3A_223 = vector.shape_cast %add3A_219 : vector<16xf32> to vector<1x16xf32>
        tpu.vector_store %arg16[%swap3A, %swap3A_220], %swap3A_223 {strides = array<i32>} : memref<32x128xf32, #tpu.memory_space<vmem>>, vector<1x16xf32>,
      }
      %scan3A_132 = arith.constant 32 : i32
      %mul3A_133 = arith.constant 32 : i32
      %mul3A_134 = arith.muli %mul3A_90, %mul3A_133 : i32
      %add3A_135 = arith.addi %mul3A_10, %mul3A_134 : i32
      %dma_start3A_136 = arith.constant 0 : i32
      %dma_start3A_137 = tpu.memref_slice %arg6[%add3A_135, %dma_start3A_136] : memref<102400x128xf32, #tpu.memory_space<hbm>> -> memref<32x128xf32, #tpu.memory_space<hbm>>
      %dma_start3A_138 = arith.constant 0 : i32
      %dma_start3A_139 = tpu.memref_slice %arg6[%add3A_135, %dma_start3A_138] : memref<102400x128xf32, #tpu.memory_space<hbm>> -> memref<32x128xf32, #tpu.memory_space<hbm>>
      tpu.enqueue_dma source(%arg14 : memref<32x128xf32, #tpu.memory_space<vmem>>) target(%dma_start3A_139 : memref<32x128xf32, #tpu.memory_space<hbm>>) target_semaphore(%arg20 : memref<!tpu.dma_semaphore, #tpu.memory_space<semaphore_mem>>)
      %mul3A_140 = arith.constant 32 : i32
      %mul3A_141 = arith.muli %mul3A_90, %mul3A_140 : i32
      %add3A_142 = arith.addi %mul3A_10, %mul3A_141 : i32
      %dma_start3A_143 = arith.constant 0 : i32
      %dma_start3A_144 = tpu.memref_slice %arg7[%add3A_142, %dma_start3A_143] : memref<102400x128xf32, #tpu.memory_space<hbm>> -> memref<32x128xf32, #tpu.memory_space<hbm>>
      %dma_start3A_145 = arith.constant 0 : i32
      %dma_start3A_146 = tpu.memref_slice %arg7[%add3A_142, %dma_start3A_145] : memref<102400x128xf32, #tpu.memory_space<hbm>> -> memref<32x128xf32, #tpu.memory_space<hbm>>
      tpu.enqueue_dma source(%arg16 : memref<32x128xf32, #tpu.memory_space<vmem>>) target(%dma_start3A_146 : memref<32x128xf32, #tpu.memory_space<hbm>>) target_semaphore(%arg20 : memref<!tpu.dma_semaphore, #tpu.memory_space<semaphore_mem>>)
      %sub3A_147 = arith.constant 1 : i32
      %sub3A_148 = arith.subi %select_n3A_8, %sub3A_147 : i32
      %lt3A = arith.cmpi slt, %while3A_88, %sub3A_148 : i32
      %convert_element_type3A_149 = arith.extui %lt3A : i1 to i32
      %cond3A_150 = arith.constant 0 : i32
      %cond3A_151 = arith.cmpi ne, %convert_element_type3A_149, %cond3A_150 : i32
      scf.if %cond3A_151 {
        %add3A_195 = arith.constant 2 : i32
        %add3A_196 = arith.addi %mul3A_90, %add3A_195 : i32
        %dma_start3A_197 = arith.constant 0 : i32
        %dma_start3A_198 = tpu.memref_slice %arg8[%add3A_196, %dma_start3A_197] : memref<144x128xi32, #tpu.memory_space<vmem>> -> memref<1x128xi32, #tpu.memory_space<vmem>>
        %dma_start3A_199 = tpu.memref_squeeze %dma_start3A_198 : memref<1x128xi32, #tpu.memory_space<vmem>> -> memref<128xi32, #tpu.memory_space<vmem>>
        %dma_start3A_200 = arith.constant 0 : i32
        %dma_start3A_201 = arith.constant 0 : i32
        %dma_start3A_202 = tpu.memref_slice %arg2[%dma_start3A_200, %dma_start3A_201] : memref<100000x128xf32, #tpu.memory_space<hbm>> -> memref<100000x128xf32, #tpu.memory_space<hbm>>
        tpu.enqueue_indirect_dma source(%dma_start3A_202 : memref<100000x128xf32, #tpu.memory_space<hbm>>) target(%arg10 : memref<128x128xf32, #tpu.memory_space<vmem>>) offsets(%dma_start3A_199 : memref<128xi32, #tpu.memory_space<vmem>>) semaphore(%arg18 : memref<!tpu.dma_semaphore, #tpu.memory_space<semaphore_mem>>)
        %add3A_203 = arith.constant 2 : i32
        %add3A_204 = arith.addi %mul3A_90, %add3A_203 : i32
        %dma_start3A_205 = arith.constant 0 : i32
        %dma_start3A_206 = tpu.memref_slice %arg9[%add3A_204, %dma_start3A_205] : memref<144x128xi32, #tpu.memory_space<vmem>> -> memref<1x128xi32, #tpu.memory_space<vmem>>
        %dma_start3A_207 = tpu.memref_squeeze %dma_start3A_206 : memref<1x128xi32, #tpu.memory_space<vmem>> -> memref<128xi32, #tpu.memory_space<vmem>>
        %dma_start3A_208 = arith.constant 0 : i32
        %dma_start3A_209 = arith.constant 0 : i32
        %dma_start3A_210 = tpu.memref_slice %arg4[%dma_start3A_208, %dma_start3A_209] : memref<400000x16xf32, #tpu.memory_space<hbm>> -> memref<400000x16xf32, #tpu.memory_space<hbm>>
        tpu.enqueue_indirect_dma source(%dma_start3A_210 : memref<400000x16xf32, #tpu.memory_space<hbm>>) target(%arg12 : memref<128x16xf32, #tpu.memory_space<vmem>>) offsets(%dma_start3A_207 : memref<128xi32, #tpu.memory_space<vmem>>) semaphore(%arg18 : memref<!tpu.dma_semaphore, #tpu.memory_space<semaphore_mem>>)
      } else {
      }
      %gt3A_152 = arith.constant 0 : i32
      %gt3A_153 = arith.cmpi sgt, %while3A_88, %gt3A_152 : i32
      %convert_element_type3A_154 = arith.extui %gt3A_153 : i1 to i32
      %cond3A_155 = arith.constant 0 : i32
      %cond3A_156 = arith.cmpi ne, %convert_element_type3A_154, %cond3A_155 : i32
      scf.if %cond3A_156 {
        %sub3A_195 = arith.constant 2 : i32
        %sub3A_196 = arith.subi %add3A_92, %sub3A_195 : i32
        %mul3A_197 = arith.constant 32 : i32
        %mul3A_198 = arith.muli %sub3A_196, %mul3A_197 : i32
        %add3A_199 = arith.addi %mul3A_10, %mul3A_198 : i32
        %dma_wait3A_200 = arith.constant 0 : i32
        %dma_wait3A_201 = tpu.memref_slice %arg6[%add3A_199, %dma_wait3A_200] : memref<102400x128xf32, #tpu.memory_space<hbm>> -> memref<32x128xf32, #tpu.memory_space<hbm>>
        %dma_wait3A_202 = arith.constant 0 : i32
        %dma_wait3A_203 = tpu.memref_slice %arg6[%add3A_199, %dma_wait3A_202] : memref<102400x128xf32, #tpu.memory_space<hbm>> -> memref<32x128xf32, #tpu.memory_space<hbm>>
        tpu.wait_dma2 semaphore(%arg21 : memref<!tpu.dma_semaphore, #tpu.memory_space<semaphore_mem>>) src(%arg15 : memref<32x128xf32, #tpu.memory_space<vmem>>) dst(%dma_wait3A_203 : memref<32x128xf32, #tpu.memory_space<hbm>>)
        %sub3A_204 = arith.constant 2 : i32
        %sub3A_205 = arith.subi %add3A_92, %sub3A_204 : i32
        %mul3A_206 = arith.constant 32 : i32
        %mul3A_207 = arith.muli %sub3A_205, %mul3A_206 : i32
        %add3A_208 = arith.addi %mul3A_10, %mul3A_207 : i32
        %dma_wait3A_209 = arith.constant 0 : i32
        %dma_wait3A_210 = tpu.memref_slice %arg7[%add3A_208, %dma_wait3A_209] : memref<102400x128xf32, #tpu.memory_space<hbm>> -> memref<32x128xf32, #tpu.memory_space<hbm>>
        %dma_wait3A_211 = arith.constant 0 : i32
        %dma_wait3A_212 = tpu.memref_slice %arg7[%add3A_208, %dma_wait3A_211] : memref<102400x128xf32, #tpu.memory_space<hbm>> -> memref<32x128xf32, #tpu.memory_space<hbm>>
        tpu.wait_dma2 semaphore(%arg21 : memref<!tpu.dma_semaphore, #tpu.memory_space<semaphore_mem>>) src(%arg17 : memref<32x128xf32, #tpu.memory_space<vmem>>) dst(%dma_wait3A_212 : memref<32x128xf32, #tpu.memory_space<hbm>>)
      } else {
      }
      %dma_wait3A_157 = arith.constant 0 : i32
      %dma_wait3A_158 = tpu.memref_slice %arg8[%add3A_92, %dma_wait3A_157] : memref<144x128xi32, #tpu.memory_space<vmem>> -> memref<1x128xi32, #tpu.memory_space<vmem>>
      %dma_wait3A_159 = tpu.memref_squeeze %dma_wait3A_158 : memref<1x128xi32, #tpu.memory_space<vmem>> -> memref<128xi32, #tpu.memory_space<vmem>>
      %dma_wait3A_160 = arith.constant 0 : i32
      %dma_wait3A_161 = arith.constant 0 : i32
      %dma_wait3A_162 = tpu.memref_slice %arg2[%dma_wait3A_160, %dma_wait3A_161] : memref<100000x128xf32, #tpu.memory_space<hbm>> -> memref<100000x128xf32, #tpu.memory_space<hbm>>
      tpu.wait_indirect_dma semaphore(%arg19 : memref<!tpu.dma_semaphore, #tpu.memory_space<semaphore_mem>>) src(%dma_wait3A_162 : memref<100000x128xf32, #tpu.memory_space<hbm>>) dst(%arg11 : memref<128x128xf32, #tpu.memory_space<vmem>>)
      %dma_wait3A_163 = arith.constant 0 : i32
      %dma_wait3A_164 = tpu.memref_slice %arg9[%add3A_92, %dma_wait3A_163] : memref<144x128xi32, #tpu.memory_space<vmem>> -> memref<1x128xi32, #tpu.memory_space<vmem>>
      %dma_wait3A_165 = tpu.memref_squeeze %dma_wait3A_164 : memref<1x128xi32, #tpu.memory_space<vmem>> -> memref<128xi32, #tpu.memory_space<vmem>>
      %dma_wait3A_166 = arith.constant 0 : i32
      %dma_wait3A_167 = arith.constant 0 : i32
      %dma_wait3A_168 = tpu.memref_slice %arg4[%dma_wait3A_166, %dma_wait3A_167] : memref<400000x16xf32, #tpu.memory_space<hbm>> -> memref<400000x16xf32, #tpu.memory_space<hbm>>
      tpu.wait_indirect_dma semaphore(%arg19 : memref<!tpu.dma_semaphore, #tpu.memory_space<semaphore_mem>>) src(%dma_wait3A_168 : memref<400000x16xf32, #tpu.memory_space<hbm>>) dst(%arg13 : memref<128x16xf32, #tpu.memory_space<vmem>>)
      %scan3A_169 = arith.constant 0 : i32
      %scan3A_170 = arith.constant 0 : i32
      %scan3A_171 = arith.constant 32 : i32
      %scan3A_172 = arith.addi %scan3A_170, %scan3A_171 : i32
      %scan3A_173 = arith.constant 1 : i32
      scf.for %scan3A_195 = %scan3A_170 to %scan3A_172 step %scan3A_173  : i32 {
        %get3A = arith.index_cast %scan3A_195 : i32 to index
        %get3A_196 = arith.constant 0 : index
        %get3A_197 = tpu.vector_load %arg11[%get3A, %get3A_196] {strides = array<i32>} : memref<128x128xf32, #tpu.memory_space<vmem>>, vector<1x16xf32>,
        %get3A_198 = vector.shape_cast %get3A_197 : vector<1x16xf32> to vector<16xf32>
        %add3A_199 = arith.constant 32 : i32
        %add3A_200 = arith.addi %add3A_199, %scan3A_195 : i32
        %get3A_201 = arith.index_cast %add3A_200 : i32 to index
        %get3A_202 = arith.constant 0 : index
        %get3A_203 = tpu.vector_load %arg11[%get3A_201, %get3A_202] {strides = array<i32>} : memref<128x128xf32, #tpu.memory_space<vmem>>, vector<1x16xf32>,
        %get3A_204 = vector.shape_cast %get3A_203 : vector<1x16xf32> to vector<16xf32>
        %add3A_205 = arith.addf %get3A_198, %get3A_204 : vector<16xf32>
        %add3A_206 = arith.constant 64 : i32
        %add3A_207 = arith.addi %add3A_206, %scan3A_195 : i32
        %get3A_208 = arith.index_cast %add3A_207 : i32 to index
        %get3A_209 = arith.constant 0 : index
        %get3A_210 = tpu.vector_load %arg11[%get3A_208, %get3A_209] {strides = array<i32>} : memref<128x128xf32, #tpu.memory_space<vmem>>, vector<1x16xf32>,
        %get3A_211 = vector.shape_cast %get3A_210 : vector<1x16xf32> to vector<16xf32>
        %add3A_212 = arith.addf %add3A_205, %get3A_211 : vector<16xf32>
        %add3A_213 = arith.constant 96 : i32
        %add3A_214 = arith.addi %add3A_213, %scan3A_195 : i32
        %get3A_215 = arith.index_cast %add3A_214 : i32 to index
        %get3A_216 = arith.constant 0 : index
        %get3A_217 = tpu.vector_load %arg11[%get3A_215, %get3A_216] {strides = array<i32>} : memref<128x128xf32, #tpu.memory_space<vmem>>, vector<1x16xf32>,
        %get3A_218 = vector.shape_cast %get3A_217 : vector<1x16xf32> to vector<16xf32>
        %add3A_219 = arith.addf %add3A_212, %get3A_218 : vector<16xf32>
        %swap3A = arith.index_cast %scan3A_195 : i32 to index
        %swap3A_220 = arith.constant 0 : index
        %swap3A_221 = tpu.vector_load %arg15[%swap3A, %swap3A_220] {strides = array<i32>} : memref<32x128xf32, #tpu.memory_space<vmem>>, vector<1x16xf32>,
        %swap3A_222 = vector.shape_cast %swap3A_221 : vector<1x16xf32> to vector<16xf32>
        %swap3A_223 = vector.shape_cast %add3A_219 : vector<16xf32> to vector<1x16xf32>
        tpu.vector_store %arg15[%swap3A, %swap3A_220], %swap3A_223 {strides = array<i32>} : memref<32x128xf32, #tpu.memory_space<vmem>>, vector<1x16xf32>,
        %get3A_224 = arith.index_cast %scan3A_195 : i32 to index
        %get3A_225 = arith.constant 16 : index
        %get3A_226 = tpu.vector_load %arg11[%get3A_224, %get3A_225] {strides = array<i32>} : memref<128x128xf32, #tpu.memory_space<vmem>>, vector<1x16xf32>,
        %get3A_227 = vector.shape_cast %get3A_226 : vector<1x16xf32> to vector<16xf32>
        %add3A_228 = arith.constant 32 : i32
        %add3A_229 = arith.addi %add3A_228, %scan3A_195 : i32
        %get3A_230 = arith.index_cast %add3A_229 : i32 to index
        %get3A_231 = arith.constant 16 : index
        %get3A_232 = tpu.vector_load %arg11[%get3A_230, %get3A_231] {strides = array<i32>} : memref<128x128xf32, #tpu.memory_space<vmem>>, vector<1x16xf32>,
        %get3A_233 = vector.shape_cast %get3A_232 : vector<1x16xf32> to vector<16xf32>
        %add3A_234 = arith.addf %get3A_227, %get3A_233 : vector<16xf32>
        %add3A_235 = arith.constant 64 : i32
        %add3A_236 = arith.addi %add3A_235, %scan3A_195 : i32
        %get3A_237 = arith.index_cast %add3A_236 : i32 to index
        %get3A_238 = arith.constant 16 : index
        %get3A_239 = tpu.vector_load %arg11[%get3A_237, %get3A_238] {strides = array<i32>} : memref<128x128xf32, #tpu.memory_space<vmem>>, vector<1x16xf32>,
        %get3A_240 = vector.shape_cast %get3A_239 : vector<1x16xf32> to vector<16xf32>
        %add3A_241 = arith.addf %add3A_234, %get3A_240 : vector<16xf32>
        %add3A_242 = arith.constant 96 : i32
        %add3A_243 = arith.addi %add3A_242, %scan3A_195 : i32
        %get3A_244 = arith.index_cast %add3A_243 : i32 to index
        %get3A_245 = arith.constant 16 : index
        %get3A_246 = tpu.vector_load %arg11[%get3A_244, %get3A_245] {strides = array<i32>} : memref<128x128xf32, #tpu.memory_space<vmem>>, vector<1x16xf32>,
        %get3A_247 = vector.shape_cast %get3A_246 : vector<1x16xf32> to vector<16xf32>
        %add3A_248 = arith.addf %add3A_241, %get3A_247 : vector<16xf32>
        %swap3A_249 = arith.index_cast %scan3A_195 : i32 to index
        %swap3A_250 = arith.constant 16 : index
        %swap3A_251 = tpu.vector_load %arg15[%swap3A_249, %swap3A_250] {strides = array<i32>} : memref<32x128xf32, #tpu.memory_space<vmem>>, vector<1x16xf32>,
        %swap3A_252 = vector.shape_cast %swap3A_251 : vector<1x16xf32> to vector<16xf32>
        %swap3A_253 = vector.shape_cast %add3A_248 : vector<16xf32> to vector<1x16xf32>
        tpu.vector_store %arg15[%swap3A_249, %swap3A_250], %swap3A_253 {strides = array<i32>} : memref<32x128xf32, #tpu.memory_space<vmem>>, vector<1x16xf32>,
        %get3A_254 = arith.index_cast %scan3A_195 : i32 to index
        %get3A_255 = arith.constant 32 : index
        %get3A_256 = tpu.vector_load %arg11[%get3A_254, %get3A_255] {strides = array<i32>} : memref<128x128xf32, #tpu.memory_space<vmem>>, vector<1x16xf32>,
        %get3A_257 = vector.shape_cast %get3A_256 : vector<1x16xf32> to vector<16xf32>
        %add3A_258 = arith.constant 32 : i32
        %add3A_259 = arith.addi %add3A_258, %scan3A_195 : i32
        %get3A_260 = arith.index_cast %add3A_259 : i32 to index
        %get3A_261 = arith.constant 32 : index
        %get3A_262 = tpu.vector_load %arg11[%get3A_260, %get3A_261] {strides = array<i32>} : memref<128x128xf32, #tpu.memory_space<vmem>>, vector<1x16xf32>,
        %get3A_263 = vector.shape_cast %get3A_262 : vector<1x16xf32> to vector<16xf32>
        %add3A_264 = arith.addf %get3A_257, %get3A_263 : vector<16xf32>
        %add3A_265 = arith.constant 64 : i32
        %add3A_266 = arith.addi %add3A_265, %scan3A_195 : i32
        %get3A_267 = arith.index_cast %add3A_266 : i32 to index
        %get3A_268 = arith.constant 32 : index
        %get3A_269 = tpu.vector_load %arg11[%get3A_267, %get3A_268] {strides = array<i32>} : memref<128x128xf32, #tpu.memory_space<vmem>>, vector<1x16xf32>,
        %get3A_270 = vector.shape_cast %get3A_269 : vector<1x16xf32> to vector<16xf32>
        %add3A_271 = arith.addf %add3A_264, %get3A_270 : vector<16xf32>
        %add3A_272 = arith.constant 96 : i32
        %add3A_273 = arith.addi %add3A_272, %scan3A_195 : i32
        %get3A_274 = arith.index_cast %add3A_273 : i32 to index
        %get3A_275 = arith.constant 32 : index
        %get3A_276 = tpu.vector_load %arg11[%get3A_274, %get3A_275] {strides = array<i32>} : memref<128x128xf32, #tpu.memory_space<vmem>>, vector<1x16xf32>,
        %get3A_277 = vector.shape_cast %get3A_276 : vector<1x16xf32> to vector<16xf32>
        %add3A_278 = arith.addf %add3A_271, %get3A_277 : vector<16xf32>
        %swap3A_279 = arith.index_cast %scan3A_195 : i32 to index
        %swap3A_280 = arith.constant 32 : index
        %swap3A_281 = tpu.vector_load %arg15[%swap3A_279, %swap3A_280] {strides = array<i32>} : memref<32x128xf32, #tpu.memory_space<vmem>>, vector<1x16xf32>,
        %swap3A_282 = vector.shape_cast %swap3A_281 : vector<1x16xf32> to vector<16xf32>
        %swap3A_283 = vector.shape_cast %add3A_278 : vector<16xf32> to vector<1x16xf32>
        tpu.vector_store %arg15[%swap3A_279, %swap3A_280], %swap3A_283 {strides = array<i32>} : memref<32x128xf32, #tpu.memory_space<vmem>>, vector<1x16xf32>,
        %get3A_284 = arith.index_cast %scan3A_195 : i32 to index
        %get3A_285 = arith.constant 48 : index
        %get3A_286 = tpu.vector_load %arg11[%get3A_284, %get3A_285] {strides = array<i32>} : memref<128x128xf32, #tpu.memory_space<vmem>>, vector<1x16xf32>,
        %get3A_287 = vector.shape_cast %get3A_286 : vector<1x16xf32> to vector<16xf32>
        %add3A_288 = arith.constant 32 : i32
        %add3A_289 = arith.addi %add3A_288, %scan3A_195 : i32
        %get3A_290 = arith.index_cast %add3A_289 : i32 to index
        %get3A_291 = arith.constant 48 : index
        %get3A_292 = tpu.vector_load %arg11[%get3A_290, %get3A_291] {strides = array<i32>} : memref<128x128xf32, #tpu.memory_space<vmem>>, vector<1x16xf32>,
        %get3A_293 = vector.shape_cast %get3A_292 : vector<1x16xf32> to vector<16xf32>
        %add3A_294 = arith.addf %get3A_287, %get3A_293 : vector<16xf32>
        %add3A_295 = arith.constant 64 : i32
        %add3A_296 = arith.addi %add3A_295, %scan3A_195 : i32
        %get3A_297 = arith.index_cast %add3A_296 : i32 to index
        %get3A_298 = arith.constant 48 : index
        %get3A_299 = tpu.vector_load %arg11[%get3A_297, %get3A_298] {strides = array<i32>} : memref<128x128xf32, #tpu.memory_space<vmem>>, vector<1x16xf32>,
        %get3A_300 = vector.shape_cast %get3A_299 : vector<1x16xf32> to vector<16xf32>
        %add3A_301 = arith.addf %add3A_294, %get3A_300 : vector<16xf32>
        %add3A_302 = arith.constant 96 : i32
        %add3A_303 = arith.addi %add3A_302, %scan3A_195 : i32
        %get3A_304 = arith.index_cast %add3A_303 : i32 to index
        %get3A_305 = arith.constant 48 : index
        %get3A_306 = tpu.vector_load %arg11[%get3A_304, %get3A_305] {strides = array<i32>} : memref<128x128xf32, #tpu.memory_space<vmem>>, vector<1x16xf32>,
        %get3A_307 = vector.shape_cast %get3A_306 : vector<1x16xf32> to vector<16xf32>
        %add3A_308 = arith.addf %add3A_301, %get3A_307 : vector<16xf32>
        %swap3A_309 = arith.index_cast %scan3A_195 : i32 to index
        %swap3A_310 = arith.constant 48 : index
        %swap3A_311 = tpu.vector_load %arg15[%swap3A_309, %swap3A_310] {strides = array<i32>} : memref<32x128xf32, #tpu.memory_space<vmem>>, vector<1x16xf32>,
        %swap3A_312 = vector.shape_cast %swap3A_311 : vector<1x16xf32> to vector<16xf32>
        %swap3A_313 = vector.shape_cast %add3A_308 : vector<16xf32> to vector<1x16xf32>
        tpu.vector_store %arg15[%swap3A_309, %swap3A_310], %swap3A_313 {strides = array<i32>} : memref<32x128xf32, #tpu.memory_space<vmem>>, vector<1x16xf32>,
        %get3A_314 = arith.index_cast %scan3A_195 : i32 to index
        %get3A_315 = arith.constant 64 : index
        %get3A_316 = tpu.vector_load %arg11[%get3A_314, %get3A_315] {strides = array<i32>} : memref<128x128xf32, #tpu.memory_space<vmem>>, vector<1x16xf32>,
        %get3A_317 = vector.shape_cast %get3A_316 : vector<1x16xf32> to vector<16xf32>
        %add3A_318 = arith.constant 32 : i32
        %add3A_319 = arith.addi %add3A_318, %scan3A_195 : i32
        %get3A_320 = arith.index_cast %add3A_319 : i32 to index
        %get3A_321 = arith.constant 64 : index
        %get3A_322 = tpu.vector_load %arg11[%get3A_320, %get3A_321] {strides = array<i32>} : memref<128x128xf32, #tpu.memory_space<vmem>>, vector<1x16xf32>,
        %get3A_323 = vector.shape_cast %get3A_322 : vector<1x16xf32> to vector<16xf32>
        %add3A_324 = arith.addf %get3A_317, %get3A_323 : vector<16xf32>
        %add3A_325 = arith.constant 64 : i32
        %add3A_326 = arith.addi %add3A_325, %scan3A_195 : i32
        %get3A_327 = arith.index_cast %add3A_326 : i32 to index
        %get3A_328 = arith.constant 64 : index
        %get3A_329 = tpu.vector_load %arg11[%get3A_327, %get3A_328] {strides = array<i32>} : memref<128x128xf32, #tpu.memory_space<vmem>>, vector<1x16xf32>,
        %get3A_330 = vector.shape_cast %get3A_329 : vector<1x16xf32> to vector<16xf32>
        %add3A_331 = arith.addf %add3A_324, %get3A_330 : vector<16xf32>
        %add3A_332 = arith.constant 96 : i32
        %add3A_333 = arith.addi %add3A_332, %scan3A_195 : i32
        %get3A_334 = arith.index_cast %add3A_333 : i32 to index
        %get3A_335 = arith.constant 64 : index
        %get3A_336 = tpu.vector_load %arg11[%get3A_334, %get3A_335] {strides = array<i32>} : memref<128x128xf32, #tpu.memory_space<vmem>>, vector<1x16xf32>,
        %get3A_337 = vector.shape_cast %get3A_336 : vector<1x16xf32> to vector<16xf32>
        %add3A_338 = arith.addf %add3A_331, %get3A_337 : vector<16xf32>
        %swap3A_339 = arith.index_cast %scan3A_195 : i32 to index
        %swap3A_340 = arith.constant 64 : index
        %swap3A_341 = tpu.vector_load %arg15[%swap3A_339, %swap3A_340] {strides = array<i32>} : memref<32x128xf32, #tpu.memory_space<vmem>>, vector<1x16xf32>,
        %swap3A_342 = vector.shape_cast %swap3A_341 : vector<1x16xf32> to vector<16xf32>
        %swap3A_343 = vector.shape_cast %add3A_338 : vector<16xf32> to vector<1x16xf32>
        tpu.vector_store %arg15[%swap3A_339, %swap3A_340], %swap3A_343 {strides = array<i32>} : memref<32x128xf32, #tpu.memory_space<vmem>>, vector<1x16xf32>,
        %get3A_344 = arith.index_cast %scan3A_195 : i32 to index
        %get3A_345 = arith.constant 80 : index
        %get3A_346 = tpu.vector_load %arg11[%get3A_344, %get3A_345] {strides = array<i32>} : memref<128x128xf32, #tpu.memory_space<vmem>>, vector<1x16xf32>,
        %get3A_347 = vector.shape_cast %get3A_346 : vector<1x16xf32> to vector<16xf32>
        %add3A_348 = arith.constant 32 : i32
        %add3A_349 = arith.addi %add3A_348, %scan3A_195 : i32
        %get3A_350 = arith.index_cast %add3A_349 : i32 to index
        %get3A_351 = arith.constant 80 : index
        %get3A_352 = tpu.vector_load %arg11[%get3A_350, %get3A_351] {strides = array<i32>} : memref<128x128xf32, #tpu.memory_space<vmem>>, vector<1x16xf32>,
        %get3A_353 = vector.shape_cast %get3A_352 : vector<1x16xf32> to vector<16xf32>
        %add3A_354 = arith.addf %get3A_347, %get3A_353 : vector<16xf32>
        %add3A_355 = arith.constant 64 : i32
        %add3A_356 = arith.addi %add3A_355, %scan3A_195 : i32
        %get3A_357 = arith.index_cast %add3A_356 : i32 to index
        %get3A_358 = arith.constant 80 : index
        %get3A_359 = tpu.vector_load %arg11[%get3A_357, %get3A_358] {strides = array<i32>} : memref<128x128xf32, #tpu.memory_space<vmem>>, vector<1x16xf32>,
        %get3A_360 = vector.shape_cast %get3A_359 : vector<1x16xf32> to vector<16xf32>
        %add3A_361 = arith.addf %add3A_354, %get3A_360 : vector<16xf32>
        %add3A_362 = arith.constant 96 : i32
        %add3A_363 = arith.addi %add3A_362, %scan3A_195 : i32
        %get3A_364 = arith.index_cast %add3A_363 : i32 to index
        %get3A_365 = arith.constant 80 : index
        %get3A_366 = tpu.vector_load %arg11[%get3A_364, %get3A_365] {strides = array<i32>} : memref<128x128xf32, #tpu.memory_space<vmem>>, vector<1x16xf32>,
        %get3A_367 = vector.shape_cast %get3A_366 : vector<1x16xf32> to vector<16xf32>
        %add3A_368 = arith.addf %add3A_361, %get3A_367 : vector<16xf32>
        %swap3A_369 = arith.index_cast %scan3A_195 : i32 to index
        %swap3A_370 = arith.constant 80 : index
        %swap3A_371 = tpu.vector_load %arg15[%swap3A_369, %swap3A_370] {strides = array<i32>} : memref<32x128xf32, #tpu.memory_space<vmem>>, vector<1x16xf32>,
        %swap3A_372 = vector.shape_cast %swap3A_371 : vector<1x16xf32> to vector<16xf32>
        %swap3A_373 = vector.shape_cast %add3A_368 : vector<16xf32> to vector<1x16xf32>
        tpu.vector_store %arg15[%swap3A_369, %swap3A_370], %swap3A_373 {strides = array<i32>} : memref<32x128xf32, #tpu.memory_space<vmem>>, vector<1x16xf32>,
        %get3A_374 = arith.index_cast %scan3A_195 : i32 to index
        %get3A_375 = arith.constant 96 : index
        %get3A_376 = tpu.vector_load %arg11[%get3A_374, %get3A_375] {strides = array<i32>} : memref<128x128xf32, #tpu.memory_space<vmem>>, vector<1x16xf32>,
        %get3A_377 = vector.shape_cast %get3A_376 : vector<1x16xf32> to vector<16xf32>
        %add3A_378 = arith.constant 32 : i32
        %add3A_379 = arith.addi %add3A_378, %scan3A_195 : i32
        %get3A_380 = arith.index_cast %add3A_379 : i32 to index
        %get3A_381 = arith.constant 96 : index
        %get3A_382 = tpu.vector_load %arg11[%get3A_380, %get3A_381] {strides = array<i32>} : memref<128x128xf32, #tpu.memory_space<vmem>>, vector<1x16xf32>,
        %get3A_383 = vector.shape_cast %get3A_382 : vector<1x16xf32> to vector<16xf32>
        %add3A_384 = arith.addf %get3A_377, %get3A_383 : vector<16xf32>
        %add3A_385 = arith.constant 64 : i32
        %add3A_386 = arith.addi %add3A_385, %scan3A_195 : i32
        %get3A_387 = arith.index_cast %add3A_386 : i32 to index
        %get3A_388 = arith.constant 96 : index
        %get3A_389 = tpu.vector_load %arg11[%get3A_387, %get3A_388] {strides = array<i32>} : memref<128x128xf32, #tpu.memory_space<vmem>>, vector<1x16xf32>,
        %get3A_390 = vector.shape_cast %get3A_389 : vector<1x16xf32> to vector<16xf32>
        %add3A_391 = arith.addf %add3A_384, %get3A_390 : vector<16xf32>
        %add3A_392 = arith.constant 96 : i32
        %add3A_393 = arith.addi %add3A_392, %scan3A_195 : i32
        %get3A_394 = arith.index_cast %add3A_393 : i32 to index
        %get3A_395 = arith.constant 96 : index
        %get3A_396 = tpu.vector_load %arg11[%get3A_394, %get3A_395] {strides = array<i32>} : memref<128x128xf32, #tpu.memory_space<vmem>>, vector<1x16xf32>,
        %get3A_397 = vector.shape_cast %get3A_396 : vector<1x16xf32> to vector<16xf32>
        %add3A_398 = arith.addf %add3A_391, %get3A_397 : vector<16xf32>
        %swap3A_399 = arith.index_cast %scan3A_195 : i32 to index
        %swap3A_400 = arith.constant 96 : index
        %swap3A_401 = tpu.vector_load %arg15[%swap3A_399, %swap3A_400] {strides = array<i32>} : memref<32x128xf32, #tpu.memory_space<vmem>>, vector<1x16xf32>,
        %swap3A_402 = vector.shape_cast %swap3A_401 : vector<1x16xf32> to vector<16xf32>
        %swap3A_403 = vector.shape_cast %add3A_398 : vector<16xf32> to vector<1x16xf32>
        tpu.vector_store %arg15[%swap3A_399, %swap3A_400], %swap3A_403 {strides = array<i32>} : memref<32x128xf32, #tpu.memory_space<vmem>>, vector<1x16xf32>,
        %get3A_404 = arith.index_cast %scan3A_195 : i32 to index
        %get3A_405 = arith.constant 112 : index
        %get3A_406 = tpu.vector_load %arg11[%get3A_404, %get3A_405] {strides = array<i32>} : memref<128x128xf32, #tpu.memory_space<vmem>>, vector<1x16xf32>,
        %get3A_407 = vector.shape_cast %get3A_406 : vector<1x16xf32> to vector<16xf32>
        %add3A_408 = arith.constant 32 : i32
        %add3A_409 = arith.addi %add3A_408, %scan3A_195 : i32
        %get3A_410 = arith.index_cast %add3A_409 : i32 to index
        %get3A_411 = arith.constant 112 : index
        %get3A_412 = tpu.vector_load %arg11[%get3A_410, %get3A_411] {strides = array<i32>} : memref<128x128xf32, #tpu.memory_space<vmem>>, vector<1x16xf32>,
        %get3A_413 = vector.shape_cast %get3A_412 : vector<1x16xf32> to vector<16xf32>
        %add3A_414 = arith.addf %get3A_407, %get3A_413 : vector<16xf32>
        %add3A_415 = arith.constant 64 : i32
        %add3A_416 = arith.addi %add3A_415, %scan3A_195 : i32
        %get3A_417 = arith.index_cast %add3A_416 : i32 to index
        %get3A_418 = arith.constant 112 : index
        %get3A_419 = tpu.vector_load %arg11[%get3A_417, %get3A_418] {strides = array<i32>} : memref<128x128xf32, #tpu.memory_space<vmem>>, vector<1x16xf32>,
        %get3A_420 = vector.shape_cast %get3A_419 : vector<1x16xf32> to vector<16xf32>
        %add3A_421 = arith.addf %add3A_414, %get3A_420 : vector<16xf32>
        %add3A_422 = arith.constant 96 : i32
        %add3A_423 = arith.addi %add3A_422, %scan3A_195 : i32
        %get3A_424 = arith.index_cast %add3A_423 : i32 to index
        %get3A_425 = arith.constant 112 : index
        %get3A_426 = tpu.vector_load %arg11[%get3A_424, %get3A_425] {strides = array<i32>} : memref<128x128xf32, #tpu.memory_space<vmem>>, vector<1x16xf32>,
        %get3A_427 = vector.shape_cast %get3A_426 : vector<1x16xf32> to vector<16xf32>
        %add3A_428 = arith.addf %add3A_421, %get3A_427 : vector<16xf32>
        %swap3A_429 = arith.index_cast %scan3A_195 : i32 to index
        %swap3A_430 = arith.constant 112 : index
        %swap3A_431 = tpu.vector_load %arg15[%swap3A_429, %swap3A_430] {strides = array<i32>} : memref<32x128xf32, #tpu.memory_space<vmem>>, vector<1x16xf32>,
        %swap3A_432 = vector.shape_cast %swap3A_431 : vector<1x16xf32> to vector<16xf32>
        %swap3A_433 = vector.shape_cast %add3A_428 : vector<16xf32> to vector<1x16xf32>
        tpu.vector_store %arg15[%swap3A_429, %swap3A_430], %swap3A_433 {strides = array<i32>} : memref<32x128xf32, #tpu.memory_space<vmem>>, vector<1x16xf32>,
      }
      %scan3A_174 = arith.constant 32 : i32
      %scan3A_175 = arith.constant 0 : i32
      %scan3A_176 = arith.constant 0 : i32
      %scan3A_177 = arith.constant 32 : i32
      %scan3A_178 = arith.addi %scan3A_176, %scan3A_177 : i32
      %scan3A_179 = arith.constant 1 : i32
      scf.for %scan3A_195 = %scan3A_176 to %scan3A_178 step %scan3A_179  : i32 {
        %get3A = arith.index_cast %scan3A_195 : i32 to index
        %get3A_196 = arith.constant 0 : index
        %get3A_197 = tpu.vector_load %arg13[%get3A, %get3A_196] {strides = array<i32>} : memref<128x16xf32, #tpu.memory_space<vmem>>, vector<1x16xf32>,
        %get3A_198 = vector.shape_cast %get3A_197 : vector<1x16xf32> to vector<16xf32>
        %add3A_199 = arith.constant 32 : i32
        %add3A_200 = arith.addi %add3A_199, %scan3A_195 : i32
        %get3A_201 = arith.index_cast %add3A_200 : i32 to index
        %get3A_202 = arith.constant 0 : index
        %get3A_203 = tpu.vector_load %arg13[%get3A_201, %get3A_202] {strides = array<i32>} : memref<128x16xf32, #tpu.memory_space<vmem>>, vector<1x16xf32>,
        %get3A_204 = vector.shape_cast %get3A_203 : vector<1x16xf32> to vector<16xf32>
        %add3A_205 = arith.addf %get3A_198, %get3A_204 : vector<16xf32>
        %add3A_206 = arith.constant 64 : i32
        %add3A_207 = arith.addi %add3A_206, %scan3A_195 : i32
        %get3A_208 = arith.index_cast %add3A_207 : i32 to index
        %get3A_209 = arith.constant 0 : index
        %get3A_210 = tpu.vector_load %arg13[%get3A_208, %get3A_209] {strides = array<i32>} : memref<128x16xf32, #tpu.memory_space<vmem>>, vector<1x16xf32>,
        %get3A_211 = vector.shape_cast %get3A_210 : vector<1x16xf32> to vector<16xf32>
        %add3A_212 = arith.addf %add3A_205, %get3A_211 : vector<16xf32>
        %add3A_213 = arith.constant 96 : i32
        %add3A_214 = arith.addi %add3A_213, %scan3A_195 : i32
        %get3A_215 = arith.index_cast %add3A_214 : i32 to index
        %get3A_216 = arith.constant 0 : index
        %get3A_217 = tpu.vector_load %arg13[%get3A_215, %get3A_216] {strides = array<i32>} : memref<128x16xf32, #tpu.memory_space<vmem>>, vector<1x16xf32>,
        %get3A_218 = vector.shape_cast %get3A_217 : vector<1x16xf32> to vector<16xf32>
        %add3A_219 = arith.addf %add3A_212, %get3A_218 : vector<16xf32>
        %swap3A = arith.index_cast %scan3A_195 : i32 to index
        %swap3A_220 = arith.constant 0 : index
        %swap3A_221 = tpu.vector_load %arg17[%swap3A, %swap3A_220] {strides = array<i32>} : memref<32x128xf32, #tpu.memory_space<vmem>>, vector<1x16xf32>,
        %swap3A_222 = vector.shape_cast %swap3A_221 : vector<1x16xf32> to vector<16xf32>
        %swap3A_223 = vector.shape_cast %add3A_219 : vector<16xf32> to vector<1x16xf32>
        tpu.vector_store %arg17[%swap3A, %swap3A_220], %swap3A_223 {strides = array<i32>} : memref<32x128xf32, #tpu.memory_space<vmem>>, vector<1x16xf32>,
      }
      %scan3A_180 = arith.constant 32 : i32
      %mul3A_181 = arith.constant 32 : i32
      %mul3A_182 = arith.muli %add3A_92, %mul3A_181 : i32
      %add3A_183 = arith.addi %mul3A_10, %mul3A_182 : i32
      %dma_start3A_184 = arith.constant 0 : i32
      %dma_start3A_185 = tpu.memref_slice %arg6[%add3A_183, %dma_start3A_184] : memref<102400x128xf32, #tpu.memory_space<hbm>> -> memref<32x128xf32, #tpu.memory_space<hbm>>
      %dma_start3A_186 = arith.constant 0 : i32
      %dma_start3A_187 = tpu.memref_slice %arg6[%add3A_183, %dma_start3A_186] : memref<102400x128xf32, #tpu.memory_space<hbm>> -> memref<32x128xf32, #tpu.memory_space<hbm>>
      tpu.enqueue_dma source(%arg15 : memref<32x128xf32, #tpu.memory_space<vmem>>) target(%dma_start3A_187 : memref<32x128xf32, #tpu.memory_space<hbm>>) target_semaphore(%arg21 : memref<!tpu.dma_semaphore, #tpu.memory_space<semaphore_mem>>)
      %mul3A_188 = arith.constant 32 : i32
      %mul3A_189 = arith.muli %add3A_92, %mul3A_188 : i32
      %add3A_190 = arith.addi %mul3A_10, %mul3A_189 : i32
      %dma_start3A_191 = arith.constant 0 : i32
      %dma_start3A_192 = tpu.memref_slice %arg7[%add3A_190, %dma_start3A_191] : memref<102400x128xf32, #tpu.memory_space<hbm>> -> memref<32x128xf32, #tpu.memory_space<hbm>>
      %dma_start3A_193 = arith.constant 0 : i32
      %dma_start3A_194 = tpu.memref_slice %arg7[%add3A_190, %dma_start3A_193] : memref<102400x128xf32, #tpu.memory_space<hbm>> -> memref<32x128xf32, #tpu.memory_space<hbm>>
      tpu.enqueue_dma source(%arg17 : memref<32x128xf32, #tpu.memory_space<vmem>>) target(%dma_start3A_194 : memref<32x128xf32, #tpu.memory_space<hbm>>) target_semaphore(%arg21 : memref<!tpu.dma_semaphore, #tpu.memory_space<semaphore_mem>>)
    }
    %mul3A_46 = arith.constant 2 : i32
    %mul3A_47 = arith.muli %mul3A_46, %select_n3A_8 : i32
    %sub3A = arith.constant 2 : i32
    %sub3A_48 = arith.subi %mul3A_47, %sub3A : i32
    %mul3A_49 = arith.constant 32 : i32
    %mul3A_50 = arith.muli %sub3A_48, %mul3A_49 : i32
    %add3A_51 = arith.addi %mul3A_10, %mul3A_50 : i32
    %dma_wait3A = arith.constant 0 : i32
    %dma_wait3A_52 = tpu.memref_slice %arg6[%add3A_51, %dma_wait3A] : memref<102400x128xf32, #tpu.memory_space<hbm>> -> memref<32x128xf32, #tpu.memory_space<hbm>>
    %dma_wait3A_53 = arith.constant 0 : i32
    %dma_wait3A_54 = tpu.memref_slice %arg6[%add3A_51, %dma_wait3A_53] : memref<102400x128xf32, #tpu.memory_space<hbm>> -> memref<32x128xf32, #tpu.memory_space<hbm>>
    tpu.wait_dma2 semaphore(%arg20 : memref<!tpu.dma_semaphore, #tpu.memory_space<semaphore_mem>>) src(%arg14 : memref<32x128xf32, #tpu.memory_space<vmem>>) dst(%dma_wait3A_54 : memref<32x128xf32, #tpu.memory_space<hbm>>)
    %mul3A_55 = arith.constant 2 : i32
    %mul3A_56 = arith.muli %mul3A_55, %select_n3A_8 : i32
    %sub3A_57 = arith.constant 1 : i32
    %sub3A_58 = arith.subi %mul3A_56, %sub3A_57 : i32
    %mul3A_59 = arith.constant 32 : i32
    %mul3A_60 = arith.muli %sub3A_58, %mul3A_59 : i32
    %add3A_61 = arith.addi %mul3A_10, %mul3A_60 : i32
    %dma_wait3A_62 = arith.constant 0 : i32
    %dma_wait3A_63 = tpu.memref_slice %arg6[%add3A_61, %dma_wait3A_62] : memref<102400x128xf32, #tpu.memory_space<hbm>> -> memref<32x128xf32, #tpu.memory_space<hbm>>
    %dma_wait3A_64 = arith.constant 0 : i32
    %dma_wait3A_65 = tpu.memref_slice %arg6[%add3A_61, %dma_wait3A_64] : memref<102400x128xf32, #tpu.memory_space<hbm>> -> memref<32x128xf32, #tpu.memory_space<hbm>>
    tpu.wait_dma2 semaphore(%arg21 : memref<!tpu.dma_semaphore, #tpu.memory_space<semaphore_mem>>) src(%arg15 : memref<32x128xf32, #tpu.memory_space<vmem>>) dst(%dma_wait3A_65 : memref<32x128xf32, #tpu.memory_space<hbm>>)
    %mul3A_66 = arith.constant 2 : i32
    %mul3A_67 = arith.muli %mul3A_66, %select_n3A_8 : i32
    %sub3A_68 = arith.constant 2 : i32
    %sub3A_69 = arith.subi %mul3A_67, %sub3A_68 : i32
    %mul3A_70 = arith.constant 32 : i32
    %mul3A_71 = arith.muli %sub3A_69, %mul3A_70 : i32
    %add3A_72 = arith.addi %mul3A_10, %mul3A_71 : i32
    %dma_wait3A_73 = arith.constant 0 : i32
    %dma_wait3A_74 = tpu.memref_slice %arg7[%add3A_72, %dma_wait3A_73] : memref<102400x128xf32, #tpu.memory_space<hbm>> -> memref<32x128xf32, #tpu.memory_space<hbm>>
    %dma_wait3A_75 = arith.constant 0 : i32
    %dma_wait3A_76 = tpu.memref_slice %arg7[%add3A_72, %dma_wait3A_75] : memref<102400x128xf32, #tpu.memory_space<hbm>> -> memref<32x128xf32, #tpu.memory_space<hbm>>
    tpu.wait_dma2 semaphore(%arg20 : memref<!tpu.dma_semaphore, #tpu.memory_space<semaphore_mem>>) src(%arg16 : memref<32x128xf32, #tpu.memory_space<vmem>>) dst(%dma_wait3A_76 : memref<32x128xf32, #tpu.memory_space<hbm>>)
    %mul3A_77 = arith.constant 2 : i32
    %mul3A_78 = arith.muli %mul3A_77, %select_n3A_8 : i32
    %sub3A_79 = arith.constant 1 : i32
    %sub3A_80 = arith.subi %mul3A_78, %sub3A_79 : i32
    %mul3A_81 = arith.constant 32 : i32
    %mul3A_82 = arith.muli %sub3A_80, %mul3A_81 : i32
    %add3A_83 = arith.addi %mul3A_10, %mul3A_82 : i32
    %dma_wait3A_84 = arith.constant 0 : i32
    %dma_wait3A_85 = tpu.memref_slice %arg7[%add3A_83, %dma_wait3A_84] : memref<102400x128xf32, #tpu.memory_space<hbm>> -> memref<32x128xf32, #tpu.memory_space<hbm>>
    %dma_wait3A_86 = arith.constant 0 : i32
    %dma_wait3A_87 = tpu.memref_slice %arg7[%add3A_83, %dma_wait3A_86] : memref<102400x128xf32, #tpu.memory_space<hbm>> -> memref<32x128xf32, #tpu.memory_space<hbm>>
    tpu.wait_dma2 semaphore(%arg21 : memref<!tpu.dma_semaphore, #tpu.memory_space<semaphore_mem>>) src(%arg17 : memref<32x128xf32, #tpu.memory_space<vmem>>) dst(%dma_wait3A_87 : memref<32x128xf32, #tpu.memory_space<hbm>>)
    return
  }
}

module attributes {stable_mosaic.version = 14 : i64} {
  func.func @_tc1_body(%arg0: i32, %arg1: memref<800x128xf32, #tpu.memory_space<vmem>>, %arg2: memref<800x128xf32, #tpu.memory_space<vmem>>, %arg3: memref<800x128xf32, #tpu.memory_space<vmem>>, %arg4: memref<128x128xf32, #tpu.memory_space<vmem>>, %arg5: memref<1x128xf32, #tpu.memory_space<vmem>>, %arg6: memref<128x128xf32, #tpu.memory_space<vmem>>, %arg7: memref<128x128xf32, #tpu.memory_space<vmem>>, %arg8: memref<128x128xf32, #tpu.memory_space<vmem>>, %arg9: memref<800x128xf32, #tpu.memory_space<vmem>>, %arg10: memref<800x128xf32, #tpu.memory_space<vmem>>, %arg11: memref<8x128xf32, #tpu.memory_space<vmem>>, %arg12: memref<8x128xf32, #tpu.memory_space<vmem>>) attributes {dimension_semantics = [#tpu.dimension_semantics<arbitrary>], iteration_bounds = array<i64: 125>, scalar_prefetch = 0 : i64, scratch_operands = 0 : i64, tpu.core_type = #tpu.core_type<tc>, window_params = [{transform_indices = @transform_0, window_bounds = array<i64: 800, 128>}, {transform_indices = @transform_1, window_bounds = array<i64: 800, 128>}, {transform_indices = @transform_2, window_bounds = array<i64: 800, 128>}, {pipeline_mode = #tpu.pipeline_mode<synchronous>, transform_indices = @transform_3, window_bounds = array<i64: 128, 128>}, {pipeline_mode = #tpu.pipeline_mode<synchronous>, transform_indices = @transform_4, window_bounds = array<i64: 1, 128>}, {pipeline_mode = #tpu.pipeline_mode<synchronous>, transform_indices = @transform_5, window_bounds = array<i64: 128, 128>}, {pipeline_mode = #tpu.pipeline_mode<synchronous>, transform_indices = @transform_6, window_bounds = array<i64: 128, 128>}, {pipeline_mode = #tpu.pipeline_mode<synchronous>, transform_indices = @transform_7, window_bounds = array<i64: 128, 128>}, {transform_indices = @transform_8, window_bounds = array<i64: 800, 128>}, {transform_indices = @transform_9, window_bounds = array<i64: 800, 128>}, {pipeline_mode = #tpu.pipeline_mode<synchronous>, transform_indices = @transform_10, window_bounds = array<i64: 8, 128>}, {pipeline_mode = #tpu.pipeline_mode<synchronous>, transform_indices = @transform_11, window_bounds = array<i64: 8, 128>}]} {
    %get3A = arith.constant 0 : index
    %get3A_0 = arith.constant 0 : index
    %get3A_1 = vector.load %arg1[%get3A, %get3A_0] : memref<800x128xf32, #tpu.memory_space<vmem>>, vector<800x128xf32>
    %get3A_2 = arith.constant 0 : index
    %get3A_3 = arith.constant 0 : index
    %get3A_4 = vector.load %arg4[%get3A_2, %get3A_3] : memref<128x128xf32, #tpu.memory_space<vmem>>, vector<128x128xf32>
    %dot_general3A = arith.constant dense<0.000000e+00> : vector<800x128xf32>
    %dot_general3A_5 = tpu.matmul %get3A_1, %get3A_4, %dot_general3A {dimension_numbers = #tpu.dot_dimension_numbers<[1], [0], [0], [1], [0, 0, 1, 1], [], []>, transpose_lhs_hint = false} : vector<800x128xf32>, vector<128x128xf32>, vector<800x128xf32> -> vector<800x128xf32>
    %get3A_6 = arith.constant 0 : index
    %get3A_7 = arith.constant 0 : index
    %get3A_8 = vector.load %arg5[%get3A_6, %get3A_7] : memref<1x128xf32, #tpu.memory_space<vmem>>, vector<1x128xf32>
    %add3A = vector.broadcast %get3A_8 : vector<1x128xf32> to vector<800x128xf32>
    %add3A_9 = arith.addf %dot_general3A_5, %add3A : vector<800x128xf32>
    %reduce_max3A = arith.constant dense<0xFF800000> : vector<800xf32>
    %reduce_max3A_10 = vector.multi_reduction <maximumf>, %add3A_9, %reduce_max3A [1] : vector<800x128xf32> to vector<800xf32>
    %broadcast_in_dim3A = vector.shape_cast %reduce_max3A_10 : vector<800xf32> to vector<800x1xf32>
    %sub3A = vector.broadcast %broadcast_in_dim3A : vector<800x1xf32> to vector<800x128xf32>
    %sub3A_11 = arith.subf %add3A_9, %sub3A : vector<800x128xf32>
    %exp3A = math.exp %sub3A_11 : vector<800x128xf32>
    %reduce_sum3A = arith.constant dense<0.000000e+00> : vector<800xf32>
    %reduce_sum3A_12 = vector.multi_reduction <add>, %exp3A, %reduce_sum3A [1] : vector<800x128xf32> to vector<800xf32>
    %broadcast_in_dim3A_13 = vector.shape_cast %reduce_sum3A_12 : vector<800xf32> to vector<800x1xf32>
    %div3A = vector.broadcast %broadcast_in_dim3A_13 : vector<800x1xf32> to vector<800x128xf32>
    %div3A_14 = arith.divf %exp3A, %div3A : vector<800x128xf32>
    %swap3A = arith.constant 0 : index
    %swap3A_15 = arith.constant 0 : index
    %swap3A_16 = vector.load %arg9[%swap3A, %swap3A_15] : memref<800x128xf32, #tpu.memory_space<vmem>>, vector<800x128xf32>
    tpu.vector_store %arg9[%swap3A, %swap3A_15], %div3A_14 {strides = array<i32>} : memref<800x128xf32, #tpu.memory_space<vmem>>, vector<800x128xf32>,
    %get3A_17 = arith.constant 0 : index
    %get3A_18 = arith.constant 0 : index
    %get3A_19 = vector.load %arg6[%get3A_17, %get3A_18] : memref<128x128xf32, #tpu.memory_space<vmem>>, vector<128x128xf32>
    %dot_general3A_20 = arith.constant dense<0.000000e+00> : vector<800x128xf32>
    %dot_general3A_21 = tpu.matmul %get3A_1, %get3A_19, %dot_general3A_20 {dimension_numbers = #tpu.dot_dimension_numbers<[1], [0], [0], [1], [0, 0, 1, 1], [], []>, transpose_lhs_hint = false} : vector<800x128xf32>, vector<128x128xf32>, vector<800x128xf32> -> vector<800x128xf32>
    %get3A_22 = arith.constant 0 : index
    %get3A_23 = arith.constant 0 : index
    %get3A_24 = vector.load %arg2[%get3A_22, %get3A_23] : memref<800x128xf32, #tpu.memory_space<vmem>>, vector<800x128xf32>
    %get3A_25 = arith.constant 0 : index
    %get3A_26 = arith.constant 0 : index
    %get3A_27 = vector.load %arg7[%get3A_25, %get3A_26] : memref<128x128xf32, #tpu.memory_space<vmem>>, vector<128x128xf32>
    %dot_general3A_28 = arith.constant dense<0.000000e+00> : vector<800x128xf32>
    %dot_general3A_29 = tpu.matmul %get3A_24, %get3A_27, %dot_general3A_28 {dimension_numbers = #tpu.dot_dimension_numbers<[1], [0], [0], [1], [0, 0, 1, 1], [], []>, transpose_lhs_hint = false} : vector<800x128xf32>, vector<128x128xf32>, vector<800x128xf32> -> vector<800x128xf32>
    %add3A_30 = arith.addf %dot_general3A_21, %dot_general3A_29 : vector<800x128xf32>
    %get3A_31 = arith.constant 0 : index
    %get3A_32 = arith.constant 0 : index
    %get3A_33 = vector.load %arg3[%get3A_31, %get3A_32] : memref<800x128xf32, #tpu.memory_space<vmem>>, vector<800x128xf32>
    %get3A_34 = arith.constant 0 : index
    %get3A_35 = arith.constant 0 : index
    %get3A_36 = vector.load %arg8[%get3A_34, %get3A_35] : memref<128x128xf32, #tpu.memory_space<vmem>>, vector<128x128xf32>
    %dot_general3A_37 = arith.constant dense<0.000000e+00> : vector<800x128xf32>
    %dot_general3A_38 = tpu.matmul %get3A_33, %get3A_36, %dot_general3A_37 {dimension_numbers = #tpu.dot_dimension_numbers<[1], [0], [0], [1], [0, 0, 1, 1], [], []>, transpose_lhs_hint = false} : vector<800x128xf32>, vector<128x128xf32>, vector<800x128xf32> -> vector<800x128xf32>
    %add3A_39 = arith.addf %add3A_30, %dot_general3A_38 : vector<800x128xf32>
    %swap3A_40 = arith.constant 0 : index
    %swap3A_41 = arith.constant 0 : index
    %swap3A_42 = vector.load %arg10[%swap3A_40, %swap3A_41] : memref<800x128xf32, #tpu.memory_space<vmem>>, vector<800x128xf32>
    tpu.vector_store %arg10[%swap3A_40, %swap3A_41], %add3A_39 {strides = array<i32>} : memref<800x128xf32, #tpu.memory_space<vmem>>, vector<800x128xf32>,
    %reshape3A = vector.shape_cast %add3A_39 : vector<800x128xf32> to vector<100x8x128xf32>
    %reduce_sum3A_43 = arith.constant dense<0.000000e+00> : vector<8x128xf32>
    %reduce_sum3A_44 = vector.multi_reduction <add>, %reshape3A, %reduce_sum3A_43 [0] : vector<100x8x128xf32> to vector<8x128xf32>
    %mul3A = arith.mulf %reshape3A, %reshape3A : vector<100x8x128xf32>
    %reduce_sum3A_45 = arith.constant dense<0.000000e+00> : vector<8x128xf32>
    %reduce_sum3A_46 = vector.multi_reduction <add>, %mul3A, %reduce_sum3A_45 [0] : vector<100x8x128xf32> to vector<8x128xf32>
    %eq3A = arith.constant 0 : i32
    %eq3A_47 = arith.cmpi eq, %arg0, %eq3A : i32
    %convert_element_type3A = arith.extui %eq3A_47 : i1 to i32
    %cond3A = arith.constant 0 : i32
    %cond3A_48 = arith.cmpi ne, %convert_element_type3A, %cond3A : i32
    scf.if %cond3A_48 {
      %broadcast_in_dim3A_63 = arith.constant 0.000000e+00 : f32
      %broadcast_in_dim3A_64 = vector.broadcast %broadcast_in_dim3A_63 : f32 to vector<8x128xf32>
      %swap3A_65 = arith.constant 0 : index
      %swap3A_66 = arith.constant 0 : index
      %swap3A_67 = vector.load %arg11[%swap3A_65, %swap3A_66] : memref<8x128xf32, #tpu.memory_space<vmem>>, vector<8x128xf32>
      tpu.vector_store %arg11[%swap3A_65, %swap3A_66], %broadcast_in_dim3A_64 {strides = array<i32>} : memref<8x128xf32, #tpu.memory_space<vmem>>, vector<8x128xf32>,
      %broadcast_in_dim3A_68 = arith.constant 0.000000e+00 : f32
      %broadcast_in_dim3A_69 = vector.broadcast %broadcast_in_dim3A_68 : f32 to vector<8x128xf32>
      %swap3A_70 = arith.constant 0 : index
      %swap3A_71 = arith.constant 0 : index
      %swap3A_72 = vector.load %arg12[%swap3A_70, %swap3A_71] : memref<8x128xf32, #tpu.memory_space<vmem>>, vector<8x128xf32>
      tpu.vector_store %arg12[%swap3A_70, %swap3A_71], %broadcast_in_dim3A_69 {strides = array<i32>} : memref<8x128xf32, #tpu.memory_space<vmem>>, vector<8x128xf32>,
    } else {
    }
    %get3A_49 = arith.constant 0 : index
    %get3A_50 = arith.constant 0 : index
    %get3A_51 = vector.load %arg11[%get3A_49, %get3A_50] : memref<8x128xf32, #tpu.memory_space<vmem>>, vector<8x128xf32>
    %add3A_52 = arith.addf %get3A_51, %reduce_sum3A_44 : vector<8x128xf32>
    %swap3A_53 = arith.constant 0 : index
    %swap3A_54 = arith.constant 0 : index
    %swap3A_55 = vector.load %arg11[%swap3A_53, %swap3A_54] : memref<8x128xf32, #tpu.memory_space<vmem>>, vector<8x128xf32>
    tpu.vector_store %arg11[%swap3A_53, %swap3A_54], %add3A_52 {strides = array<i32>} : memref<8x128xf32, #tpu.memory_space<vmem>>, vector<8x128xf32>,
    %get3A_56 = arith.constant 0 : index
    %get3A_57 = arith.constant 0 : index
    %get3A_58 = vector.load %arg12[%get3A_56, %get3A_57] : memref<8x128xf32, #tpu.memory_space<vmem>>, vector<8x128xf32>
    %add3A_59 = arith.addf %get3A_58, %reduce_sum3A_46 : vector<8x128xf32>
    %swap3A_60 = arith.constant 0 : index
    %swap3A_61 = arith.constant 0 : index
    %swap3A_62 = vector.load %arg12[%swap3A_60, %swap3A_61] : memref<8x128xf32, #tpu.memory_space<vmem>>, vector<8x128xf32>
    tpu.vector_store %arg12[%swap3A_60, %swap3A_61], %add3A_59 {strides = array<i32>} : memref<8x128xf32, #tpu.memory_space<vmem>>, vector<8x128xf32>,
    return
  }
  func.func @transform_0(%arg0: i32) -> (i32, i32) {
    %c0_i32 = arith.constant 0 : i32
    %c0_i32_0 = arith.constant 0 : i32
    return %arg0, %c0_i32 : i32, i32
  }
  func.func @transform_1(%arg0: i32) -> (i32, i32) {
    %c0_i32 = arith.constant 0 : i32
    %c0_i32_0 = arith.constant 0 : i32
    return %arg0, %c0_i32 : i32, i32
  }
  func.func @transform_2(%arg0: i32) -> (i32, i32) {
    %c0_i32 = arith.constant 0 : i32
    %c0_i32_0 = arith.constant 0 : i32
    return %arg0, %c0_i32 : i32, i32
  }
  func.func @transform_3(%arg0: i32) -> (i32, i32) {
    %c0_i32 = arith.constant 0 : i32
    %c0_i32_0 = arith.constant 0 : i32
    %c0_i32_1 = arith.constant 0 : i32
    return %c0_i32, %c0_i32_0 : i32, i32
  }
  func.func @transform_4(%arg0: i32) -> (i32, i32) {
    %c0_i32 = arith.constant 0 : i32
    %c0_i32_0 = arith.constant 0 : i32
    %c0_i32_1 = arith.constant 0 : i32
    return %c0_i32, %c0_i32_0 : i32, i32
  }
  func.func @transform_5(%arg0: i32) -> (i32, i32) {
    %c0_i32 = arith.constant 0 : i32
    %c0_i32_0 = arith.constant 0 : i32
    %c0_i32_1 = arith.constant 0 : i32
    return %c0_i32, %c0_i32_0 : i32, i32
  }
  func.func @transform_6(%arg0: i32) -> (i32, i32) {
    %c0_i32 = arith.constant 0 : i32
    %c0_i32_0 = arith.constant 0 : i32
    %c0_i32_1 = arith.constant 0 : i32
    return %c0_i32, %c0_i32_0 : i32, i32
  }
  func.func @transform_7(%arg0: i32) -> (i32, i32) {
    %c0_i32 = arith.constant 0 : i32
    %c0_i32_0 = arith.constant 0 : i32
    %c0_i32_1 = arith.constant 0 : i32
    return %c0_i32, %c0_i32_0 : i32, i32
  }
  func.func @transform_8(%arg0: i32) -> (i32, i32) {
    %c0_i32 = arith.constant 0 : i32
    %c0_i32_0 = arith.constant 0 : i32
    return %arg0, %c0_i32 : i32, i32
  }
  func.func @transform_9(%arg0: i32) -> (i32, i32) {
    %c0_i32 = arith.constant 0 : i32
    %c0_i32_0 = arith.constant 0 : i32
    return %arg0, %c0_i32 : i32, i32
  }
  func.func @transform_10(%arg0: i32) -> (i32, i32) {
    %c0_i32 = arith.constant 0 : i32
    %c0_i32_0 = arith.constant 0 : i32
    %c0_i32_1 = arith.constant 0 : i32
    return %c0_i32, %c0_i32_0 : i32, i32
  }
  func.func @transform_11(%arg0: i32) -> (i32, i32) {
    %c0_i32 = arith.constant 0 : i32
    %c0_i32_0 = arith.constant 0 : i32
    %c0_i32_1 = arith.constant 0 : i32
    return %c0_i32, %c0_i32_0 : i32, i32
  }
}

module attributes {stable_mosaic.version = 14 : i64} {
  func.func @_tc2_body(%arg0: i32, %arg1: memref<800x128xf32, #tpu.memory_space<vmem>>, %arg2: memref<8x128xf32, #tpu.memory_space<vmem>>, %arg3: memref<8x128xf32, #tpu.memory_space<vmem>>, %arg4: memref<800x128xf32, #tpu.memory_space<vmem>>, %arg5: memref<128x128xf32, #tpu.memory_space<vmem>>, %arg6: memref<1x128xf32, #tpu.memory_space<vmem>>, %arg7: memref<800x128xf32, #tpu.memory_space<vmem>>, %arg8: memref<800x128xf32, #tpu.memory_space<vmem>>) attributes {dimension_semantics = [#tpu.dimension_semantics<arbitrary>], iteration_bounds = array<i64: 125>, scalar_prefetch = 0 : i64, scratch_operands = 0 : i64, tpu.core_type = #tpu.core_type<tc>, window_params = [{transform_indices = @transform_0, window_bounds = array<i64: 800, 128>}, {pipeline_mode = #tpu.pipeline_mode<synchronous>, transform_indices = @transform_1, window_bounds = array<i64: 8, 128>}, {pipeline_mode = #tpu.pipeline_mode<synchronous>, transform_indices = @transform_2, window_bounds = array<i64: 8, 128>}, {transform_indices = @transform_3, window_bounds = array<i64: 800, 128>}, {pipeline_mode = #tpu.pipeline_mode<synchronous>, transform_indices = @transform_4, window_bounds = array<i64: 128, 128>}, {pipeline_mode = #tpu.pipeline_mode<synchronous>, transform_indices = @transform_5, window_bounds = array<i64: 1, 128>}, {transform_indices = @transform_6, window_bounds = array<i64: 800, 128>}, {transform_indices = @transform_7, window_bounds = array<i64: 800, 128>}]} {
    %get3A = arith.constant 0 : index
    %get3A_0 = arith.constant 0 : index
    %get3A_1 = vector.load %arg1[%get3A, %get3A_0] : memref<800x128xf32, #tpu.memory_space<vmem>>, vector<800x128xf32>
    %get3A_2 = arith.constant 0 : index
    %get3A_3 = arith.constant 0 : index
    %get3A_4 = vector.load %arg2[%get3A_2, %get3A_3] : memref<8x128xf32, #tpu.memory_space<vmem>>, vector<8x128xf32>
    %get3A_5 = arith.constant 0 : index
    %get3A_6 = arith.constant 0 : index
    %get3A_7 = vector.load %arg3[%get3A_5, %get3A_6] : memref<8x128xf32, #tpu.memory_space<vmem>>, vector<8x128xf32>
    %reduce_sum3A = arith.constant dense<0.000000e+00> : vector<128xf32>
    %reduce_sum3A_8 = vector.multi_reduction <add>, %get3A_4, %reduce_sum3A [0] : vector<8x128xf32> to vector<128xf32>
    %broadcast_in_dim3A = vector.shape_cast %reduce_sum3A_8 : vector<128xf32> to vector<1x128xf32>
    %mul3A = arith.constant 9.99999974E-6 : f32
    %mul3A_9 = vector.broadcast %mul3A : f32 to vector<1x128xf32>
    %mul3A_10 = arith.mulf %broadcast_in_dim3A, %mul3A_9 : vector<1x128xf32>
    %reduce_sum3A_11 = arith.constant dense<0.000000e+00> : vector<128xf32>
    %reduce_sum3A_12 = vector.multi_reduction <add>, %get3A_7, %reduce_sum3A_11 [0] : vector<8x128xf32> to vector<128xf32>
    %broadcast_in_dim3A_13 = vector.shape_cast %reduce_sum3A_12 : vector<128xf32> to vector<1x128xf32>
    %mul3A_14 = arith.constant 9.99999974E-6 : f32
    %mul3A_15 = vector.broadcast %mul3A_14 : f32 to vector<1x128xf32>
    %mul3A_16 = arith.mulf %broadcast_in_dim3A_13, %mul3A_15 : vector<1x128xf32>
    %mul3A_17 = arith.mulf %mul3A_10, %mul3A_10 : vector<1x128xf32>
    %sub3A = arith.subf %mul3A_16, %mul3A_17 : vector<1x128xf32>
    %sub3A_18 = vector.broadcast %mul3A_10 : vector<1x128xf32> to vector<800x128xf32>
    %sub3A_19 = arith.subf %get3A_1, %sub3A_18 : vector<800x128xf32>
    %add3A = arith.constant 9.99999974E-6 : f32
    %add3A_20 = vector.broadcast %add3A : f32 to vector<1x128xf32>
    %add3A_21 = arith.addf %sub3A, %add3A_20 : vector<1x128xf32>
    %rsqrt3A = math.rsqrt %add3A_21 : vector<1x128xf32>
    %mul3A_22 = vector.broadcast %rsqrt3A : vector<1x128xf32> to vector<800x128xf32>
    %mul3A_23 = arith.mulf %sub3A_19, %mul3A_22 : vector<800x128xf32>
    %max3A = arith.constant 0.000000e+00 : f32
    %max3A_24 = vector.broadcast %max3A : f32 to vector<800x128xf32>
    %max3A_25 = arith.maximumf %mul3A_23, %max3A_24 : vector<800x128xf32>
    %swap3A = arith.constant 0 : index
    %swap3A_26 = arith.constant 0 : index
    %swap3A_27 = vector.load %arg7[%swap3A, %swap3A_26] : memref<800x128xf32, #tpu.memory_space<vmem>>, vector<800x128xf32>
    tpu.vector_store %arg7[%swap3A, %swap3A_26], %max3A_25 {strides = array<i32>} : memref<800x128xf32, #tpu.memory_space<vmem>>, vector<800x128xf32>,
    %get3A_28 = arith.constant 0 : index
    %get3A_29 = arith.constant 0 : index
    %get3A_30 = vector.load %arg4[%get3A_28, %get3A_29] : memref<800x128xf32, #tpu.memory_space<vmem>>, vector<800x128xf32>
    %get3A_31 = arith.constant 0 : index
    %get3A_32 = arith.constant 0 : index
    %get3A_33 = vector.load %arg5[%get3A_31, %get3A_32] : memref<128x128xf32, #tpu.memory_space<vmem>>, vector<128x128xf32>
    %dot_general3A = arith.constant dense<0.000000e+00> : vector<800x128xf32>
    %dot_general3A_34 = tpu.matmul %max3A_25, %get3A_33, %dot_general3A {dimension_numbers = #tpu.dot_dimension_numbers<[1], [0], [0], [1], [0, 0, 1, 1], [], []>, transpose_lhs_hint = false} : vector<800x128xf32>, vector<128x128xf32>, vector<800x128xf32> -> vector<800x128xf32>
    %get3A_35 = arith.constant 0 : index
    %get3A_36 = arith.constant 0 : index
    %get3A_37 = vector.load %arg6[%get3A_35, %get3A_36] : memref<1x128xf32, #tpu.memory_space<vmem>>, vector<1x128xf32>
    %add3A_38 = vector.broadcast %get3A_37 : vector<1x128xf32> to vector<800x128xf32>
    %add3A_39 = arith.addf %dot_general3A_34, %add3A_38 : vector<800x128xf32>
    %reduce_max3A = arith.constant dense<0xFF800000> : vector<800xf32>
    %reduce_max3A_40 = vector.multi_reduction <maximumf>, %add3A_39, %reduce_max3A [1] : vector<800x128xf32> to vector<800xf32>
    %broadcast_in_dim3A_41 = vector.shape_cast %reduce_max3A_40 : vector<800xf32> to vector<800x1xf32>
    %sub3A_42 = vector.broadcast %broadcast_in_dim3A_41 : vector<800x1xf32> to vector<800x128xf32>
    %sub3A_43 = arith.subf %add3A_39, %sub3A_42 : vector<800x128xf32>
    %exp3A = math.exp %sub3A_43 : vector<800x128xf32>
    %reduce_sum3A_44 = arith.constant dense<0.000000e+00> : vector<800xf32>
    %reduce_sum3A_45 = vector.multi_reduction <add>, %exp3A, %reduce_sum3A_44 [1] : vector<800x128xf32> to vector<800xf32>
    %broadcast_in_dim3A_46 = vector.shape_cast %reduce_sum3A_45 : vector<800xf32> to vector<800x1xf32>
    %div3A = vector.broadcast %broadcast_in_dim3A_46 : vector<800x1xf32> to vector<800x128xf32>
    %div3A_47 = arith.divf %exp3A, %div3A : vector<800x128xf32>
    %add3A_48 = arith.addf %get3A_30, %div3A_47 : vector<800x128xf32>
    %swap3A_49 = arith.constant 0 : index
    %swap3A_50 = arith.constant 0 : index
    %swap3A_51 = vector.load %arg8[%swap3A_49, %swap3A_50] : memref<800x128xf32, #tpu.memory_space<vmem>>, vector<800x128xf32>
    tpu.vector_store %arg8[%swap3A_49, %swap3A_50], %add3A_48 {strides = array<i32>} : memref<800x128xf32, #tpu.memory_space<vmem>>, vector<800x128xf32>,
    return
  }
  func.func @transform_0(%arg0: i32) -> (i32, i32) {
    %c0_i32 = arith.constant 0 : i32
    %c0_i32_0 = arith.constant 0 : i32
    return %arg0, %c0_i32 : i32, i32
  }
  func.func @transform_1(%arg0: i32) -> (i32, i32) {
    %c0_i32 = arith.constant 0 : i32
    %c0_i32_0 = arith.constant 0 : i32
    %c0_i32_1 = arith.constant 0 : i32
    return %c0_i32, %c0_i32_0 : i32, i32
  }
  func.func @transform_2(%arg0: i32) -> (i32, i32) {
    %c0_i32 = arith.constant 0 : i32
    %c0_i32_0 = arith.constant 0 : i32
    %c0_i32_1 = arith.constant 0 : i32
    return %c0_i32, %c0_i32_0 : i32, i32
  }
  func.func @transform_3(%arg0: i32) -> (i32, i32) {
    %c0_i32 = arith.constant 0 : i32
    %c0_i32_0 = arith.constant 0 : i32
    return %arg0, %c0_i32 : i32, i32
  }
  func.func @transform_4(%arg0: i32) -> (i32, i32) {
    %c0_i32 = arith.constant 0 : i32
    %c0_i32_0 = arith.constant 0 : i32
    %c0_i32_1 = arith.constant 0 : i32
    return %c0_i32, %c0_i32_0 : i32, i32
  }
  func.func @transform_5(%arg0: i32) -> (i32, i32) {
    %c0_i32 = arith.constant 0 : i32
    %c0_i32_0 = arith.constant 0 : i32
    %c0_i32_1 = arith.constant 0 : i32
    return %c0_i32, %c0_i32_0 : i32, i32
  }
  func.func @transform_6(%arg0: i32) -> (i32, i32) {
    %c0_i32 = arith.constant 0 : i32
    %c0_i32_0 = arith.constant 0 : i32
    return %arg0, %c0_i32 : i32, i32
  }
  func.func @transform_7(%arg0: i32) -> (i32, i32) {
    %c0_i32 = arith.constant 0 : i32
    %c0_i32_0 = arith.constant 0 : i32
    return %arg0, %c0_i32 : i32, i32
  }
}

module attributes {stable_mosaic.version = 14 : i64} {
  func.func @_tc4_body(%arg0: i32, %arg1: memref<800x128xf32, #tpu.memory_space<vmem>>, %arg2: memref<8x128xf32, #tpu.memory_space<vmem>>, %arg3: memref<8x128xf32, #tpu.memory_space<vmem>>, %arg4: memref<800x128xf32, #tpu.memory_space<vmem>>, %arg5: memref<128x128xf32, #tpu.memory_space<vmem>>, %arg6: memref<1x128xf32, #tpu.memory_space<vmem>>, %arg7: memref<800x128xf32, #tpu.memory_space<vmem>>) attributes {dimension_semantics = [#tpu.dimension_semantics<arbitrary>], iteration_bounds = array<i64: 125>, scalar_prefetch = 0 : i64, scratch_operands = 0 : i64, tpu.core_type = #tpu.core_type<tc>, window_params = [{transform_indices = @transform_0, window_bounds = array<i64: 800, 128>}, {pipeline_mode = #tpu.pipeline_mode<synchronous>, transform_indices = @transform_1, window_bounds = array<i64: 8, 128>}, {pipeline_mode = #tpu.pipeline_mode<synchronous>, transform_indices = @transform_2, window_bounds = array<i64: 8, 128>}, {transform_indices = @transform_3, window_bounds = array<i64: 800, 128>}, {pipeline_mode = #tpu.pipeline_mode<synchronous>, transform_indices = @transform_4, window_bounds = array<i64: 128, 128>}, {pipeline_mode = #tpu.pipeline_mode<synchronous>, transform_indices = @transform_5, window_bounds = array<i64: 1, 128>}, {transform_indices = @transform_6, window_bounds = array<i64: 800, 128>}]} {
    %get3A = arith.constant 0 : index
    %get3A_0 = arith.constant 0 : index
    %get3A_1 = vector.load %arg1[%get3A, %get3A_0] : memref<800x128xf32, #tpu.memory_space<vmem>>, vector<800x128xf32>
    %get3A_2 = arith.constant 0 : index
    %get3A_3 = arith.constant 0 : index
    %get3A_4 = vector.load %arg2[%get3A_2, %get3A_3] : memref<8x128xf32, #tpu.memory_space<vmem>>, vector<8x128xf32>
    %get3A_5 = arith.constant 0 : index
    %get3A_6 = arith.constant 0 : index
    %get3A_7 = vector.load %arg3[%get3A_5, %get3A_6] : memref<8x128xf32, #tpu.memory_space<vmem>>, vector<8x128xf32>
    %reduce_sum3A = arith.constant dense<0.000000e+00> : vector<128xf32>
    %reduce_sum3A_8 = vector.multi_reduction <add>, %get3A_4, %reduce_sum3A [0] : vector<8x128xf32> to vector<128xf32>
    %broadcast_in_dim3A = vector.shape_cast %reduce_sum3A_8 : vector<128xf32> to vector<1x128xf32>
    %mul3A = arith.constant 9.99999974E-6 : f32
    %mul3A_9 = vector.broadcast %mul3A : f32 to vector<1x128xf32>
    %mul3A_10 = arith.mulf %broadcast_in_dim3A, %mul3A_9 : vector<1x128xf32>
    %reduce_sum3A_11 = arith.constant dense<0.000000e+00> : vector<128xf32>
    %reduce_sum3A_12 = vector.multi_reduction <add>, %get3A_7, %reduce_sum3A_11 [0] : vector<8x128xf32> to vector<128xf32>
    %broadcast_in_dim3A_13 = vector.shape_cast %reduce_sum3A_12 : vector<128xf32> to vector<1x128xf32>
    %mul3A_14 = arith.constant 9.99999974E-6 : f32
    %mul3A_15 = vector.broadcast %mul3A_14 : f32 to vector<1x128xf32>
    %mul3A_16 = arith.mulf %broadcast_in_dim3A_13, %mul3A_15 : vector<1x128xf32>
    %mul3A_17 = arith.mulf %mul3A_10, %mul3A_10 : vector<1x128xf32>
    %sub3A = arith.subf %mul3A_16, %mul3A_17 : vector<1x128xf32>
    %sub3A_18 = vector.broadcast %mul3A_10 : vector<1x128xf32> to vector<800x128xf32>
    %sub3A_19 = arith.subf %get3A_1, %sub3A_18 : vector<800x128xf32>
    %add3A = arith.constant 9.99999974E-6 : f32
    %add3A_20 = vector.broadcast %add3A : f32 to vector<1x128xf32>
    %add3A_21 = arith.addf %sub3A, %add3A_20 : vector<1x128xf32>
    %rsqrt3A = math.rsqrt %add3A_21 : vector<1x128xf32>
    %mul3A_22 = vector.broadcast %rsqrt3A : vector<1x128xf32> to vector<800x128xf32>
    %mul3A_23 = arith.mulf %sub3A_19, %mul3A_22 : vector<800x128xf32>
    %max3A = arith.constant 0.000000e+00 : f32
    %max3A_24 = vector.broadcast %max3A : f32 to vector<800x128xf32>
    %max3A_25 = arith.maximumf %mul3A_23, %max3A_24 : vector<800x128xf32>
    %get3A_26 = arith.constant 0 : index
    %get3A_27 = arith.constant 0 : index
    %get3A_28 = vector.load %arg4[%get3A_26, %get3A_27] : memref<800x128xf32, #tpu.memory_space<vmem>>, vector<800x128xf32>
    %get3A_29 = arith.constant 0 : index
    %get3A_30 = arith.constant 0 : index
    %get3A_31 = vector.load %arg5[%get3A_29, %get3A_30] : memref<128x128xf32, #tpu.memory_space<vmem>>, vector<128x128xf32>
    %dot_general3A = arith.constant dense<0.000000e+00> : vector<800x128xf32>
    %dot_general3A_32 = tpu.matmul %max3A_25, %get3A_31, %dot_general3A {dimension_numbers = #tpu.dot_dimension_numbers<[1], [0], [0], [1], [0, 0, 1, 1], [], []>, transpose_lhs_hint = false} : vector<800x128xf32>, vector<128x128xf32>, vector<800x128xf32> -> vector<800x128xf32>
    %get3A_33 = arith.constant 0 : index
    %get3A_34 = arith.constant 0 : index
    %get3A_35 = vector.load %arg6[%get3A_33, %get3A_34] : memref<1x128xf32, #tpu.memory_space<vmem>>, vector<1x128xf32>
    %add3A_36 = vector.broadcast %get3A_35 : vector<1x128xf32> to vector<800x128xf32>
    %add3A_37 = arith.addf %dot_general3A_32, %add3A_36 : vector<800x128xf32>
    %reduce_max3A = arith.constant dense<0xFF800000> : vector<800xf32>
    %reduce_max3A_38 = vector.multi_reduction <maximumf>, %add3A_37, %reduce_max3A [1] : vector<800x128xf32> to vector<800xf32>
    %broadcast_in_dim3A_39 = vector.shape_cast %reduce_max3A_38 : vector<800xf32> to vector<800x1xf32>
    %sub3A_40 = vector.broadcast %broadcast_in_dim3A_39 : vector<800x1xf32> to vector<800x128xf32>
    %sub3A_41 = arith.subf %add3A_37, %sub3A_40 : vector<800x128xf32>
    %exp3A = math.exp %sub3A_41 : vector<800x128xf32>
    %reduce_sum3A_42 = arith.constant dense<0.000000e+00> : vector<800xf32>
    %reduce_sum3A_43 = vector.multi_reduction <add>, %exp3A, %reduce_sum3A_42 [1] : vector<800x128xf32> to vector<800xf32>
    %broadcast_in_dim3A_44 = vector.shape_cast %reduce_sum3A_43 : vector<800xf32> to vector<800x1xf32>
    %div3A = vector.broadcast %broadcast_in_dim3A_44 : vector<800x1xf32> to vector<800x128xf32>
    %div3A_45 = arith.divf %exp3A, %div3A : vector<800x128xf32>
    %add3A_46 = arith.addf %get3A_28, %div3A_45 : vector<800x128xf32>
    %swap3A = arith.constant 0 : index
    %swap3A_47 = arith.constant 0 : index
    %swap3A_48 = vector.load %arg7[%swap3A, %swap3A_47] : memref<800x128xf32, #tpu.memory_space<vmem>>, vector<800x128xf32>
    tpu.vector_store %arg7[%swap3A, %swap3A_47], %add3A_46 {strides = array<i32>} : memref<800x128xf32, #tpu.memory_space<vmem>>, vector<800x128xf32>,
    return
  }
  func.func @transform_0(%arg0: i32) -> (i32, i32) {
    %c0_i32 = arith.constant 0 : i32
    %c0_i32_0 = arith.constant 0 : i32
    return %arg0, %c0_i32 : i32, i32
  }
  func.func @transform_1(%arg0: i32) -> (i32, i32) {
    %c0_i32 = arith.constant 0 : i32
    %c0_i32_0 = arith.constant 0 : i32
    %c0_i32_1 = arith.constant 0 : i32
    return %c0_i32, %c0_i32_0 : i32, i32
  }
  func.func @transform_2(%arg0: i32) -> (i32, i32) {
    %c0_i32 = arith.constant 0 : i32
    %c0_i32_0 = arith.constant 0 : i32
    %c0_i32_1 = arith.constant 0 : i32
    return %c0_i32, %c0_i32_0 : i32, i32
  }
  func.func @transform_3(%arg0: i32) -> (i32, i32) {
    %c0_i32 = arith.constant 0 : i32
    %c0_i32_0 = arith.constant 0 : i32
    return %arg0, %c0_i32 : i32, i32
  }
  func.func @transform_4(%arg0: i32) -> (i32, i32) {
    %c0_i32 = arith.constant 0 : i32
    %c0_i32_0 = arith.constant 0 : i32
    %c0_i32_1 = arith.constant 0 : i32
    return %c0_i32, %c0_i32_0 : i32, i32
  }
  func.func @transform_5(%arg0: i32) -> (i32, i32) {
    %c0_i32 = arith.constant 0 : i32
    %c0_i32_0 = arith.constant 0 : i32
    %c0_i32_1 = arith.constant 0 : i32
    return %c0_i32, %c0_i32_0 : i32, i32
  }
  func.func @transform_6(%arg0: i32) -> (i32, i32) {
    %c0_i32 = arith.constant 0 : i32
    %c0_i32_0 = arith.constant 0 : i32
    return %arg0, %c0_i32 : i32, i32
  }
}

module attributes {stable_mosaic.version = 14 : i64} {
  func.func @_tc3_body(%arg0: i32, %arg1: memref<800x128xf32, #tpu.memory_space<vmem>>, %arg2: memref<800x128xf32, #tpu.memory_space<vmem>>, %arg3: memref<800x128xf32, #tpu.memory_space<vmem>>, %arg4: memref<128x128xf32, #tpu.memory_space<vmem>>, %arg5: memref<128x128xf32, #tpu.memory_space<vmem>>, %arg6: memref<128x128xf32, #tpu.memory_space<vmem>>, %arg7: memref<800x128xf32, #tpu.memory_space<vmem>>, %arg8: memref<8x128xf32, #tpu.memory_space<vmem>>, %arg9: memref<8x128xf32, #tpu.memory_space<vmem>>) attributes {dimension_semantics = [#tpu.dimension_semantics<arbitrary>], iteration_bounds = array<i64: 125>, scalar_prefetch = 0 : i64, scratch_operands = 0 : i64, tpu.core_type = #tpu.core_type<tc>, window_params = [{transform_indices = @transform_0, window_bounds = array<i64: 800, 128>}, {transform_indices = @transform_1, window_bounds = array<i64: 800, 128>}, {transform_indices = @transform_2, window_bounds = array<i64: 800, 128>}, {pipeline_mode = #tpu.pipeline_mode<synchronous>, transform_indices = @transform_3, window_bounds = array<i64: 128, 128>}, {pipeline_mode = #tpu.pipeline_mode<synchronous>, transform_indices = @transform_4, window_bounds = array<i64: 128, 128>}, {pipeline_mode = #tpu.pipeline_mode<synchronous>, transform_indices = @transform_5, window_bounds = array<i64: 128, 128>}, {transform_indices = @transform_6, window_bounds = array<i64: 800, 128>}, {pipeline_mode = #tpu.pipeline_mode<synchronous>, transform_indices = @transform_7, window_bounds = array<i64: 8, 128>}, {pipeline_mode = #tpu.pipeline_mode<synchronous>, transform_indices = @transform_8, window_bounds = array<i64: 8, 128>}]} {
    %get3A = arith.constant 0 : index
    %get3A_0 = arith.constant 0 : index
    %get3A_1 = vector.load %arg1[%get3A, %get3A_0] : memref<800x128xf32, #tpu.memory_space<vmem>>, vector<800x128xf32>
    %get3A_2 = arith.constant 0 : index
    %get3A_3 = arith.constant 0 : index
    %get3A_4 = vector.load %arg4[%get3A_2, %get3A_3] : memref<128x128xf32, #tpu.memory_space<vmem>>, vector<128x128xf32>
    %dot_general3A = arith.constant dense<0.000000e+00> : vector<800x128xf32>
    %dot_general3A_5 = tpu.matmul %get3A_1, %get3A_4, %dot_general3A {dimension_numbers = #tpu.dot_dimension_numbers<[1], [0], [0], [1], [0, 0, 1, 1], [], []>, transpose_lhs_hint = false} : vector<800x128xf32>, vector<128x128xf32>, vector<800x128xf32> -> vector<800x128xf32>
    %get3A_6 = arith.constant 0 : index
    %get3A_7 = arith.constant 0 : index
    %get3A_8 = vector.load %arg2[%get3A_6, %get3A_7] : memref<800x128xf32, #tpu.memory_space<vmem>>, vector<800x128xf32>
    %get3A_9 = arith.constant 0 : index
    %get3A_10 = arith.constant 0 : index
    %get3A_11 = vector.load %arg5[%get3A_9, %get3A_10] : memref<128x128xf32, #tpu.memory_space<vmem>>, vector<128x128xf32>
    %dot_general3A_12 = arith.constant dense<0.000000e+00> : vector<800x128xf32>
    %dot_general3A_13 = tpu.matmul %get3A_8, %get3A_11, %dot_general3A_12 {dimension_numbers = #tpu.dot_dimension_numbers<[1], [0], [0], [1], [0, 0, 1, 1], [], []>, transpose_lhs_hint = false} : vector<800x128xf32>, vector<128x128xf32>, vector<800x128xf32> -> vector<800x128xf32>
    %add3A = arith.addf %dot_general3A_5, %dot_general3A_13 : vector<800x128xf32>
    %get3A_14 = arith.constant 0 : index
    %get3A_15 = arith.constant 0 : index
    %get3A_16 = vector.load %arg3[%get3A_14, %get3A_15] : memref<800x128xf32, #tpu.memory_space<vmem>>, vector<800x128xf32>
    %get3A_17 = arith.constant 0 : index
    %get3A_18 = arith.constant 0 : index
    %get3A_19 = vector.load %arg6[%get3A_17, %get3A_18] : memref<128x128xf32, #tpu.memory_space<vmem>>, vector<128x128xf32>
    %dot_general3A_20 = arith.constant dense<0.000000e+00> : vector<800x128xf32>
    %dot_general3A_21 = tpu.matmul %get3A_16, %get3A_19, %dot_general3A_20 {dimension_numbers = #tpu.dot_dimension_numbers<[1], [0], [0], [1], [0, 0, 1, 1], [], []>, transpose_lhs_hint = false} : vector<800x128xf32>, vector<128x128xf32>, vector<800x128xf32> -> vector<800x128xf32>
    %add3A_22 = arith.addf %add3A, %dot_general3A_21 : vector<800x128xf32>
    %swap3A = arith.constant 0 : index
    %swap3A_23 = arith.constant 0 : index
    %swap3A_24 = vector.load %arg7[%swap3A, %swap3A_23] : memref<800x128xf32, #tpu.memory_space<vmem>>, vector<800x128xf32>
    tpu.vector_store %arg7[%swap3A, %swap3A_23], %add3A_22 {strides = array<i32>} : memref<800x128xf32, #tpu.memory_space<vmem>>, vector<800x128xf32>,
    %reshape3A = vector.shape_cast %add3A_22 : vector<800x128xf32> to vector<100x8x128xf32>
    %reduce_sum3A = arith.constant dense<0.000000e+00> : vector<8x128xf32>
    %reduce_sum3A_25 = vector.multi_reduction <add>, %reshape3A, %reduce_sum3A [0] : vector<100x8x128xf32> to vector<8x128xf32>
    %mul3A = arith.mulf %reshape3A, %reshape3A : vector<100x8x128xf32>
    %reduce_sum3A_26 = arith.constant dense<0.000000e+00> : vector<8x128xf32>
    %reduce_sum3A_27 = vector.multi_reduction <add>, %mul3A, %reduce_sum3A_26 [0] : vector<100x8x128xf32> to vector<8x128xf32>
    %eq3A = arith.constant 0 : i32
    %eq3A_28 = arith.cmpi eq, %arg0, %eq3A : i32
    %convert_element_type3A = arith.extui %eq3A_28 : i1 to i32
    %cond3A = arith.constant 0 : i32
    %cond3A_29 = arith.cmpi ne, %convert_element_type3A, %cond3A : i32
    scf.if %cond3A_29 {
      %broadcast_in_dim3A = arith.constant 0.000000e+00 : f32
      %broadcast_in_dim3A_44 = vector.broadcast %broadcast_in_dim3A : f32 to vector<8x128xf32>
      %swap3A_45 = arith.constant 0 : index
      %swap3A_46 = arith.constant 0 : index
      %swap3A_47 = vector.load %arg8[%swap3A_45, %swap3A_46] : memref<8x128xf32, #tpu.memory_space<vmem>>, vector<8x128xf32>
      tpu.vector_store %arg8[%swap3A_45, %swap3A_46], %broadcast_in_dim3A_44 {strides = array<i32>} : memref<8x128xf32, #tpu.memory_space<vmem>>, vector<8x128xf32>,
      %broadcast_in_dim3A_48 = arith.constant 0.000000e+00 : f32
      %broadcast_in_dim3A_49 = vector.broadcast %broadcast_in_dim3A_48 : f32 to vector<8x128xf32>
      %swap3A_50 = arith.constant 0 : index
      %swap3A_51 = arith.constant 0 : index
      %swap3A_52 = vector.load %arg9[%swap3A_50, %swap3A_51] : memref<8x128xf32, #tpu.memory_space<vmem>>, vector<8x128xf32>
      tpu.vector_store %arg9[%swap3A_50, %swap3A_51], %broadcast_in_dim3A_49 {strides = array<i32>} : memref<8x128xf32, #tpu.memory_space<vmem>>, vector<8x128xf32>,
    } else {
    }
    %get3A_30 = arith.constant 0 : index
    %get3A_31 = arith.constant 0 : index
    %get3A_32 = vector.load %arg8[%get3A_30, %get3A_31] : memref<8x128xf32, #tpu.memory_space<vmem>>, vector<8x128xf32>
    %add3A_33 = arith.addf %get3A_32, %reduce_sum3A_25 : vector<8x128xf32>
    %swap3A_34 = arith.constant 0 : index
    %swap3A_35 = arith.constant 0 : index
    %swap3A_36 = vector.load %arg8[%swap3A_34, %swap3A_35] : memref<8x128xf32, #tpu.memory_space<vmem>>, vector<8x128xf32>
    tpu.vector_store %arg8[%swap3A_34, %swap3A_35], %add3A_33 {strides = array<i32>} : memref<8x128xf32, #tpu.memory_space<vmem>>, vector<8x128xf32>,
    %get3A_37 = arith.constant 0 : index
    %get3A_38 = arith.constant 0 : index
    %get3A_39 = vector.load %arg9[%get3A_37, %get3A_38] : memref<8x128xf32, #tpu.memory_space<vmem>>, vector<8x128xf32>
    %add3A_40 = arith.addf %get3A_39, %reduce_sum3A_27 : vector<8x128xf32>
    %swap3A_41 = arith.constant 0 : index
    %swap3A_42 = arith.constant 0 : index
    %swap3A_43 = vector.load %arg9[%swap3A_41, %swap3A_42] : memref<8x128xf32, #tpu.memory_space<vmem>>, vector<8x128xf32>
    tpu.vector_store %arg9[%swap3A_41, %swap3A_42], %add3A_40 {strides = array<i32>} : memref<8x128xf32, #tpu.memory_space<vmem>>, vector<8x128xf32>,
    return
  }
  func.func @transform_0(%arg0: i32) -> (i32, i32) {
    %c0_i32 = arith.constant 0 : i32
    %c0_i32_0 = arith.constant 0 : i32
    return %arg0, %c0_i32 : i32, i32
  }
  func.func @transform_1(%arg0: i32) -> (i32, i32) {
    %c0_i32 = arith.constant 0 : i32
    %c0_i32_0 = arith.constant 0 : i32
    return %arg0, %c0_i32 : i32, i32
  }
  func.func @transform_2(%arg0: i32) -> (i32, i32) {
    %c0_i32 = arith.constant 0 : i32
    %c0_i32_0 = arith.constant 0 : i32
    return %arg0, %c0_i32 : i32, i32
  }
  func.func @transform_3(%arg0: i32) -> (i32, i32) {
    %c0_i32 = arith.constant 0 : i32
    %c0_i32_0 = arith.constant 0 : i32
    %c0_i32_1 = arith.constant 0 : i32
    return %c0_i32, %c0_i32_0 : i32, i32
  }
  func.func @transform_4(%arg0: i32) -> (i32, i32) {
    %c0_i32 = arith.constant 0 : i32
    %c0_i32_0 = arith.constant 0 : i32
    %c0_i32_1 = arith.constant 0 : i32
    return %c0_i32, %c0_i32_0 : i32, i32
  }
  func.func @transform_5(%arg0: i32) -> (i32, i32) {
    %c0_i32 = arith.constant 0 : i32
    %c0_i32_0 = arith.constant 0 : i32
    %c0_i32_1 = arith.constant 0 : i32
    return %c0_i32, %c0_i32_0 : i32, i32
  }
  func.func @transform_6(%arg0: i32) -> (i32, i32) {
    %c0_i32 = arith.constant 0 : i32
    %c0_i32_0 = arith.constant 0 : i32
    return %arg0, %c0_i32 : i32, i32
  }
  func.func @transform_7(%arg0: i32) -> (i32, i32) {
    %c0_i32 = arith.constant 0 : i32
    %c0_i32_0 = arith.constant 0 : i32
    %c0_i32_1 = arith.constant 0 : i32
    return %c0_i32, %c0_i32_0 : i32, i32
  }
  func.func @transform_8(%arg0: i32) -> (i32, i32) {
    %c0_i32 = arith.constant 0 : i32
    %c0_i32_0 = arith.constant 0 : i32
    %c0_i32_1 = arith.constant 0 : i32
    return %c0_i32, %c0_i32_0 : i32, i32
  }
}

</mosaic_0001>

<sc_bundles>
// kernel: kernel.11.cloned.1.call-start
scs
__scs_entry_jumppad:
0x0: {  	(pc) =	sbr.rel $0x88, $3  }
0x1: {  	(tag) =	ssettag $0x0;
	lr =	simm.s32 $0x1  }
0x2: {  	[smem:$0x3F93] =	sst lr;
	_ =	strace $0xD0000000  }
0x3: {  	_ = 	snop  }
0x4: {  	_ = 	snop  }
0x5: {  	_ = 	snop  }
0x6: {  	_ = 	snop  }
0x7: {  	_ = 	snop  }
__scs_overlays_trampoline_lowered:
0x8: {  	[smem:$0x3FA2] =	sst s0  }
0x9: {  	[smem:$0x3FA3] =	sst s1  }
0xa: {  	[smem:$0x3FA4] =	sst s2  }
0xb: {  	[smem:$0x3FA5] =	sst s3  }
0xc: {  	[smem:$0x3FA6] =	sst s4  }
0xd: {  	[smem:$0x3FA7] =	sst s5  }
0xe: {  	[smem:$0x3FA8] =	sst s6  }
0xf: {  	[smem:$0x3FA9] =	sst s7  }
0x10: {  	[smem:$0x3FAA] =	sst s8  }
0x11: {  	[smem:$0x3FAB] =	sst s9;
	s0 =	simm.s32 @!p0 $0x0  }
0x12: {  	s1 =	sld [smem:$0x3F91];
	s0 =	simm.s32 @p0 $0x1  }
0x13: {  	[smem:$0x3FAC] =	sst s0;
	s0 =	simm.s32 @!p1 $0x0  }
0x14: {  	s2 =	sld [smem:$0x3F90];
	s0 =	simm.s32 @p1 $0x1  }
0x15: {  	[smem:$0x3FAD] =	sst s0;
	s0 =	simm.s32 @!p2 $0x0  }
0x16: {  	s3 =	sld [smem:$0x3FDB];
	s0 =	simm.s32 @p2 $0x1  }
0x17: {  	s4 =	simm.s32 $0x1BF5;
	[smem:$0x3FAF] =	sst s0  }
0x18: {  	s0 =	sld [smem:$0x3F92];
	_ =	swait.ge [sflag:s4], $0x0  }
0x19: {  	s7 =	sld [smem:$0x3F93]  }
0x1a: {  	s8 =	sadd.s32 $0xFFFFE003, lr  }
0x1b: {  	s9 =	sadd.s32 $0xFFFFFEF7, lr;
	s5 =	simm.s32 $0xFFFFFFFF;
	p2 =	slt.u32 s8, $0xFFFFF086  }
0x1c: {  	p1 =	slt.u32 s9, $0xF7A;
	s5 =	simm.s32 @!p2 $0x0  }
0x1d: {  	s5 =	simm.s32 @p1 $0x1;
	p0 =	seq.s32 s7, s2  }
0x1e: {  	s7 =	smul.u32 @!p0 $0xF7A, s2;
	p2 =	seq.s32 @!p0 s5, $0x0  }
0x1f: {  	s9 =	smul.u32 $0xF7A, s1;
	s8 =	simm.s32 @!p0 $0x1BF5;
	p2 =	por !p2, p0  }
0x20: {  	[sflag:s8] =	ssyncset.s32 @!p0 $0xFFFFF086;
	s6 =	sadd.s32 @!p0 s3, s7;
	s7 =	simm.s32 @!p0 $0x108  }
0x21: {  	s3 =	sadd.s32 s3, s9;
	s6 =	sadd.s32 @!p0 $0x88, s6;
	s7 =	simm.s32 @p2 $0x1082  }
0x22: {  	[simem:s7], [sflag:s8] =	dma.local @!p0 [hbm:s6], $0xF7A  }
0x23: {  	s9 =	sor.u32 $0xD0000000, s2;
	s6 =	simm.s32 $0x108;
	_ =	swait.ge @!p0 [sflag:s8], $0x0  }
0x24: {  	s3 =	sadd.s32 $0x88, s3;
	s6 =	simm.s32 @!p1 $0x1082;
	[sflag:s4] =	ssyncset.s32 $0xFFFFF086  }
0x25: {  	[simem:s6], [sflag:s4] =	dma.local [hbm:s3], $0xF7A  }
0x26: {  	[smem:$0x3F93] =	sst s1;
	(tag) =	ssettag s2;
	_ =	strace s9  }
0x27: {  	s1 =	sld [smem:$0x3FA3]  }
0x28: {  	s2 =	sld [smem:$0x3FA4]  }
0x29: {  	s4 =	sld [smem:$0x3FA6]  }
0x2a: {  	p0 =	seq.s32 s5, $0x0;
	s5 =	sld [smem:$0x3FA7]  }
0x2b: {  	s6 =	sld [smem:$0x3FA8]  }
0x2c: {  	s7 =	sld [smem:$0x3FA9]  }
0x2d: {  	s3 =	simm.s32 $0x108;
	s8 =	sld [smem:$0x3FAA]  }
0x2e: {  	s3 =	simm.s32 @!p0 $0x1082;
	s9 =	sld [smem:$0x3FAB]  }
0x2f: {  	lr =	sadd.s32 s0, s3;
	s0 =	sld [smem:$0x3FA2]  }
0x30: {  	s3 =	sld [smem:$0x3FA5]  }
0x31: {  	[smem:$0x3FAE] =	sst s10  }
0x32: {  	s10 =	sld [smem:$0x3FAC];
	_ =	sdelay $0x3  }
0x33: {  	p0 =	seq.s32 s10, $0x1;
	s10 =	sld [smem:$0x3FAE];
	_ =	sdelay $0x3  }
0x34: {  	[smem:$0x3FAE] =	sst s10  }
0x35: {  	s10 =	sld [smem:$0x3FAD];
	_ =	sdelay $0x3  }
0x36: {  	p1 =	seq.s32 s10, $0x1;
	s10 =	sld [smem:$0x3FAE];
	_ =	sdelay $0x3  }
0x37: {  	[smem:$0x3FAE] =	sst s10  }
0x38: {  	s10 =	sld [smem:$0x3FAF]  }
0x39: {  	_ = 	snop;
	(pc) =	sbr.ind lr, $3  }
0x3a: {  	_ = 	snop  }
0x3b: {  	_ = 	snop  }
0x3c: {  	p2 =	seq.s32 s10, $0x1;
	s10 =	sld [smem:$0x3FAE]  }
0x3d: {  	_ =	shalt  }
0x3e: {  	_ =	shalt  }
0x3f: {  	_ =	shalt  }
0x40: {  	_ =	shalt  }
0x41: {  	_ =	shalt  }
0x42: {  	_ =	shalt  }
0x43: {  	_ =	shalt  }
0x44: {  	_ =	shalt  }
0x45: {  	_ =	shalt  }
0x46: {  	_ =	shalt  }
0x47: {  	_ =	shalt  }
0x48: {  	_ =	shalt  }
0x49: {  	_ =	shalt  }
0x4a: {  	_ =	shalt  }
0x4b: {  	_ =	shalt  }
0x4c: {  	_ =	shalt  }
0x4d: {  	_ =	shalt  }
0x4e: {  	_ =	shalt  }
0x4f: {  	_ =	shalt  }
0x50: {  	_ =	shalt  }
0x51: {  	_ =	shalt  }
0x52: {  	_ =	shalt  }
0x53: {  	_ =	shalt  }
0x54: {  	_ =	shalt  }
0x55: {  	_ =	shalt  }
0x56: {  	_ =	shalt  }
0x57: {  	_ =	shalt  }
0x58: {  	_ =	shalt  }
0x59: {  	_ =	shalt  }
0x5a: {  	_ =	shalt  }
0x5b: {  	_ =	shalt  }
0x5c: {  	_ =	shalt  }
0x5d: {  	_ =	shalt  }
0x5e: {  	_ =	shalt  }
0x5f: {  	_ =	shalt  }
0x60: {  	_ =	shalt  }
0x61: {  	_ =	shalt  }
0x62: {  	_ =	shalt  }
0x63: {  	_ =	shalt  }
0x64: {  	_ =	shalt  }
0x65: {  	_ =	shalt  }
0x66: {  	_ =	shalt  }
0x67: {  	_ =	shalt  }
0x68: {  	_ =	shalt  }
0x69: {  	_ =	shalt  }
0x6a: {  	_ =	shalt  }
0x6b: {  	_ =	shalt  }
0x6c: {  	_ =	shalt  }
0x6d: {  	_ =	shalt  }
0x6e: {  	_ =	shalt  }
0x6f: {  	_ =	shalt  }
0x70: {  	_ =	shalt  }
0x71: {  	_ =	shalt  }
0x72: {  	_ =	shalt  }
0x73: {  	_ =	shalt  }
0x74: {  	_ =	shalt  }
0x75: {  	_ =	shalt  }
0x76: {  	_ =	shalt  }
0x77: {  	_ =	shalt  }
0x78: {  	_ =	shalt  }
0x79: {  	_ =	shalt  }
0x7a: {  	_ =	shalt  }
0x7b: {  	_ =	shalt  }
0x7c: {  	_ =	shalt  }
0x7d: {  	_ =	shalt  }
0x7e: {  	_ =	shalt  }
0x7f: {  	_ =	shalt  }
0x80: {  	_ =	shalt  }
0x81: {  	_ =	shalt  }
0x82: {  	_ =	shalt  }
0x83: {  	_ =	shalt  }
0x84: {  	_ =	shalt  }
0x85: {  	_ =	shalt  }
0x86: {  	_ =	shalt  }
0x87: {  	_ =	shalt  }
.Lfunc_end0:
.L_simem_size_0:
called_computation.2_lowered:
.L_overlay_start_0:
0x88: {  	s2 =	sld [smem:$0x3FD9]  }
0x89: {  	s3 =	sld [smem:$0x3FFE];
	_ =	sdelay $0x1  }
0x8a: {  	s1 =	srdreg.scid  }
0x8b: {  	s0 =	sand.u32 $0x1, s1  }
0x8c: {  	s16 =	sshll.u32 s0, $0xA;
	s2 =	sadd.s32 s3, s2  }
0x8d: {  	s2 =	sadd.s32 s2, s16  }
0x8e: {  	[smem:$0x3FBA] =	sst s2  }
0x8f: {  	_ = 	snop  }
0x90: {  	(tm) =	ssettm $0x1  }
0x91: {  	s17 =	sld [smem:$0x3FFB];
	_ =	sdelay $0x3  }
0x92: {  	_ =	strace s17  }
0x93: {  	s2 =	sld [smem:$0x3FFC];
	_ =	sdelay $0x3  }
0x94: {  	_ =	strace s2  }
0x95: {  	s2 =	sld [smem:$0x3FFD];
	_ =	sdelay $0x3  }
0x96: {  	_ =	strace s2  }
0x97: {  	_ =	strace $0x8FFFFFFF  }
0x98: {  	s18 =	sld [smem:$0x3FDB];
	_ =	sdelay $0x1  }
0x99: {  	s19 =	simm.s32 $_scs_section_size  }
0x9a: {  	s4 =	simm.s32 $_size__tile_overlayer_lowered;
	s5 =	simm.s32 $_tile_overlayer_lowered  }
0x9b: {  	s22 =	simm.s32 $0x1BFF;
	s21 =	sshll.u32 s5, $0x1;
	s2 =	sadd.s32 s19, s18  }
0x9c: {  	s6 =	simm.s32 $0x0;
	s20 =	sshll.u32 s4, $0x1;
	s4 =	sadd.s32 s21, s2  }
0x9d: {  	[timem:s6], [sflag:s22] =	dma.local [hbm:s4], s20  }
0x9e: {  	_ =	swait.ge [sflag:s22], s20  }
0x9f: {  	s3 =	ssub.s32 $0x0, s20;
	[sflag:s22] =	ssyncset.done $0x0  }
0xa0: {  	[sflag:s22] =	ssyncadd.s32 s3;
	_ =	sdelay $0x1  }
0xa1: {  	s23 =	simm.s32 $0x1B8B  }
0xa2: {  	_ =	swait.ge [sflag:s23], $0x1  }
0xa3: {  	[sflag:s23] =	ssyncset.done $0x0  }
0xa4: {  	s25 =	simm.s32 $0x1B8E;
	s24 =	sld [smem:$0x3FFE];
	[sflag:s23] =	ssyncadd.s32 $0xFFFFFFFF  }
0xa5: {  	s26 =	simm.s32 $execute0_lowered;
	[smem:$0x3FD2] =	sst s25  }
0xa6: {  	s4 =	sshll.u32 s26, $0x1;
	_ =	strace $0x80000049;
	[dreg:$0x1] =	wrdreg $0xFFFFFFFF  }
0xa7: {  	s28 =	simm.s32 $_size_execute0_lowered;
	s2 =	sadd.s32 s2, s4;
	[dreg:$0x0] =	wrdreg $0x0  }
0xa8: {  	s4 =	sshll.u32 s28, $0x1;
	[dreg:$0x2] =	wrdreg s2  }
0xa9: {  	[dreg:$0x3] =	wrdreg s4  }
0xaa: {  	[dreg:$0x4] =	wrdreg $0xC0  }
0xab: {  	_ =	task [dreg:s6], $0x5FFFF  }
0xac: {  	[dreg:$0x1] =	wrdreg $0xFFFFFFFF  }
0xad: {  	[dreg:$0x0] =	wrdreg $0x60  }
0xae: {  	[dreg:$0x2] =	wrdreg s24  }
0xaf: {  	[dreg:$0x3] =	wrdreg $0x9  }
0xb0: {  	_ =	task.clear_ibuf [dreg:s6], $0x4FFFF;
	_ =	strace $0x90000049  }
0xb1: {  	s29 =	simm.s32 $0x9;
	_ =	strace $0x8000004B  }
0xb2: {  	_ =	swait.ge [sflag:s29], $0x1  }
0xb3: {  	[sflag:s29] =	ssyncadd.s32 $0xFFFFFFFF  }
0xb4: {  	_ =	strace $0x9000004B  }
0xb5: {  	_ =	sfence  }
0xb6: {  	s30 =	sld [smem:$0x0];
	_ =	sdelay $0x2  }
0xb7: {  	s31 =	sshll.u32 s1, $0xD;
	s1 =	sshrl.u32 s1, $0x2  }
0xb8: {  	s3 =	sand.u32 $0x4000, s31;
	s1 =	sadd.s32 s1, s30  }
0xb9: {  	s0 =	sor.u32 s3, s0;
	s1 =	sshll.u32 s1, $0x11  }
0xba: {  	s0 =	sor.u32 s1, s0  }
0xbb: {  	s0 =	sadd.s32 $0x8F2B, s0  }
0xbc: {  	[sflag:s0] =	ssyncadd.remote.s32 $0x1  }
0xbd: {  	_ =	sfence.sel $0xFFFF  }
0xbe: {  	[dreg:$0x0] =	wrdreg $0xFFFFFFFF;
	(pc) =	sbr.abs _section_cstart, $3  }
0xbf: {  	[dreg:$0x1] =	wrdreg $0xFFFFFFFF  }
0xc0: {  	_ =	task.clear_ibuf [dreg:s6], $0x2FFFF;
	_ =	strace $0x9FFFFFFF  }
0xc1: {  	(tm) =	ssettm $0x7FFFFFFF  }
tec
execute0_lowered:
.L_overlay_start_1:
0x0: {  	(tag) =	ssettag $0x1  }
0x1: {  	s4 =	rddreg [dreg:$0x0]  }
0x2: {  	s0 =	rddreg [dreg:$0x1];
	s2 =	simm.s32 $0x0  }
0x3: {  	s1 =	stileid.u32;
	s5 =	srdreg.scid;
	s13 =	simm.s32 $0x80  }
0x4: {  	s14 =	simm.s32 $0x4800;
	s15 =	simm.s32 $0x8800;
	s16 =	simm.s32 $0x1  }
0x5: {  	s17 =	simm.s32 $0xC800;
	s18 =	simm.s32 $0x2;
	s19 =	simm.s32 $0xD800  }
0x6: {  	s20 =	simm.s32 $0x3;
	s21 =	simm.s32 $0x4;
	s22 =	simm.s32 $0x0  }
0x7: {  	[smem:$0x7FF] =	sst s2;
	s3 =	sadd.s32 $0xFC00, s4;
	s6 =	smul.u32 $0x90, s1  }
0x8: {  	s7 =	sadd.s32 $0x3400, s4;
	s12 =	sand.u32 $0x1, s5;
	s29 =	smul.u32 $0x38, s1  }
0x9: {  	s4 =	sadd.s32 $0x649800, s4;
	s9 =	smul.u32 $0x4800, s1;
	s8 =	ssub.s32 $0x2, s12  }
0xa: {  	_ =	strace $0x8000004A;
	p0 =	seq.s32 s12, $0x0;
	s10 =	sshrl.u32 s8, $0x1  }
0xb: {  	s5 =	sadd.s32 $0x900, s29;
	s30 =	sshrl.u32 s9, $0x3;
	s11 =	ssub.s32 s8, s10  }
0xc: {  	s5 =	smov.u32 @p0 s6;
	s6 =	simm.s32 $0x48;
	s8 =	sadd.s32 s7, s30  }
0xd: {  	s31 =	sshll.u32 s5, $0x4;
	s6 =	simm.s32 @!p0 $0x1C;
	s8 =	sadd.s32 $0x380, s8  }
0xe: {  	s9 =	sshll.u32 s5, $0xC;
	s11 =	smax.u32 s11, $0x1;
	p0 =	sne.s32 s12, $0x0  }
0xf: {  	s12 =	simm.s32 $0x5;
	s7 =	sadd.s32 s7, s31;
	s10 =	sadd.s32 $0xFFFFFFFF, s6  }
.LBB2_1:
0x10: {  	[tilespmem:s2], [sflag:$0x5] =	stream.linear.gather [hbm4b:s7+s2], $0x1C00, $0x38;
	[tilespmem:$0xE800] =	vst v63  }
0x11: {  	_ =	swait.ge [sflag:s12], $0x1C00  }
0x12: {  	[sflag:s12] =	ssyncset.done $0x0  }
0x13: {  	s23 =	simm.s32 @!p0 $0x0;
	s24 =	simm.s32 @!p0 $0x1C00;
	[sflag:s12] =	ssyncadd.s32 $0xFFFFE400  }
0x14: {  	[tilespmem:s24], [sflag:$0x5] =	stream.linear.gather @!p0 [hbm4b:s8+s23], $0x2C00, $0x38;
	[tilespmem:$0xE800] =	vst v63  }
0x15: {  	s23 =	simm.s32 @!p0 $0x5  }
0x16: {  	_ =	swait.ge @!p0 [sflag:s23], $0x2C00  }
0x17: {  	[sflag:s23] =	ssyncset.done @!p0 $0x0  }
0x18: {  	[sflag:s23] =	ssyncadd.s32 @!p0 $0xFFFFD400;
	s23 =	simm.s32 $0x0  }
0x19: {  	[tilespmem:s14], [sflag:$0x1] =	stream.indirect.gather [hbm4b:s3+s13], $0x80, s2, s13, $0xb8;
	[tilespmem:$0xE800] =	vst v63  }
.LBB2_2:
0x1a: {  	s24 =	sshllo.u32 s23, $0x1  }
0x1b: {  	s25 =	sshll.u32 s24, $0x9  }
0x1c: {  	p1 =	seq.s32 s23, $0x0;
	s25 =	sshra.s32 s25, $0x2  }
0x1d: {  	[tilespmem:s15], [sflag:$0x2] =	stream.indirect.gather [hbm4b:s3+s13], $0x80, s25, s13, $0xb8;
	[tilespmem:$0xE800] =	vst v63  }
0x1e: {  	s25 =	simm.s32 @!p1 $0x3  }
0x1f: {  	_ =	swait.ge @!p1 [sflag:s25], $0x1000  }
0x20: {  	[sflag:s25] =	ssyncset.done @!p1 $0x0  }
0x21: {  	[sflag:s25] =	ssyncadd.s32 @!p1 $0xFFFFF000  }
0x22: {  	_ =	swait.ge [sflag:s16], $0x4000  }
0x23: {  	[sflag:s16] =	ssyncset.done $0x0  }
0x24: {  	s25 =	simm.s32 $0x0;
	[sflag:s16] =	ssyncadd.s32 $0xFFFFC000  }
0x25: {  	v0 =	vld [tilespmem:s25+$0x4870]  }
0x26: {  	v1 =	vld [tilespmem:s25+$0x5870]  }
0x27: {  	v2 =	vld [tilespmem:s25+$0x4800]  }
0x28: {  	v3 =	vld [tilespmem:s25+$0x6870]  }
0x29: {  	v4 =	vld [tilespmem:s25+$0x5800]  }
0x2a: {  	v5 =	vld [tilespmem:s25+$0x7870]  }
0x2b: {  	v6 =	vld [tilespmem:s25+$0x4810]  }
0x2c: {  	v7 =	vld [tilespmem:s25+$0x4820]  }
0x2d: {  	v8 =	vld [tilespmem:s25+$0x4830]  }
0x2e: {  	v9 =	vld [tilespmem:s25+$0x4840]  }
0x2f: {  	v10 =	vld [tilespmem:s25+$0x4850]  }
0x30: {  	v11 =	vld [tilespmem:s25+$0x5850]  }
0x31: {  	v12 =	vld [tilespmem:s25+$0x4860]  }
0x32: {  	v13 =	vld [tilespmem:s25+$0x5860]  }
0x33: {  	v14 =	vld [tilespmem:s25+$0x6800]  }
0x34: {  	v15 =	vld [tilespmem:s25+$0x6810]  }
0x35: {  	v16 =	vld [tilespmem:s25+$0x6820];
	v0 =	vadd.f32 v1, v0  }
0x36: {  	v17 =	vld [tilespmem:s25+$0x6830]  }
0x37: {  	v18 =	vld [tilespmem:s25+$0x6840];
	v0 =	vadd.f32 v3, v0  }
0x38: {  	v1 =	vld [tilespmem:s25+$0x5810]  }
0x39: {  	v3 =	vld [tilespmem:s25+$0x5820];
	v0 =	vadd.f32 v5, v0  }
0x3a: {  	v5 =	vld [tilespmem:s25+$0x5830]  }
0x3b: {  	[tilespmem:s25+$0xC870] =	vst v0;
	v0 =	vld [tilespmem:s25+$0x5840]  }
0x3c: {  	v19 =	vld [tilespmem:s25+$0x6850]  }
0x3d: {  	v20 =	vld [tilespmem:s25+$0x6860];
	v2 =	vadd.f32 v4, v2  }
0x3e: {  	v21 =	vld [tilespmem:s25+$0x7800];
	v1 =	vadd.f32 v1, v6;
	v3 =	vadd.f32 v3, v7  }
0x3f: {  	v22 =	vld [tilespmem:s25+$0x7810];
	v5 =	vadd.f32 v5, v8;
	v8 =	vadd.f32 v14, v2  }
0x40: {  	v23 =	vld [tilespmem:s25+$0x7820];
	v62 =	vadd.f32 v16, v3;
	v0 =	vadd.f32 v0, v9  }
0x41: {  	v7 =	vld [tilespmem:s25+$0x7830];
	v9 =	vadd.f32 v11, v10;
	v10 =	vadd.f32 v13, v12  }
0x42: {  	v4 =	vld [tilespmem:s25+$0x7840];
	v11 =	vadd.f32 v15, v1;
	v6 =	vadd.f32 v17, v5  }
0x43: {  	v5 =	vld [tilespmem:s25+$0x7850];
	v63 =	vadd.f32 v21, v8;
	v2 =	vadd.f32 v18, v0  }
0x44: {  	s26 =	simm.s32 $0x80;
	v8 =	vld [tilespmem:s25+$0x7860];
	v3 =	vadd.f32 v19, v9;
	v9 =	vadd.f32 v22, v11  }
0x45: {  	s28 =	simm.s32 $0x400;
	v1 =	vld [tilespmem:s26+$0x4870];
	v0 =	vadd.f32 v20, v10;
	[tilespmem:s25+$0xC800] =	vst v63;
	v10 =	vadd.f32 v23, v62  }
.LBB2_3:
0x46: {  	p1 =	sne.s32 s28, $0x3E00;
	v11 =	vld [tilespmem:s26+$0x5870];
	[tilespmem:s25+$0xC810] =	vst v9;
	v6 =	vadd.f32 v7, v6  }
0x47: {  	v7 =	vld [tilespmem:s26+$0x4800];
	[tilespmem:s25+$0xC820] =	vst v10;
	v2 =	vadd.f32 v4, v2  }
0x48: {  	v4 =	vld [tilespmem:s26+$0x6870];
	[tilespmem:s25+$0xC830] =	vst v6;
	v3 =	vadd.f32 v5, v3  }
0x49: {  	v5 =	vld [tilespmem:s26+$0x5800];
	[tilespmem:s25+$0xC840] =	vst v2;
	v0 =	vadd.f32 v8, v0  }
0x4a: {  	v2 =	vld [tilespmem:s26+$0x7870];
	[tilespmem:s25+$0xC850] =	vst v3  }
0x4b: {  	v3 =	vld [tilespmem:s26+$0x4810];
	v1 =	vadd.f32 v11, v1;
	[tilespmem:s25+$0xC860] =	vst v0;
	s25 =	smov.u32 s26  }
0x4c: {  	v0 =	vld [tilespmem:s25+$0x5810]  }
0x4d: {  	v6 =	vld [tilespmem:s25+$0x4820];
	v1 =	vadd.f32 v4, v1  }
0x4e: {  	v4 =	vadd.f32 v5, v7;
	v5 =	vld [tilespmem:s25+$0x5820]  }
0x4f: {  	v7 =	vld [tilespmem:s25+$0x4830];
	v1 =	vadd.f32 v2, v1  }
0x50: {  	v2 =	vld [tilespmem:s25+$0x5830]  }
0x51: {  	v0 =	vadd.f32 v0, v3;
	v3 =	vld [tilespmem:s25+$0x4840];
	[tilespmem:s25+$0xC870] =	vst v1  }
0x52: {  	v1 =	vld [tilespmem:s25+$0x5840]  }
0x53: {  	v5 =	vadd.f32 v5, v6;
	v6 =	vld [tilespmem:s25+$0x4850]  }
0x54: {  	v8 =	vld [tilespmem:s25+$0x5850]  }
0x55: {  	v2 =	vadd.f32 v2, v7;
	v7 =	vld [tilespmem:s25+$0x4860]  }
0x56: {  	v9 =	vld [tilespmem:s25+$0x5860]  }
0x57: {  	v10 =	vld [tilespmem:s25+$0x6800];
	v1 =	vadd.f32 v1, v3  }
0x58: {  	v3 =	vld [tilespmem:s25+$0x6810]  }
0x59: {  	v11 =	vld [tilespmem:s25+$0x6820];
	v8 =	vadd.f32 v8, v6  }
0x5a: {  	v6 =	vld [tilespmem:s25+$0x6830]  }
0x5b: {  	v12 =	vld [tilespmem:s25+$0x6840];
	v9 =	vadd.f32 v9, v7  }
0x5c: {  	v10 =	vadd.f32 v10, v4;
	v4 =	vld [tilespmem:s25+$0x6850]  }
0x5d: {  	v13 =	vadd.f32 v3, v0;
	v0 =	vld [tilespmem:s25+$0x6860]  }
0x5e: {  	v14 =	vld [tilespmem:s25+$0x7800];
	v11 =	vadd.f32 v11, v5  }
0x5f: {  	v15 =	vld [tilespmem:s25+$0x7810];
	v6 =	vadd.f32 v6, v2  }
0x60: {  	v16 =	vld [tilespmem:s25+$0x7820];
	v2 =	vadd.f32 v12, v1  }
.Ltmp0:
0x61: {  	v7 =	vld [tilespmem:s25+$0x7830];
	v3 =	vadd.f32 v4, v8;
	(pc) =	sbr.rel @p1 .LBB2_3-.Ltmp0, $4  }
0x62: {  	v4 =	vld [tilespmem:s25+$0x7840];
	v0 =	vadd.f32 v0, v9  }
0x63: {  	v10 =	vadd.f32 v14, v10;
	v5 =	vld [tilespmem:s25+$0x7850]  }
0x64: {  	s26 =	sshra.s32 s28, $0x2;
	v9 =	vadd.f32 v15, v13;
	v8 =	vld [tilespmem:s25+$0x7860]  }
0x65: {  	s28 =	sadd.s32 $0x200, s28;
	v1 =	vld [tilespmem:s26+$0x4870];
	[tilespmem:s25+$0xC800] =	vst v10;
	v10 =	vadd.f32 v16, v11  }
0x66: {  	v11 =	vld [tilespmem:s26+$0x5870];
	[tilespmem:s25+$0xC810] =	vst v9;
	v6 =	vadd.f32 v7, v6  }
0x67: {  	v9 =	vld [tilespmem:s26+$0x4800];
	[tilespmem:s25+$0xC820] =	vst v10;
	v2 =	vadd.f32 v4, v2  }
0x68: {  	v7 =	vld [tilespmem:s26+$0x6870];
	[tilespmem:s25+$0xC830] =	vst v6;
	v3 =	vadd.f32 v5, v3  }
0x69: {  	v4 =	vld [tilespmem:s26+$0x5800];
	[tilespmem:s25+$0xC840] =	vst v2;
	v0 =	vadd.f32 v8, v0  }
0x6a: {  	v2 =	vld [tilespmem:s26+$0x7870];
	[tilespmem:s25+$0xC850] =	vst v3  }
0x6b: {  	v3 =	vld [tilespmem:s26+$0x4810];
	[tilespmem:s25+$0xC860] =	vst v0  }
0x6c: {  	v0 =	vadd.f32 v11, v1;
	v1 =	vld [tilespmem:s26+$0x5810]  }
0x6d: {  	v5 =	vld [tilespmem:s26+$0x4820]  }
0x6e: {  	v6 =	vld [tilespmem:s26+$0x5820]  }
0x6f: {  	v8 =	vld [tilespmem:s26+$0x4840]  }
0x70: {  	v10 =	vld [tilespmem:s26+$0x4850]  }
0x71: {  	v11 =	vld [tilespmem:s26+$0x5850]  }
0x72: {  	v12 =	vld [tilespmem:s26+$0x4860]  }
0x73: {  	v13 =	vld [tilespmem:s26+$0x5860]  }
0x74: {  	v14 =	vld [tilespmem:s26+$0x6800]  }
0x75: {  	v15 =	vld [tilespmem:s26+$0x6810]  }
0x76: {  	v16 =	vld [tilespmem:s26+$0x6820]  }
0x77: {  	v17 =	vld [tilespmem:s26+$0x6830]  }
0x78: {  	v18 =	vld [tilespmem:s26+$0x6840];
	v0 =	vadd.f32 v7, v0  }
0x79: {  	v19 =	vld [tilespmem:s26+$0x6850]  }
0x7a: {  	v20 =	vld [tilespmem:s26+$0x6860];
	v0 =	vadd.f32 v2, v0  }
0x7b: {  	v7 =	vld [tilespmem:s26+$0x4830]  }
0x7c: {  	[tilespmem:s26+$0xC870] =	vst v0;
	v0 =	vld [tilespmem:s26+$0x5840]  }
0x7d: {  	v2 =	vld [tilespmem:s26+$0x5830]  }
0x7e: {  	v4 =	vadd.f32 v4, v9;
	v9 =	vld [tilespmem:s26+$0x7800];
	v1 =	vadd.f32 v1, v3  }
0x7f: {  	v3 =	vadd.f32 v6, v5;
	v5 =	vld [tilespmem:s26+$0x7810]  }
0x80: {  	v6 =	vld [tilespmem:s26+$0x7820];
	v4 =	vadd.f32 v14, v4;
	v1 =	vadd.f32 v15, v1  }
0x81: {  	v3 =	vadd.f32 v16, v3;
	v0 =	vadd.f32 v0, v8;
	v8 =	vld [tilespmem:s26+$0x7830]  }
0x82: {  	v2 =	vadd.f32 v2, v7;
	v7 =	vadd.f32 v11, v10;
	v11 =	vld [tilespmem:s26+$0x7840]  }
0x83: {  	v4 =	vadd.f32 v9, v4;
	v9 =	vld [tilespmem:s26+$0x7850];
	v10 =	vadd.f32 v13, v12  }
0x84: {  	v2 =	vadd.f32 v17, v2;
	v1 =	vadd.f32 v5, v1;
	v5 =	vld [tilespmem:s26+$0x7860]  }
0x85: {  	[tilespmem:s26+$0xC800] =	vst v4;
	v3 =	vadd.f32 v6, v3;
	v0 =	vadd.f32 v18, v0  }
0x86: {  	v4 =	vadd.f32 v19, v7;
	[tilespmem:s26+$0xC810] =	vst v1;
	v1 =	vadd.f32 v8, v2  }
0x87: {  	[tilespmem:s26+$0xC820] =	vst v3;
	v0 =	vadd.f32 v11, v0;
	v2 =	vadd.f32 v20, v10  }
0x88: {  	s31 =	sshll.u32 s23, $0xD;
	[tilespmem:s26+$0xC830] =	vst v1;
	v1 =	vadd.f32 v9, v4  }
0x89: {  	s25 =	sadd.s32 s9, s31;
	[tilespmem:s26+$0xC840] =	vst v0;
	v0 =	vadd.f32 v5, v2  }
0x8a: {  	s25 =	sshrl.u32 s25, $0x3;
	[tilespmem:s26+$0xC850] =	vst v1  }
0x8b: {  	p1 =	sge.u32 s23, s10;
	s25 =	sadd.s32 s4, s25;
	[tilespmem:s26+$0xC860] =	vst v0  }
0x8c: {  	[hbm4b:s25+s2] =	stream.linear.scatter [tilespmem:s17], [sflag:$0x3], $0x1000, $0x38;
	[tilespmem:$0xE800] =	vst v63  }
0x8d: {  	s25 =	sshll.u32 @!p1 s23, $0x8  }
0x8e: {  	p2 =	seq.s32 @!p1 s23, $0x0;
	s25 =	sand.u32 @!p1 $0x3FFFFF00, s25  }
0x8f: {  	s28 =	simm.s32 @!p1 $0x4800;
	s26 =	simm.s32 @!p1 $0x80;
	s25 =	sadd.s32 @!p1 $0x100, s25  }
0x90: {  	[tilespmem:s28], [sflag:$0x1] =	stream.indirect.gather @!p1 [hbm4b:s3+s26], $0x80, s25, s26, $0xb8;
	[tilespmem:$0xE800] =	vst v63  }
0x91: {  	p1 =	por p1, !p2  }
0x92: {  	_ =	swait.ge @p1 [sflag:s21], $0x1000  }
0x93: {  	[sflag:s21] =	ssyncset.done @p1 $0x0  }
0x94: {  	[sflag:s21] =	ssyncadd.s32 @p1 $0xFFFFF000  }
0x95: {  	_ =	swait.ge [sflag:s18], $0x4000  }
0x96: {  	[sflag:s18] =	ssyncset.done $0x0  }
0x97: {  	s25 =	simm.s32 $0x0;
	[sflag:s18] =	ssyncadd.s32 $0xFFFFC000  }
0x98: {  	v0 =	vld [tilespmem:s25+$0x8870]  }
0x99: {  	v1 =	vld [tilespmem:s25+$0x9870]  }
0x9a: {  	v2 =	vld [tilespmem:s25+$0x8800]  }
0x9b: {  	v3 =	vld [tilespmem:s25+$0xA870]  }
0x9c: {  	v4 =	vld [tilespmem:s25+$0x9800]  }
0x9d: {  	v5 =	vld [tilespmem:s25+$0xB870]  }
0x9e: {  	v6 =	vld [tilespmem:s25+$0x8810]  }
0x9f: {  	v7 =	vld [tilespmem:s25+$0x8820]  }
0xa0: {  	v8 =	vld [tilespmem:s25+$0x8830]  }
0xa1: {  	v9 =	vld [tilespmem:s25+$0x8840]  }
0xa2: {  	v10 =	vld [tilespmem:s25+$0x8850]  }
0xa3: {  	v11 =	vld [tilespmem:s25+$0x9850]  }
0xa4: {  	v53 =	vld [tilespmem:s25+$0x8860]  }
0xa5: {  	v54 =	vld [tilespmem:s25+$0x9860]  }
0xa6: {  	v55 =	vld [tilespmem:s25+$0xA800]  }
0xa7: {  	v56 =	vld [tilespmem:s25+$0xA810]  }
0xa8: {  	v57 =	vld [tilespmem:s25+$0xA820];
	v0 =	vadd.f32 v1, v0  }
0xa9: {  	v58 =	vld [tilespmem:s25+$0xA830]  }
0xaa: {  	v59 =	vld [tilespmem:s25+$0xA840];
	v0 =	vadd.f32 v3, v0  }
0xab: {  	v1 =	vld [tilespmem:s25+$0x9810]  }
0xac: {  	v3 =	vld [tilespmem:s25+$0x9820];
	v0 =	vadd.f32 v5, v0  }
0xad: {  	v5 =	vld [tilespmem:s25+$0x9830]  }
0xae: {  	[tilespmem:s25+$0xD870] =	vst v0;
	v0 =	vld [tilespmem:s25+$0x9840]  }
0xaf: {  	v60 =	vld [tilespmem:s25+$0xA850]  }
0xb0: {  	v61 =	vld [tilespmem:s25+$0xA860];
	v2 =	vadd.f32 v4, v2  }
0xb1: {  	v21 =	vld [tilespmem:s25+$0xB800];
	v1 =	vadd.f32 v1, v6;
	v3 =	vadd.f32 v3, v7  }
0xb2: {  	v22 =	vld [tilespmem:s25+$0xB810];
	v5 =	vadd.f32 v5, v8;
	v8 =	vadd.f32 v55, v2  }
0xb3: {  	v23 =	vld [tilespmem:s25+$0xB820];
	v62 =	vadd.f32 v57, v3;
	v0 =	vadd.f32 v0, v9  }
0xb4: {  	v7 =	vld [tilespmem:s25+$0xB830];
	v9 =	vadd.f32 v11, v10;
	v10 =	vadd.f32 v54, v53  }
0xb5: {  	v4 =	vld [tilespmem:s25+$0xB840];
	v11 =	vadd.f32 v56, v1;
	v6 =	vadd.f32 v58, v5  }
0xb6: {  	v5 =	vld [tilespmem:s25+$0xB850];
	v63 =	vadd.f32 v21, v8;
	v2 =	vadd.f32 v59, v0  }
0xb7: {  	s26 =	simm.s32 $0x80;
	v8 =	vld [tilespmem:s25+$0xB860];
	v3 =	vadd.f32 v60, v9;
	v9 =	vadd.f32 v22, v11  }
0xb8: {  	s28 =	simm.s32 $0x400;
	v1 =	vld [tilespmem:s26+$0x8870];
	v0 =	vadd.f32 v61, v10;
	[tilespmem:s25+$0xD800] =	vst v63;
	v10 =	vadd.f32 v23, v62  }
.LBB2_5:
0xb9: {  	p1 =	sne.s32 s28, $0x3E00;
	v11 =	vld [tilespmem:s26+$0x9870];
	[tilespmem:s25+$0xD810] =	vst v9;
	v6 =	vadd.f32 v7, v6  }
0xba: {  	v7 =	vld [tilespmem:s26+$0x8800];
	[tilespmem:s25+$0xD820] =	vst v10;
	v2 =	vadd.f32 v4, v2  }
0xbb: {  	v4 =	vld [tilespmem:s26+$0xA870];
	[tilespmem:s25+$0xD830] =	vst v6;
	v3 =	vadd.f32 v5, v3  }
0xbc: {  	v5 =	vld [tilespmem:s26+$0x9800];
	[tilespmem:s25+$0xD840] =	vst v2;
	v0 =	vadd.f32 v8, v0  }
0xbd: {  	v2 =	vld [tilespmem:s26+$0xB870];
	[tilespmem:s25+$0xD850] =	vst v3  }
0xbe: {  	v3 =	vld [tilespmem:s26+$0x8810];
	v1 =	vadd.f32 v11, v1;
	[tilespmem:s25+$0xD860] =	vst v0;
	s25 =	smov.u32 s26  }
0xbf: {  	v0 =	vld [tilespmem:s25+$0x9810]  }
0xc0: {  	v6 =	vld [tilespmem:s25+$0x8820];
	v1 =	vadd.f32 v4, v1  }
0xc1: {  	v4 =	vadd.f32 v5, v7;
	v5 =	vld [tilespmem:s25+$0x9820]  }
0xc2: {  	v7 =	vld [tilespmem:s25+$0x8830];
	v1 =	vadd.f32 v2, v1  }
0xc3: {  	v2 =	vld [tilespmem:s25+$0x9830]  }
0xc4: {  	v0 =	vadd.f32 v0, v3;
	v3 =	vld [tilespmem:s25+$0x8840];
	[tilespmem:s25+$0xD870] =	vst v1  }
0xc5: {  	v1 =	vld [tilespmem:s25+$0x9840]  }
0xc6: {  	v5 =	vadd.f32 v5, v6;
	v6 =	vld [tilespmem:s25+$0x8850]  }
0xc7: {  	v8 =	vld [tilespmem:s25+$0x9850]  }
0xc8: {  	v2 =	vadd.f32 v2, v7;
	v7 =	vld [tilespmem:s25+$0x8860]  }
0xc9: {  	v9 =	vld [tilespmem:s25+$0x9860]  }
0xca: {  	v10 =	vld [tilespmem:s25+$0xA800];
	v1 =	vadd.f32 v1, v3  }
0xcb: {  	v3 =	vld [tilespmem:s25+$0xA810]  }
0xcc: {  	v11 =	vld [tilespmem:s25+$0xA820];
	v8 =	vadd.f32 v8, v6  }
0xcd: {  	v6 =	vld [tilespmem:s25+$0xA830]  }
0xce: {  	v12 =	vld [tilespmem:s25+$0xA840];
	v9 =	vadd.f32 v9, v7  }
0xcf: {  	v10 =	vadd.f32 v10, v4;
	v4 =	vld [tilespmem:s25+$0xA850]  }
0xd0: {  	v13 =	vadd.f32 v3, v0;
	v0 =	vld [tilespmem:s25+$0xA860]  }
0xd1: {  	v14 =	vld [tilespmem:s25+$0xB800];
	v11 =	vadd.f32 v11, v5  }
0xd2: {  	v15 =	vld [tilespmem:s25+$0xB810];
	v6 =	vadd.f32 v6, v2  }
0xd3: {  	v16 =	vld [tilespmem:s25+$0xB820];
	v2 =	vadd.f32 v12, v1  }
.Ltmp1:
0xd4: {  	v7 =	vld [tilespmem:s25+$0xB830];
	v3 =	vadd.f32 v4, v8;
	(pc) =	sbr.rel @p1 .LBB2_5-.Ltmp1, $4  }
0xd5: {  	v4 =	vld [tilespmem:s25+$0xB840];
	v0 =	vadd.f32 v0, v9  }
0xd6: {  	v10 =	vadd.f32 v14, v10;
	v5 =	vld [tilespmem:s25+$0xB850]  }
0xd7: {  	s26 =	sshra.s32 s28, $0x2;
	v9 =	vadd.f32 v15, v13;
	v8 =	vld [tilespmem:s25+$0xB860]  }
0xd8: {  	s28 =	sadd.s32 $0x200, s28;
	v1 =	vld [tilespmem:s26+$0x8870];
	[tilespmem:s25+$0xD800] =	vst v10;
	v10 =	vadd.f32 v16, v11  }
0xd9: {  	v11 =	vld [tilespmem:s26+$0x9870];
	[tilespmem:s25+$0xD810] =	vst v9;
	v6 =	vadd.f32 v7, v6  }
0xda: {  	v9 =	vld [tilespmem:s26+$0x8800];
	[tilespmem:s25+$0xD820] =	vst v10;
	v2 =	vadd.f32 v4, v2  }
0xdb: {  	v39 =	vld [tilespmem:s26+$0xA870];
	[tilespmem:s25+$0xD830] =	vst v6;
	v3 =	vadd.f32 v5, v3  }
0xdc: {  	v40 =	vld [tilespmem:s26+$0x9800];
	[tilespmem:s25+$0xD840] =	vst v2;
	v0 =	vadd.f32 v8, v0  }
0xdd: {  	v2 =	vld [tilespmem:s26+$0xB870];
	[tilespmem:s25+$0xD850] =	vst v3  }
0xde: {  	v3 =	vld [tilespmem:s26+$0x8810];
	[tilespmem:s25+$0xD860] =	vst v0  }
0xdf: {  	v42 =	vld [tilespmem:s26+$0x9810]  }
0xe0: {  	v43 =	vld [tilespmem:s26+$0x8820]  }
0xe1: {  	v6 =	vld [tilespmem:s26+$0x9820]  }
0xe2: {  	v44 =	vld [tilespmem:s26+$0x8830]  }
0xe3: {  	v45 =	vld [tilespmem:s26+$0x9830]  }
0xe4: {  	v46 =	vld [tilespmem:s26+$0x8840]  }
0xe5: {  	v47 =	vld [tilespmem:s26+$0x9840]  }
0xe6: {  	v10 =	vld [tilespmem:s26+$0x8850]  }
0xe7: {  	v48 =	vld [tilespmem:s26+$0x9850]  }
0xe8: {  	v12 =	vld [tilespmem:s26+$0x8860]  }
0xe9: {  	v13 =	vld [tilespmem:s26+$0x9860]  }
0xea: {  	v14 =	vld [tilespmem:s26+$0xA800]  }
0xeb: {  	v15 =	vld [tilespmem:s26+$0xA810]  }
0xec: {  	v16 =	vld [tilespmem:s26+$0xA820]  }
0xed: {  	v41 =	vadd.f32 v11, v1;
	v17 =	vld [tilespmem:s26+$0xA830]  }
0xee: {  	v18 =	vld [tilespmem:s26+$0xA840]  }
0xef: {  	v19 =	vld [tilespmem:s26+$0xA850];
	v0 =	vadd.f32 v39, v41  }
0xf0: {  	v20 =	vld [tilespmem:s26+$0xA860]  }
0xf1: {  	v49 =	vld [tilespmem:s26+$0xB800];
	v4 =	vadd.f32 v40, v9;
	v0 =	vadd.f32 v2, v0  }
0xf2: {  	v51 =	vld [tilespmem:s26+$0xB810];
	v1 =	vadd.f32 v42, v3;
	v50 =	vadd.f32 v6, v43  }
0xf3: {  	v52 =	vld [tilespmem:s26+$0xB820];
	[tilespmem:s26+$0xD870] =	vst v0;
	v2 =	vadd.f32 v45, v44;
	v0 =	vadd.f32 v47, v46  }
0xf4: {  	v54 =	vld [tilespmem:s26+$0xB830];
	v53 =	vadd.f32 v48, v10;
	v4 =	vadd.f32 v14, v4  }
0xf5: {  	v56 =	vld [tilespmem:s26+$0xB840];
	v55 =	vadd.f32 v13, v12;
	v1 =	vadd.f32 v15, v1  }
0xf6: {  	v57 =	vld [tilespmem:s26+$0xB850];
	v3 =	vadd.f32 v16, v50;
	v4 =	vadd.f32 v49, v4  }
0xf7: {  	v58 =	vld [tilespmem:s26+$0xB860];
	v2 =	vadd.f32 v17, v2;
	v1 =	vadd.f32 v51, v1  }
0xf8: {  	v0 =	vadd.f32 v18, v0;
	[tilespmem:s26+$0xD800] =	vst v4;
	v3 =	vadd.f32 v52, v3  }
0xf9: {  	s23 =	sadd.s32 $0x1, s23;
	v59 =	vadd.f32 v19, v53;
	v60 =	vadd.f32 v54, v2;
	[tilespmem:s26+$0xD810] =	vst v1  }
0xfa: {  	p1 =	sne.s32 s23, s6;
	v61 =	vadd.f32 v20, v55;
	v0 =	vadd.f32 v56, v0;
	[tilespmem:s26+$0xD820] =	vst v3  }
.Ltmp2:
0xfb: {  	v62 =	vadd.f32 v57, v59;
	[tilespmem:s26+$0xD830] =	vst v60;
	(pc) =	sbr.rel @p1 .LBB2_2-.Ltmp2, $4  }
0xfc: {  	s24 =	sadd.s32 s5, s24;
	v63 =	vadd.f32 v58, v61;
	[tilespmem:s26+$0xD840] =	vst v0  }
0xfd: {  	s24 =	sshll.u32 s24, $0x9;
	[tilespmem:s26+$0xD850] =	vst v62  }
0xfe: {  	s24 =	sadd.s32 s4, s24;
	[tilespmem:s26+$0xD860] =	vst v63  }
0xff: {  	[hbm4b:s24+s2] =	stream.linear.scatter [tilespmem:s19], [sflag:$0x4], $0x1000, $0x38;
	[tilespmem:$0xE800] =	vst v63  }
0x100: {  	s22 =	sadd.s32 $0x1, s22  }
0x101: {  	_ =	swait.ge [sflag:s20], $0x1000;
	p1 =	sne.s32 s22, s11  }
.Ltmp3:
0x102: {  	[sflag:s20] =	ssyncset.done $0x0;
	(pc) =	sbr.rel @p1 .LBB2_1-.Ltmp3, $4  }
0x103: {  	[sflag:s20] =	ssyncadd.s32 $0xFFFFF000  }
0x104: {  	_ =	swait.ge [sflag:s21], $0x1000  }
0x105: {  	[sflag:s21] =	ssyncset.done $0x0  }
0x106: {  	[sflag:s21] =	ssyncadd.s32 $0xFFFFF000  }
0x107: {  	_ =	sfence.sel $0x180000  }
0x108: {  	[bflag:$0x0] =	sbarrier.arrive $0xFFFF  }
0x109: {  	p0 =	sne.s32 s1, $0x0;
	_ =	strace $0x9000004A  }
0x10a: {  	s0 =	sadd.s32 @!p0 $0x100000, s0;
	[bflag:$0x2] =	sbarrier.arrive $0xFFFF  }
0x10b: {  	[sflag:s0] =	ssyncadd.tile.s32 @!p0 $0x1;
	_ =	shalt  }
.Lfunc_end2:
_tile_overlayer_lowered:
.L_overlay_start_2:
0x10c: {  	(tag) =	ssettag $0x2  }
0x10d: {  	s0 =	rddreg [dreg:$0x0];
	s2 =	stileid.u32  }
0x10e: {  	s1 =	rddreg [dreg:$0x1];
	p0 =	sne.s32 s2, $0x0  }
0x10f: {  	s3 =	rddreg [dreg:$0x2];
	[bflag:$0x3] =	sbarrier.arrive $0xFFFF;
	s2 =	simm.s32 @!p0 $0x1C05  }
0x110: {  	[timem:s3], [sflag:s2] =	dma.local @!p0 [hbm:s0], s1  }
0x111: {  	s0 =	simm.s32 @!p0 $0x5  }
0x112: {  	_ =	swait.ge @!p0 [sflag:s0], s1  }
0x113: {  	s1 =	ssub.s32 @!p0 $0x0, s1;
	[sflag:s0] =	ssyncset.done @!p0 $0x0  }
0x114: {  	[sflag:s0] =	ssyncadd.s32 @!p0 s1  }
0x115: {  	[bflag:$0x3] =	sbarrier.arrive $0xFFFF  }
0x116: {  	_ =	shalt  }

// kernel: kernel.8.cloned.1.call-start
scs
__scs_entry_jumppad:
0x0: {  	(pc) =	sbr.rel $0x88, $3  }
0x1: {  	(tag) =	ssettag $0x0;
	lr =	simm.s32 $0x1  }
0x2: {  	[smem:$0x3F93] =	sst lr;
	_ =	strace $0xD0000000  }
0x3: {  	_ = 	snop  }
0x4: {  	_ = 	snop  }
0x5: {  	_ = 	snop  }
0x6: {  	_ = 	snop  }
0x7: {  	_ = 	snop  }
__scs_overlays_trampoline_lowered:
0x8: {  	[smem:$0x3FA2] =	sst s0  }
0x9: {  	[smem:$0x3FA3] =	sst s1  }
0xa: {  	[smem:$0x3FA4] =	sst s2  }
0xb: {  	[smem:$0x3FA5] =	sst s3  }
0xc: {  	[smem:$0x3FA6] =	sst s4  }
0xd: {  	[smem:$0x3FA7] =	sst s5  }
0xe: {  	[smem:$0x3FA8] =	sst s6  }
0xf: {  	[smem:$0x3FA9] =	sst s7  }
0x10: {  	[smem:$0x3FAA] =	sst s8  }
0x11: {  	[smem:$0x3FAB] =	sst s9;
	s0 =	simm.s32 @!p0 $0x0  }
0x12: {  	s1 =	sld [smem:$0x3F91];
	s0 =	simm.s32 @p0 $0x1  }
0x13: {  	[smem:$0x3FAC] =	sst s0;
	s0 =	simm.s32 @!p1 $0x0  }
0x14: {  	s2 =	sld [smem:$0x3F90];
	s0 =	simm.s32 @p1 $0x1  }
0x15: {  	[smem:$0x3FAD] =	sst s0;
	s0 =	simm.s32 @!p2 $0x0  }
0x16: {  	s3 =	sld [smem:$0x3FDB];
	s0 =	simm.s32 @p2 $0x1  }
0x17: {  	s4 =	simm.s32 $0x1BF5;
	[smem:$0x3FAF] =	sst s0  }
0x18: {  	s0 =	sld [smem:$0x3F92];
	_ =	swait.ge [sflag:s4], $0x0  }
0x19: {  	s7 =	sld [smem:$0x3F93]  }
0x1a: {  	s8 =	sadd.s32 $0xFFFFE003, lr  }
0x1b: {  	s9 =	sadd.s32 $0xFFFFFEF7, lr;
	s5 =	simm.s32 $0xFFFFFFFF;
	p2 =	slt.u32 s8, $0xFFFFF086  }
0x1c: {  	p1 =	slt.u32 s9, $0xF7A;
	s5 =	simm.s32 @!p2 $0x0  }
0x1d: {  	s5 =	simm.s32 @p1 $0x1;
	p0 =	seq.s32 s7, s2  }
0x1e: {  	s7 =	smul.u32 @!p0 $0xF7A, s2;
	p2 =	seq.s32 @!p0 s5, $0x0  }
0x1f: {  	s9 =	smul.u32 $0xF7A, s1;
	s8 =	simm.s32 @!p0 $0x1BF5;
	p2 =	por !p2, p0  }
0x20: {  	[sflag:s8] =	ssyncset.s32 @!p0 $0xFFFFF086;
	s6 =	sadd.s32 @!p0 s3, s7;
	s7 =	simm.s32 @!p0 $0x108  }
0x21: {  	s3 =	sadd.s32 s3, s9;
	s6 =	sadd.s32 @!p0 $0x88, s6;
	s7 =	simm.s32 @p2 $0x1082  }
0x22: {  	[simem:s7], [sflag:s8] =	dma.local @!p0 [hbm:s6], $0xF7A  }
0x23: {  	s9 =	sor.u32 $0xD0000000, s2;
	s6 =	simm.s32 $0x108;
	_ =	swait.ge @!p0 [sflag:s8], $0x0  }
0x24: {  	s3 =	sadd.s32 $0x88, s3;
	s6 =	simm.s32 @!p1 $0x1082;
	[sflag:s4] =	ssyncset.s32 $0xFFFFF086  }
0x25: {  	[simem:s6], [sflag:s4] =	dma.local [hbm:s3], $0xF7A  }
0x26: {  	[smem:$0x3F93] =	sst s1;
	(tag) =	ssettag s2;
	_ =	strace s9  }
0x27: {  	s1 =	sld [smem:$0x3FA3]  }
0x28: {  	s2 =	sld [smem:$0x3FA4]  }
0x29: {  	s4 =	sld [smem:$0x3FA6]  }
0x2a: {  	p0 =	seq.s32 s5, $0x0;
	s5 =	sld [smem:$0x3FA7]  }
0x2b: {  	s6 =	sld [smem:$0x3FA8]  }
0x2c: {  	s7 =	sld [smem:$0x3FA9]  }
0x2d: {  	s3 =	simm.s32 $0x108;
	s8 =	sld [smem:$0x3FAA]  }
0x2e: {  	s3 =	simm.s32 @!p0 $0x1082;
	s9 =	sld [smem:$0x3FAB]  }
0x2f: {  	lr =	sadd.s32 s0, s3;
	s0 =	sld [smem:$0x3FA2]  }
0x30: {  	s3 =	sld [smem:$0x3FA5]  }
0x31: {  	[smem:$0x3FAE] =	sst s10  }
0x32: {  	s10 =	sld [smem:$0x3FAC];
	_ =	sdelay $0x3  }
0x33: {  	p0 =	seq.s32 s10, $0x1;
	s10 =	sld [smem:$0x3FAE];
	_ =	sdelay $0x3  }
0x34: {  	[smem:$0x3FAE] =	sst s10  }
0x35: {  	s10 =	sld [smem:$0x3FAD];
	_ =	sdelay $0x3  }
0x36: {  	p1 =	seq.s32 s10, $0x1;
	s10 =	sld [smem:$0x3FAE];
	_ =	sdelay $0x3  }
0x37: {  	[smem:$0x3FAE] =	sst s10  }
0x38: {  	s10 =	sld [smem:$0x3FAF]  }
0x39: {  	_ = 	snop;
	(pc) =	sbr.ind lr, $3  }
0x3a: {  	_ = 	snop  }
0x3b: {  	_ = 	snop  }
0x3c: {  	p2 =	seq.s32 s10, $0x1;
	s10 =	sld [smem:$0x3FAE]  }
0x3d: {  	_ =	shalt  }
0x3e: {  	_ =	shalt  }
0x3f: {  	_ =	shalt  }
0x40: {  	_ =	shalt  }
0x41: {  	_ =	shalt  }
0x42: {  	_ =	shalt  }
0x43: {  	_ =	shalt  }
0x44: {  	_ =	shalt  }
0x45: {  	_ =	shalt  }
0x46: {  	_ =	shalt  }
0x47: {  	_ =	shalt  }
0x48: {  	_ =	shalt  }
0x49: {  	_ =	shalt  }
0x4a: {  	_ =	shalt  }
0x4b: {  	_ =	shalt  }
0x4c: {  	_ =	shalt  }
0x4d: {  	_ =	shalt  }
0x4e: {  	_ =	shalt  }
0x4f: {  	_ =	shalt  }
0x50: {  	_ =	shalt  }
0x51: {  	_ =	shalt  }
0x52: {  	_ =	shalt  }
0x53: {  	_ =	shalt  }
0x54: {  	_ =	shalt  }
0x55: {  	_ =	shalt  }
0x56: {  	_ =	shalt  }
0x57: {  	_ =	shalt  }
0x58: {  	_ =	shalt  }
0x59: {  	_ =	shalt  }
0x5a: {  	_ =	shalt  }
0x5b: {  	_ =	shalt  }
0x5c: {  	_ =	shalt  }
0x5d: {  	_ =	shalt  }
0x5e: {  	_ =	shalt  }
0x5f: {  	_ =	shalt  }
0x60: {  	_ =	shalt  }
0x61: {  	_ =	shalt  }
0x62: {  	_ =	shalt  }
0x63: {  	_ =	shalt  }
0x64: {  	_ =	shalt  }
0x65: {  	_ =	shalt  }
0x66: {  	_ =	shalt  }
0x67: {  	_ =	shalt  }
0x68: {  	_ =	shalt  }
0x69: {  	_ =	shalt  }
0x6a: {  	_ =	shalt  }
0x6b: {  	_ =	shalt  }
0x6c: {  	_ =	shalt  }
0x6d: {  	_ =	shalt  }
0x6e: {  	_ =	shalt  }
0x6f: {  	_ =	shalt  }
0x70: {  	_ =	shalt  }
0x71: {  	_ =	shalt  }
0x72: {  	_ =	shalt  }
0x73: {  	_ =	shalt  }
0x74: {  	_ =	shalt  }
0x75: {  	_ =	shalt  }
0x76: {  	_ =	shalt  }
0x77: {  	_ =	shalt  }
0x78: {  	_ =	shalt  }
0x79: {  	_ =	shalt  }
0x7a: {  	_ =	shalt  }
0x7b: {  	_ =	shalt  }
0x7c: {  	_ =	shalt  }
0x7d: {  	_ =	shalt  }
0x7e: {  	_ =	shalt  }
0x7f: {  	_ =	shalt  }
0x80: {  	_ =	shalt  }
0x81: {  	_ =	shalt  }
0x82: {  	_ =	shalt  }
0x83: {  	_ =	shalt  }
0x84: {  	_ =	shalt  }
0x85: {  	_ =	shalt  }
0x86: {  	_ =	shalt  }
0x87: {  	_ =	shalt  }
.Lfunc_end0:
.L_simem_size_0:
called_computation.1_lowered:
.L_overlay_start_0:
0x88: {  	s2 =	sld [smem:$0x3FD9]  }
0x89: {  	s3 =	sld [smem:$0x3FFE];
	_ =	sdelay $0x1  }
0x8a: {  	s1 =	srdreg.scid  }
0x8b: {  	s0 =	sand.u32 $0x1, s1  }
0x8c: {  	s17 =	sshll.u32 s0, $0xA;
	s2 =	sadd.s32 s3, s2  }
0x8d: {  	s2 =	sadd.s32 s2, s17  }
0x8e: {  	[smem:$0x3FBA] =	sst s2  }
0x8f: {  	_ = 	snop  }
0x90: {  	s2 =	sld [smem:$0x3FC9]  }
0x91: {  	s18 =	sld [smem:$0x3FD0];
	(tm) =	ssettm $0x1  }
0x92: {  	s4 =	sld [smem:$0x3FFB];
	_ =	sdelay $0x3  }
0x93: {  	_ =	strace s4  }
0x94: {  	s4 =	sld [smem:$0x3FFC];
	_ =	sdelay $0x3  }
0x95: {  	_ =	strace s4  }
0x96: {  	s4 =	sld [smem:$0x3FFD];
	_ =	sdelay $0x3  }
0x97: {  	_ =	strace s4  }
0x98: {  	_ =	strace $0x8FFFFFFF  }
0x99: {  	s19 =	sld [smem:$0x3FDB];
	_ =	sdelay $0x1  }
0x9a: {  	s5 =	simm.s32 $_scs_section_size  }
0x9b: {  	s6 =	simm.s32 $_size__tile_overlayer_lowered;
	s7 =	simm.s32 $_tile_overlayer_lowered  }
0x9c: {  	s22 =	simm.s32 $0x1BFF;
	s21 =	sshll.u32 s7, $0x1;
	s4 =	sadd.s32 s5, s19  }
0x9d: {  	s8 =	simm.s32 $0x0;
	s20 =	sshll.u32 s6, $0x1;
	s6 =	sadd.s32 s21, s4  }
0x9e: {  	[timem:s8], [sflag:s22] =	dma.local [hbm:s6], s20  }
0x9f: {  	_ =	swait.ge [sflag:s22], s20  }
0xa0: {  	s5 =	ssub.s32 $0x0, s20;
	[sflag:s22] =	ssyncset.done $0x0  }
0xa1: {  	[sflag:s22] =	ssyncadd.s32 s5;
	_ =	sdelay $0x1  }
0xa2: {  	s23 =	simm.s32 $0x1B8B  }
0xa3: {  	_ =	swait.ge [sflag:s23], $0x1  }
0xa4: {  	[sflag:s23] =	ssyncset.done $0x0  }
0xa5: {  	s25 =	simm.s32 $0x1B8E;
	s24 =	sld [smem:$0x3FFE];
	[sflag:s23] =	ssyncadd.s32 $0xFFFFFFFF  }
0xa6: {  	s26 =	simm.s32 $execute0_lowered;
	[smem:$0x3FD2] =	sst s25  }
0xa7: {  	s6 =	sshll.u32 s26, $0x1;
	_ =	strace $0x80000046;
	[dreg:$0x1] =	wrdreg $0xFFFFFFFF  }
0xa8: {  	s28 =	simm.s32 $_size_execute0_lowered;
	s4 =	sadd.s32 s4, s6;
	[dreg:$0x0] =	wrdreg $0x0  }
0xa9: {  	s6 =	sshll.u32 s28, $0x1;
	[dreg:$0x2] =	wrdreg s4  }
0xaa: {  	[dreg:$0x3] =	wrdreg s6  }
0xab: {  	[dreg:$0x4] =	wrdreg $0xC0  }
0xac: {  	_ =	task [dreg:s8], $0x5FFFF  }
0xad: {  	[dreg:$0x1] =	wrdreg $0xFFFFFFFF  }
0xae: {  	[dreg:$0x0] =	wrdreg $0x60  }
0xaf: {  	[dreg:$0x2] =	wrdreg s2  }
0xb0: {  	[dreg:$0x3] =	wrdreg s24  }
0xb1: {  	[dreg:$0x4] =	wrdreg s18  }
0xb2: {  	[dreg:$0x5] =	wrdreg $0x9  }
0xb3: {  	_ =	task.clear_ibuf [dreg:s8], $0x6FFFF;
	_ =	strace $0x90000046  }
0xb4: {  	s29 =	simm.s32 $0x9;
	_ =	strace $0x80000048  }
0xb5: {  	_ =	swait.ge [sflag:s29], $0x1  }
0xb6: {  	[sflag:s29] =	ssyncadd.s32 $0xFFFFFFFF  }
0xb7: {  	_ =	strace $0x90000048  }
0xb8: {  	_ =	sfence  }
0xb9: {  	s30 =	sld [smem:$0x0];
	_ =	sdelay $0x2  }
0xba: {  	s31 =	sshll.u32 s1, $0xD;
	s1 =	sshrl.u32 s1, $0x2  }
0xbb: {  	s3 =	sand.u32 $0x4000, s31;
	s1 =	sadd.s32 s1, s30  }
0xbc: {  	s0 =	sor.u32 s3, s0;
	s1 =	sshll.u32 s1, $0x11  }
0xbd: {  	s0 =	sor.u32 s1, s0  }
0xbe: {  	s0 =	sadd.s32 $0x8F2B, s0  }
0xbf: {  	[sflag:s0] =	ssyncadd.remote.s32 $0x1  }
0xc0: {  	_ =	sfence.sel $0xFFFF  }
0xc1: {  	[dreg:$0x0] =	wrdreg $0xFFFFFFFF;
	(pc) =	sbr.abs _section_cstart, $3  }
0xc2: {  	[dreg:$0x1] =	wrdreg $0xFFFFFFFF  }
0xc3: {  	_ =	task.clear_ibuf [dreg:s8], $0x2FFFF;
	_ =	strace $0x9FFFFFFF  }
0xc4: {  	(tm) =	ssettm $0x7FFFFFFF  }
0xc5: {  	_ =	shalt  }
tec
execute0_lowered:
.L_overlay_start_1:
0x0: {  	(tag) =	ssettag $0x1  }
0x1: {  	s1 =	rddreg [dreg:$0x0]  }
0x2: {  	s0 =	rddreg [dreg:$0x1]  }
0x3: {  	s2 =	rddreg [dreg:$0x2]  }
0x4: {  	s3 =	simm.s32 $0x0;
	s5 =	srdreg.scid;
	s12 =	stileid.u32  }
0x5: {  	s16 =	simm.s32 $0x5;
	s17 =	simm.s32 $0x80;
	s21 =	simm.s32 $0xD000  }
0x6: {  	s28 =	simm.s32 $0x13000;
	s29 =	simm.s32 $0x15000;
	s30 =	simm.s32 $0x3  }
0x7: {  	s31 =	simm.s32 $0x4;
	[smem:$0x7FF] =	sst s3;
	s8 =	smul.u32 $0x90, s12  }
0x8: {  	s4 =	sadd.s32 $0x3400, s0;
	s9 =	sadd.s32 $0xFC00, s0;
	s10 =	smul.u32 $0x38, s12  }
0x9: {  	s11 =	sand.u32 $0x1, s5;
	s5 =	sadd.s32 $0x1C400, s0;
	s12 =	smul.u32 $0x4800, s12  }
0xa: {  	s6 =	sadd.s32 $0x1AC400, s0;
	_ =	strace $0x80000047;
	s7 =	ssub.s32 $0x2, s11  }
0xb: {  	p0 =	seq.s32 s11, $0x0;
	s22 =	sshrl.u32 s7, $0x1;
	s23 =	sshrl.u32 s12, $0x3  }
0xc: {  	s0 =	ssub.s32 s7, s22;
	s7 =	sadd.s32 $0x900, s10;
	s13 =	sadd.s32 $0x380, s23  }
0xd: {  	s22 =	simm.s32 $0x11800;
	s23 =	simm.s32 $0x1;
	s7 =	smov.u32 @p0 s8  }
0xe: {  	s8 =	simm.s32 $0x48;
	s26 =	sadd.s32 s9, s13;
	s15 =	smax.u32 s0, $0x1  }
0xf: {  	s0 =	simm.s32 $0x0;
	s8 =	simm.s32 @!p0 $0x1C;
	s24 =	sshll.u32 s7, $0x4  }
0x10: {  	[dreg:$0x6] =	wrdreg s26;
	p0 =	sne.s32 s11, $0x0;
	s26 =	simm.s32 $0x2  }
0x11: {  	s25 =	sadd.s32 s4, s24;
	s10 =	sadd.s32 s9, s24;
	s4 =	sadd.s32 s4, s13  }
0x12: {  	s13 =	sshll.u32 s7, $0xC;
	s14 =	sadd.s32 $0xFFFFFFFF, s8;
	[dreg:$0x4] =	wrdreg s25  }
0x13: {  	v0 =	vimm.f32 $0.0e+00;
	s24 =	simm.s32 $0x12000;
	[dreg:$0x5] =	wrdreg s4;
	s25 =	simm.s32 $0x14000  }
.LBB2_1:
0x14: {  	s4 =	rddreg [dreg:$0x4]  }
0x15: {  	[tilespmem:s3], [sflag:$0x5] =	stream.linear.gather [hbm4b:s4+s3], $0x1C00, $0x38;
	[tilespmem:$0x16000] =	vst v63  }
0x16: {  	_ =	swait.ge [sflag:s16], $0x1C00  }
0x17: {  	[sflag:s16] =	ssyncset.done $0x0  }
0x18: {  	s9 =	simm.s32 @p0 $0x4800;
	s4 =	simm.s32 @p0 $0x0;
	[sflag:s16] =	ssyncadd.s32 $0xFFFFE400  }
0x19: {  	[tilespmem:s9], [sflag:$0x5] =	stream.linear.gather @p0 [hbm4b:s10+s4], $0x1C00, $0x38;
	[tilespmem:$0x16000] =	vst v63  }
0x1a: {  	s4 =	simm.s32 @p0 $0x5  }
0x1b: {  	_ =	swait.ge @p0 [sflag:s4], $0x1C00  }
0x1c: {  	s9 =	simm.s32 @!p0 $0x1C00;
	[sflag:s4] =	ssyncset.done @p0 $0x0  }
0x1d: {  	s11 =	rddreg [dreg:$0x5];
	[sflag:s4] =	ssyncadd.s32 @p0 $0xFFFFE400;
	s4 =	simm.s32 @!p0 $0x0  }
0x1e: {  	[tilespmem:s9], [sflag:$0x5] =	stream.linear.gather @!p0 [hbm4b:s11+s4], $0x2C00, $0x38;
	[tilespmem:$0x16000] =	vst v63  }
0x1f: {  	s9 =	simm.s32 @!p0 $0x5  }
0x20: {  	_ =	swait.ge @!p0 [sflag:s9], $0x2C00  }
0x21: {  	[sflag:s9] =	ssyncset.done @!p0 $0x0  }
0x22: {  	s11 =	simm.s32 @!p0 $0x4800;
	[sflag:s9] =	ssyncadd.s32 @!p0 $0xFFFFD400  }
0x23: {  	[tilespmem:s11], [sflag:$0x5] =	stream.linear.gather @!p0 [hbm4b:s10+s4], $0x1C00, $0x38;
	[tilespmem:$0x16000] =	vst v63  }
0x24: {  	_ =	swait.ge @!p0 [sflag:s9], $0x1C00  }
0x25: {  	[sflag:s9] =	ssyncset.done @!p0 $0x0  }
0x26: {  	s11 =	simm.s32 @!p0 $0x6400;
	s12 =	rddreg [dreg:$0x6];
	[sflag:s9] =	ssyncadd.s32 @!p0 $0xFFFFE400  }
0x27: {  	[tilespmem:s11], [sflag:$0x5] =	stream.linear.gather @!p0 [hbm4b:s12+s4], $0x2C00, $0x38;
	[tilespmem:$0x16000] =	vst v63  }
0x28: {  	_ =	swait.ge @!p0 [sflag:s9], $0x2C00  }
0x29: {  	[sflag:s9] =	ssyncset.done @!p0 $0x0  }
0x2a: {  	s4 =	simm.s32 $0x0;
	[sflag:s9] =	ssyncadd.s32 @!p0 $0xFFFFD400;
	s9 =	simm.s32 $0x200  }
.LBB2_2:
0x2b: {  	p1 =	sne.s32 s9, $0x3E00;
	[tilespmem:s4+$0x15070] =	vst v0  }
0x2c: {  	[tilespmem:s4+$0x14000] =	vst v0  }
0x2d: {  	[tilespmem:s4+$0x14010] =	vst v0  }
0x2e: {  	[tilespmem:s4+$0x14020] =	vst v0  }
0x2f: {  	[tilespmem:s4+$0x14030] =	vst v0  }
0x30: {  	[tilespmem:s4+$0x14040] =	vst v0  }
0x31: {  	[tilespmem:s4+$0x14050] =	vst v0  }
0x32: {  	[tilespmem:s4+$0x14060] =	vst v0  }
0x33: {  	[tilespmem:s4+$0x14070] =	vst v0  }
0x34: {  	[tilespmem:s4+$0x15000] =	vst v0  }
0x35: {  	[tilespmem:s4+$0x15010] =	vst v0  }
.Ltmp0:
0x36: {  	[tilespmem:s4+$0x15020] =	vst v0;
	(pc) =	sbr.rel @p1 .LBB2_2-.Ltmp0, $4  }
0x37: {  	[tilespmem:s4+$0x15030] =	vst v0  }
0x38: {  	[tilespmem:s4+$0x15040] =	vst v0  }
0x39: {  	[tilespmem:s4+$0x15050] =	vst v0  }
0x3a: {  	[tilespmem:s4+$0x15060] =	vst v0;
	s4 =	sshra.s32 s9, $0x2;
	s9 =	sadd.s32 $0x200, s9  }
0x3b: {  	[tilespmem:s4+$0x15070] =	vst v0  }
0x3c: {  	[tilespmem:s4+$0x14000] =	vst v0  }
0x3d: {  	[tilespmem:s4+$0x14010] =	vst v0  }
0x3e: {  	[tilespmem:s4+$0x14020] =	vst v0  }
0x3f: {  	[tilespmem:s4+$0x14030] =	vst v0  }
0x40: {  	[tilespmem:s4+$0x14040] =	vst v0  }
0x41: {  	[tilespmem:s4+$0x14050] =	vst v0  }
0x42: {  	[tilespmem:s4+$0x14060] =	vst v0  }
0x43: {  	[tilespmem:s4+$0x14070] =	vst v0  }
0x44: {  	[tilespmem:s4+$0x15000] =	vst v0  }
0x45: {  	[tilespmem:s4+$0x15010] =	vst v0  }
0x46: {  	[tilespmem:s4+$0x15020] =	vst v0  }
0x47: {  	[tilespmem:s4+$0x15030] =	vst v0  }
0x48: {  	[tilespmem:s4+$0x15040] =	vst v0  }
0x49: {  	[tilespmem:s4+$0x15050] =	vst v0  }
0x4a: {  	[tilespmem:s4+$0x15060] =	vst v0;
	s4 =	simm.s32 $0x0;
	s9 =	simm.s32 $0x9000  }
0x4b: {  	[tilespmem:s9], [sflag:$0x1] =	stream.indirect.gather [hbm4b:s1+s17], $0x80, s4, s17, $0xb8;
	[tilespmem:$0x16000] =	vst v63  }
0x4c: {  	s20 =	simm.s32 $0x4800;
	s11 =	simm.s32 $0x11000  }
0x4d: {  	[tilespmem:s11], [sflag:$0x1] =	stream.indirect.gather [hbm4b:s2+s17], $0x10, s20, s17, $0xb8;
	[tilespmem:$0x16000] =	vst v63  }
.LBB2_4:
0x4e: {  	s18 =	sshllo.u32 s4, $0x1  }
0x4f: {  	s9 =	sshll.u32 s18, $0x7  }
0x50: {  	[tilespmem:s21], [sflag:$0x2] =	stream.indirect.gather [hbm4b:s1+s17], $0x80, s9, s17, $0xb8;
	[tilespmem:$0x16000] =	vst v63  }
0x51: {  	p1 =	seq.s32 s4, $0x0;
	s9 =	sadd.s32 $0x4800, s9  }
0x52: {  	[tilespmem:s22], [sflag:$0x2] =	stream.indirect.gather [hbm4b:s2+s17], $0x10, s9, s17, $0xb8;
	[tilespmem:$0x16000] =	vst v63  }
0x53: {  	s9 =	simm.s32 @!p1 $0x3  }
0x54: {  	_ =	swait.ge @!p1 [sflag:s9], $0x1000  }
0x55: {  	[sflag:s9] =	ssyncset.done @!p1 $0x0  }
0x56: {  	[sflag:s9] =	ssyncadd.s32 @!p1 $0xFFFFF000  }
0x57: {  	_ =	swait.ge @!p1 [sflag:s9], $0x1000  }
0x58: {  	[sflag:s9] =	ssyncset.done @!p1 $0x0  }
0x59: {  	[sflag:s9] =	ssyncadd.s32 @!p1 $0xFFFFF000  }
0x5a: {  	_ =	swait.ge [sflag:s23], $0x4000  }
0x5b: {  	[sflag:s23] =	ssyncset.done $0x0  }
0x5c: {  	[sflag:s23] =	ssyncadd.s32 $0xFFFFC000  }
0x5d: {  	_ =	swait.ge [sflag:s23], $0x800  }
0x5e: {  	[sflag:s23] =	ssyncset.done $0x0  }
0x5f: {  	s9 =	simm.s32 $0x0;
	[sflag:s23] =	ssyncadd.s32 $0xFFFFF800  }
0x60: {  	v1 =	vld [tilespmem:s9+$0x9070]  }
0x61: {  	v2 =	vld [tilespmem:s9+$0xA070]  }
0x62: {  	v3 =	vld [tilespmem:s9+$0x9000]  }
0x63: {  	v4 =	vld [tilespmem:s9+$0xB070]  }
0x64: {  	v5 =	vld [tilespmem:s9+$0xA000]  }
0x65: {  	v6 =	vld [tilespmem:s9+$0xC070]  }
0x66: {  	v7 =	vld [tilespmem:s9+$0x9010]  }
0x67: {  	v8 =	vld [tilespmem:s9+$0x9020]  }
0x68: {  	v9 =	vld [tilespmem:s9+$0x9030]  }
0x69: {  	v10 =	vld [tilespmem:s9+$0x9040]  }
0x6a: {  	v11 =	vld [tilespmem:s9+$0x9050]  }
0x6b: {  	v12 =	vld [tilespmem:s9+$0xA050]  }
0x6c: {  	v13 =	vld [tilespmem:s9+$0x9060]  }
0x6d: {  	v14 =	vld [tilespmem:s9+$0xA060]  }
0x6e: {  	v15 =	vld [tilespmem:s9+$0xB000]  }
0x6f: {  	v16 =	vld [tilespmem:s9+$0xB010]  }
0x70: {  	v17 =	vld [tilespmem:s9+$0xB020]  }
0x71: {  	v18 =	vld [tilespmem:s9+$0xB030];
	v1 =	vadd.f32 v2, v1  }
0x72: {  	v19 =	vld [tilespmem:s9+$0xB040]  }
0x73: {  	v2 =	vld [tilespmem:s9+$0xA010];
	v1 =	vadd.f32 v4, v1  }
0x74: {  	v4 =	vld [tilespmem:s9+$0xA020]  }
0x75: {  	v1 =	vadd.f32 v6, v1;
	v6 =	vld [tilespmem:s9+$0xA030]  }
0x76: {  	v20 =	vld [tilespmem:s9+$0xB050]  }
0x77: {  	[tilespmem:s9+$0x12070] =	vst v1;
	v1 =	vld [tilespmem:s9+$0xA040]  }
0x78: {  	v21 =	vld [tilespmem:s9+$0xB060];
	v2 =	vadd.f32 v2, v7  }
0x79: {  	v22 =	vld [tilespmem:s9+$0xC000];
	v3 =	vadd.f32 v5, v3;
	v4 =	vadd.f32 v4, v8  }
0x7a: {  	v23 =	vld [tilespmem:s9+$0xC010];
	v61 =	vadd.f32 v16, v2;
	v6 =	vadd.f32 v6, v9  }
0x7b: {  	v24 =	vld [tilespmem:s9+$0xC020];
	v9 =	vadd.f32 v15, v3;
	v62 =	vadd.f32 v17, v4  }
0x7c: {  	v8 =	vld [tilespmem:s9+$0xC030];
	v1 =	vadd.f32 v1, v10;
	v10 =	vadd.f32 v12, v11  }
0x7d: {  	v5 =	vld [tilespmem:s9+$0xC040];
	v11 =	vadd.f32 v14, v13;
	v7 =	vadd.f32 v18, v6  }
0x7e: {  	v6 =	vld [tilespmem:s9+$0xC050];
	v63 =	vadd.f32 v22, v9;
	v3 =	vadd.f32 v19, v1  }
0x7f: {  	s11 =	simm.s32 $0x80;
	v9 =	vld [tilespmem:s9+$0xC060];
	v4 =	vadd.f32 v20, v10;
	v10 =	vadd.f32 v23, v61  }
0x80: {  	s19 =	simm.s32 $0x400;
	v2 =	vld [tilespmem:s11+$0x9070];
	v1 =	vadd.f32 v21, v11;
	[tilespmem:s9+$0x12000] =	vst v63;
	v11 =	vadd.f32 v24, v62  }
.LBB2_5:
0x81: {  	p1 =	sne.s32 s19, $0x3E00;
	v12 =	vld [tilespmem:s11+$0xA070];
	[tilespmem:s9+$0x12010] =	vst v10;
	v7 =	vadd.f32 v8, v7  }
0x82: {  	v8 =	vld [tilespmem:s11+$0x9000];
	[tilespmem:s9+$0x12020] =	vst v11;
	v3 =	vadd.f32 v5, v3  }
0x83: {  	v5 =	vld [tilespmem:s11+$0xB070];
	[tilespmem:s9+$0x12030] =	vst v7;
	v4 =	vadd.f32 v6, v4  }
0x84: {  	v6 =	vld [tilespmem:s11+$0xA000];
	[tilespmem:s9+$0x12040] =	vst v3;
	v1 =	vadd.f32 v9, v1  }
0x85: {  	v3 =	vld [tilespmem:s11+$0xC070];
	[tilespmem:s9+$0x12050] =	vst v4  }
0x86: {  	v4 =	vld [tilespmem:s11+$0x9010];
	v2 =	vadd.f32 v12, v2;
	[tilespmem:s9+$0x12060] =	vst v1;
	s9 =	smov.u32 s11  }
0x87: {  	v1 =	vld [tilespmem:s9+$0xA010]  }
0x88: {  	v7 =	vld [tilespmem:s9+$0x9020];
	v2 =	vadd.f32 v5, v2  }
0x89: {  	v5 =	vadd.f32 v6, v8;
	v6 =	vld [tilespmem:s9+$0xA020]  }
0x8a: {  	v8 =	vld [tilespmem:s9+$0x9030];
	v2 =	vadd.f32 v3, v2  }
0x8b: {  	v3 =	vld [tilespmem:s9+$0xA030]  }
0x8c: {  	v1 =	vadd.f32 v1, v4;
	v4 =	vld [tilespmem:s9+$0x9040];
	[tilespmem:s9+$0x12070] =	vst v2  }
0x8d: {  	v2 =	vld [tilespmem:s9+$0xA040]  }
0x8e: {  	v6 =	vadd.f32 v6, v7;
	v7 =	vld [tilespmem:s9+$0x9050]  }
0x8f: {  	v9 =	vld [tilespmem:s9+$0xA050]  }
0x90: {  	v3 =	vadd.f32 v3, v8;
	v8 =	vld [tilespmem:s9+$0x9060]  }
0x91: {  	v10 =	vld [tilespmem:s9+$0xA060]  }
0x92: {  	v11 =	vld [tilespmem:s9+$0xB000];
	v2 =	vadd.f32 v2, v4  }
0x93: {  	v4 =	vld [tilespmem:s9+$0xB010]  }
0x94: {  	v12 =	vld [tilespmem:s9+$0xB020];
	v9 =	vadd.f32 v9, v7  }
0x95: {  	v7 =	vld [tilespmem:s9+$0xB030]  }
0x96: {  	v13 =	vld [tilespmem:s9+$0xB040];
	v10 =	vadd.f32 v10, v8  }
0x97: {  	v11 =	vadd.f32 v11, v5;
	v5 =	vld [tilespmem:s9+$0xB050]  }
0x98: {  	v14 =	vadd.f32 v4, v1;
	v1 =	vld [tilespmem:s9+$0xB060]  }
0x99: {  	v15 =	vld [tilespmem:s9+$0xC000];
	v12 =	vadd.f32 v12, v6  }
0x9a: {  	v16 =	vld [tilespmem:s9+$0xC010];
	v7 =	vadd.f32 v7, v3  }
0x9b: {  	v17 =	vld [tilespmem:s9+$0xC020];
	v3 =	vadd.f32 v13, v2  }
.Ltmp1:
0x9c: {  	v8 =	vld [tilespmem:s9+$0xC030];
	v4 =	vadd.f32 v5, v9;
	(pc) =	sbr.rel @p1 .LBB2_5-.Ltmp1, $4  }
0x9d: {  	v5 =	vld [tilespmem:s9+$0xC040];
	v1 =	vadd.f32 v1, v10  }
0x9e: {  	v11 =	vadd.f32 v15, v11;
	v6 =	vld [tilespmem:s9+$0xC050]  }
0x9f: {  	s11 =	sshra.s32 s19, $0x2;
	v10 =	vadd.f32 v16, v14;
	v9 =	vld [tilespmem:s9+$0xC060]  }
0xa0: {  	s19 =	sadd.s32 $0x200, s19;
	v2 =	vld [tilespmem:s11+$0x9070];
	[tilespmem:s9+$0x12000] =	vst v11;
	v11 =	vadd.f32 v17, v12  }
0xa1: {  	v12 =	vld [tilespmem:s11+$0xA070];
	[tilespmem:s9+$0x12010] =	vst v10;
	v7 =	vadd.f32 v8, v7  }
0xa2: {  	v10 =	vld [tilespmem:s11+$0x9000];
	[tilespmem:s9+$0x12020] =	vst v11;
	v3 =	vadd.f32 v5, v3  }
0xa3: {  	v47 =	vld [tilespmem:s11+$0xB070];
	[tilespmem:s9+$0x12030] =	vst v7;
	v4 =	vadd.f32 v6, v4  }
0xa4: {  	v48 =	vld [tilespmem:s11+$0xA000];
	[tilespmem:s9+$0x12040] =	vst v3;
	v1 =	vadd.f32 v9, v1  }
0xa5: {  	v3 =	vld [tilespmem:s11+$0xC070];
	[tilespmem:s9+$0x12050] =	vst v4  }
0xa6: {  	v4 =	vld [tilespmem:s11+$0x9010];
	[tilespmem:s9+$0x12060] =	vst v1  }
0xa7: {  	v1 =	vadd.f32 v12, v2;
	v2 =	vld [tilespmem:s11+$0xA010]  }
0xa8: {  	v49 =	vld [tilespmem:s11+$0x9020]  }
0xa9: {  	v7 =	vld [tilespmem:s11+$0xA020]  }
0xaa: {  	v50 =	vld [tilespmem:s11+$0x9030]  }
0xab: {  	v51 =	vld [tilespmem:s11+$0x9040]  }
0xac: {  	v11 =	vld [tilespmem:s11+$0x9050]  }
0xad: {  	v52 =	vld [tilespmem:s11+$0xA050]  }
0xae: {  	v13 =	vld [tilespmem:s11+$0x9060]  }
0xaf: {  	v14 =	vld [tilespmem:s11+$0xA060]  }
0xb0: {  	v15 =	vld [tilespmem:s11+$0xB000]  }
0xb1: {  	v16 =	vld [tilespmem:s11+$0xB010]  }
0xb2: {  	v17 =	vld [tilespmem:s11+$0xB020]  }
0xb3: {  	v18 =	vld [tilespmem:s11+$0xB030]  }
0xb4: {  	v19 =	vld [tilespmem:s11+$0xB040]  }
0xb5: {  	v20 =	vld [tilespmem:s11+$0xB050];
	v1 =	vadd.f32 v47, v1  }
0xb6: {  	v21 =	vld [tilespmem:s11+$0xB060]  }
0xb7: {  	v53 =	vld [tilespmem:s11+$0xC000];
	v1 =	vadd.f32 v3, v1  }
0xb8: {  	v3 =	vld [tilespmem:s11+$0xA030]  }
0xb9: {  	v5 =	vadd.f32 v48, v10;
	[tilespmem:s11+$0x12070] =	vst v1;
	v1 =	vld [tilespmem:s11+$0xA040]  }
0xba: {  	v55 =	vld [tilespmem:s11+$0xC010];
	v2 =	vadd.f32 v2, v4;
	v54 =	vadd.f32 v7, v49  }
0xbb: {  	v56 =	vld [tilespmem:s11+$0xC020];
	v57 =	vadd.f32 v52, v11;
	v5 =	vadd.f32 v15, v5  }
0xbc: {  	v58 =	vld [tilespmem:s11+$0xC030];
	v59 =	vadd.f32 v14, v13;
	v2 =	vadd.f32 v16, v2  }
0xbd: {  	v60 =	vld [tilespmem:s11+$0xC040];
	v4 =	vadd.f32 v17, v54;
	v3 =	vadd.f32 v3, v50  }
0xbe: {  	v61 =	vld [tilespmem:s11+$0xC050];
	v5 =	vadd.f32 v53, v5;
	v1 =	vadd.f32 v1, v51  }
0xbf: {  	v62 =	vld [tilespmem:s11+$0xC060];
	v2 =	vadd.f32 v55, v2;
	v3 =	vadd.f32 v18, v3  }
0xc0: {  	[tilespmem:s11+$0x12000] =	vst v5;
	v4 =	vadd.f32 v56, v4;
	v1 =	vadd.f32 v19, v1  }
0xc1: {  	v63 =	vadd.f32 v20, v57;
	[tilespmem:s11+$0x12010] =	vst v2;
	v2 =	vadd.f32 v58, v3  }
0xc2: {  	[tilespmem:s11+$0x12020] =	vst v4;
	v3 =	vadd.f32 v21, v59;
	v1 =	vadd.f32 v60, v1  }
0xc3: {  	[tilespmem:s11+$0x12030] =	vst v2;
	v2 =	vadd.f32 v61, v63  }
0xc4: {  	[tilespmem:s11+$0x12040] =	vst v1;
	v1 =	vadd.f32 v62, v3  }
0xc5: {  	[tilespmem:s11+$0x12050] =	vst v2  }
0xc6: {  	[tilespmem:s11+$0x12060] =	vst v1;
	s11 =	simm.s32 $0x11400  }
0xc7: {  	v1 =	vld [tilespmem:s11+$0xFFFFFE00]  }
0xc8: {  	s12 =	simm.s32 $0x200;
	s9 =	simm.s32 $0x0;
	v2 =	vld [tilespmem:s11+$0xFFFFFC00]  }
.LBB2_7:
0xc9: {  	p1 =	sne.s32 s12, $0x3E00  }
0xca: {  	v3 =	vld [tilespmem:s11+$0x0];
	_ =	sdelay $0x1  }
0xcb: {  	v4 =	vld [tilespmem:s11+$0x200]  }
0xcc: {  	v1 =	vadd.f32 v1, v2;
	_ =	sdelay $0x1  }
0xcd: {  	v1 =	vadd.f32 v3, v1;
	_ =	sdelay $0x1  }
.Ltmp2:
0xce: {  	v1 =	vadd.f32 v4, v1;
	(pc) =	sbr.rel @p1 .LBB2_7-.Ltmp2, $4  }
0xcf: {  	s19 =	sshra.s32 s9, $0x2;
	s9 =	smov.u32 s12  }
0xd0: {  	s11 =	sadd.s32 $0x10, s11;
	[tilespmem:s19+$0x14000] =	vst v1  }
0xd1: {  	v1 =	vld [tilespmem:s11+$0xFFFFFE00]  }
0xd2: {  	s12 =	sadd.s32 $0x200, s12;
	v2 =	vld [tilespmem:s11+$0xFFFFFC00]  }
0xd3: {  	_ = 	snop  }
0xd4: {  	v3 =	vld [tilespmem:s11+$0x0];
	_ =	sdelay $0x1  }
0xd5: {  	v4 =	vld [tilespmem:s11+$0x200]  }
0xd6: {  	v1 =	vadd.f32 v1, v2;
	_ =	sdelay $0x1  }
0xd7: {  	v1 =	vadd.f32 v3, v1  }
0xd8: {  	s12 =	sshll.u32 s4, $0xD  }
0xd9: {  	s11 =	sadd.s32 s13, s12;
	v1 =	vadd.f32 v4, v1  }
0xda: {  	s9 =	sshra.s32 s9, $0x2;
	s11 =	sshrl.u32 s11, $0x3  }
0xdb: {  	p1 =	sge.u32 s4, s14;
	s19 =	sadd.s32 s5, s11;
	[tilespmem:s9+$0x14000] =	vst v1  }
0xdc: {  	[hbm4b:s19+s3] =	stream.linear.scatter [tilespmem:s24], [sflag:$0x3], $0x1000, $0x38;
	[tilespmem:$0x16000] =	vst v63  }
0xdd: {  	s20 =	sadd.s32 s6, s11;
	s9 =	sshll.u32 @!p1 s4, $0x8  }
0xde: {  	[hbm4b:s20+s3] =	stream.linear.scatter [tilespmem:s25], [sflag:$0x3], $0x1000, $0x38;
	[tilespmem:$0x16000] =	vst v63  }
0xdf: {  	s12 =	simm.s32 @!p1 $0x80;
	s11 =	sadd.s32 @!p1 $0x100, s9;
	s19 =	simm.s32 @!p1 $0x9000  }
0xe0: {  	[tilespmem:s19], [sflag:$0x1] =	stream.indirect.gather @!p1 [hbm4b:s1+s12], $0x80, s11, s12, $0xb8;
	[tilespmem:$0x16000] =	vst v63  }
0xe1: {  	p2 =	seq.s32 @!p1 s4, $0x0;
	s9 =	sadd.s32 @!p1 $0x4900, s9;
	s11 =	simm.s32 @!p1 $0x11000  }
0xe2: {  	[tilespmem:s11], [sflag:$0x1] =	stream.indirect.gather @!p1 [hbm4b:s2+s12], $0x10, s9, s12, $0xb8;
	[tilespmem:$0x16000] =	vst v63  }
0xe3: {  	p1 =	por p1, !p2  }
0xe4: {  	_ =	swait.ge @p1 [sflag:s31], $0x1000  }
0xe5: {  	[sflag:s31] =	ssyncset.done @p1 $0x0  }
0xe6: {  	[sflag:s31] =	ssyncadd.s32 @p1 $0xFFFFF000  }
0xe7: {  	_ =	swait.ge @p1 [sflag:s31], $0x1000  }
0xe8: {  	[sflag:s31] =	ssyncset.done @p1 $0x0  }
0xe9: {  	[sflag:s31] =	ssyncadd.s32 @p1 $0xFFFFF000  }
0xea: {  	_ =	swait.ge [sflag:s26], $0x4000  }
0xeb: {  	[sflag:s26] =	ssyncset.done $0x0  }
0xec: {  	[sflag:s26] =	ssyncadd.s32 $0xFFFFC000  }
0xed: {  	_ =	swait.ge [sflag:s26], $0x800  }
0xee: {  	[sflag:s26] =	ssyncset.done $0x0  }
0xef: {  	s9 =	simm.s32 $0x0;
	[sflag:s26] =	ssyncadd.s32 $0xFFFFF800  }
0xf0: {  	v1 =	vld [tilespmem:s9+$0xD070]  }
0xf1: {  	v2 =	vld [tilespmem:s9+$0xE070]  }
0xf2: {  	v3 =	vld [tilespmem:s9+$0xD000]  }
0xf3: {  	v4 =	vld [tilespmem:s9+$0xF070]  }
0xf4: {  	v5 =	vld [tilespmem:s9+$0xE000]  }
0xf5: {  	v6 =	vld [tilespmem:s9+$0x10070]  }
0xf6: {  	v7 =	vld [tilespmem:s9+$0xD010]  }
0xf7: {  	v8 =	vld [tilespmem:s9+$0xD020]  }
0xf8: {  	v9 =	vld [tilespmem:s9+$0xD030]  }
0xf9: {  	v10 =	vld [tilespmem:s9+$0xD040]  }
0xfa: {  	v11 =	vld [tilespmem:s9+$0xD050]  }
0xfb: {  	v12 =	vld [tilespmem:s9+$0xE050]  }
0xfc: {  	v13 =	vld [tilespmem:s9+$0xD060]  }
0xfd: {  	v14 =	vld [tilespmem:s9+$0xE060]  }
0xfe: {  	v15 =	vld [tilespmem:s9+$0xF000]  }
0xff: {  	v16 =	vld [tilespmem:s9+$0xF010]  }
0x100: {  	v17 =	vld [tilespmem:s9+$0xF020]  }
0x101: {  	v18 =	vld [tilespmem:s9+$0xF030];
	v1 =	vadd.f32 v2, v1  }
0x102: {  	v19 =	vld [tilespmem:s9+$0xF040]  }
0x103: {  	v2 =	vld [tilespmem:s9+$0xE010];
	v1 =	vadd.f32 v4, v1  }
0x104: {  	v4 =	vld [tilespmem:s9+$0xE020]  }
0x105: {  	v1 =	vadd.f32 v6, v1;
	v6 =	vld [tilespmem:s9+$0xE030]  }
0x106: {  	v20 =	vld [tilespmem:s9+$0xF050]  }
0x107: {  	[tilespmem:s9+$0x13070] =	vst v1;
	v1 =	vld [tilespmem:s9+$0xE040]  }
0x108: {  	v21 =	vld [tilespmem:s9+$0xF060];
	v2 =	vadd.f32 v2, v7  }
0x109: {  	v22 =	vld [tilespmem:s9+$0x10000];
	v3 =	vadd.f32 v5, v3;
	v4 =	vadd.f32 v4, v8  }
0x10a: {  	v23 =	vld [tilespmem:s9+$0x10010];
	v61 =	vadd.f32 v16, v2;
	v6 =	vadd.f32 v6, v9  }
0x10b: {  	v24 =	vld [tilespmem:s9+$0x10020];
	v9 =	vadd.f32 v15, v3;
	v62 =	vadd.f32 v17, v4  }
0x10c: {  	v8 =	vld [tilespmem:s9+$0x10030];
	v1 =	vadd.f32 v1, v10;
	v10 =	vadd.f32 v12, v11  }
0x10d: {  	v5 =	vld [tilespmem:s9+$0x10040];
	v11 =	vadd.f32 v14, v13;
	v7 =	vadd.f32 v18, v6  }
0x10e: {  	v6 =	vld [tilespmem:s9+$0x10050];
	v63 =	vadd.f32 v22, v9;
	v3 =	vadd.f32 v19, v1  }
0x10f: {  	s11 =	simm.s32 $0x80;
	v9 =	vld [tilespmem:s9+$0x10060];
	v4 =	vadd.f32 v20, v10;
	v10 =	vadd.f32 v23, v61  }
0x110: {  	s20 =	simm.s32 $0x200;
	s19 =	simm.s32 $0x0;
	s12 =	simm.s32 $0x400;
	v2 =	vld [tilespmem:s11+$0xD070];
	v1 =	vadd.f32 v21, v11;
	[tilespmem:s9+$0x13000] =	vst v63;
	v11 =	vadd.f32 v24, v62  }
.LBB2_9:
0x111: {  	p1 =	sne.s32 s12, $0x3E00;
	v12 =	vld [tilespmem:s11+$0xE070];
	[tilespmem:s9+$0x13010] =	vst v10;
	v7 =	vadd.f32 v8, v7  }
0x112: {  	v8 =	vld [tilespmem:s11+$0xD000];
	[tilespmem:s9+$0x13020] =	vst v11;
	v3 =	vadd.f32 v5, v3  }
0x113: {  	v5 =	vld [tilespmem:s11+$0xF070];
	[tilespmem:s9+$0x13030] =	vst v7;
	v4 =	vadd.f32 v6, v4  }
0x114: {  	v6 =	vld [tilespmem:s11+$0xE000];
	[tilespmem:s9+$0x13040] =	vst v3;
	v1 =	vadd.f32 v9, v1  }
0x115: {  	v3 =	vld [tilespmem:s11+$0x10070];
	[tilespmem:s9+$0x13050] =	vst v4  }
0x116: {  	v4 =	vld [tilespmem:s11+$0xD010];
	v2 =	vadd.f32 v12, v2;
	[tilespmem:s9+$0x13060] =	vst v1;
	s9 =	smov.u32 s11  }
0x117: {  	v1 =	vld [tilespmem:s9+$0xE010]  }
0x118: {  	v7 =	vld [tilespmem:s9+$0xD020];
	v2 =	vadd.f32 v5, v2  }
0x119: {  	v5 =	vadd.f32 v6, v8;
	v6 =	vld [tilespmem:s9+$0xE020]  }
0x11a: {  	v8 =	vld [tilespmem:s9+$0xD030];
	v2 =	vadd.f32 v3, v2  }
0x11b: {  	v3 =	vld [tilespmem:s9+$0xE030]  }
0x11c: {  	v1 =	vadd.f32 v1, v4;
	v4 =	vld [tilespmem:s9+$0xD040];
	[tilespmem:s9+$0x13070] =	vst v2  }
0x11d: {  	v2 =	vld [tilespmem:s9+$0xE040]  }
0x11e: {  	v6 =	vadd.f32 v6, v7;
	v7 =	vld [tilespmem:s9+$0xD050]  }
0x11f: {  	v9 =	vld [tilespmem:s9+$0xE050]  }
0x120: {  	v3 =	vadd.f32 v3, v8;
	v8 =	vld [tilespmem:s9+$0xD060]  }
0x121: {  	v10 =	vld [tilespmem:s9+$0xE060]  }
0x122: {  	v11 =	vld [tilespmem:s9+$0xF000];
	v2 =	vadd.f32 v2, v4  }
0x123: {  	v4 =	vld [tilespmem:s9+$0xF010]  }
0x124: {  	v12 =	vld [tilespmem:s9+$0xF020];
	v9 =	vadd.f32 v9, v7  }
0x125: {  	v7 =	vld [tilespmem:s9+$0xF030]  }
0x126: {  	v13 =	vld [tilespmem:s9+$0xF040];
	v10 =	vadd.f32 v10, v8  }
0x127: {  	v11 =	vadd.f32 v11, v5;
	v5 =	vld [tilespmem:s9+$0xF050]  }
0x128: {  	v14 =	vadd.f32 v4, v1;
	v1 =	vld [tilespmem:s9+$0xF060]  }
0x129: {  	v15 =	vld [tilespmem:s9+$0x10000];
	v12 =	vadd.f32 v12, v6  }
0x12a: {  	v16 =	vld [tilespmem:s9+$0x10010];
	v7 =	vadd.f32 v7, v3  }
0x12b: {  	v17 =	vld [tilespmem:s9+$0x10020];
	v3 =	vadd.f32 v13, v2  }
.Ltmp3:
0x12c: {  	v8 =	vld [tilespmem:s9+$0x10030];
	v4 =	vadd.f32 v5, v9;
	(pc) =	sbr.rel @p1 .LBB2_9-.Ltmp3, $4  }
0x12d: {  	v5 =	vld [tilespmem:s9+$0x10040];
	v1 =	vadd.f32 v1, v10  }
0x12e: {  	v11 =	vadd.f32 v15, v11;
	v6 =	vld [tilespmem:s9+$0x10050]  }
0x12f: {  	s11 =	sshra.s32 s12, $0x2;
	v10 =	vadd.f32 v16, v14;
	v9 =	vld [tilespmem:s9+$0x10060]  }
0x130: {  	s12 =	sadd.s32 $0x200, s12;
	v2 =	vld [tilespmem:s11+$0xD070];
	[tilespmem:s9+$0x13000] =	vst v11;
	v11 =	vadd.f32 v17, v12  }
0x131: {  	v12 =	vld [tilespmem:s11+$0xE070];
	[tilespmem:s9+$0x13010] =	vst v10;
	v7 =	vadd.f32 v8, v7  }
0x132: {  	v10 =	vld [tilespmem:s11+$0xD000];
	[tilespmem:s9+$0x13020] =	vst v11;
	v3 =	vadd.f32 v5, v3  }
0x133: {  	v47 =	vld [tilespmem:s11+$0xF070];
	[tilespmem:s9+$0x13030] =	vst v7;
	v4 =	vadd.f32 v6, v4  }
0x134: {  	v48 =	vld [tilespmem:s11+$0xE000];
	[tilespmem:s9+$0x13040] =	vst v3;
	v1 =	vadd.f32 v9, v1  }
0x135: {  	v3 =	vld [tilespmem:s11+$0x10070];
	[tilespmem:s9+$0x13050] =	vst v4  }
0x136: {  	v4 =	vld [tilespmem:s11+$0xD010];
	[tilespmem:s9+$0x13060] =	vst v1  }
0x137: {  	v1 =	vadd.f32 v12, v2;
	v2 =	vld [tilespmem:s11+$0xE010]  }
0x138: {  	v49 =	vld [tilespmem:s11+$0xD020]  }
0x139: {  	v7 =	vld [tilespmem:s11+$0xE020]  }
0x13a: {  	v50 =	vld [tilespmem:s11+$0xD030]  }
0x13b: {  	v51 =	vld [tilespmem:s11+$0xD040]  }
0x13c: {  	v11 =	vld [tilespmem:s11+$0xD050]  }
0x13d: {  	v52 =	vld [tilespmem:s11+$0xE050]  }
0x13e: {  	v13 =	vld [tilespmem:s11+$0xD060]  }
0x13f: {  	v14 =	vld [tilespmem:s11+$0xE060]  }
0x140: {  	v15 =	vld [tilespmem:s11+$0xF000]  }
0x141: {  	v16 =	vld [tilespmem:s11+$0xF010]  }
0x142: {  	v17 =	vld [tilespmem:s11+$0xF020]  }
0x143: {  	v18 =	vld [tilespmem:s11+$0xF030]  }
0x144: {  	v19 =	vld [tilespmem:s11+$0xF040]  }
0x145: {  	v20 =	vld [tilespmem:s11+$0xF050];
	v1 =	vadd.f32 v47, v1  }
0x146: {  	v21 =	vld [tilespmem:s11+$0xF060]  }
0x147: {  	v53 =	vld [tilespmem:s11+$0x10000];
	v1 =	vadd.f32 v3, v1  }
0x148: {  	v3 =	vld [tilespmem:s11+$0xE030]  }
0x149: {  	v5 =	vadd.f32 v48, v10;
	[tilespmem:s11+$0x13070] =	vst v1;
	v1 =	vld [tilespmem:s11+$0xE040]  }
0x14a: {  	v55 =	vld [tilespmem:s11+$0x10010];
	v2 =	vadd.f32 v2, v4;
	v54 =	vadd.f32 v7, v49  }
0x14b: {  	v56 =	vld [tilespmem:s11+$0x10020];
	v57 =	vadd.f32 v52, v11;
	v5 =	vadd.f32 v15, v5  }
0x14c: {  	v58 =	vld [tilespmem:s11+$0x10030];
	v59 =	vadd.f32 v14, v13;
	v2 =	vadd.f32 v16, v2  }
0x14d: {  	v60 =	vld [tilespmem:s11+$0x10040];
	v4 =	vadd.f32 v17, v54;
	v3 =	vadd.f32 v3, v50  }
0x14e: {  	v61 =	vld [tilespmem:s11+$0x10050];
	v5 =	vadd.f32 v53, v5;
	v1 =	vadd.f32 v1, v51  }
0x14f: {  	v62 =	vld [tilespmem:s11+$0x10060];
	v2 =	vadd.f32 v55, v2;
	v3 =	vadd.f32 v18, v3  }
0x150: {  	[tilespmem:s11+$0x13000] =	vst v5;
	v4 =	vadd.f32 v56, v4;
	v1 =	vadd.f32 v19, v1  }
0x151: {  	v63 =	vadd.f32 v20, v57;
	[tilespmem:s11+$0x13010] =	vst v2;
	v2 =	vadd.f32 v58, v3  }
0x152: {  	[tilespmem:s11+$0x13020] =	vst v4;
	v3 =	vadd.f32 v21, v59;
	v1 =	vadd.f32 v60, v1  }
0x153: {  	[tilespmem:s11+$0x13030] =	vst v2;
	v2 =	vadd.f32 v61, v63  }
0x154: {  	[tilespmem:s11+$0x13040] =	vst v1;
	v1 =	vadd.f32 v62, v3  }
0x155: {  	[tilespmem:s11+$0x13050] =	vst v2  }
0x156: {  	s9 =	simm.s32 $0x11C00;
	[tilespmem:s11+$0x13060] =	vst v1  }
0x157: {  	v1 =	vld [tilespmem:s9+$0xFFFFFE00]  }
0x158: {  	v2 =	vld [tilespmem:s9+$0xFFFFFC00]  }
.LBB2_11:
0x159: {  	p1 =	sne.s32 s20, $0x3E00  }
0x15a: {  	v3 =	vld [tilespmem:s9+$0x0];
	_ =	sdelay $0x1  }
0x15b: {  	v4 =	vld [tilespmem:s9+$0x200]  }
0x15c: {  	v1 =	vadd.f32 v1, v2;
	_ =	sdelay $0x1  }
0x15d: {  	v1 =	vadd.f32 v3, v1;
	_ =	sdelay $0x1  }
.Ltmp4:
0x15e: {  	v1 =	vadd.f32 v4, v1;
	(pc) =	sbr.rel @p1 .LBB2_11-.Ltmp4, $4  }
0x15f: {  	s11 =	sshra.s32 s19, $0x2;
	s19 =	smov.u32 s20  }
0x160: {  	s9 =	sadd.s32 $0x10, s9;
	[tilespmem:s11+$0x15000] =	vst v1  }
0x161: {  	v1 =	vld [tilespmem:s9+$0xFFFFFE00]  }
0x162: {  	s20 =	sadd.s32 $0x200, s20;
	v2 =	vld [tilespmem:s9+$0xFFFFFC00]  }
0x163: {  	_ = 	snop  }
0x164: {  	v3 =	vld [tilespmem:s9+$0x0];
	_ =	sdelay $0x1  }
0x165: {  	v4 =	vld [tilespmem:s9+$0x200]  }
0x166: {  	v1 =	vadd.f32 v1, v2;
	_ =	sdelay $0x1  }
0x167: {  	v1 =	vadd.f32 v3, v1  }
0x168: {  	s4 =	sadd.s32 $0x1, s4  }
0x169: {  	s18 =	sadd.s32 s7, s18;
	p1 =	sne.s32 s4, s8;
	v1 =	vadd.f32 v4, v1  }
.Ltmp5:
0x16a: {  	s11 =	sshra.s32 s19, $0x2;
	s9 =	sshll.u32 s18, $0x9;
	(pc) =	sbr.rel @p1 .LBB2_4-.Ltmp5, $4  }
0x16b: {  	s20 =	sadd.s32 s5, s9;
	[tilespmem:s11+$0x15000] =	vst v1  }
0x16c: {  	[hbm4b:s20+s3] =	stream.linear.scatter [tilespmem:s28], [sflag:$0x4], $0x1000, $0x38;
	[tilespmem:$0x16000] =	vst v63  }
0x16d: {  	s9 =	sadd.s32 s6, s9  }
0x16e: {  	[hbm4b:s9+s3] =	stream.linear.scatter [tilespmem:s29], [sflag:$0x4], $0x1000, $0x38;
	[tilespmem:$0x16000] =	vst v63  }
0x16f: {  	_ =	swait.ge [sflag:s30], $0x1000  }
0x170: {  	[sflag:s30] =	ssyncset.done $0x0  }
0x171: {  	[sflag:s30] =	ssyncadd.s32 $0xFFFFF000  }
0x172: {  	_ =	swait.ge [sflag:s31], $0x1000  }
0x173: {  	[sflag:s31] =	ssyncset.done $0x0  }
0x174: {  	s0 =	sadd.s32 $0x1, s0;
	[sflag:s31] =	ssyncadd.s32 $0xFFFFF000  }
0x175: {  	p1 =	sne.s32 s0, s15;
	_ =	swait.ge [sflag:s30], $0x1000  }
.Ltmp6:
0x176: {  	[sflag:s30] =	ssyncset.done $0x0;
	(pc) =	sbr.rel @p1 .LBB2_1-.Ltmp6, $4  }
0x177: {  	[sflag:s30] =	ssyncadd.s32 $0xFFFFF000  }
0x178: {  	_ =	swait.ge [sflag:s31], $0x1000  }
0x179: {  	[sflag:s31] =	ssyncset.done $0x0  }
0x17a: {  	[sflag:s31] =	ssyncadd.s32 $0xFFFFF000  }
0x17b: {  	_ =	sfence.sel $0x180000  }
0x17c: {  	[bflag:$0x0] =	sbarrier.arrive $0xFFFF  }
0x17d: {  	_ =	strace $0x90000047  }
0x17e: {  	s0 =	stileid.u32;
	[bflag:$0x2] =	sbarrier.arrive $0xFFFF  }
0x17f: {  	p0 =	sne.s32 s0, $0x0;
	s0 =	rddreg [dreg:$0x3]  }
0x180: {  	s0 =	sadd.s32 @!p0 $0x100000, s0  }
0x181: {  	[sflag:s0] =	ssyncadd.tile.s32 @!p0 $0x1;
	_ =	shalt  }
.Lfunc_end2:
_tile_overlayer_lowered:
.L_overlay_start_2:
0x182: {  	(tag) =	ssettag $0x2  }
0x183: {  	s0 =	rddreg [dreg:$0x0];
	s2 =	stileid.u32  }
0x184: {  	s1 =	rddreg [dreg:$0x1];
	p0 =	sne.s32 s2, $0x0  }
0x185: {  	s3 =	rddreg [dreg:$0x2];
	[bflag:$0x3] =	sbarrier.arrive $0xFFFF;
	s2 =	simm.s32 @!p0 $0x1C05  }
0x186: {  	[timem:s3], [sflag:s2] =	dma.local @!p0 [hbm:s0], s1  }
0x187: {  	s0 =	simm.s32 @!p0 $0x5  }
0x188: {  	_ =	swait.ge @!p0 [sflag:s0], s1  }
0x189: {  	s1 =	ssub.s32 @!p0 $0x0, s1;
	[sflag:s0] =	ssyncset.done @!p0 $0x0  }
0x18a: {  	[sflag:s0] =	ssyncadd.s32 @!p0 s1  }
0x18b: {  	[bflag:$0x3] =	sbarrier.arrive $0xFFFF  }
0x18c: {  	_ =	shalt  }

// kernel: sparse-core-data-format-call.cloned.1.call-start
scs
called_computation_lowered:
.L_overlay_start_0:
0x0: {  	s2 =	sld [smem:$0x3FD9]  }
0x1: {  	s3 =	sld [smem:$0x3FFE];
	_ =	sdelay $0x1  }
0x2: {  	s1 =	srdreg.scid  }
0x3: {  	s0 =	sand.u32 $0x1, s1  }
0x4: {  	s18 =	sshll.u32 s0, $0xA;
	s2 =	sadd.s32 s3, s2  }
0x5: {  	s2 =	sadd.s32 s2, s18  }
0x6: {  	[smem:$0x3FBA] =	sst s2  }
0x7: {  	_ = 	snop  }
0x8: {  	s2 =	sld [smem:$0x3FD0];
	(tm) =	ssettm $0x1  }
0x9: {  	s19 =	sld [smem:$0x3FFB];
	_ =	sdelay $0x3  }
0xa: {  	_ =	strace s19  }
0xb: {  	s3 =	sld [smem:$0x3FFC];
	_ =	sdelay $0x3  }
0xc: {  	_ =	strace s3  }
0xd: {  	s3 =	sld [smem:$0x3FFD];
	_ =	sdelay $0x3  }
0xe: {  	_ =	strace s3  }
0xf: {  	_ =	strace $0x8FFFFFFF  }
0x10: {  	s20 =	sld [smem:$0x3FDB];
	_ =	sdelay $0x1  }
0x11: {  	s4 =	simm.s32 $_scs_section_size  }
0x12: {  	s5 =	simm.s32 $_size__tile_overlayer_lowered;
	s6 =	simm.s32 $_tile_overlayer_lowered  }
0x13: {  	s23 =	simm.s32 $0x1BFF;
	s22 =	sshll.u32 s6, $0x1;
	s3 =	sadd.s32 s4, s20  }
0x14: {  	s7 =	simm.s32 $0x0;
	s21 =	sshll.u32 s5, $0x1;
	s5 =	sadd.s32 s22, s3  }
0x15: {  	[timem:s7], [sflag:s23] =	dma.local [hbm:s5], s21  }
0x16: {  	_ =	swait.ge [sflag:s23], s21  }
0x17: {  	s4 =	ssub.s32 $0x0, s21;
	[sflag:s23] =	ssyncset.done $0x0  }
0x18: {  	[sflag:s23] =	ssyncadd.s32 s4;
	_ =	sdelay $0x1  }
0x19: {  	s24 =	simm.s32 $0x1B8B  }
0x1a: {  	_ =	swait.ge [sflag:s24], $0x1  }
0x1b: {  	[sflag:s24] =	ssyncset.done $0x0  }
0x1c: {  	s26 =	simm.s32 $0x1B8E;
	s25 =	sld [smem:$0x3FFE];
	[sflag:s24] =	ssyncadd.s32 $0xFFFFFFFF  }
0x1d: {  	s27 =	simm.s32 $execute0_lowered;
	[smem:$0x3FD2] =	sst s26  }
0x1e: {  	s5 =	sshll.u32 s27, $0x1;
	_ =	strace $0x8000004C;
	[dreg:$0x1] =	wrdreg $0xFFFFFFFF  }
0x1f: {  	s28 =	simm.s32 $_size_execute0_lowered;
	s3 =	sadd.s32 s3, s5;
	[dreg:$0x0] =	wrdreg $0x0  }
0x20: {  	s5 =	sshll.u32 s28, $0x1;
	[dreg:$0x2] =	wrdreg s3  }
0x21: {  	[dreg:$0x3] =	wrdreg s5  }
0x22: {  	[dreg:$0x4] =	wrdreg $0xC0  }
0x23: {  	_ =	task [dreg:s7], $0x5FFFF  }
0x24: {  	[dreg:$0x1] =	wrdreg $0xFFFFFFFF  }
0x25: {  	[dreg:$0x0] =	wrdreg $0x60  }
0x26: {  	[dreg:$0x2] =	wrdreg s25  }
0x27: {  	[dreg:$0x3] =	wrdreg s2  }
0x28: {  	[dreg:$0x4] =	wrdreg $0x9  }
0x29: {  	_ =	task.clear_ibuf [dreg:s7], $0x5FFFF;
	_ =	strace $0x9000004C  }
0x2a: {  	s29 =	simm.s32 $0x9;
	_ =	strace $0x8000004E  }
0x2b: {  	_ =	swait.ge [sflag:s29], $0x1  }
0x2c: {  	[sflag:s29] =	ssyncadd.s32 $0xFFFFFFFF  }
0x2d: {  	_ =	strace $0x9000004E  }
0x2e: {  	_ =	sfence  }
0x2f: {  	s30 =	sld [smem:$0x0];
	_ =	sdelay $0x2  }
0x30: {  	s31 =	sshll.u32 s1, $0xD;
	s1 =	sshrl.u32 s1, $0x2  }
0x31: {  	s3 =	sand.u32 $0x4000, s31;
	s1 =	sadd.s32 s1, s30  }
0x32: {  	s0 =	sor.u32 s3, s0;
	s1 =	sshll.u32 s1, $0x11  }
0x33: {  	s0 =	sor.u32 s1, s0  }
0x34: {  	s0 =	sadd.s32 $0x8F2B, s0  }
0x35: {  	[sflag:s0] =	ssyncadd.remote.s32 $0x1  }
0x36: {  	_ =	sfence.sel $0xFFFF  }
0x37: {  	[dreg:$0x0] =	wrdreg $0xFFFFFFFF;
	(pc) =	sbr.abs _section_cstart, $3  }
0x38: {  	[dreg:$0x1] =	wrdreg $0xFFFFFFFF  }
0x39: {  	_ =	task.clear_ibuf [dreg:s7], $0x2FFFF;
	_ =	strace $0x9FFFFFFF  }
0x3a: {  	(tm) =	ssettm $0x7FFFFFFF  }
0x3b: {  	_ =	shalt  }
tec
execute0_lowered:
.L_overlay_start_1:
0x0: {  	(tag) =	ssettag $0x1  }
0x1: {  	s3 =	rddreg [dreg:$0x0];
	s0 =	srdreg.scid  }
0x2: {  	s2 =	rddreg [dreg:$0x1];
	s1 =	stileid.u32  }
0x3: {  	s5 =	simm.s32 $0x1;
	s7 =	simm.s32 $0x2;
	p0 =	por $0x0, $0x0  }
0x4: {  	s14 =	simm.s32 $0x0;
	s13 =	simm.s32 $0x0;
	s9 =	simm.s32 $0x0  }
0x5: {  	s10 =	simm.s32 $0x0;
	s8 =	simm.s32 $0x0;
	s21 =	simm.s32 $0x0  }
.Ltmp0:
0x6: {  	s4 =	sshll.u32 s0, $0x4;
	s0 =	rddreg [dreg:$0x2];
	(pc) =	sbr.rel .LBB1_1-.Ltmp0, $4  }
0x7: {  	_ =	strace $0x8000004D;
	s3 =	sadd.s32 $0x189E00, s3;
	s4 =	sand.u32 $0x10, s4  }
0x8: {  	s6 =	sshll.u32 s1, $0x7;
	[sflag:s5] =	ssyncpa.u1 $0x0;
	s4 =	sor.u32 s1, s4  }
0x9: {  	s6 =	sand.u32 $0x380, s6;
	[sflag:s7] =	ssyncpa.u1 $0x0;
	s4 =	sshrl.u32 s4, $0x3  }
0xa: {  	s7 =	simm.s32 $0x0;
	s12 =	smov.u32 s6;
	s11 =	smov.u32 s4  }
.LBB1_11:
0xb: {  	s18 =	sand.u32 $0x1FFFFFF, s10;
	p1 =	sgt.s32 s9, $0x63;
	s19 =	smov.u32 s9  }
0xc: {  	s20 =	smulhi.u32 $0x20C49BB, s18;
	s19 =	simm.s32 @!p1 $0x63  }
0xd: {  	s15 =	sadd.s32 s15, s19  }
0xe: {  	s27 =	sshrl.u32 s20, $0x3;
	s28 =	sadd.s32 $0xFFFFFF9D, s15  }
0xf: {  	s15 =	ssub.s32 $0x64, s15;
	s19 =	smul.u32 $0x3E8, s27;
	p1 =	sgt.s32 s28, $0x0  }
0x10: {  	s29 =	smul.u32 $0x3E80, s9;
	s15 =	simm.s32 @p1 $0x0  }
0x11: {  	s18 =	ssub.s32 s18, s19;
	s15 =	smul.u32 s15, s16  }
0x12: {  	s31 =	sadd.s32 s2, s29;
	s30 =	sshll.u32 s18, $0x4  }
0x13: {  	s17 =	sor.u32 $0x8000, s17;
	s15 =	sand.u32 $0x3FFFFF80, s15;
	s16 =	sadd.s32 s30, s31  }
0x14: {  	[hbm4b:s16+s7] =	stream.linear.scatter [tilespmem:s17], [sflag:$0x2], s15, $0x38;
	[tilespmem:$0x10000] =	vst v63  }
.LBB1_12:
0x15: {  	p1 =	slt.u32 s8, $0x2  }
0x16: {  	p2 =	sgt.s32 @!p1 s14, $0x63  }
0x17: {  	s15 =	smov.u32 s14;
	s16 =	sshra.s32 @!p1 s14, $0x1F;
	p2 =	por !p2, p1  }
0x18: {  	s17 =	sshra.s32 @!p1 s13, $0x1F;
	s15 =	simm.s32 @p2 $0x63;
	p2 =	sgt.s32 @!p1 s13, $0x368  }
0x19: {  	s14 =	sand.u32 @!p1 s16, s14;
	s16 =	smov.u32 s13;
	p2 =	por !p2, p1  }
0x1a: {  	s13 =	sand.u32 @!p1 s17, s13;
	s16 =	simm.s32 @p2 $0x368  }
0x1b: {  	s17 =	smov.u32 s12;
	s14 =	ssub.s32 @!p1 s15, s14;
	s13 =	ssub.s32 @!p1 s16, s13  }
0x1c: {  	s15 =	sadd.s32 @!p1 $0xFFFFFF9D, s14;
	s14 =	ssub.s32 @!p1 $0x64, s14;
	s13 =	sadd.s32 @!p1 $0xFFFFFC98, s13  }
0x1d: {  	p2 =	sgt.s32 @!p1 s15, $0x0;
	p3 =	sgt.s32 @!p1 s13, $0x7F;
	s13 =	sshll.u32 @!p1 s13, $0x7  }
0x1e: {  	p2 =	por !p2, p1;
	s13 =	ssub.s32 @!p1 $0x4000, s13;
	p3 =	por !p3, p1  }
0x1f: {  	s15 =	sadd.s32 $0x4, s11;
	s14 =	simm.s32 @!p2 $0x0;
	s13 =	simm.s32 @!p3 $0x0  }
0x20: {  	p2 =	sgt.s32 s15, $0x63;
	s13 =	smul.u32 @!p1 s14, s13;
	s14 =	sadd.s32 $0x400, s12  }
0x21: {  	s17 =	smov.u32 @p2 s14  }
0x22: {  	s8 =	sadd.s32 $0x1, s8;
	s15 =	smov.u32 @p2 s4;
	p2 =	sgt.s32 s17, $0x3E7  }
0x23: {  	s17 =	smov.u32 @p2 s6;
	p2 =	sne.s32 s8, $0x1B  }
.Ltmp1:
0x24: {  	p0 =	por !p0, !p0;
	(pc) =	sbr.rel @!p2 .LBB1_13-.Ltmp1, $4  }
0x25: {  	s16 =	simm.s32 @!p1 $0x2;
	s14 =	smov.u32 s9;
	s13 =	sand.u32 @!p1 $0x3FFFFF80, s13  }
0x26: {  	s9 =	smov.u32 s11;
	s11 =	smov.u32 s15;
	_ =	swait.ge @!p1 [sflag:s16], s13  }
0x27: {  	s18 =	ssub.s32 @!p1 $0x0, s13;
	s13 =	smov.u32 s10;
	[sflag:s16] =	ssyncset.done @!p1 $0x0  }
0x28: {  	s10 =	smov.u32 s12;
	s12 =	smov.u32 s17;
	[sflag:s16] =	ssyncadd.s32 @!p1 s18  }
.LBB1_1:
0x29: {  	p1 =	sgt.u32 s8, $0x18  }
0x2a: {  	s16 =	smov.u32 s12;
	p2 =	sgt.s32 @!p1 s12, $0x368;
	s15 =	sand.u32 @!p1 $0x1FFFFFF, s11  }
0x2b: {  	s17 =	sshra.s32 @!p1 s12, $0x1F;
	s18 =	sshra.s32 @!p1 s11, $0x1F;
	p2 =	por !p2, p1  }
0x2c: {  	s17 =	sand.u32 @!p1 s17, s12;
	s16 =	simm.s32 @p2 $0x368;
	p2 =	sgt.s32 @!p1 s11, $0x67  }
0x2d: {  	s16 =	ssub.s32 @!p1 s16, s17;
	p2 =	por !p2, p1;
	s17 =	smov.u32 s11  }
0x2e: {  	s19 =	smulhi.u32 @!p1 $0x2762763, s15;
	s18 =	sand.u32 @!p1 s18, s11;
	s17 =	simm.s32 @p2 $0x67  }
0x2f: {  	s16 =	sadd.s32 @!p1 $0xFFFFFC98, s16;
	s17 =	ssub.s32 @!p1 s17, s18  }
0x30: {  	s18 =	smul.u32 @!p1 $0x68, s19;
	p2 =	sgt.s32 @!p1 s16, $0x7F;
	s19 =	sadd.s32 @!p1 $0xFFFFFF99, s17  }
0x31: {  	s16 =	sshll.u32 @!p1 s16, $0x7;
	s17 =	ssub.s32 @!p1 $0x68, s17;
	p3 =	sgt.s32 @!p1 s19, $0x0  }
0x32: {  	s16 =	ssub.s32 @!p1 $0x4000, s16;
	p2 =	por !p2, p1;
	p3 =	por !p3, p1  }
0x33: {  	s16 =	simm.s32 @!p2 $0x0;
	s17 =	simm.s32 @!p3 $0x0  }
0x34: {  	s19 =	sxor.u32 @!p1 $0xFFFFFFFF, s8;
	s16 =	smul.u32 @!p1 s17, s16  }
0x35: {  	s15 =	ssub.s32 @!p1 s15, s18;
	s17 =	sshll.u32 @!p1 s19, $0xE;
	s19 =	smul.u32 @!p1 $0x680, s12  }
0x36: {  	s15 =	sshll.u32 @!p1 s15, $0x4  }
0x37: {  	s17 =	sand.u32 @!p1 $0x4000, s17;
	s16 =	sand.u32 @!p1 $0x3FFFFF80, s16;
	s18 =	sadd.s32 @!p1 s3, s19  }
0x38: {  	s19 =	simm.s32 @!p1 $0x3400;
	s15 =	sadd.s32 @!p1 s15, s18;
	s18 =	simm.s32 @!p1 $0x80  }
0x39: {  	[tilespmem:s17], [sflag:$0x1] =	stream.strided.gather @!p1 [hbm4b:s15+s18], s16, s19, s18, $0x38;
	[tilespmem:$0x10000] =	vst v63  }
0x3a: {  	p1 =	seq.s32 s8, $0x0  }
0x3b: {  	p2 =	seq.s32 @!p1 s8, $0x1A  }
0x3c: {  	p1 =	por p1, p2  }
.Ltmp2:
0x3d: {  	_ = 	snop;
	(pc) =	sbr.rel @p1 .LBB1_12-.Ltmp2, $1  }
0x3e: {  	_ =	sdelay $0x3  }
0x3f: {  	p1 =	sgt.s32 s10, $0x368;
	s15 =	smov.u32 s10;
	s16 =	sshra.s32 s10, $0x1F  }
0x40: {  	s17 =	ssub.s32 $0x0, s9;
	s15 =	simm.s32 @!p1 $0x368;
	s16 =	sand.u32 s16, s10  }
0x41: {  	s18 =	sshra.s32 s9, $0x1F;
	s19 =	smov.u32 s9;
	s16 =	ssub.s32 s15, s16  }
0x42: {  	p1 =	sgt.s32 s9, $0x67;
	s15 =	sand.u32 s17, s18;
	s16 =	sadd.s32 $0xFFFFFC98, s16  }
0x43: {  	s19 =	simm.s32 @!p1 $0x67;
	p1 =	sgt.s32 s16, $0x7F;
	s16 =	sshll.u32 s16, $0x7  }
0x44: {  	s18 =	sadd.s32 $0x80, s10;
	s17 =	sadd.s32 s15, s19;
	s16 =	ssub.s32 $0x4000, s16  }
0x45: {  	s19 =	sadd.s32 $0x1, s9;
	s16 =	simm.s32 @p1 $0x0;
	p1 =	slt.s32 s18, $0x3E8  }
0x46: {  	s30 =	sadd.s32 $0xFFFFFF99, s17;
	s18 =	simm.s32 @!p1 $0x3E8;
	p1 =	slt.s32 s19, $0x64  }
0x47: {  	s17 =	ssub.s32 $0x68, s17;
	s18 =	ssub.s32 s18, s10;
	s19 =	simm.s32 @!p1 $0x64  }
0x48: {  	p2 =	sgt.s32 s30, $0x0;
	s19 =	ssub.s32 s19, s9;
	p1 =	slt.s32 s18, $0x1  }
0x49: {  	s17 =	simm.s32 @p2 $0x0;
	p2 =	slt.s32 @!p1 s19, $0x1  }
0x4a: {  	s17 =	smul.u32 s17, s16;
	p1 =	por p1, p2  }
.Ltmp3:
0x4b: {  	_ = 	snop;
	(pc) =	sbr.rel @p1 .LBB1_11-.Ltmp3, $4  }
0x4c: {  	s17 =	sand.u32 $0x3FFFFF80, s17  }
0x4d: {  	_ =	swait.ge [sflag:s5], s17  }
0x4e: {  	s31 =	sshll.u32 s8, $0xE;
	s20 =	ssub.s32 $0x0, s17;
	[sflag:s5] =	ssyncset.done $0x0  }
0x4f: {  	s17 =	sand.u32 $0x4000, s31;
	[sflag:s5] =	ssyncadd.s32 s20  }
0x50: {  	s20 =	simm.s32 $0x1  }
0x51: {  	s20 =	simm.s32 @!p0 $0x0  }
0x52: {  	s20 =	sshll.u32 s20, $0x10  }
0x53: {  	s20 =	sshrl.u32 s20, $0x2  }
0x54: {  	s22 =	simm.s32 $0x0;
	s23 =	simm.s32 $0x0;
	s20 =	sadd.s32 $0x8040, s20  }
.LBB1_4:
0x55: {  	s25 =	sshll.u32 s23, $0x7  }
0x56: {  	p2 =	sne.s32 s19, $0x1;
	s25 =	sadd.s32 s25, s17  }
.Ltmp4:
0x57: {  	v0 =	vmov s25;
	(pc) =	sbr.rel @!p2 .LBB1_5-.Ltmp4, $3  }
0x58: {  	_ =	sdelay $0x1  }
0x59: {  	s24 =	sand.u32 $0x3F80, s22;
	s26 =	sand.u32 $0x380, s21  }
0x5a: {  	p1 =	por $0x0, $0x0;
	s24 =	sadd.s32 s24, s20;
	s25 =	sadd.s32 $0xFFFFFFFF, s19  }
0x5b: {  	_ =	sdelay $0x3  }
0x5c: {  	v6 =	vld.idx.msk [tilespmem:v0+s26+$0x70 ss:$0x1], $0xffff  }
0x5d: {  	v7 =	vld.idx.msk [tilespmem:v0+s26+$0x0 ss:$0x1], $0xffff  }
0x5e: {  	v1 =	vld.idx.msk [tilespmem:v0+s26+$0x10 ss:$0x1], $0xffff;
	p2 =	sne.s32 s25, $0x1  }
.Ltmp5:
0x5f: {  	v2 =	vld.idx.msk [tilespmem:v0+s26+$0x20 ss:$0x1], $0xffff;
	(pc) =	sbr.rel @!p2 .LBB1_7-.Ltmp5, $4  }
0x60: {  	v3 =	vld.idx.msk [tilespmem:v0+s26+$0x30 ss:$0x1], $0xffff  }
0x61: {  	v4 =	vld.idx.msk [tilespmem:v0+s26+$0x40 ss:$0x1], $0xffff  }
0x62: {  	v5 =	vld.idx.msk [tilespmem:v0+s26+$0x50 ss:$0x1], $0xffff;
	s28 =	simm.s32 $0x80;
	s29 =	sadd.s32 $0xFFFFFFFF, s25;
	[tilespmem:s24+$0x30] =	vst v6  }
0x63: {  	p1 =	por $0x1, $0x1;
	s25 =	smov.u32 s24;
	s27 =	sand.u32 $0x380, s28;
	[tilespmem:s24+$0xFFFFFFC0] =	vst v7;
	v6 =	vld.idx.msk [tilespmem:v0+s26+$0x60 ss:$0x1], $0xffff  }
.LBB1_8:
0x64: {  	p2 =	sne.s32 s29, $0x1;
	v7 =	vld.idx.msk [tilespmem:v0+s27+$0x70 ss:$0x1], $0xffff;
	[tilespmem:s25+$0xFFFFFFD0] =	vst v1  }
0x65: {  	v8 =	vld.idx.msk [tilespmem:v0+s27+$0x0 ss:$0x1], $0xffff;
	[tilespmem:s25+$0xFFFFFFE0] =	vst v2  }
0x66: {  	v1 =	vld.idx.msk [tilespmem:v0+s27+$0x10 ss:$0x1], $0xffff;
	[tilespmem:s25+$0xFFFFFFF0] =	vst v3  }
.Ltmp6:
0x67: {  	v2 =	vld.idx.msk [tilespmem:v0+s27+$0x20 ss:$0x1], $0xffff;
	[tilespmem:s25+$0x0] =	vst v4;
	(pc) =	sbr.rel @p2 .LBB1_8-.Ltmp6, $4  }
0x68: {  	v3 =	vld.idx.msk [tilespmem:v0+s27+$0x30 ss:$0x1], $0xffff;
	[tilespmem:s25+$0x10] =	vst v5  }
0x69: {  	v4 =	vld.idx.msk [tilespmem:v0+s27+$0x40 ss:$0x1], $0xffff;
	[tilespmem:s25+$0x20] =	vst v6;
	s25 =	sadd.s32 $0x4000, s25  }
0x6a: {  	s28 =	sadd.s32 $0x80, s28;
	v5 =	vld.idx.msk [tilespmem:v0+s27+$0x50 ss:$0x1], $0xffff;
	[tilespmem:s25+$0x30] =	vst v7  }
0x6b: {  	s29 =	sadd.s32 $0xFFFFFFFF, s29;
	[tilespmem:s25+$0xFFFFFFC0] =	vst v8;
	v6 =	vld.idx.msk [tilespmem:v0+s27+$0x60 ss:$0x1], $0xffff;
	s27 =	sand.u32 $0x380, s28  }
0x6c: {  	s26 =	smov.u32 s27  }
.LBB1_10:
0x6d: {  	_ =	sdelay $0x2  }
0x6e: {  	[tilespmem:s25+$0xFFFFFFD0] =	vst @p1 v1  }
0x6f: {  	v56 =	vld.idx.msk [tilespmem:v0+s26+$0x70 ss:$0x1], $0xffff;
	[tilespmem:s25+$0xFFFFFFE0] =	vst @p1 v2  }
0x70: {  	v57 =	vld.idx.msk [tilespmem:v0+s26+$0x0 ss:$0x1], $0xffff;
	[tilespmem:s25+$0xFFFFFFF0] =	vst @p1 v3  }
0x71: {  	v58 =	vld.idx.msk [tilespmem:v0+s26+$0x10 ss:$0x1], $0xffff;
	[tilespmem:s25+$0x0] =	vst @p1 v4  }
0x72: {  	v59 =	vld.idx.msk [tilespmem:v0+s26+$0x20 ss:$0x1], $0xffff;
	s27 =	sadd.s32 @p1 $0x4000, s25;
	[tilespmem:s25+$0x10] =	vst @p1 v5  }
0x73: {  	v60 =	vld.idx.msk [tilespmem:v0+s26+$0x30 ss:$0x1], $0xffff;
	s24 =	smov.u32 @p1 s27;
	[tilespmem:s25+$0x20] =	vst @p1 v6  }
0x74: {  	v61 =	vld.idx.msk [tilespmem:v0+s26+$0x40 ss:$0x1], $0xffff;
	[tilespmem:s24+$0x30] =	vst v56  }
0x75: {  	v62 =	vld.idx.msk [tilespmem:v0+s26+$0x50 ss:$0x1], $0xffff;
	s23 =	sadd.s32 $0x1, s23;
	[tilespmem:s24+$0xFFFFFFC0] =	vst v57  }
0x76: {  	v63 =	vld.idx.msk [tilespmem:v0+s26+$0x60 ss:$0x1], $0xffff;
	p1 =	sne.s32 s23, s18;
	[tilespmem:s24+$0xFFFFFFD0] =	vst v58  }
.Ltmp7:
0x77: {  	[tilespmem:s24+$0xFFFFFFE0] =	vst v59;
	(pc) =	sbr.rel @p1 .LBB1_4-.Ltmp7, $4  }
.Ltmp8:
0x78: {  	[tilespmem:s24+$0xFFFFFFF0] =	vst v60;
	(pc) =	sbr.rel @!p1 .LBB1_11-.Ltmp8, $4  }
0x79: {  	[tilespmem:s24+$0x0] =	vst v61  }
0x7a: {  	[tilespmem:s24+$0x10] =	vst v62  }
0x7b: {  	s22 =	sadd.s32 $0x80, s22;
	[tilespmem:s24+$0x20] =	vst v63  }
0x7c: {  	_ = 	snop  }
.LBB1_5:
.Ltmp9:
0x7d: {  	(pc) =	sbr.rel .LBB1_10-.Ltmp9, $2  }
0x7e: {  	_ =	sdelay $0x2  }
0x7f: {  	s25 =	smov.u32 s24  }
.LBB1_7:
.Ltmp10:
0x80: {  	(pc) =	sbr.rel .LBB1_10-.Ltmp10, $2  }
0x81: {  	_ =	sdelay $0x2  }
0x82: {  	s26 =	smov.u32 s27;
	s25 =	smov.u32 s24  }
.LBB1_13:
0x83: {  	_ =	sfence.sel $0x180000  }
0x84: {  	s2 =	simm.s32 $0x1;
	[bflag:$0x0] =	sbarrier.arrive $0xFFFF  }
0x85: {  	s31 =	simm.s32 $0x2;
	[sflag:s2] =	ssyncpa.u1 $0x1  }
0x86: {  	[sflag:s31] =	ssyncpa.u1 $0x1  }
0x87: {  	p0 =	sne.s32 s1, $0x0;
	_ =	strace $0x9000004D  }
0x88: {  	s0 =	sadd.s32 @!p0 $0x100000, s0;
	[bflag:$0x2] =	sbarrier.arrive $0xFFFF  }
0x89: {  	[sflag:s0] =	ssyncadd.tile.s32 @!p0 $0x1;
	_ =	shalt  }
.Lfunc_end1:
_tile_overlayer_lowered:
.L_overlay_start_2:
0x8a: {  	(tag) =	ssettag $0x2  }
0x8b: {  	s0 =	rddreg [dreg:$0x0];
	s2 =	stileid.u32  }
0x8c: {  	s1 =	rddreg [dreg:$0x1];
	p0 =	sne.s32 s2, $0x0  }
0x8d: {  	s3 =	rddreg [dreg:$0x2];
	[bflag:$0x3] =	sbarrier.arrive $0xFFFF;
	s2 =	simm.s32 @!p0 $0x1C01  }
0x8e: {  	[timem:s3], [sflag:s2] =	dma.local @!p0 [hbm:s0], s1  }
0x8f: {  	s0 =	simm.s32 @!p0 $0x1  }
0x90: {  	_ =	swait.ge @!p0 [sflag:s0], s1  }
0x91: {  	s1 =	ssub.s32 @!p0 $0x0, s1;
	[sflag:s0] =	ssyncset.done @!p0 $0x0  }
0x92: {  	[sflag:s0] =	ssyncadd.s32 @!p0 s1  }
0x93: {  	[bflag:$0x3] =	sbarrier.arrive $0xFFFF  }
0x94: {  	_ =	shalt  }

</sc_bundles>
